<compile_context>
chip_gen: v7x
topology: tpu7x:2x2x1
jax: 0.10.2.dev20260603
libtpu: 0.0.44.dev20260713+nightly
codegen_flags: <defaults>
</compile_context>

<pallas_src>
import functools

import jax
import jax.numpy as jnp
from jax import lax
from jax.experimental import pallas as pl
from jax.experimental.pallas import tpu as pltpu
from jax.experimental.pallas import tpu_sc as plsc

E = 8
L = 16
CG = 8
CB = 768
OB = CB * E


def _make_sc_unpool(num: int, channel: int):
    info = plsc.get_sparse_core_info()
    nc, ns = info.num_cores, info.num_subcores
    nw = nc * ns
    ngroups = channel // CG
    P = nw // ngroups
    nb_full = num // CB
    rem = num - nb_full * CB
    kmax = (nb_full + P - 1) // P

    mesh = plsc.VectorSubcoreMesh(core_axis_name="c", subcore_axis_name="s")

    @functools.partial(
        pl.kernel,
        mesh=mesh,
        compiler_params=pltpu.CompilerParams(needs_layout_passes=False),
        out_type=jax.ShapeDtypeStruct((channel, num * E), jnp.float32),
        scratch_types=[
            pltpu.VMEM((CG, CB), jnp.float32),
            pltpu.VMEM((CG, CB), jnp.float32),
            pltpu.VMEM((CG, CB), jnp.int32),
            pltpu.VMEM((CG, CB), jnp.int32),
            pltpu.VMEM((CG, OB), jnp.float32),
            pltpu.VMEM((CG, OB), jnp.float32),
            pltpu.SemaphoreType.DMA,
            pltpu.SemaphoreType.DMA,
            pltpu.SemaphoreType.DMA,
            pltpu.SemaphoreType.DMA,
            pltpu.SemaphoreType.DMA,
            pltpu.SemaphoreType.DMA,
        ],
    )
    def unpool(data_hbm, idx_hbm, out_hbm,
               data0, data1, idx0, idx1, out0, out1,
               sd0, sd1, si0, si1, so0, so1):
        data_bufs, idx_bufs, out_bufs = (data0, data1), (idx0, idx1), (out0, out1)
        sd, si, so = (sd0, sd1), (si0, si1), (so0, so1)

        wid = lax.axis_index("s") * nc + lax.axis_index("c")
        g = wid // P
        t = wid % P
        ch0 = pl.multiple_of(g * CG, CG)
        nk = (nb_full - t + P - 1) // P

        iota = lax.broadcasted_iota(jnp.int32, (L,), 0)
        zed = jnp.zeros((L,), jnp.float32)

        def start_in(k, p):
            col0 = pl.multiple_of((k * P + t) * CB, 128)
            pltpu.async_copy(
                data_hbm.at[pl.ds(ch0, CG), pl.ds(col0, CB)], data_bufs[p], sd[p])
            pltpu.async_copy(
                idx_hbm.at[pl.ds(ch0, CG), pl.ds(col0, CB)], idx_bufs[p], si[p])

        def wait_in(p):
            pltpu.make_async_copy(
                data_hbm.at[pl.ds(0, CG), pl.ds(0, CB)], data_bufs[p], sd[p]).wait()
            pltpu.make_async_copy(
                idx_hbm.at[pl.ds(0, CG), pl.ds(0, CB)], idx_bufs[p], si[p]).wait()

        def start_out(k, p):
            col0 = pl.multiple_of((k * P + t) * OB, 128)
            pltpu.async_copy(
                out_bufs[p], out_hbm.at[pl.ds(ch0, CG), pl.ds(col0, OB)], so[p])

        def wait_out(p):
            pltpu.make_async_copy(
                out_bufs[p], out_hbm.at[pl.ds(0, CG), pl.ds(0, OB)], so[p]).wait()

        cvecs = [jnp.full((L,), c, jnp.int32) for c in range(CG)]
        iota_e = iota * E

        def compute(p, nvec):
            dv, iv, ov = data_bufs[p], idx_bufs[p], out_bufs[p]

            @plsc.parallel_loop(0, nvec)
            def _zero(v):
                for c in range(CG):
                    for u in range(E):
                        ov[c, pl.ds((v * E + u) * L, L)] = zed

            @plsc.parallel_loop(0, nvec)
            def _scat(v):
                base = iota_e + v * (L * E)
                for c in range(CG):
                    d = dv[c, pl.ds(v * L, L)]
                    ix = iv[c, pl.ds(v * L, L)] & 7
                    plsc.store_scatter(ov, [cvecs[c], ix + base], d)

        @pl.when(nk > 0)
        def _():
            start_in(0, 0)

        def body(i, carry):
            k0 = i * 2
            for p in range(2):
                k = k0 + p

                @pl.when(k < nk)
                def _():
                    wait_in(p)

                    @pl.when(k + 1 < nk)
                    def _():
                        start_in(k + 1, 1 - p)

                    @pl.when(k >= 2)
                    def _():
                        wait_out(p)

                    compute(p, CB // L)
                    start_out(k, p)

            return carry

        lax.fori_loop(0, (kmax + 1) // 2, body, 0)

        @pl.when(nk >= 1)
        def _():
            wait_out(0)

        @pl.when(nk >= 2)
        def _():
            wait_out(1)

        if rem:
            assert rem % L == 0
            rem_pad = ((rem + 127) // 128) * 128

            @pl.when(t == nb_full % P)
            def _():
                col0 = pl.multiple_of(nb_full * CB, 128)
                pltpu.sync_copy(
                    data_hbm.at[pl.ds(ch0, CG), pl.ds(col0, rem_pad)],
                    data0.at[:, pl.ds(0, rem_pad)])
                pltpu.sync_copy(
                    idx_hbm.at[pl.ds(ch0, CG), pl.ds(col0, rem_pad)],
                    idx0.at[:, pl.ds(0, rem_pad)])
                compute(0, rem_pad // L)
                pltpu.sync_copy(
                    out0.at[:, pl.ds(0, rem * E)],
                    out_hbm.at[pl.ds(ch0, CG), pl.ds(col0 * E, rem * E)])

    return unpool


def kernel(data, indices, depth):
    num, channel = data.shape
    unpool = _make_sc_unpool(num, channel)
    out_t = unpool(data.T, indices.astype(jnp.int32).T)
    return out_t.T

# --- scband reference (transcript-rebuilt; emitter-appended) ---
"""Pipeline reference for scband-octree-max-unpool-17377437679940 (READ-ONLY COPY).

The authoritative reference and input builder live on the scoring server;
editing this copy changes nothing except your own understanding.
"""

import jax, jax.numpy as jnp
import numpy as np

def setup_inputs(seed: int = 0) -> dict:
    key = jax.random.key(seed)
    k1, k2 = jax.random.split(key)
    num, channel = 100000, 64
    data = jax.random.normal(k1, (num, channel), dtype=jnp.float32)
    indices = jax.random.randint(k2, (num, channel), 0, 8, dtype=jnp.int64)
    return {"data": data, "indices": indices, "depth": 5}

def reference(data, indices, depth):
    # octree_max_unpool with nempty=False on a dense (full) octree, where
    # octree_depad is the identity: every parent node is non-empty.
    num, channel = data.shape
    out = jnp.zeros((num, 8, channel), dtype=data.dtype)
    i = jnp.arange(num)[:, None]
    k = jnp.arange(channel)[None, :]
    out = out.at[i, indices, k].set(data)
    out = out.reshape(-1, channel)
    return out

if __name__ == "__main__":
    import jax
    _d = setup_inputs()
    print(jax.jit(kernel)(*tuple(_d.values())))

</pallas_src>

<mosaic_0001>
#map = affine_map<(d0, d1) -> (0, 0)>
module attributes {stable_mosaic.version = 14 : i64} {
  func.func @unpool(%arg0: i32, %arg1: i32, %arg2: memref<64x100000xf32, #tpu.memory_space<hbm>>, %arg3: memref<64x100000xi32, #tpu.memory_space<hbm>>, %arg4: memref<64x800000xf32, #tpu.memory_space<hbm>>, %arg5: memref<8x768xf32, #tpu.memory_space<vmem>>, %arg6: memref<8x768xf32, #tpu.memory_space<vmem>>, %arg7: memref<8x768xi32, #tpu.memory_space<vmem>>, %arg8: memref<8x768xi32, #tpu.memory_space<vmem>>, %arg9: memref<8x6144xf32, #tpu.memory_space<vmem>>, %arg10: memref<8x6144xf32, #tpu.memory_space<vmem>>, %arg11: memref<!tpu.dma_semaphore, #tpu.memory_space<semaphore_mem>>, %arg12: memref<!tpu.dma_semaphore, #tpu.memory_space<semaphore_mem>>, %arg13: memref<!tpu.dma_semaphore, #tpu.memory_space<semaphore_mem>>, %arg14: memref<!tpu.dma_semaphore, #tpu.memory_space<semaphore_mem>>, %arg15: memref<!tpu.dma_semaphore, #tpu.memory_space<semaphore_mem>>, %arg16: memref<!tpu.dma_semaphore, #tpu.memory_space<semaphore_mem>>) attributes {dimension_semantics = [#tpu.dimension_semantics<core_parallel>, #tpu.dimension_semantics<subcore_parallel>], iteration_bounds = array<i64: 2, 16>, scalar_prefetch = 0 : i64, scratch_operands = 12 : i64, tpu.core_type = #tpu.core_type<sc_vector_subcore>, window_params = [{transform_indices = #map}, {transform_indices = #map}, {transform_indices = #map}]} {
    %mul3A = arith.constant 2 : i32
    %mul3A_0 = arith.muli %arg1, %mul3A : i32
    %add3A = arith.addi %mul3A_0, %arg0 : i32
    %jit3A = arith.constant 4 : i32
    %div3A = arith.divsi %add3A, %jit3A : i32
    %sign3A = arith.constant 0 : i32
    %sign3A_1 = arith.cmpi sgt, %add3A, %sign3A : i32
    %sign3A_2 = arith.extui %sign3A_1 : i1 to i32
    %sign3A_3 = arith.constant 0 : i32
    %sign3A_4 = arith.cmpi slt, %add3A, %sign3A_3 : i32
    %sign3A_5 = arith.extui %sign3A_4 : i1 to i32
    %sign3A_6 = arith.subi %sign3A_2, %sign3A_5 : i32
    %sign3A_7 = arith.constant 0 : i32
    %sign3A_8 = arith.cmpi sgt, %jit3A, %sign3A_7 : i32
    %sign3A_9 = arith.extui %sign3A_8 : i1 to i32
    %sign3A_10 = arith.constant 0 : i32
    %sign3A_11 = arith.cmpi slt, %jit3A, %sign3A_10 : i32
    %sign3A_12 = arith.extui %sign3A_11 : i1 to i32
    %sign3A_13 = arith.subi %sign3A_9, %sign3A_12 : i32
    %ne3A = arith.cmpi ne, %sign3A_6, %sign3A_13 : i32
    %rem3A = arith.remsi %add3A, %jit3A : i32
    %ne3A_14 = arith.constant 0 : i32
    %ne3A_15 = arith.cmpi ne, %rem3A, %ne3A_14 : i32
    %and3A = arith.andi %ne3A, %ne3A_15 : i1
    %sub3A = arith.constant 1 : i32
    %sub3A_16 = arith.subi %div3A, %sub3A : i32
    %select_n3A = arith.select %and3A, %sub3A_16, %div3A : i32
    %jit3A_17 = arith.constant 4 : i32
    %eq3A = arith.constant 0 : i32
    %eq3A_18 = arith.cmpi eq, %jit3A_17, %eq3A : i32
    %jit3A_19 = arith.constant 1 : i32
    %select_n3A_20 = arith.select %eq3A_18, %jit3A_19, %jit3A_17 : i32
    %rem3A_21 = arith.remsi %add3A, %select_n3A_20 : i32
    %ne3A_22 = arith.constant 0 : i32
    %ne3A_23 = arith.cmpi ne, %rem3A_21, %ne3A_22 : i32
    %lt3A = arith.constant 0 : i32
    %lt3A_24 = arith.cmpi slt, %rem3A_21, %lt3A : i32
    %lt3A_25 = arith.constant 0 : i32
    %lt3A_26 = arith.cmpi slt, %select_n3A_20, %lt3A_25 : i32
    %ne3A_27 = arith.xori %lt3A_24, %lt3A_26 : i1
    %and3A_28 = arith.andi %ne3A_27, %ne3A_23 : i1
    %add3A_29 = arith.addi %rem3A_21, %select_n3A_20 : i32
    %select_n3A_30 = arith.select %and3A_28, %add3A_29, %rem3A_21 : i32
    %mul3A_31 = arith.constant 8 : i32
    %mul3A_32 = arith.muli %select_n3A, %mul3A_31 : i32
    %multiple_of3A = tpu.assume_multiple %mul3A_32, 8 : i32
    %sub3A_33 = arith.constant 130 : i32
    %sub3A_34 = arith.subi %sub3A_33, %select_n3A_30 : i32
    %add3A_35 = arith.constant 4 : i32
    %add3A_36 = arith.addi %sub3A_34, %add3A_35 : i32
    %sub3A_37 = arith.constant 1 : i32
    %sub3A_38 = arith.subi %add3A_36, %sub3A_37 : i32
    %jit3A_39 = arith.constant 4 : i32
    %div3A_40 = arith.divsi %sub3A_38, %jit3A_39 : i32
    %sign3A_41 = arith.constant 0 : i32
    %sign3A_42 = arith.cmpi sgt, %sub3A_38, %sign3A_41 : i32
    %sign3A_43 = arith.extui %sign3A_42 : i1 to i32
    %sign3A_44 = arith.constant 0 : i32
    %sign3A_45 = arith.cmpi slt, %sub3A_38, %sign3A_44 : i32
    %sign3A_46 = arith.extui %sign3A_45 : i1 to i32
    %sign3A_47 = arith.subi %sign3A_43, %sign3A_46 : i32
    %sign3A_48 = arith.constant 0 : i32
    %sign3A_49 = arith.cmpi sgt, %jit3A_39, %sign3A_48 : i32
    %sign3A_50 = arith.extui %sign3A_49 : i1 to i32
    %sign3A_51 = arith.constant 0 : i32
    %sign3A_52 = arith.cmpi slt, %jit3A_39, %sign3A_51 : i32
    %sign3A_53 = arith.extui %sign3A_52 : i1 to i32
    %sign3A_54 = arith.subi %sign3A_50, %sign3A_53 : i32
    %ne3A_55 = arith.cmpi ne, %sign3A_47, %sign3A_54 : i32
    %rem3A_56 = arith.remsi %sub3A_38, %jit3A_39 : i32
    %ne3A_57 = arith.constant 0 : i32
    %ne3A_58 = arith.cmpi ne, %rem3A_56, %ne3A_57 : i32
    %and3A_59 = arith.andi %ne3A_55, %ne3A_58 : i1
    %sub3A_60 = arith.constant 1 : i32
    %sub3A_61 = arith.subi %div3A_40, %sub3A_60 : i32
    %select_n3A_62 = arith.select %and3A_59, %sub3A_61, %div3A_40 : i32
    %iota3A = tpu.iota {dimensions = array<i32: 0>} : vector<16xi32>
    %broadcast_in_dim3A = arith.constant 0.000000e+00 : f32
    %broadcast_in_dim3A_63 = vector.broadcast %broadcast_in_dim3A : f32 to vector<16xf32>
    %broadcast_in_dim3A_64 = arith.constant 0 : i32
    %broadcast_in_dim3A_65 = vector.broadcast %broadcast_in_dim3A_64 : i32 to vector<16xi32>
    %broadcast_in_dim3A_66 = arith.constant 1 : i32
    %broadcast_in_dim3A_67 = vector.broadcast %broadcast_in_dim3A_66 : i32 to vector<16xi32>
    %broadcast_in_dim3A_68 = arith.constant 2 : i32
    %broadcast_in_dim3A_69 = vector.broadcast %broadcast_in_dim3A_68 : i32 to vector<16xi32>
    %broadcast_in_dim3A_70 = arith.constant 3 : i32
    %broadcast_in_dim3A_71 = vector.broadcast %broadcast_in_dim3A_70 : i32 to vector<16xi32>
    %broadcast_in_dim3A_72 = arith.constant 4 : i32
    %broadcast_in_dim3A_73 = vector.broadcast %broadcast_in_dim3A_72 : i32 to vector<16xi32>
    %broadcast_in_dim3A_74 = arith.constant 5 : i32
    %broadcast_in_dim3A_75 = vector.broadcast %broadcast_in_dim3A_74 : i32 to vector<16xi32>
    %broadcast_in_dim3A_76 = arith.constant 6 : i32
    %broadcast_in_dim3A_77 = vector.broadcast %broadcast_in_dim3A_76 : i32 to vector<16xi32>
    %broadcast_in_dim3A_78 = arith.constant 7 : i32
    %broadcast_in_dim3A_79 = vector.broadcast %broadcast_in_dim3A_78 : i32 to vector<16xi32>
    %mul3A_80 = arith.constant 8 : i32
    %mul3A_81 = vector.broadcast %mul3A_80 : i32 to vector<16xi32>
    %mul3A_82 = arith.muli %iota3A, %mul3A_81 : vector<16xi32>
    %gt3A = arith.constant 0 : i32
    %gt3A_83 = arith.cmpi sgt, %select_n3A_62, %gt3A : i32
    %convert_element_type3A = arith.extui %gt3A_83 : i1 to i32
    %cond3A = arith.constant 0 : i32
    %cond3A_84 = arith.cmpi ne, %convert_element_type3A, %cond3A : i32
    scf.if %cond3A_84 {
      %add3A_104 = arith.constant 0 : i32
      %add3A_105 = arith.addi %add3A_104, %select_n3A_30 : i32
      %mul3A_106 = arith.constant 768 : i32
      %mul3A_107 = arith.muli %add3A_105, %mul3A_106 : i32
      %multiple_of3A_108 = tpu.assume_multiple %mul3A_107, 128 : i32
      %dma_start3A = tpu.memref_slice %arg2[%multiple_of3A, %multiple_of3A_108] : memref<64x100000xf32, #tpu.memory_space<hbm>> -> memref<8x768xf32, #tpu.memory_space<hbm>>
      %dma_start3A_109 = tpu.memref_slice %arg2[%multiple_of3A, %multiple_of3A_108] : memref<64x100000xf32, #tpu.memory_space<hbm>> -> memref<8x768xf32, #tpu.memory_space<hbm>>
      tpu.enqueue_dma source(%dma_start3A_109 : memref<8x768xf32, #tpu.memory_space<hbm>>) target(%arg5 : memref<8x768xf32, #tpu.memory_space<vmem>>) target_semaphore(%arg11 : memref<!tpu.dma_semaphore, #tpu.memory_space<semaphore_mem>>)
      %dma_start3A_110 = tpu.memref_slice %arg3[%multiple_of3A, %multiple_of3A_108] : memref<64x100000xi32, #tpu.memory_space<hbm>> -> memref<8x768xi32, #tpu.memory_space<hbm>>
      %dma_start3A_111 = tpu.memref_slice %arg3[%multiple_of3A, %multiple_of3A_108] : memref<64x100000xi32, #tpu.memory_space<hbm>> -> memref<8x768xi32, #tpu.memory_space<hbm>>
      tpu.enqueue_dma source(%dma_start3A_111 : memref<8x768xi32, #tpu.memory_space<hbm>>) target(%arg7 : memref<8x768xi32, #tpu.memory_space<vmem>>) target_semaphore(%arg13 : memref<!tpu.dma_semaphore, #tpu.memory_space<semaphore_mem>>)
    } else {
    }
    %scan3A = arith.constant 0 : i32
    %scan3A_85 = arith.constant 0 : i32
    %scan3A_86 = arith.constant 17 : i32
    %scan3A_87 = arith.addi %scan3A_85, %scan3A_86 : i32
    %scan3A_88 = arith.constant 1 : i32
    scf.for %scan3A_104 = %scan3A_85 to %scan3A_87 step %scan3A_88  : i32 {
      %mul3A_105 = arith.constant 2 : i32
      %mul3A_106 = arith.muli %scan3A_104, %mul3A_105 : i32
      %add3A_107 = arith.constant 0 : i32
      %add3A_108 = arith.addi %mul3A_106, %add3A_107 : i32
      %lt3A_109 = arith.cmpi slt, %add3A_108, %select_n3A_62 : i32
      %convert_element_type3A_110 = arith.extui %lt3A_109 : i1 to i32
      %cond3A_111 = arith.constant 0 : i32
      %cond3A_112 = arith.cmpi ne, %convert_element_type3A_110, %cond3A_111 : i32
      scf.if %cond3A_112 {
        %dma_wait3A = arith.constant 0 : i32
        %dma_wait3A_119 = arith.constant 0 : i32
        %dma_wait3A_120 = tpu.memref_slice %arg2[%dma_wait3A, %dma_wait3A_119] : memref<64x100000xf32, #tpu.memory_space<hbm>> -> memref<8x768xf32, #tpu.memory_space<hbm>>
        %dma_wait3A_121 = arith.constant 0 : i32
        %dma_wait3A_122 = arith.constant 0 : i32
        %dma_wait3A_123 = tpu.memref_slice %arg2[%dma_wait3A_121, %dma_wait3A_122] : memref<64x100000xf32, #tpu.memory_space<hbm>> -> memref<8x768xf32, #tpu.memory_space<hbm>>
        tpu.wait_dma2 semaphore(%arg11 : memref<!tpu.dma_semaphore, #tpu.memory_space<semaphore_mem>>) src(%dma_wait3A_123 : memref<8x768xf32, #tpu.memory_space<hbm>>) dst(%arg5 : memref<8x768xf32, #tpu.memory_space<vmem>>)
        %dma_wait3A_124 = arith.constant 0 : i32
        %dma_wait3A_125 = arith.constant 0 : i32
        %dma_wait3A_126 = tpu.memref_slice %arg3[%dma_wait3A_124, %dma_wait3A_125] : memref<64x100000xi32, #tpu.memory_space<hbm>> -> memref<8x768xi32, #tpu.memory_space<hbm>>
        %dma_wait3A_127 = arith.constant 0 : i32
        %dma_wait3A_128 = arith.constant 0 : i32
        %dma_wait3A_129 = tpu.memref_slice %arg3[%dma_wait3A_127, %dma_wait3A_128] : memref<64x100000xi32, #tpu.memory_space<hbm>> -> memref<8x768xi32, #tpu.memory_space<hbm>>
        tpu.wait_dma2 semaphore(%arg13 : memref<!tpu.dma_semaphore, #tpu.memory_space<semaphore_mem>>) src(%dma_wait3A_129 : memref<8x768xi32, #tpu.memory_space<hbm>>) dst(%arg7 : memref<8x768xi32, #tpu.memory_space<vmem>>)
        %add3A_130 = arith.constant 1 : i32
        %add3A_131 = arith.addi %add3A_108, %add3A_130 : i32
        %lt3A_132 = arith.cmpi slt, %add3A_131, %select_n3A_62 : i32
        %convert_element_type3A_133 = arith.extui %lt3A_132 : i1 to i32
        %cond3A_134 = arith.constant 0 : i32
        %cond3A_135 = arith.cmpi ne, %convert_element_type3A_133, %cond3A_134 : i32
        scf.if %cond3A_135 {
          %add3A_153 = arith.constant 1 : i32
          %add3A_154 = arith.addi %add3A_108, %add3A_153 : i32
          %mul3A_155 = arith.constant 4 : i32
          %mul3A_156 = arith.muli %add3A_154, %mul3A_155 : i32
          %add3A_157 = arith.addi %mul3A_156, %select_n3A_30 : i32
          %mul3A_158 = arith.constant 768 : i32
          %mul3A_159 = arith.muli %add3A_157, %mul3A_158 : i32
          %multiple_of3A_160 = tpu.assume_multiple %mul3A_159, 128 : i32
          %dma_start3A_161 = tpu.memref_slice %arg2[%multiple_of3A, %multiple_of3A_160] : memref<64x100000xf32, #tpu.memory_space<hbm>> -> memref<8x768xf32, #tpu.memory_space<hbm>>
          %dma_start3A_162 = tpu.memref_slice %arg2[%multiple_of3A, %multiple_of3A_160] : memref<64x100000xf32, #tpu.memory_space<hbm>> -> memref<8x768xf32, #tpu.memory_space<hbm>>
          tpu.enqueue_dma source(%dma_start3A_162 : memref<8x768xf32, #tpu.memory_space<hbm>>) target(%arg6 : memref<8x768xf32, #tpu.memory_space<vmem>>) target_semaphore(%arg12 : memref<!tpu.dma_semaphore, #tpu.memory_space<semaphore_mem>>)
          %dma_start3A_163 = tpu.memref_slice %arg3[%multiple_of3A, %multiple_of3A_160] : memref<64x100000xi32, #tpu.memory_space<hbm>> -> memref<8x768xi32, #tpu.memory_space<hbm>>
          %dma_start3A_164 = tpu.memref_slice %arg3[%multiple_of3A, %multiple_of3A_160] : memref<64x100000xi32, #tpu.memory_space<hbm>> -> memref<8x768xi32, #tpu.memory_space<hbm>>
          tpu.enqueue_dma source(%dma_start3A_164 : memref<8x768xi32, #tpu.memory_space<hbm>>) target(%arg8 : memref<8x768xi32, #tpu.memory_space<vmem>>) target_semaphore(%arg14 : memref<!tpu.dma_semaphore, #tpu.memory_space<semaphore_mem>>)
        } else {
        }
        %ge3A_136 = arith.constant 2 : i32
        %ge3A_137 = arith.cmpi sge, %add3A_108, %ge3A_136 : i32
        %convert_element_type3A_138 = arith.extui %ge3A_137 : i1 to i32
        %cond3A_139 = arith.constant 0 : i32
        %cond3A_140 = arith.cmpi ne, %convert_element_type3A_138, %cond3A_139 : i32
        scf.if %cond3A_140 {
          %dma_wait3A_153 = arith.constant 0 : i32
          %dma_wait3A_154 = arith.constant 0 : i32
          %dma_wait3A_155 = tpu.memref_slice %arg4[%dma_wait3A_153, %dma_wait3A_154] : memref<64x800000xf32, #tpu.memory_space<hbm>> -> memref<8x6144xf32, #tpu.memory_space<hbm>>
          %dma_wait3A_156 = arith.constant 0 : i32
          %dma_wait3A_157 = arith.constant 0 : i32
          %dma_wait3A_158 = tpu.memref_slice %arg4[%dma_wait3A_156, %dma_wait3A_157] : memref<64x800000xf32, #tpu.memory_space<hbm>> -> memref<8x6144xf32, #tpu.memory_space<hbm>>
          tpu.wait_dma2 semaphore(%arg15 : memref<!tpu.dma_semaphore, #tpu.memory_space<semaphore_mem>>) src(%arg9 : memref<8x6144xf32, #tpu.memory_space<vmem>>) dst(%dma_wait3A_158 : memref<8x6144xf32, #tpu.memory_space<hbm>>)
        } else {
        }
        %parallel_loop3A = arith.constant 0 : i32
        %parallel_loop3A_141 = arith.constant 48 : i32
        %parallel_loop3A_142 = arith.constant 1 : i32
        scf.for %parallel_loop3A_153 = %parallel_loop3A to %parallel_loop3A_141 step %parallel_loop3A_142  : i32 {
          %parallel_loop3A_154 = arith.constant 8 : i32
          %parallel_loop3A_155 = arith.muli %parallel_loop3A_153, %parallel_loop3A_154 : i32
          %parallel_loop3A_156 = arith.constant 0 : i32
          %parallel_loop3A_157 = arith.addi %parallel_loop3A_155, %parallel_loop3A_156 : i32
          %parallel_loop3A_158 = arith.constant 16 : i32
          %parallel_loop3A_159 = arith.muli %parallel_loop3A_157, %parallel_loop3A_158 : i32
          %parallel_loop3A_160 = arith.constant 0 : i32
          %parallel_loop3A_161 = arith.index_cast %parallel_loop3A_160 : i32 to index
          %parallel_loop3A_162 = arith.index_cast %parallel_loop3A_159 : i32 to index
          %parallel_loop3A_163 = tpu.vector_load %arg9[%parallel_loop3A_161, %parallel_loop3A_162] {strides = array<i32>} : memref<8x6144xf32, #tpu.memory_space<vmem>>, vector<16xf32>,
          tpu.vector_store %arg9[%parallel_loop3A_161, %parallel_loop3A_162], %broadcast_in_dim3A_63 {strides = array<i32>} : memref<8x6144xf32, #tpu.memory_space<vmem>>, vector<16xf32>,
          %parallel_loop3A_164 = arith.constant 8 : i32
          %parallel_loop3A_165 = arith.muli %parallel_loop3A_153, %parallel_loop3A_164 : i32
          %parallel_loop3A_166 = arith.constant 1 : i32
          %parallel_loop3A_167 = arith.addi %parallel_loop3A_165, %parallel_loop3A_166 : i32
          %parallel_loop3A_168 = arith.constant 16 : i32
          %parallel_loop3A_169 = arith.muli %parallel_loop3A_167, %parallel_loop3A_168 : i32
          %parallel_loop3A_170 = arith.constant 0 : i32
          %parallel_loop3A_171 = arith.index_cast %parallel_loop3A_170 : i32 to index
          %parallel_loop3A_172 = arith.index_cast %parallel_loop3A_169 : i32 to index
          %parallel_loop3A_173 = tpu.vector_load %arg9[%parallel_loop3A_171, %parallel_loop3A_172] {strides = array<i32>} : memref<8x6144xf32, #tpu.memory_space<vmem>>, vector<16xf32>,
          tpu.vector_store %arg9[%parallel_loop3A_171, %parallel_loop3A_172], %broadcast_in_dim3A_63 {strides = array<i32>} : memref<8x6144xf32, #tpu.memory_space<vmem>>, vector<16xf32>,
          %parallel_loop3A_174 = arith.constant 8 : i32
          %parallel_loop3A_175 = arith.muli %parallel_loop3A_153, %parallel_loop3A_174 : i32
          %parallel_loop3A_176 = arith.constant 2 : i32
          %parallel_loop3A_177 = arith.addi %parallel_loop3A_175, %parallel_loop3A_176 : i32
          %parallel_loop3A_178 = arith.constant 16 : i32
          %parallel_loop3A_179 = arith.muli %parallel_loop3A_177, %parallel_loop3A_178 : i32
          %parallel_loop3A_180 = arith.constant 0 : i32
          %parallel_loop3A_181 = arith.index_cast %parallel_loop3A_180 : i32 to index
          %parallel_loop3A_182 = arith.index_cast %parallel_loop3A_179 : i32 to index
          %parallel_loop3A_183 = tpu.vector_load %arg9[%parallel_loop3A_181, %parallel_loop3A_182] {strides = array<i32>} : memref<8x6144xf32, #tpu.memory_space<vmem>>, vector<16xf32>,
          tpu.vector_store %arg9[%parallel_loop3A_181, %parallel_loop3A_182], %broadcast_in_dim3A_63 {strides = array<i32>} : memref<8x6144xf32, #tpu.memory_space<vmem>>, vector<16xf32>,
          %parallel_loop3A_184 = arith.constant 8 : i32
          %parallel_loop3A_185 = arith.muli %parallel_loop3A_153, %parallel_loop3A_184 : i32
          %parallel_loop3A_186 = arith.constant 3 : i32
          %parallel_loop3A_187 = arith.addi %parallel_loop3A_185, %parallel_loop3A_186 : i32
          %parallel_loop3A_188 = arith.constant 16 : i32
          %parallel_loop3A_189 = arith.muli %parallel_loop3A_187, %parallel_loop3A_188 : i32
          %parallel_loop3A_190 = arith.constant 0 : i32
          %parallel_loop3A_191 = arith.index_cast %parallel_loop3A_190 : i32 to index
          %parallel_loop3A_192 = arith.index_cast %parallel_loop3A_189 : i32 to index
          %parallel_loop3A_193 = tpu.vector_load %arg9[%parallel_loop3A_191, %parallel_loop3A_192] {strides = array<i32>} : memref<8x6144xf32, #tpu.memory_space<vmem>>, vector<16xf32>,
          tpu.vector_store %arg9[%parallel_loop3A_191, %parallel_loop3A_192], %broadcast_in_dim3A_63 {strides = array<i32>} : memref<8x6144xf32, #tpu.memory_space<vmem>>, vector<16xf32>,
          %parallel_loop3A_194 = arith.constant 8 : i32
          %parallel_loop3A_195 = arith.muli %parallel_loop3A_153, %parallel_loop3A_194 : i32
          %parallel_loop3A_196 = arith.constant 4 : i32
          %parallel_loop3A_197 = arith.addi %parallel_loop3A_195, %parallel_loop3A_196 : i32
          %parallel_loop3A_198 = arith.constant 16 : i32
          %parallel_loop3A_199 = arith.muli %parallel_loop3A_197, %parallel_loop3A_198 : i32
          %parallel_loop3A_200 = arith.constant 0 : i32
          %parallel_loop3A_201 = arith.index_cast %parallel_loop3A_200 : i32 to index
          %parallel_loop3A_202 = arith.index_cast %parallel_loop3A_199 : i32 to index
          %parallel_loop3A_203 = tpu.vector_load %arg9[%parallel_loop3A_201, %parallel_loop3A_202] {strides = array<i32>} : memref<8x6144xf32, #tpu.memory_space<vmem>>, vector<16xf32>,
          tpu.vector_store %arg9[%parallel_loop3A_201, %parallel_loop3A_202], %broadcast_in_dim3A_63 {strides = array<i32>} : memref<8x6144xf32, #tpu.memory_space<vmem>>, vector<16xf32>,
          %parallel_loop3A_204 = arith.constant 8 : i32
          %parallel_loop3A_205 = arith.muli %parallel_loop3A_153, %parallel_loop3A_204 : i32
          %parallel_loop3A_206 = arith.constant 5 : i32
          %parallel_loop3A_207 = arith.addi %parallel_loop3A_205, %parallel_loop3A_206 : i32
          %parallel_loop3A_208 = arith.constant 16 : i32
          %parallel_loop3A_209 = arith.muli %parallel_loop3A_207, %parallel_loop3A_208 : i32
          %parallel_loop3A_210 = arith.constant 0 : i32
          %parallel_loop3A_211 = arith.index_cast %parallel_loop3A_210 : i32 to index
          %parallel_loop3A_212 = arith.index_cast %parallel_loop3A_209 : i32 to index
          %parallel_loop3A_213 = tpu.vector_load %arg9[%parallel_loop3A_211, %parallel_loop3A_212] {strides = array<i32>} : memref<8x6144xf32, #tpu.memory_space<vmem>>, vector<16xf32>,
          tpu.vector_store %arg9[%parallel_loop3A_211, %parallel_loop3A_212], %broadcast_in_dim3A_63 {strides = array<i32>} : memref<8x6144xf32, #tpu.memory_space<vmem>>, vector<16xf32>,
          %parallel_loop3A_214 = arith.constant 8 : i32
          %parallel_loop3A_215 = arith.muli %parallel_loop3A_153, %parallel_loop3A_214 : i32
          %parallel_loop3A_216 = arith.constant 6 : i32
          %parallel_loop3A_217 = arith.addi %parallel_loop3A_215, %parallel_loop3A_216 : i32
          %parallel_loop3A_218 = arith.constant 16 : i32
          %parallel_loop3A_219 = arith.muli %parallel_loop3A_217, %parallel_loop3A_218 : i32
          %parallel_loop3A_220 = arith.constant 0 : i32
          %parallel_loop3A_221 = arith.index_cast %parallel_loop3A_220 : i32 to index
          %parallel_loop3A_222 = arith.index_cast %parallel_loop3A_219 : i32 to index
          %parallel_loop3A_223 = tpu.vector_load %arg9[%parallel_loop3A_221, %parallel_loop3A_222] {strides = array<i32>} : memref<8x6144xf32, #tpu.memory_space<vmem>>, vector<16xf32>,
          tpu.vector_store %arg9[%parallel_loop3A_221, %parallel_loop3A_222], %broadcast_in_dim3A_63 {strides = array<i32>} : memref<8x6144xf32, #tpu.memory_space<vmem>>, vector<16xf32>,
          %parallel_loop3A_224 = arith.constant 8 : i32
          %parallel_loop3A_225 = arith.muli %parallel_loop3A_153, %parallel_loop3A_224 : i32
          %parallel_loop3A_226 = arith.constant 7 : i32
          %parallel_loop3A_227 = arith.addi %parallel_loop3A_225, %parallel_loop3A_226 : i32
          %parallel_loop3A_228 = arith.constant 16 : i32
          %parallel_loop3A_229 = arith.muli %parallel_loop3A_227, %parallel_loop3A_228 : i32
          %parallel_loop3A_230 = arith.constant 0 : i32
          %parallel_loop3A_231 = arith.index_cast %parallel_loop3A_230 : i32 to index
          %parallel_loop3A_232 = arith.index_cast %parallel_loop3A_229 : i32 to index
          %parallel_loop3A_233 = tpu.vector_load %arg9[%parallel_loop3A_231, %parallel_loop3A_232] {strides = array<i32>} : memref<8x6144xf32, #tpu.memory_space<vmem>>, vector<16xf32>,
          tpu.vector_store %arg9[%parallel_loop3A_231, %parallel_loop3A_232], %broadcast_in_dim3A_63 {strides = array<i32>} : memref<8x6144xf32, #tpu.memory_space<vmem>>, vector<16xf32>,
          %parallel_loop3A_234 = arith.constant 8 : i32
          %parallel_loop3A_235 = arith.muli %parallel_loop3A_153, %parallel_loop3A_234 : i32
          %parallel_loop3A_236 = arith.constant 0 : i32
          %parallel_loop3A_237 = arith.addi %parallel_loop3A_235, %parallel_loop3A_236 : i32
          %parallel_loop3A_238 = arith.constant 16 : i32
          %parallel_loop3A_239 = arith.muli %parallel_loop3A_237, %parallel_loop3A_238 : i32
          %parallel_loop3A_240 = arith.constant 1 : i32
          %parallel_loop3A_241 = arith.index_cast %parallel_loop3A_240 : i32 to index
          %parallel_loop3A_242 = arith.index_cast %parallel_loop3A_239 : i32 to index
          %parallel_loop3A_243 = tpu.vector_load %arg9[%parallel_loop3A_241, %parallel_loop3A_242] {strides = array<i32>} : memref<8x6144xf32, #tpu.memory_space<vmem>>, vector<16xf32>,
          tpu.vector_store %arg9[%parallel_loop3A_241, %parallel_loop3A_242], %broadcast_in_dim3A_63 {strides = array<i32>} : memref<8x6144xf32, #tpu.memory_space<vmem>>, vector<16xf32>,
          %parallel_loop3A_244 = arith.constant 8 : i32
          %parallel_loop3A_245 = arith.muli %parallel_loop3A_153, %parallel_loop3A_244 : i32
          %parallel_loop3A_246 = arith.constant 1 : i32
          %parallel_loop3A_247 = arith.addi %parallel_loop3A_245, %parallel_loop3A_246 : i32
          %parallel_loop3A_248 = arith.constant 16 : i32
          %parallel_loop3A_249 = arith.muli %parallel_loop3A_247, %parallel_loop3A_248 : i32
          %parallel_loop3A_250 = arith.constant 1 : i32
          %parallel_loop3A_251 = arith.index_cast %parallel_loop3A_250 : i32 to index
          %parallel_loop3A_252 = arith.index_cast %parallel_loop3A_249 : i32 to index
          %parallel_loop3A_253 = tpu.vector_load %arg9[%parallel_loop3A_251, %parallel_loop3A_252] {strides = array<i32>} : memref<8x6144xf32, #tpu.memory_space<vmem>>, vector<16xf32>,
          tpu.vector_store %arg9[%parallel_loop3A_251, %parallel_loop3A_252], %broadcast_in_dim3A_63 {strides = array<i32>} : memref<8x6144xf32, #tpu.memory_space<vmem>>, vector<16xf32>,
          %parallel_loop3A_254 = arith.constant 8 : i32
          %parallel_loop3A_255 = arith.muli %parallel_loop3A_153, %parallel_loop3A_254 : i32
          %parallel_loop3A_256 = arith.constant 2 : i32
          %parallel_loop3A_257 = arith.addi %parallel_loop3A_255, %parallel_loop3A_256 : i32
          %parallel_loop3A_258 = arith.constant 16 : i32
          %parallel_loop3A_259 = arith.muli %parallel_loop3A_257, %parallel_loop3A_258 : i32
          %parallel_loop3A_260 = arith.constant 1 : i32
          %parallel_loop3A_261 = arith.index_cast %parallel_loop3A_260 : i32 to index
          %parallel_loop3A_262 = arith.index_cast %parallel_loop3A_259 : i32 to index
          %parallel_loop3A_263 = tpu.vector_load %arg9[%parallel_loop3A_261, %parallel_loop3A_262] {strides = array<i32>} : memref<8x6144xf32, #tpu.memory_space<vmem>>, vector<16xf32>,
          tpu.vector_store %arg9[%parallel_loop3A_261, %parallel_loop3A_262], %broadcast_in_dim3A_63 {strides = array<i32>} : memref<8x6144xf32, #tpu.memory_space<vmem>>, vector<16xf32>,
          %parallel_loop3A_264 = arith.constant 8 : i32
          %parallel_loop3A_265 = arith.muli %parallel_loop3A_153, %parallel_loop3A_264 : i32
          %parallel_loop3A_266 = arith.constant 3 : i32
          %parallel_loop3A_267 = arith.addi %parallel_loop3A_265, %parallel_loop3A_266 : i32
          %parallel_loop3A_268 = arith.constant 16 : i32
          %parallel_loop3A_269 = arith.muli %parallel_loop3A_267, %parallel_loop3A_268 : i32
          %parallel_loop3A_270 = arith.constant 1 : i32
          %parallel_loop3A_271 = arith.index_cast %parallel_loop3A_270 : i32 to index
          %parallel_loop3A_272 = arith.index_cast %parallel_loop3A_269 : i32 to index
          %parallel_loop3A_273 = tpu.vector_load %arg9[%parallel_loop3A_271, %parallel_loop3A_272] {strides = array<i32>} : memref<8x6144xf32, #tpu.memory_space<vmem>>, vector<16xf32>,
          tpu.vector_store %arg9[%parallel_loop3A_271, %parallel_loop3A_272], %broadcast_in_dim3A_63 {strides = array<i32>} : memref<8x6144xf32, #tpu.memory_space<vmem>>, vector<16xf32>,
          %parallel_loop3A_274 = arith.constant 8 : i32
          %parallel_loop3A_275 = arith.muli %parallel_loop3A_153, %parallel_loop3A_274 : i32
          %parallel_loop3A_276 = arith.constant 4 : i32
          %parallel_loop3A_277 = arith.addi %parallel_loop3A_275, %parallel_loop3A_276 : i32
          %parallel_loop3A_278 = arith.constant 16 : i32
          %parallel_loop3A_279 = arith.muli %parallel_loop3A_277, %parallel_loop3A_278 : i32
          %parallel_loop3A_280 = arith.constant 1 : i32
          %parallel_loop3A_281 = arith.index_cast %parallel_loop3A_280 : i32 to index
          %parallel_loop3A_282 = arith.index_cast %parallel_loop3A_279 : i32 to index
          %parallel_loop3A_283 = tpu.vector_load %arg9[%parallel_loop3A_281, %parallel_loop3A_282] {strides = array<i32>} : memref<8x6144xf32, #tpu.memory_space<vmem>>, vector<16xf32>,
          tpu.vector_store %arg9[%parallel_loop3A_281, %parallel_loop3A_282], %broadcast_in_dim3A_63 {strides = array<i32>} : memref<8x6144xf32, #tpu.memory_space<vmem>>, vector<16xf32>,
          %parallel_loop3A_284 = arith.constant 8 : i32
          %parallel_loop3A_285 = arith.muli %parallel_loop3A_153, %parallel_loop3A_284 : i32
          %parallel_loop3A_286 = arith.constant 5 : i32
          %parallel_loop3A_287 = arith.addi %parallel_loop3A_285, %parallel_loop3A_286 : i32
          %parallel_loop3A_288 = arith.constant 16 : i32
          %parallel_loop3A_289 = arith.muli %parallel_loop3A_287, %parallel_loop3A_288 : i32
          %parallel_loop3A_290 = arith.constant 1 : i32
          %parallel_loop3A_291 = arith.index_cast %parallel_loop3A_290 : i32 to index
          %parallel_loop3A_292 = arith.index_cast %parallel_loop3A_289 : i32 to index
          %parallel_loop3A_293 = tpu.vector_load %arg9[%parallel_loop3A_291, %parallel_loop3A_292] {strides = array<i32>} : memref<8x6144xf32, #tpu.memory_space<vmem>>, vector<16xf32>,
          tpu.vector_store %arg9[%parallel_loop3A_291, %parallel_loop3A_292], %broadcast_in_dim3A_63 {strides = array<i32>} : memref<8x6144xf32, #tpu.memory_space<vmem>>, vector<16xf32>,
          %parallel_loop3A_294 = arith.constant 8 : i32
          %parallel_loop3A_295 = arith.muli %parallel_loop3A_153, %parallel_loop3A_294 : i32
          %parallel_loop3A_296 = arith.constant 6 : i32
          %parallel_loop3A_297 = arith.addi %parallel_loop3A_295, %parallel_loop3A_296 : i32
          %parallel_loop3A_298 = arith.constant 16 : i32
          %parallel_loop3A_299 = arith.muli %parallel_loop3A_297, %parallel_loop3A_298 : i32
          %parallel_loop3A_300 = arith.constant 1 : i32
          %parallel_loop3A_301 = arith.index_cast %parallel_loop3A_300 : i32 to index
          %parallel_loop3A_302 = arith.index_cast %parallel_loop3A_299 : i32 to index
          %parallel_loop3A_303 = tpu.vector_load %arg9[%parallel_loop3A_301, %parallel_loop3A_302] {strides = array<i32>} : memref<8x6144xf32, #tpu.memory_space<vmem>>, vector<16xf32>,
          tpu.vector_store %arg9[%parallel_loop3A_301, %parallel_loop3A_302], %broadcast_in_dim3A_63 {strides = array<i32>} : memref<8x6144xf32, #tpu.memory_space<vmem>>, vector<16xf32>,
          %parallel_loop3A_304 = arith.constant 8 : i32
          %parallel_loop3A_305 = arith.muli %parallel_loop3A_153, %parallel_loop3A_304 : i32
          %parallel_loop3A_306 = arith.constant 7 : i32
          %parallel_loop3A_307 = arith.addi %parallel_loop3A_305, %parallel_loop3A_306 : i32
          %parallel_loop3A_308 = arith.constant 16 : i32
          %parallel_loop3A_309 = arith.muli %parallel_loop3A_307, %parallel_loop3A_308 : i32
          %parallel_loop3A_310 = arith.constant 1 : i32
          %parallel_loop3A_311 = arith.index_cast %parallel_loop3A_310 : i32 to index
          %parallel_loop3A_312 = arith.index_cast %parallel_loop3A_309 : i32 to index
          %parallel_loop3A_313 = tpu.vector_load %arg9[%parallel_loop3A_311, %parallel_loop3A_312] {strides = array<i32>} : memref<8x6144xf32, #tpu.memory_space<vmem>>, vector<16xf32>,
          tpu.vector_store %arg9[%parallel_loop3A_311, %parallel_loop3A_312], %broadcast_in_dim3A_63 {strides = array<i32>} : memref<8x6144xf32, #tpu.memory_space<vmem>>, vector<16xf32>,
          %parallel_loop3A_314 = arith.constant 8 : i32
          %parallel_loop3A_315 = arith.muli %parallel_loop3A_153, %parallel_loop3A_314 : i32
          %parallel_loop3A_316 = arith.constant 0 : i32
          %parallel_loop3A_317 = arith.addi %parallel_loop3A_315, %parallel_loop3A_316 : i32
          %parallel_loop3A_318 = arith.constant 16 : i32
          %parallel_loop3A_319 = arith.muli %parallel_loop3A_317, %parallel_loop3A_318 : i32
          %parallel_loop3A_320 = arith.constant 2 : i32
          %parallel_loop3A_321 = arith.index_cast %parallel_loop3A_320 : i32 to index
          %parallel_loop3A_322 = arith.index_cast %parallel_loop3A_319 : i32 to index
          %parallel_loop3A_323 = tpu.vector_load %arg9[%parallel_loop3A_321, %parallel_loop3A_322] {strides = array<i32>} : memref<8x6144xf32, #tpu.memory_space<vmem>>, vector<16xf32>,
          tpu.vector_store %arg9[%parallel_loop3A_321, %parallel_loop3A_322], %broadcast_in_dim3A_63 {strides = array<i32>} : memref<8x6144xf32, #tpu.memory_space<vmem>>, vector<16xf32>,
          %parallel_loop3A_324 = arith.constant 8 : i32
          %parallel_loop3A_325 = arith.muli %parallel_loop3A_153, %parallel_loop3A_324 : i32
          %parallel_loop3A_326 = arith.constant 1 : i32
          %parallel_loop3A_327 = arith.addi %parallel_loop3A_325, %parallel_loop3A_326 : i32
          %parallel_loop3A_328 = arith.constant 16 : i32
          %parallel_loop3A_329 = arith.muli %parallel_loop3A_327, %parallel_loop3A_328 : i32
          %parallel_loop3A_330 = arith.constant 2 : i32
          %parallel_loop3A_331 = arith.index_cast %parallel_loop3A_330 : i32 to index
          %parallel_loop3A_332 = arith.index_cast %parallel_loop3A_329 : i32 to index
          %parallel_loop3A_333 = tpu.vector_load %arg9[%parallel_loop3A_331, %parallel_loop3A_332] {strides = array<i32>} : memref<8x6144xf32, #tpu.memory_space<vmem>>, vector<16xf32>,
          tpu.vector_store %arg9[%parallel_loop3A_331, %parallel_loop3A_332], %broadcast_in_dim3A_63 {strides = array<i32>} : memref<8x6144xf32, #tpu.memory_space<vmem>>, vector<16xf32>,
          %parallel_loop3A_334 = arith.constant 8 : i32
          %parallel_loop3A_335 = arith.muli %parallel_loop3A_153, %parallel_loop3A_334 : i32
          %parallel_loop3A_336 = arith.constant 2 : i32
          %parallel_loop3A_337 = arith.addi %parallel_loop3A_335, %parallel_loop3A_336 : i32
          %parallel_loop3A_338 = arith.constant 16 : i32
          %parallel_loop3A_339 = arith.muli %parallel_loop3A_337, %parallel_loop3A_338 : i32
          %parallel_loop3A_340 = arith.constant 2 : i32
          %parallel_loop3A_341 = arith.index_cast %parallel_loop3A_340 : i32 to index
          %parallel_loop3A_342 = arith.index_cast %parallel_loop3A_339 : i32 to index
          %parallel_loop3A_343 = tpu.vector_load %arg9[%parallel_loop3A_341, %parallel_loop3A_342] {strides = array<i32>} : memref<8x6144xf32, #tpu.memory_space<vmem>>, vector<16xf32>,
          tpu.vector_store %arg9[%parallel_loop3A_341, %parallel_loop3A_342], %broadcast_in_dim3A_63 {strides = array<i32>} : memref<8x6144xf32, #tpu.memory_space<vmem>>, vector<16xf32>,
          %parallel_loop3A_344 = arith.constant 8 : i32
          %parallel_loop3A_345 = arith.muli %parallel_loop3A_153, %parallel_loop3A_344 : i32
          %parallel_loop3A_346 = arith.constant 3 : i32
          %parallel_loop3A_347 = arith.addi %parallel_loop3A_345, %parallel_loop3A_346 : i32
          %parallel_loop3A_348 = arith.constant 16 : i32
          %parallel_loop3A_349 = arith.muli %parallel_loop3A_347, %parallel_loop3A_348 : i32
          %parallel_loop3A_350 = arith.constant 2 : i32
          %parallel_loop3A_351 = arith.index_cast %parallel_loop3A_350 : i32 to index
          %parallel_loop3A_352 = arith.index_cast %parallel_loop3A_349 : i32 to index
          %parallel_loop3A_353 = tpu.vector_load %arg9[%parallel_loop3A_351, %parallel_loop3A_352] {strides = array<i32>} : memref<8x6144xf32, #tpu.memory_space<vmem>>, vector<16xf32>,
          tpu.vector_store %arg9[%parallel_loop3A_351, %parallel_loop3A_352], %broadcast_in_dim3A_63 {strides = array<i32>} : memref<8x6144xf32, #tpu.memory_space<vmem>>, vector<16xf32>,
          %parallel_loop3A_354 = arith.constant 8 : i32
          %parallel_loop3A_355 = arith.muli %parallel_loop3A_153, %parallel_loop3A_354 : i32
          %parallel_loop3A_356 = arith.constant 4 : i32
          %parallel_loop3A_357 = arith.addi %parallel_loop3A_355, %parallel_loop3A_356 : i32
          %parallel_loop3A_358 = arith.constant 16 : i32
          %parallel_loop3A_359 = arith.muli %parallel_loop3A_357, %parallel_loop3A_358 : i32
          %parallel_loop3A_360 = arith.constant 2 : i32
          %parallel_loop3A_361 = arith.index_cast %parallel_loop3A_360 : i32 to index
          %parallel_loop3A_362 = arith.index_cast %parallel_loop3A_359 : i32 to index
          %parallel_loop3A_363 = tpu.vector_load %arg9[%parallel_loop3A_361, %parallel_loop3A_362] {strides = array<i32>} : memref<8x6144xf32, #tpu.memory_space<vmem>>, vector<16xf32>,
          tpu.vector_store %arg9[%parallel_loop3A_361, %parallel_loop3A_362], %broadcast_in_dim3A_63 {strides = array<i32>} : memref<8x6144xf32, #tpu.memory_space<vmem>>, vector<16xf32>,
          %parallel_loop3A_364 = arith.constant 8 : i32
          %parallel_loop3A_365 = arith.muli %parallel_loop3A_153, %parallel_loop3A_364 : i32
          %parallel_loop3A_366 = arith.constant 5 : i32
          %parallel_loop3A_367 = arith.addi %parallel_loop3A_365, %parallel_loop3A_366 : i32
          %parallel_loop3A_368 = arith.constant 16 : i32
          %parallel_loop3A_369 = arith.muli %parallel_loop3A_367, %parallel_loop3A_368 : i32
          %parallel_loop3A_370 = arith.constant 2 : i32
          %parallel_loop3A_371 = arith.index_cast %parallel_loop3A_370 : i32 to index
          %parallel_loop3A_372 = arith.index_cast %parallel_loop3A_369 : i32 to index
          %parallel_loop3A_373 = tpu.vector_load %arg9[%parallel_loop3A_371, %parallel_loop3A_372] {strides = array<i32>} : memref<8x6144xf32, #tpu.memory_space<vmem>>, vector<16xf32>,
          tpu.vector_store %arg9[%parallel_loop3A_371, %parallel_loop3A_372], %broadcast_in_dim3A_63 {strides = array<i32>} : memref<8x6144xf32, #tpu.memory_space<vmem>>, vector<16xf32>,
          %parallel_loop3A_374 = arith.constant 8 : i32
          %parallel_loop3A_375 = arith.muli %parallel_loop3A_153, %parallel_loop3A_374 : i32
          %parallel_loop3A_376 = arith.constant 6 : i32
          %parallel_loop3A_377 = arith.addi %parallel_loop3A_375, %parallel_loop3A_376 : i32
          %parallel_loop3A_378 = arith.constant 16 : i32
          %parallel_loop3A_379 = arith.muli %parallel_loop3A_377, %parallel_loop3A_378 : i32
          %parallel_loop3A_380 = arith.constant 2 : i32
          %parallel_loop3A_381 = arith.index_cast %parallel_loop3A_380 : i32 to index
          %parallel_loop3A_382 = arith.index_cast %parallel_loop3A_379 : i32 to index
          %parallel_loop3A_383 = tpu.vector_load %arg9[%parallel_loop3A_381, %parallel_loop3A_382] {strides = array<i32>} : memref<8x6144xf32, #tpu.memory_space<vmem>>, vector<16xf32>,
          tpu.vector_store %arg9[%parallel_loop3A_381, %parallel_loop3A_382], %broadcast_in_dim3A_63 {strides = array<i32>} : memref<8x6144xf32, #tpu.memory_space<vmem>>, vector<16xf32>,
          %parallel_loop3A_384 = arith.constant 8 : i32
          %parallel_loop3A_385 = arith.muli %parallel_loop3A_153, %parallel_loop3A_384 : i32
          %parallel_loop3A_386 = arith.constant 7 : i32
          %parallel_loop3A_387 = arith.addi %parallel_loop3A_385, %parallel_loop3A_386 : i32
          %parallel_loop3A_388 = arith.constant 16 : i32
          %parallel_loop3A_389 = arith.muli %parallel_loop3A_387, %parallel_loop3A_388 : i32
          %parallel_loop3A_390 = arith.constant 2 : i32
          %parallel_loop3A_391 = arith.index_cast %parallel_loop3A_390 : i32 to index
          %parallel_loop3A_392 = arith.index_cast %parallel_loop3A_389 : i32 to index
          %parallel_loop3A_393 = tpu.vector_load %arg9[%parallel_loop3A_391, %parallel_loop3A_392] {strides = array<i32>} : memref<8x6144xf32, #tpu.memory_space<vmem>>, vector<16xf32>,
          tpu.vector_store %arg9[%parallel_loop3A_391, %parallel_loop3A_392], %broadcast_in_dim3A_63 {strides = array<i32>} : memref<8x6144xf32, #tpu.memory_space<vmem>>, vector<16xf32>,
          %parallel_loop3A_394 = arith.constant 8 : i32
          %parallel_loop3A_395 = arith.muli %parallel_loop3A_153, %parallel_loop3A_394 : i32
          %parallel_loop3A_396 = arith.constant 0 : i32
          %parallel_loop3A_397 = arith.addi %parallel_loop3A_395, %parallel_loop3A_396 : i32
          %parallel_loop3A_398 = arith.constant 16 : i32
          %parallel_loop3A_399 = arith.muli %parallel_loop3A_397, %parallel_loop3A_398 : i32
          %parallel_loop3A_400 = arith.constant 3 : i32
          %parallel_loop3A_401 = arith.index_cast %parallel_loop3A_400 : i32 to index
          %parallel_loop3A_402 = arith.index_cast %parallel_loop3A_399 : i32 to index
          %parallel_loop3A_403 = tpu.vector_load %arg9[%parallel_loop3A_401, %parallel_loop3A_402] {strides = array<i32>} : memref<8x6144xf32, #tpu.memory_space<vmem>>, vector<16xf32>,
          tpu.vector_store %arg9[%parallel_loop3A_401, %parallel_loop3A_402], %broadcast_in_dim3A_63 {strides = array<i32>} : memref<8x6144xf32, #tpu.memory_space<vmem>>, vector<16xf32>,
          %parallel_loop3A_404 = arith.constant 8 : i32
          %parallel_loop3A_405 = arith.muli %parallel_loop3A_153, %parallel_loop3A_404 : i32
          %parallel_loop3A_406 = arith.constant 1 : i32
          %parallel_loop3A_407 = arith.addi %parallel_loop3A_405, %parallel_loop3A_406 : i32
          %parallel_loop3A_408 = arith.constant 16 : i32
          %parallel_loop3A_409 = arith.muli %parallel_loop3A_407, %parallel_loop3A_408 : i32
          %parallel_loop3A_410 = arith.constant 3 : i32
          %parallel_loop3A_411 = arith.index_cast %parallel_loop3A_410 : i32 to index
          %parallel_loop3A_412 = arith.index_cast %parallel_loop3A_409 : i32 to index
          %parallel_loop3A_413 = tpu.vector_load %arg9[%parallel_loop3A_411, %parallel_loop3A_412] {strides = array<i32>} : memref<8x6144xf32, #tpu.memory_space<vmem>>, vector<16xf32>,
          tpu.vector_store %arg9[%parallel_loop3A_411, %parallel_loop3A_412], %broadcast_in_dim3A_63 {strides = array<i32>} : memref<8x6144xf32, #tpu.memory_space<vmem>>, vector<16xf32>,
          %parallel_loop3A_414 = arith.constant 8 : i32
          %parallel_loop3A_415 = arith.muli %parallel_loop3A_153, %parallel_loop3A_414 : i32
          %parallel_loop3A_416 = arith.constant 2 : i32
          %parallel_loop3A_417 = arith.addi %parallel_loop3A_415, %parallel_loop3A_416 : i32
          %parallel_loop3A_418 = arith.constant 16 : i32
          %parallel_loop3A_419 = arith.muli %parallel_loop3A_417, %parallel_loop3A_418 : i32
          %parallel_loop3A_420 = arith.constant 3 : i32
          %parallel_loop3A_421 = arith.index_cast %parallel_loop3A_420 : i32 to index
          %parallel_loop3A_422 = arith.index_cast %parallel_loop3A_419 : i32 to index
          %parallel_loop3A_423 = tpu.vector_load %arg9[%parallel_loop3A_421, %parallel_loop3A_422] {strides = array<i32>} : memref<8x6144xf32, #tpu.memory_space<vmem>>, vector<16xf32>,
          tpu.vector_store %arg9[%parallel_loop3A_421, %parallel_loop3A_422], %broadcast_in_dim3A_63 {strides = array<i32>} : memref<8x6144xf32, #tpu.memory_space<vmem>>, vector<16xf32>,
          %parallel_loop3A_424 = arith.constant 8 : i32
          %parallel_loop3A_425 = arith.muli %parallel_loop3A_153, %parallel_loop3A_424 : i32
          %parallel_loop3A_426 = arith.constant 3 : i32
          %parallel_loop3A_427 = arith.addi %parallel_loop3A_425, %parallel_loop3A_426 : i32
          %parallel_loop3A_428 = arith.constant 16 : i32
          %parallel_loop3A_429 = arith.muli %parallel_loop3A_427, %parallel_loop3A_428 : i32
          %parallel_loop3A_430 = arith.constant 3 : i32
          %parallel_loop3A_431 = arith.index_cast %parallel_loop3A_430 : i32 to index
          %parallel_loop3A_432 = arith.index_cast %parallel_loop3A_429 : i32 to index
          %parallel_loop3A_433 = tpu.vector_load %arg9[%parallel_loop3A_431, %parallel_loop3A_432] {strides = array<i32>} : memref<8x6144xf32, #tpu.memory_space<vmem>>, vector<16xf32>,
          tpu.vector_store %arg9[%parallel_loop3A_431, %parallel_loop3A_432], %broadcast_in_dim3A_63 {strides = array<i32>} : memref<8x6144xf32, #tpu.memory_space<vmem>>, vector<16xf32>,
          %parallel_loop3A_434 = arith.constant 8 : i32
          %parallel_loop3A_435 = arith.muli %parallel_loop3A_153, %parallel_loop3A_434 : i32
          %parallel_loop3A_436 = arith.constant 4 : i32
          %parallel_loop3A_437 = arith.addi %parallel_loop3A_435, %parallel_loop3A_436 : i32
          %parallel_loop3A_438 = arith.constant 16 : i32
          %parallel_loop3A_439 = arith.muli %parallel_loop3A_437, %parallel_loop3A_438 : i32
          %parallel_loop3A_440 = arith.constant 3 : i32
          %parallel_loop3A_441 = arith.index_cast %parallel_loop3A_440 : i32 to index
          %parallel_loop3A_442 = arith.index_cast %parallel_loop3A_439 : i32 to index
          %parallel_loop3A_443 = tpu.vector_load %arg9[%parallel_loop3A_441, %parallel_loop3A_442] {strides = array<i32>} : memref<8x6144xf32, #tpu.memory_space<vmem>>, vector<16xf32>,
          tpu.vector_store %arg9[%parallel_loop3A_441, %parallel_loop3A_442], %broadcast_in_dim3A_63 {strides = array<i32>} : memref<8x6144xf32, #tpu.memory_space<vmem>>, vector<16xf32>,
          %parallel_loop3A_444 = arith.constant 8 : i32
          %parallel_loop3A_445 = arith.muli %parallel_loop3A_153, %parallel_loop3A_444 : i32
          %parallel_loop3A_446 = arith.constant 5 : i32
          %parallel_loop3A_447 = arith.addi %parallel_loop3A_445, %parallel_loop3A_446 : i32
          %parallel_loop3A_448 = arith.constant 16 : i32
          %parallel_loop3A_449 = arith.muli %parallel_loop3A_447, %parallel_loop3A_448 : i32
          %parallel_loop3A_450 = arith.constant 3 : i32
          %parallel_loop3A_451 = arith.index_cast %parallel_loop3A_450 : i32 to index
          %parallel_loop3A_452 = arith.index_cast %parallel_loop3A_449 : i32 to index
          %parallel_loop3A_453 = tpu.vector_load %arg9[%parallel_loop3A_451, %parallel_loop3A_452] {strides = array<i32>} : memref<8x6144xf32, #tpu.memory_space<vmem>>, vector<16xf32>,
          tpu.vector_store %arg9[%parallel_loop3A_451, %parallel_loop3A_452], %broadcast_in_dim3A_63 {strides = array<i32>} : memref<8x6144xf32, #tpu.memory_space<vmem>>, vector<16xf32>,
          %parallel_loop3A_454 = arith.constant 8 : i32
          %parallel_loop3A_455 = arith.muli %parallel_loop3A_153, %parallel_loop3A_454 : i32
          %parallel_loop3A_456 = arith.constant 6 : i32
          %parallel_loop3A_457 = arith.addi %parallel_loop3A_455, %parallel_loop3A_456 : i32
          %parallel_loop3A_458 = arith.constant 16 : i32
          %parallel_loop3A_459 = arith.muli %parallel_loop3A_457, %parallel_loop3A_458 : i32
          %parallel_loop3A_460 = arith.constant 3 : i32
          %parallel_loop3A_461 = arith.index_cast %parallel_loop3A_460 : i32 to index
          %parallel_loop3A_462 = arith.index_cast %parallel_loop3A_459 : i32 to index
          %parallel_loop3A_463 = tpu.vector_load %arg9[%parallel_loop3A_461, %parallel_loop3A_462] {strides = array<i32>} : memref<8x6144xf32, #tpu.memory_space<vmem>>, vector<16xf32>,
          tpu.vector_store %arg9[%parallel_loop3A_461, %parallel_loop3A_462], %broadcast_in_dim3A_63 {strides = array<i32>} : memref<8x6144xf32, #tpu.memory_space<vmem>>, vector<16xf32>,
          %parallel_loop3A_464 = arith.constant 8 : i32
          %parallel_loop3A_465 = arith.muli %parallel_loop3A_153, %parallel_loop3A_464 : i32
          %parallel_loop3A_466 = arith.constant 7 : i32
          %parallel_loop3A_467 = arith.addi %parallel_loop3A_465, %parallel_loop3A_466 : i32
          %parallel_loop3A_468 = arith.constant 16 : i32
          %parallel_loop3A_469 = arith.muli %parallel_loop3A_467, %parallel_loop3A_468 : i32
          %parallel_loop3A_470 = arith.constant 3 : i32
          %parallel_loop3A_471 = arith.index_cast %parallel_loop3A_470 : i32 to index
          %parallel_loop3A_472 = arith.index_cast %parallel_loop3A_469 : i32 to index
          %parallel_loop3A_473 = tpu.vector_load %arg9[%parallel_loop3A_471, %parallel_loop3A_472] {strides = array<i32>} : memref<8x6144xf32, #tpu.memory_space<vmem>>, vector<16xf32>,
          tpu.vector_store %arg9[%parallel_loop3A_471, %parallel_loop3A_472], %broadcast_in_dim3A_63 {strides = array<i32>} : memref<8x6144xf32, #tpu.memory_space<vmem>>, vector<16xf32>,
          %parallel_loop3A_474 = arith.constant 8 : i32
          %parallel_loop3A_475 = arith.muli %parallel_loop3A_153, %parallel_loop3A_474 : i32
          %parallel_loop3A_476 = arith.constant 0 : i32
          %parallel_loop3A_477 = arith.addi %parallel_loop3A_475, %parallel_loop3A_476 : i32
          %parallel_loop3A_478 = arith.constant 16 : i32
          %parallel_loop3A_479 = arith.muli %parallel_loop3A_477, %parallel_loop3A_478 : i32
          %parallel_loop3A_480 = arith.constant 4 : i32
          %parallel_loop3A_481 = arith.index_cast %parallel_loop3A_480 : i32 to index
          %parallel_loop3A_482 = arith.index_cast %parallel_loop3A_479 : i32 to index
          %parallel_loop3A_483 = tpu.vector_load %arg9[%parallel_loop3A_481, %parallel_loop3A_482] {strides = array<i32>} : memref<8x6144xf32, #tpu.memory_space<vmem>>, vector<16xf32>,
          tpu.vector_store %arg9[%parallel_loop3A_481, %parallel_loop3A_482], %broadcast_in_dim3A_63 {strides = array<i32>} : memref<8x6144xf32, #tpu.memory_space<vmem>>, vector<16xf32>,
          %parallel_loop3A_484 = arith.constant 8 : i32
          %parallel_loop3A_485 = arith.muli %parallel_loop3A_153, %parallel_loop3A_484 : i32
          %parallel_loop3A_486 = arith.constant 1 : i32
          %parallel_loop3A_487 = arith.addi %parallel_loop3A_485, %parallel_loop3A_486 : i32
          %parallel_loop3A_488 = arith.constant 16 : i32
          %parallel_loop3A_489 = arith.muli %parallel_loop3A_487, %parallel_loop3A_488 : i32
          %parallel_loop3A_490 = arith.constant 4 : i32
          %parallel_loop3A_491 = arith.index_cast %parallel_loop3A_490 : i32 to index
          %parallel_loop3A_492 = arith.index_cast %parallel_loop3A_489 : i32 to index
          %parallel_loop3A_493 = tpu.vector_load %arg9[%parallel_loop3A_491, %parallel_loop3A_492] {strides = array<i32>} : memref<8x6144xf32, #tpu.memory_space<vmem>>, vector<16xf32>,
          tpu.vector_store %arg9[%parallel_loop3A_491, %parallel_loop3A_492], %broadcast_in_dim3A_63 {strides = array<i32>} : memref<8x6144xf32, #tpu.memory_space<vmem>>, vector<16xf32>,
          %parallel_loop3A_494 = arith.constant 8 : i32
          %parallel_loop3A_495 = arith.muli %parallel_loop3A_153, %parallel_loop3A_494 : i32
          %parallel_loop3A_496 = arith.constant 2 : i32
          %parallel_loop3A_497 = arith.addi %parallel_loop3A_495, %parallel_loop3A_496 : i32
          %parallel_loop3A_498 = arith.constant 16 : i32
          %parallel_loop3A_499 = arith.muli %parallel_loop3A_497, %parallel_loop3A_498 : i32
          %parallel_loop3A_500 = arith.constant 4 : i32
          %parallel_loop3A_501 = arith.index_cast %parallel_loop3A_500 : i32 to index
          %parallel_loop3A_502 = arith.index_cast %parallel_loop3A_499 : i32 to index
          %parallel_loop3A_503 = tpu.vector_load %arg9[%parallel_loop3A_501, %parallel_loop3A_502] {strides = array<i32>} : memref<8x6144xf32, #tpu.memory_space<vmem>>, vector<16xf32>,
          tpu.vector_store %arg9[%parallel_loop3A_501, %parallel_loop3A_502], %broadcast_in_dim3A_63 {strides = array<i32>} : memref<8x6144xf32, #tpu.memory_space<vmem>>, vector<16xf32>,
          %parallel_loop3A_504 = arith.constant 8 : i32
          %parallel_loop3A_505 = arith.muli %parallel_loop3A_153, %parallel_loop3A_504 : i32
          %parallel_loop3A_506 = arith.constant 3 : i32
          %parallel_loop3A_507 = arith.addi %parallel_loop3A_505, %parallel_loop3A_506 : i32
          %parallel_loop3A_508 = arith.constant 16 : i32
          %parallel_loop3A_509 = arith.muli %parallel_loop3A_507, %parallel_loop3A_508 : i32
          %parallel_loop3A_510 = arith.constant 4 : i32
          %parallel_loop3A_511 = arith.index_cast %parallel_loop3A_510 : i32 to index
          %parallel_loop3A_512 = arith.index_cast %parallel_loop3A_509 : i32 to index
          %parallel_loop3A_513 = tpu.vector_load %arg9[%parallel_loop3A_511, %parallel_loop3A_512] {strides = array<i32>} : memref<8x6144xf32, #tpu.memory_space<vmem>>, vector<16xf32>,
          tpu.vector_store %arg9[%parallel_loop3A_511, %parallel_loop3A_512], %broadcast_in_dim3A_63 {strides = array<i32>} : memref<8x6144xf32, #tpu.memory_space<vmem>>, vector<16xf32>,
          %parallel_loop3A_514 = arith.constant 8 : i32
          %parallel_loop3A_515 = arith.muli %parallel_loop3A_153, %parallel_loop3A_514 : i32
          %parallel_loop3A_516 = arith.constant 4 : i32
          %parallel_loop3A_517 = arith.addi %parallel_loop3A_515, %parallel_loop3A_516 : i32
          %parallel_loop3A_518 = arith.constant 16 : i32
          %parallel_loop3A_519 = arith.muli %parallel_loop3A_517, %parallel_loop3A_518 : i32
          %parallel_loop3A_520 = arith.constant 4 : i32
          %parallel_loop3A_521 = arith.index_cast %parallel_loop3A_520 : i32 to index
          %parallel_loop3A_522 = arith.index_cast %parallel_loop3A_519 : i32 to index
          %parallel_loop3A_523 = tpu.vector_load %arg9[%parallel_loop3A_521, %parallel_loop3A_522] {strides = array<i32>} : memref<8x6144xf32, #tpu.memory_space<vmem>>, vector<16xf32>,
          tpu.vector_store %arg9[%parallel_loop3A_521, %parallel_loop3A_522], %broadcast_in_dim3A_63 {strides = array<i32>} : memref<8x6144xf32, #tpu.memory_space<vmem>>, vector<16xf32>,
          %parallel_loop3A_524 = arith.constant 8 : i32
          %parallel_loop3A_525 = arith.muli %parallel_loop3A_153, %parallel_loop3A_524 : i32
          %parallel_loop3A_526 = arith.constant 5 : i32
          %parallel_loop3A_527 = arith.addi %parallel_loop3A_525, %parallel_loop3A_526 : i32
          %parallel_loop3A_528 = arith.constant 16 : i32
          %parallel_loop3A_529 = arith.muli %parallel_loop3A_527, %parallel_loop3A_528 : i32
          %parallel_loop3A_530 = arith.constant 4 : i32
          %parallel_loop3A_531 = arith.index_cast %parallel_loop3A_530 : i32 to index
          %parallel_loop3A_532 = arith.index_cast %parallel_loop3A_529 : i32 to index
          %parallel_loop3A_533 = tpu.vector_load %arg9[%parallel_loop3A_531, %parallel_loop3A_532] {strides = array<i32>} : memref<8x6144xf32, #tpu.memory_space<vmem>>, vector<16xf32>,
          tpu.vector_store %arg9[%parallel_loop3A_531, %parallel_loop3A_532], %broadcast_in_dim3A_63 {strides = array<i32>} : memref<8x6144xf32, #tpu.memory_space<vmem>>, vector<16xf32>,
          %parallel_loop3A_534 = arith.constant 8 : i32
          %parallel_loop3A_535 = arith.muli %parallel_loop3A_153, %parallel_loop3A_534 : i32
          %parallel_loop3A_536 = arith.constant 6 : i32
          %parallel_loop3A_537 = arith.addi %parallel_loop3A_535, %parallel_loop3A_536 : i32
          %parallel_loop3A_538 = arith.constant 16 : i32
          %parallel_loop3A_539 = arith.muli %parallel_loop3A_537, %parallel_loop3A_538 : i32
          %parallel_loop3A_540 = arith.constant 4 : i32
          %parallel_loop3A_541 = arith.index_cast %parallel_loop3A_540 : i32 to index
          %parallel_loop3A_542 = arith.index_cast %parallel_loop3A_539 : i32 to index
          %parallel_loop3A_543 = tpu.vector_load %arg9[%parallel_loop3A_541, %parallel_loop3A_542] {strides = array<i32>} : memref<8x6144xf32, #tpu.memory_space<vmem>>, vector<16xf32>,
          tpu.vector_store %arg9[%parallel_loop3A_541, %parallel_loop3A_542], %broadcast_in_dim3A_63 {strides = array<i32>} : memref<8x6144xf32, #tpu.memory_space<vmem>>, vector<16xf32>,
          %parallel_loop3A_544 = arith.constant 8 : i32
          %parallel_loop3A_545 = arith.muli %parallel_loop3A_153, %parallel_loop3A_544 : i32
          %parallel_loop3A_546 = arith.constant 7 : i32
          %parallel_loop3A_547 = arith.addi %parallel_loop3A_545, %parallel_loop3A_546 : i32
          %parallel_loop3A_548 = arith.constant 16 : i32
          %parallel_loop3A_549 = arith.muli %parallel_loop3A_547, %parallel_loop3A_548 : i32
          %parallel_loop3A_550 = arith.constant 4 : i32
          %parallel_loop3A_551 = arith.index_cast %parallel_loop3A_550 : i32 to index
          %parallel_loop3A_552 = arith.index_cast %parallel_loop3A_549 : i32 to index
          %parallel_loop3A_553 = tpu.vector_load %arg9[%parallel_loop3A_551, %parallel_loop3A_552] {strides = array<i32>} : memref<8x6144xf32, #tpu.memory_space<vmem>>, vector<16xf32>,
          tpu.vector_store %arg9[%parallel_loop3A_551, %parallel_loop3A_552], %broadcast_in_dim3A_63 {strides = array<i32>} : memref<8x6144xf32, #tpu.memory_space<vmem>>, vector<16xf32>,
          %parallel_loop3A_554 = arith.constant 8 : i32
          %parallel_loop3A_555 = arith.muli %parallel_loop3A_153, %parallel_loop3A_554 : i32
          %parallel_loop3A_556 = arith.constant 0 : i32
          %parallel_loop3A_557 = arith.addi %parallel_loop3A_555, %parallel_loop3A_556 : i32
          %parallel_loop3A_558 = arith.constant 16 : i32
          %parallel_loop3A_559 = arith.muli %parallel_loop3A_557, %parallel_loop3A_558 : i32
          %parallel_loop3A_560 = arith.constant 5 : i32
          %parallel_loop3A_561 = arith.index_cast %parallel_loop3A_560 : i32 to index
          %parallel_loop3A_562 = arith.index_cast %parallel_loop3A_559 : i32 to index
          %parallel_loop3A_563 = tpu.vector_load %arg9[%parallel_loop3A_561, %parallel_loop3A_562] {strides = array<i32>} : memref<8x6144xf32, #tpu.memory_space<vmem>>, vector<16xf32>,
          tpu.vector_store %arg9[%parallel_loop3A_561, %parallel_loop3A_562], %broadcast_in_dim3A_63 {strides = array<i32>} : memref<8x6144xf32, #tpu.memory_space<vmem>>, vector<16xf32>,
          %parallel_loop3A_564 = arith.constant 8 : i32
          %parallel_loop3A_565 = arith.muli %parallel_loop3A_153, %parallel_loop3A_564 : i32
          %parallel_loop3A_566 = arith.constant 1 : i32
          %parallel_loop3A_567 = arith.addi %parallel_loop3A_565, %parallel_loop3A_566 : i32
          %parallel_loop3A_568 = arith.constant 16 : i32
          %parallel_loop3A_569 = arith.muli %parallel_loop3A_567, %parallel_loop3A_568 : i32
          %parallel_loop3A_570 = arith.constant 5 : i32
          %parallel_loop3A_571 = arith.index_cast %parallel_loop3A_570 : i32 to index
          %parallel_loop3A_572 = arith.index_cast %parallel_loop3A_569 : i32 to index
          %parallel_loop3A_573 = tpu.vector_load %arg9[%parallel_loop3A_571, %parallel_loop3A_572] {strides = array<i32>} : memref<8x6144xf32, #tpu.memory_space<vmem>>, vector<16xf32>,
          tpu.vector_store %arg9[%parallel_loop3A_571, %parallel_loop3A_572], %broadcast_in_dim3A_63 {strides = array<i32>} : memref<8x6144xf32, #tpu.memory_space<vmem>>, vector<16xf32>,
          %parallel_loop3A_574 = arith.constant 8 : i32
          %parallel_loop3A_575 = arith.muli %parallel_loop3A_153, %parallel_loop3A_574 : i32
          %parallel_loop3A_576 = arith.constant 2 : i32
          %parallel_loop3A_577 = arith.addi %parallel_loop3A_575, %parallel_loop3A_576 : i32
          %parallel_loop3A_578 = arith.constant 16 : i32
          %parallel_loop3A_579 = arith.muli %parallel_loop3A_577, %parallel_loop3A_578 : i32
          %parallel_loop3A_580 = arith.constant 5 : i32
          %parallel_loop3A_581 = arith.index_cast %parallel_loop3A_580 : i32 to index
          %parallel_loop3A_582 = arith.index_cast %parallel_loop3A_579 : i32 to index
          %parallel_loop3A_583 = tpu.vector_load %arg9[%parallel_loop3A_581, %parallel_loop3A_582] {strides = array<i32>} : memref<8x6144xf32, #tpu.memory_space<vmem>>, vector<16xf32>,
          tpu.vector_store %arg9[%parallel_loop3A_581, %parallel_loop3A_582], %broadcast_in_dim3A_63 {strides = array<i32>} : memref<8x6144xf32, #tpu.memory_space<vmem>>, vector<16xf32>,
          %parallel_loop3A_584 = arith.constant 8 : i32
          %parallel_loop3A_585 = arith.muli %parallel_loop3A_153, %parallel_loop3A_584 : i32
          %parallel_loop3A_586 = arith.constant 3 : i32
          %parallel_loop3A_587 = arith.addi %parallel_loop3A_585, %parallel_loop3A_586 : i32
          %parallel_loop3A_588 = arith.constant 16 : i32
          %parallel_loop3A_589 = arith.muli %parallel_loop3A_587, %parallel_loop3A_588 : i32
          %parallel_loop3A_590 = arith.constant 5 : i32
          %parallel_loop3A_591 = arith.index_cast %parallel_loop3A_590 : i32 to index
          %parallel_loop3A_592 = arith.index_cast %parallel_loop3A_589 : i32 to index
          %parallel_loop3A_593 = tpu.vector_load %arg9[%parallel_loop3A_591, %parallel_loop3A_592] {strides = array<i32>} : memref<8x6144xf32, #tpu.memory_space<vmem>>, vector<16xf32>,
          tpu.vector_store %arg9[%parallel_loop3A_591, %parallel_loop3A_592], %broadcast_in_dim3A_63 {strides = array<i32>} : memref<8x6144xf32, #tpu.memory_space<vmem>>, vector<16xf32>,
          %parallel_loop3A_594 = arith.constant 8 : i32
          %parallel_loop3A_595 = arith.muli %parallel_loop3A_153, %parallel_loop3A_594 : i32
          %parallel_loop3A_596 = arith.constant 4 : i32
          %parallel_loop3A_597 = arith.addi %parallel_loop3A_595, %parallel_loop3A_596 : i32
          %parallel_loop3A_598 = arith.constant 16 : i32
          %parallel_loop3A_599 = arith.muli %parallel_loop3A_597, %parallel_loop3A_598 : i32
          %parallel_loop3A_600 = arith.constant 5 : i32
          %parallel_loop3A_601 = arith.index_cast %parallel_loop3A_600 : i32 to index
          %parallel_loop3A_602 = arith.index_cast %parallel_loop3A_599 : i32 to index
          %parallel_loop3A_603 = tpu.vector_load %arg9[%parallel_loop3A_601, %parallel_loop3A_602] {strides = array<i32>} : memref<8x6144xf32, #tpu.memory_space<vmem>>, vector<16xf32>,
          tpu.vector_store %arg9[%parallel_loop3A_601, %parallel_loop3A_602], %broadcast_in_dim3A_63 {strides = array<i32>} : memref<8x6144xf32, #tpu.memory_space<vmem>>, vector<16xf32>,
          %parallel_loop3A_604 = arith.constant 8 : i32
          %parallel_loop3A_605 = arith.muli %parallel_loop3A_153, %parallel_loop3A_604 : i32
          %parallel_loop3A_606 = arith.constant 5 : i32
          %parallel_loop3A_607 = arith.addi %parallel_loop3A_605, %parallel_loop3A_606 : i32
          %parallel_loop3A_608 = arith.constant 16 : i32
          %parallel_loop3A_609 = arith.muli %parallel_loop3A_607, %parallel_loop3A_608 : i32
          %parallel_loop3A_610 = arith.constant 5 : i32
          %parallel_loop3A_611 = arith.index_cast %parallel_loop3A_610 : i32 to index
          %parallel_loop3A_612 = arith.index_cast %parallel_loop3A_609 : i32 to index
          %parallel_loop3A_613 = tpu.vector_load %arg9[%parallel_loop3A_611, %parallel_loop3A_612] {strides = array<i32>} : memref<8x6144xf32, #tpu.memory_space<vmem>>, vector<16xf32>,
          tpu.vector_store %arg9[%parallel_loop3A_611, %parallel_loop3A_612], %broadcast_in_dim3A_63 {strides = array<i32>} : memref<8x6144xf32, #tpu.memory_space<vmem>>, vector<16xf32>,
          %parallel_loop3A_614 = arith.constant 8 : i32
          %parallel_loop3A_615 = arith.muli %parallel_loop3A_153, %parallel_loop3A_614 : i32
          %parallel_loop3A_616 = arith.constant 6 : i32
          %parallel_loop3A_617 = arith.addi %parallel_loop3A_615, %parallel_loop3A_616 : i32
          %parallel_loop3A_618 = arith.constant 16 : i32
          %parallel_loop3A_619 = arith.muli %parallel_loop3A_617, %parallel_loop3A_618 : i32
          %parallel_loop3A_620 = arith.constant 5 : i32
          %parallel_loop3A_621 = arith.index_cast %parallel_loop3A_620 : i32 to index
          %parallel_loop3A_622 = arith.index_cast %parallel_loop3A_619 : i32 to index
          %parallel_loop3A_623 = tpu.vector_load %arg9[%parallel_loop3A_621, %parallel_loop3A_622] {strides = array<i32>} : memref<8x6144xf32, #tpu.memory_space<vmem>>, vector<16xf32>,
          tpu.vector_store %arg9[%parallel_loop3A_621, %parallel_loop3A_622], %broadcast_in_dim3A_63 {strides = array<i32>} : memref<8x6144xf32, #tpu.memory_space<vmem>>, vector<16xf32>,
          %parallel_loop3A_624 = arith.constant 8 : i32
          %parallel_loop3A_625 = arith.muli %parallel_loop3A_153, %parallel_loop3A_624 : i32
          %parallel_loop3A_626 = arith.constant 7 : i32
          %parallel_loop3A_627 = arith.addi %parallel_loop3A_625, %parallel_loop3A_626 : i32
          %parallel_loop3A_628 = arith.constant 16 : i32
          %parallel_loop3A_629 = arith.muli %parallel_loop3A_627, %parallel_loop3A_628 : i32
          %parallel_loop3A_630 = arith.constant 5 : i32
          %parallel_loop3A_631 = arith.index_cast %parallel_loop3A_630 : i32 to index
          %parallel_loop3A_632 = arith.index_cast %parallel_loop3A_629 : i32 to index
          %parallel_loop3A_633 = tpu.vector_load %arg9[%parallel_loop3A_631, %parallel_loop3A_632] {strides = array<i32>} : memref<8x6144xf32, #tpu.memory_space<vmem>>, vector<16xf32>,
          tpu.vector_store %arg9[%parallel_loop3A_631, %parallel_loop3A_632], %broadcast_in_dim3A_63 {strides = array<i32>} : memref<8x6144xf32, #tpu.memory_space<vmem>>, vector<16xf32>,
          %parallel_loop3A_634 = arith.constant 8 : i32
          %parallel_loop3A_635 = arith.muli %parallel_loop3A_153, %parallel_loop3A_634 : i32
          %parallel_loop3A_636 = arith.constant 0 : i32
          %parallel_loop3A_637 = arith.addi %parallel_loop3A_635, %parallel_loop3A_636 : i32
          %parallel_loop3A_638 = arith.constant 16 : i32
          %parallel_loop3A_639 = arith.muli %parallel_loop3A_637, %parallel_loop3A_638 : i32
          %parallel_loop3A_640 = arith.constant 6 : i32
          %parallel_loop3A_641 = arith.index_cast %parallel_loop3A_640 : i32 to index
          %parallel_loop3A_642 = arith.index_cast %parallel_loop3A_639 : i32 to index
          %parallel_loop3A_643 = tpu.vector_load %arg9[%parallel_loop3A_641, %parallel_loop3A_642] {strides = array<i32>} : memref<8x6144xf32, #tpu.memory_space<vmem>>, vector<16xf32>,
          tpu.vector_store %arg9[%parallel_loop3A_641, %parallel_loop3A_642], %broadcast_in_dim3A_63 {strides = array<i32>} : memref<8x6144xf32, #tpu.memory_space<vmem>>, vector<16xf32>,
          %parallel_loop3A_644 = arith.constant 8 : i32
          %parallel_loop3A_645 = arith.muli %parallel_loop3A_153, %parallel_loop3A_644 : i32
          %parallel_loop3A_646 = arith.constant 1 : i32
          %parallel_loop3A_647 = arith.addi %parallel_loop3A_645, %parallel_loop3A_646 : i32
          %parallel_loop3A_648 = arith.constant 16 : i32
          %parallel_loop3A_649 = arith.muli %parallel_loop3A_647, %parallel_loop3A_648 : i32
          %parallel_loop3A_650 = arith.constant 6 : i32
          %parallel_loop3A_651 = arith.index_cast %parallel_loop3A_650 : i32 to index
          %parallel_loop3A_652 = arith.index_cast %parallel_loop3A_649 : i32 to index
          %parallel_loop3A_653 = tpu.vector_load %arg9[%parallel_loop3A_651, %parallel_loop3A_652] {strides = array<i32>} : memref<8x6144xf32, #tpu.memory_space<vmem>>, vector<16xf32>,
          tpu.vector_store %arg9[%parallel_loop3A_651, %parallel_loop3A_652], %broadcast_in_dim3A_63 {strides = array<i32>} : memref<8x6144xf32, #tpu.memory_space<vmem>>, vector<16xf32>,
          %parallel_loop3A_654 = arith.constant 8 : i32
          %parallel_loop3A_655 = arith.muli %parallel_loop3A_153, %parallel_loop3A_654 : i32
          %parallel_loop3A_656 = arith.constant 2 : i32
          %parallel_loop3A_657 = arith.addi %parallel_loop3A_655, %parallel_loop3A_656 : i32
          %parallel_loop3A_658 = arith.constant 16 : i32
          %parallel_loop3A_659 = arith.muli %parallel_loop3A_657, %parallel_loop3A_658 : i32
          %parallel_loop3A_660 = arith.constant 6 : i32
          %parallel_loop3A_661 = arith.index_cast %parallel_loop3A_660 : i32 to index
          %parallel_loop3A_662 = arith.index_cast %parallel_loop3A_659 : i32 to index
          %parallel_loop3A_663 = tpu.vector_load %arg9[%parallel_loop3A_661, %parallel_loop3A_662] {strides = array<i32>} : memref<8x6144xf32, #tpu.memory_space<vmem>>, vector<16xf32>,
          tpu.vector_store %arg9[%parallel_loop3A_661, %parallel_loop3A_662], %broadcast_in_dim3A_63 {strides = array<i32>} : memref<8x6144xf32, #tpu.memory_space<vmem>>, vector<16xf32>,
          %parallel_loop3A_664 = arith.constant 8 : i32
          %parallel_loop3A_665 = arith.muli %parallel_loop3A_153, %parallel_loop3A_664 : i32
          %parallel_loop3A_666 = arith.constant 3 : i32
          %parallel_loop3A_667 = arith.addi %parallel_loop3A_665, %parallel_loop3A_666 : i32
          %parallel_loop3A_668 = arith.constant 16 : i32
          %parallel_loop3A_669 = arith.muli %parallel_loop3A_667, %parallel_loop3A_668 : i32
          %parallel_loop3A_670 = arith.constant 6 : i32
          %parallel_loop3A_671 = arith.index_cast %parallel_loop3A_670 : i32 to index
          %parallel_loop3A_672 = arith.index_cast %parallel_loop3A_669 : i32 to index
          %parallel_loop3A_673 = tpu.vector_load %arg9[%parallel_loop3A_671, %parallel_loop3A_672] {strides = array<i32>} : memref<8x6144xf32, #tpu.memory_space<vmem>>, vector<16xf32>,
          tpu.vector_store %arg9[%parallel_loop3A_671, %parallel_loop3A_672], %broadcast_in_dim3A_63 {strides = array<i32>} : memref<8x6144xf32, #tpu.memory_space<vmem>>, vector<16xf32>,
          %parallel_loop3A_674 = arith.constant 8 : i32
          %parallel_loop3A_675 = arith.muli %parallel_loop3A_153, %parallel_loop3A_674 : i32
          %parallel_loop3A_676 = arith.constant 4 : i32
          %parallel_loop3A_677 = arith.addi %parallel_loop3A_675, %parallel_loop3A_676 : i32
          %parallel_loop3A_678 = arith.constant 16 : i32
          %parallel_loop3A_679 = arith.muli %parallel_loop3A_677, %parallel_loop3A_678 : i32
          %parallel_loop3A_680 = arith.constant 6 : i32
          %parallel_loop3A_681 = arith.index_cast %parallel_loop3A_680 : i32 to index
          %parallel_loop3A_682 = arith.index_cast %parallel_loop3A_679 : i32 to index
          %parallel_loop3A_683 = tpu.vector_load %arg9[%parallel_loop3A_681, %parallel_loop3A_682] {strides = array<i32>} : memref<8x6144xf32, #tpu.memory_space<vmem>>, vector<16xf32>,
          tpu.vector_store %arg9[%parallel_loop3A_681, %parallel_loop3A_682], %broadcast_in_dim3A_63 {strides = array<i32>} : memref<8x6144xf32, #tpu.memory_space<vmem>>, vector<16xf32>,
          %parallel_loop3A_684 = arith.constant 8 : i32
          %parallel_loop3A_685 = arith.muli %parallel_loop3A_153, %parallel_loop3A_684 : i32
          %parallel_loop3A_686 = arith.constant 5 : i32
          %parallel_loop3A_687 = arith.addi %parallel_loop3A_685, %parallel_loop3A_686 : i32
          %parallel_loop3A_688 = arith.constant 16 : i32
          %parallel_loop3A_689 = arith.muli %parallel_loop3A_687, %parallel_loop3A_688 : i32
          %parallel_loop3A_690 = arith.constant 6 : i32
          %parallel_loop3A_691 = arith.index_cast %parallel_loop3A_690 : i32 to index
          %parallel_loop3A_692 = arith.index_cast %parallel_loop3A_689 : i32 to index
          %parallel_loop3A_693 = tpu.vector_load %arg9[%parallel_loop3A_691, %parallel_loop3A_692] {strides = array<i32>} : memref<8x6144xf32, #tpu.memory_space<vmem>>, vector<16xf32>,
          tpu.vector_store %arg9[%parallel_loop3A_691, %parallel_loop3A_692], %broadcast_in_dim3A_63 {strides = array<i32>} : memref<8x6144xf32, #tpu.memory_space<vmem>>, vector<16xf32>,
          %parallel_loop3A_694 = arith.constant 8 : i32
          %parallel_loop3A_695 = arith.muli %parallel_loop3A_153, %parallel_loop3A_694 : i32
          %parallel_loop3A_696 = arith.constant 6 : i32
          %parallel_loop3A_697 = arith.addi %parallel_loop3A_695, %parallel_loop3A_696 : i32
          %parallel_loop3A_698 = arith.constant 16 : i32
          %parallel_loop3A_699 = arith.muli %parallel_loop3A_697, %parallel_loop3A_698 : i32
          %parallel_loop3A_700 = arith.constant 6 : i32
          %parallel_loop3A_701 = arith.index_cast %parallel_loop3A_700 : i32 to index
          %parallel_loop3A_702 = arith.index_cast %parallel_loop3A_699 : i32 to index
          %parallel_loop3A_703 = tpu.vector_load %arg9[%parallel_loop3A_701, %parallel_loop3A_702] {strides = array<i32>} : memref<8x6144xf32, #tpu.memory_space<vmem>>, vector<16xf32>,
          tpu.vector_store %arg9[%parallel_loop3A_701, %parallel_loop3A_702], %broadcast_in_dim3A_63 {strides = array<i32>} : memref<8x6144xf32, #tpu.memory_space<vmem>>, vector<16xf32>,
          %parallel_loop3A_704 = arith.constant 8 : i32
          %parallel_loop3A_705 = arith.muli %parallel_loop3A_153, %parallel_loop3A_704 : i32
          %parallel_loop3A_706 = arith.constant 7 : i32
          %parallel_loop3A_707 = arith.addi %parallel_loop3A_705, %parallel_loop3A_706 : i32
          %parallel_loop3A_708 = arith.constant 16 : i32
          %parallel_loop3A_709 = arith.muli %parallel_loop3A_707, %parallel_loop3A_708 : i32
          %parallel_loop3A_710 = arith.constant 6 : i32
          %parallel_loop3A_711 = arith.index_cast %parallel_loop3A_710 : i32 to index
          %parallel_loop3A_712 = arith.index_cast %parallel_loop3A_709 : i32 to index
          %parallel_loop3A_713 = tpu.vector_load %arg9[%parallel_loop3A_711, %parallel_loop3A_712] {strides = array<i32>} : memref<8x6144xf32, #tpu.memory_space<vmem>>, vector<16xf32>,
          tpu.vector_store %arg9[%parallel_loop3A_711, %parallel_loop3A_712], %broadcast_in_dim3A_63 {strides = array<i32>} : memref<8x6144xf32, #tpu.memory_space<vmem>>, vector<16xf32>,
          %parallel_loop3A_714 = arith.constant 8 : i32
          %parallel_loop3A_715 = arith.muli %parallel_loop3A_153, %parallel_loop3A_714 : i32
          %parallel_loop3A_716 = arith.constant 0 : i32
          %parallel_loop3A_717 = arith.addi %parallel_loop3A_715, %parallel_loop3A_716 : i32
          %parallel_loop3A_718 = arith.constant 16 : i32
          %parallel_loop3A_719 = arith.muli %parallel_loop3A_717, %parallel_loop3A_718 : i32
          %parallel_loop3A_720 = arith.constant 7 : i32
          %parallel_loop3A_721 = arith.index_cast %parallel_loop3A_720 : i32 to index
          %parallel_loop3A_722 = arith.index_cast %parallel_loop3A_719 : i32 to index
          %parallel_loop3A_723 = tpu.vector_load %arg9[%parallel_loop3A_721, %parallel_loop3A_722] {strides = array<i32>} : memref<8x6144xf32, #tpu.memory_space<vmem>>, vector<16xf32>,
          tpu.vector_store %arg9[%parallel_loop3A_721, %parallel_loop3A_722], %broadcast_in_dim3A_63 {strides = array<i32>} : memref<8x6144xf32, #tpu.memory_space<vmem>>, vector<16xf32>,
          %parallel_loop3A_724 = arith.constant 8 : i32
          %parallel_loop3A_725 = arith.muli %parallel_loop3A_153, %parallel_loop3A_724 : i32
          %parallel_loop3A_726 = arith.constant 1 : i32
          %parallel_loop3A_727 = arith.addi %parallel_loop3A_725, %parallel_loop3A_726 : i32
          %parallel_loop3A_728 = arith.constant 16 : i32
          %parallel_loop3A_729 = arith.muli %parallel_loop3A_727, %parallel_loop3A_728 : i32
          %parallel_loop3A_730 = arith.constant 7 : i32
          %parallel_loop3A_731 = arith.index_cast %parallel_loop3A_730 : i32 to index
          %parallel_loop3A_732 = arith.index_cast %parallel_loop3A_729 : i32 to index
          %parallel_loop3A_733 = tpu.vector_load %arg9[%parallel_loop3A_731, %parallel_loop3A_732] {strides = array<i32>} : memref<8x6144xf32, #tpu.memory_space<vmem>>, vector<16xf32>,
          tpu.vector_store %arg9[%parallel_loop3A_731, %parallel_loop3A_732], %broadcast_in_dim3A_63 {strides = array<i32>} : memref<8x6144xf32, #tpu.memory_space<vmem>>, vector<16xf32>,
          %parallel_loop3A_734 = arith.constant 8 : i32
          %parallel_loop3A_735 = arith.muli %parallel_loop3A_153, %parallel_loop3A_734 : i32
          %parallel_loop3A_736 = arith.constant 2 : i32
          %parallel_loop3A_737 = arith.addi %parallel_loop3A_735, %parallel_loop3A_736 : i32
          %parallel_loop3A_738 = arith.constant 16 : i32
          %parallel_loop3A_739 = arith.muli %parallel_loop3A_737, %parallel_loop3A_738 : i32
          %parallel_loop3A_740 = arith.constant 7 : i32
          %parallel_loop3A_741 = arith.index_cast %parallel_loop3A_740 : i32 to index
          %parallel_loop3A_742 = arith.index_cast %parallel_loop3A_739 : i32 to index
          %parallel_loop3A_743 = tpu.vector_load %arg9[%parallel_loop3A_741, %parallel_loop3A_742] {strides = array<i32>} : memref<8x6144xf32, #tpu.memory_space<vmem>>, vector<16xf32>,
          tpu.vector_store %arg9[%parallel_loop3A_741, %parallel_loop3A_742], %broadcast_in_dim3A_63 {strides = array<i32>} : memref<8x6144xf32, #tpu.memory_space<vmem>>, vector<16xf32>,
          %parallel_loop3A_744 = arith.constant 8 : i32
          %parallel_loop3A_745 = arith.muli %parallel_loop3A_153, %parallel_loop3A_744 : i32
          %parallel_loop3A_746 = arith.constant 3 : i32
          %parallel_loop3A_747 = arith.addi %parallel_loop3A_745, %parallel_loop3A_746 : i32
          %parallel_loop3A_748 = arith.constant 16 : i32
          %parallel_loop3A_749 = arith.muli %parallel_loop3A_747, %parallel_loop3A_748 : i32
          %parallel_loop3A_750 = arith.constant 7 : i32
          %parallel_loop3A_751 = arith.index_cast %parallel_loop3A_750 : i32 to index
          %parallel_loop3A_752 = arith.index_cast %parallel_loop3A_749 : i32 to index
          %parallel_loop3A_753 = tpu.vector_load %arg9[%parallel_loop3A_751, %parallel_loop3A_752] {strides = array<i32>} : memref<8x6144xf32, #tpu.memory_space<vmem>>, vector<16xf32>,
          tpu.vector_store %arg9[%parallel_loop3A_751, %parallel_loop3A_752], %broadcast_in_dim3A_63 {strides = array<i32>} : memref<8x6144xf32, #tpu.memory_space<vmem>>, vector<16xf32>,
          %parallel_loop3A_754 = arith.constant 8 : i32
          %parallel_loop3A_755 = arith.muli %parallel_loop3A_153, %parallel_loop3A_754 : i32
          %parallel_loop3A_756 = arith.constant 4 : i32
          %parallel_loop3A_757 = arith.addi %parallel_loop3A_755, %parallel_loop3A_756 : i32
          %parallel_loop3A_758 = arith.constant 16 : i32
          %parallel_loop3A_759 = arith.muli %parallel_loop3A_757, %parallel_loop3A_758 : i32
          %parallel_loop3A_760 = arith.constant 7 : i32
          %parallel_loop3A_761 = arith.index_cast %parallel_loop3A_760 : i32 to index
          %parallel_loop3A_762 = arith.index_cast %parallel_loop3A_759 : i32 to index
          %parallel_loop3A_763 = tpu.vector_load %arg9[%parallel_loop3A_761, %parallel_loop3A_762] {strides = array<i32>} : memref<8x6144xf32, #tpu.memory_space<vmem>>, vector<16xf32>,
          tpu.vector_store %arg9[%parallel_loop3A_761, %parallel_loop3A_762], %broadcast_in_dim3A_63 {strides = array<i32>} : memref<8x6144xf32, #tpu.memory_space<vmem>>, vector<16xf32>,
          %parallel_loop3A_764 = arith.constant 8 : i32
          %parallel_loop3A_765 = arith.muli %parallel_loop3A_153, %parallel_loop3A_764 : i32
          %parallel_loop3A_766 = arith.constant 5 : i32
          %parallel_loop3A_767 = arith.addi %parallel_loop3A_765, %parallel_loop3A_766 : i32
          %parallel_loop3A_768 = arith.constant 16 : i32
          %parallel_loop3A_769 = arith.muli %parallel_loop3A_767, %parallel_loop3A_768 : i32
          %parallel_loop3A_770 = arith.constant 7 : i32
          %parallel_loop3A_771 = arith.index_cast %parallel_loop3A_770 : i32 to index
          %parallel_loop3A_772 = arith.index_cast %parallel_loop3A_769 : i32 to index
          %parallel_loop3A_773 = tpu.vector_load %arg9[%parallel_loop3A_771, %parallel_loop3A_772] {strides = array<i32>} : memref<8x6144xf32, #tpu.memory_space<vmem>>, vector<16xf32>,
          tpu.vector_store %arg9[%parallel_loop3A_771, %parallel_loop3A_772], %broadcast_in_dim3A_63 {strides = array<i32>} : memref<8x6144xf32, #tpu.memory_space<vmem>>, vector<16xf32>,
          %parallel_loop3A_774 = arith.constant 8 : i32
          %parallel_loop3A_775 = arith.muli %parallel_loop3A_153, %parallel_loop3A_774 : i32
          %parallel_loop3A_776 = arith.constant 6 : i32
          %parallel_loop3A_777 = arith.addi %parallel_loop3A_775, %parallel_loop3A_776 : i32
          %parallel_loop3A_778 = arith.constant 16 : i32
          %parallel_loop3A_779 = arith.muli %parallel_loop3A_777, %parallel_loop3A_778 : i32
          %parallel_loop3A_780 = arith.constant 7 : i32
          %parallel_loop3A_781 = arith.index_cast %parallel_loop3A_780 : i32 to index
          %parallel_loop3A_782 = arith.index_cast %parallel_loop3A_779 : i32 to index
          %parallel_loop3A_783 = tpu.vector_load %arg9[%parallel_loop3A_781, %parallel_loop3A_782] {strides = array<i32>} : memref<8x6144xf32, #tpu.memory_space<vmem>>, vector<16xf32>,
          tpu.vector_store %arg9[%parallel_loop3A_781, %parallel_loop3A_782], %broadcast_in_dim3A_63 {strides = array<i32>} : memref<8x6144xf32, #tpu.memory_space<vmem>>, vector<16xf32>,
          %parallel_loop3A_784 = arith.constant 8 : i32
          %parallel_loop3A_785 = arith.muli %parallel_loop3A_153, %parallel_loop3A_784 : i32
          %parallel_loop3A_786 = arith.constant 7 : i32
          %parallel_loop3A_787 = arith.addi %parallel_loop3A_785, %parallel_loop3A_786 : i32
          %parallel_loop3A_788 = arith.constant 16 : i32
          %parallel_loop3A_789 = arith.muli %parallel_loop3A_787, %parallel_loop3A_788 : i32
          %parallel_loop3A_790 = arith.constant 7 : i32
          %parallel_loop3A_791 = arith.index_cast %parallel_loop3A_790 : i32 to index
          %parallel_loop3A_792 = arith.index_cast %parallel_loop3A_789 : i32 to index
          %parallel_loop3A_793 = tpu.vector_load %arg9[%parallel_loop3A_791, %parallel_loop3A_792] {strides = array<i32>} : memref<8x6144xf32, #tpu.memory_space<vmem>>, vector<16xf32>,
          tpu.vector_store %arg9[%parallel_loop3A_791, %parallel_loop3A_792], %broadcast_in_dim3A_63 {strides = array<i32>} : memref<8x6144xf32, #tpu.memory_space<vmem>>, vector<16xf32>,
        } {sc.loop_unroll_factor = 1 : i64, sc.parallel_access}
        %parallel_loop3A_143 = arith.constant 0 : i32
        %parallel_loop3A_144 = arith.constant 48 : i32
        %parallel_loop3A_145 = arith.constant 1 : i32
        scf.for %parallel_loop3A_153 = %parallel_loop3A_143 to %parallel_loop3A_144 step %parallel_loop3A_145  : i32 {
          %parallel_loop3A_154 = arith.constant 128 : i32
          %parallel_loop3A_155 = arith.muli %parallel_loop3A_153, %parallel_loop3A_154 : i32
          %parallel_loop3A_156 = vector.broadcast %parallel_loop3A_155 : i32 to vector<16xi32>
          %parallel_loop3A_157 = arith.addi %mul3A_82, %parallel_loop3A_156 : vector<16xi32>
          %parallel_loop3A_158 = arith.constant 16 : i32
          %parallel_loop3A_159 = arith.muli %parallel_loop3A_153, %parallel_loop3A_158 : i32
          %parallel_loop3A_160 = arith.constant 0 : i32
          %parallel_loop3A_161 = arith.index_cast %parallel_loop3A_160 : i32 to index
          %parallel_loop3A_162 = arith.index_cast %parallel_loop3A_159 : i32 to index
          %parallel_loop3A_163 = tpu.vector_load %arg5[%parallel_loop3A_161, %parallel_loop3A_162] {strides = array<i32>} : memref<8x768xf32, #tpu.memory_space<vmem>>, vector<16xf32>,
          %parallel_loop3A_164 = arith.constant 16 : i32
          %parallel_loop3A_165 = arith.muli %parallel_loop3A_153, %parallel_loop3A_164 : i32
          %parallel_loop3A_166 = arith.constant 0 : i32
          %parallel_loop3A_167 = arith.index_cast %parallel_loop3A_166 : i32 to index
          %parallel_loop3A_168 = arith.index_cast %parallel_loop3A_165 : i32 to index
          %parallel_loop3A_169 = tpu.vector_load %arg7[%parallel_loop3A_167, %parallel_loop3A_168] {strides = array<i32>} : memref<8x768xi32, #tpu.memory_space<vmem>>, vector<16xi32>,
          %parallel_loop3A_170 = arith.constant 7 : i32
          %parallel_loop3A_171 = vector.broadcast %parallel_loop3A_170 : i32 to vector<16xi32>
          %parallel_loop3A_172 = arith.andi %parallel_loop3A_169, %parallel_loop3A_171 : vector<16xi32>
          %parallel_loop3A_173 = arith.addi %parallel_loop3A_172, %parallel_loop3A_157 : vector<16xi32>
          tpu.vector_store_idx %arg9[%broadcast_in_dim3A_65, %parallel_loop3A_173], %parallel_loop3A_163 : memref<8x6144xf32, #tpu.memory_space<vmem>>[vector<16xi32>, vector<16xi32>], vector<16xf32>,
          %parallel_loop3A_174 = arith.constant 16 : i32
          %parallel_loop3A_175 = arith.muli %parallel_loop3A_153, %parallel_loop3A_174 : i32
          %parallel_loop3A_176 = arith.constant 1 : i32
          %parallel_loop3A_177 = arith.index_cast %parallel_loop3A_176 : i32 to index
          %parallel_loop3A_178 = arith.index_cast %parallel_loop3A_175 : i32 to index
          %parallel_loop3A_179 = tpu.vector_load %arg5[%parallel_loop3A_177, %parallel_loop3A_178] {strides = array<i32>} : memref<8x768xf32, #tpu.memory_space<vmem>>, vector<16xf32>,
          %parallel_loop3A_180 = arith.constant 16 : i32
          %parallel_loop3A_181 = arith.muli %parallel_loop3A_153, %parallel_loop3A_180 : i32
          %parallel_loop3A_182 = arith.constant 1 : i32
          %parallel_loop3A_183 = arith.index_cast %parallel_loop3A_182 : i32 to index
          %parallel_loop3A_184 = arith.index_cast %parallel_loop3A_181 : i32 to index
          %parallel_loop3A_185 = tpu.vector_load %arg7[%parallel_loop3A_183, %parallel_loop3A_184] {strides = array<i32>} : memref<8x768xi32, #tpu.memory_space<vmem>>, vector<16xi32>,
          %parallel_loop3A_186 = arith.constant 7 : i32
          %parallel_loop3A_187 = vector.broadcast %parallel_loop3A_186 : i32 to vector<16xi32>
          %parallel_loop3A_188 = arith.andi %parallel_loop3A_185, %parallel_loop3A_187 : vector<16xi32>
          %parallel_loop3A_189 = arith.addi %parallel_loop3A_188, %parallel_loop3A_157 : vector<16xi32>
          tpu.vector_store_idx %arg9[%broadcast_in_dim3A_67, %parallel_loop3A_189], %parallel_loop3A_179 : memref<8x6144xf32, #tpu.memory_space<vmem>>[vector<16xi32>, vector<16xi32>], vector<16xf32>,
          %parallel_loop3A_190 = arith.constant 16 : i32
          %parallel_loop3A_191 = arith.muli %parallel_loop3A_153, %parallel_loop3A_190 : i32
          %parallel_loop3A_192 = arith.constant 2 : i32
          %parallel_loop3A_193 = arith.index_cast %parallel_loop3A_192 : i32 to index
          %parallel_loop3A_194 = arith.index_cast %parallel_loop3A_191 : i32 to index
          %parallel_loop3A_195 = tpu.vector_load %arg5[%parallel_loop3A_193, %parallel_loop3A_194] {strides = array<i32>} : memref<8x768xf32, #tpu.memory_space<vmem>>, vector<16xf32>,
          %parallel_loop3A_196 = arith.constant 16 : i32
          %parallel_loop3A_197 = arith.muli %parallel_loop3A_153, %parallel_loop3A_196 : i32
          %parallel_loop3A_198 = arith.constant 2 : i32
          %parallel_loop3A_199 = arith.index_cast %parallel_loop3A_198 : i32 to index
          %parallel_loop3A_200 = arith.index_cast %parallel_loop3A_197 : i32 to index
          %parallel_loop3A_201 = tpu.vector_load %arg7[%parallel_loop3A_199, %parallel_loop3A_200] {strides = array<i32>} : memref<8x768xi32, #tpu.memory_space<vmem>>, vector<16xi32>,
          %parallel_loop3A_202 = arith.constant 7 : i32
          %parallel_loop3A_203 = vector.broadcast %parallel_loop3A_202 : i32 to vector<16xi32>
          %parallel_loop3A_204 = arith.andi %parallel_loop3A_201, %parallel_loop3A_203 : vector<16xi32>
          %parallel_loop3A_205 = arith.addi %parallel_loop3A_204, %parallel_loop3A_157 : vector<16xi32>
          tpu.vector_store_idx %arg9[%broadcast_in_dim3A_69, %parallel_loop3A_205], %parallel_loop3A_195 : memref<8x6144xf32, #tpu.memory_space<vmem>>[vector<16xi32>, vector<16xi32>], vector<16xf32>,
          %parallel_loop3A_206 = arith.constant 16 : i32
          %parallel_loop3A_207 = arith.muli %parallel_loop3A_153, %parallel_loop3A_206 : i32
          %parallel_loop3A_208 = arith.constant 3 : i32
          %parallel_loop3A_209 = arith.index_cast %parallel_loop3A_208 : i32 to index
          %parallel_loop3A_210 = arith.index_cast %parallel_loop3A_207 : i32 to index
          %parallel_loop3A_211 = tpu.vector_load %arg5[%parallel_loop3A_209, %parallel_loop3A_210] {strides = array<i32>} : memref<8x768xf32, #tpu.memory_space<vmem>>, vector<16xf32>,
          %parallel_loop3A_212 = arith.constant 16 : i32
          %parallel_loop3A_213 = arith.muli %parallel_loop3A_153, %parallel_loop3A_212 : i32
          %parallel_loop3A_214 = arith.constant 3 : i32
          %parallel_loop3A_215 = arith.index_cast %parallel_loop3A_214 : i32 to index
          %parallel_loop3A_216 = arith.index_cast %parallel_loop3A_213 : i32 to index
          %parallel_loop3A_217 = tpu.vector_load %arg7[%parallel_loop3A_215, %parallel_loop3A_216] {strides = array<i32>} : memref<8x768xi32, #tpu.memory_space<vmem>>, vector<16xi32>,
          %parallel_loop3A_218 = arith.constant 7 : i32
          %parallel_loop3A_219 = vector.broadcast %parallel_loop3A_218 : i32 to vector<16xi32>
          %parallel_loop3A_220 = arith.andi %parallel_loop3A_217, %parallel_loop3A_219 : vector<16xi32>
          %parallel_loop3A_221 = arith.addi %parallel_loop3A_220, %parallel_loop3A_157 : vector<16xi32>
          tpu.vector_store_idx %arg9[%broadcast_in_dim3A_71, %parallel_loop3A_221], %parallel_loop3A_211 : memref<8x6144xf32, #tpu.memory_space<vmem>>[vector<16xi32>, vector<16xi32>], vector<16xf32>,
          %parallel_loop3A_222 = arith.constant 16 : i32
          %parallel_loop3A_223 = arith.muli %parallel_loop3A_153, %parallel_loop3A_222 : i32
          %parallel_loop3A_224 = arith.constant 4 : i32
          %parallel_loop3A_225 = arith.index_cast %parallel_loop3A_224 : i32 to index
          %parallel_loop3A_226 = arith.index_cast %parallel_loop3A_223 : i32 to index
          %parallel_loop3A_227 = tpu.vector_load %arg5[%parallel_loop3A_225, %parallel_loop3A_226] {strides = array<i32>} : memref<8x768xf32, #tpu.memory_space<vmem>>, vector<16xf32>,
          %parallel_loop3A_228 = arith.constant 16 : i32
          %parallel_loop3A_229 = arith.muli %parallel_loop3A_153, %parallel_loop3A_228 : i32
          %parallel_loop3A_230 = arith.constant 4 : i32
          %parallel_loop3A_231 = arith.index_cast %parallel_loop3A_230 : i32 to index
          %parallel_loop3A_232 = arith.index_cast %parallel_loop3A_229 : i32 to index
          %parallel_loop3A_233 = tpu.vector_load %arg7[%parallel_loop3A_231, %parallel_loop3A_232] {strides = array<i32>} : memref<8x768xi32, #tpu.memory_space<vmem>>, vector<16xi32>,
          %parallel_loop3A_234 = arith.constant 7 : i32
          %parallel_loop3A_235 = vector.broadcast %parallel_loop3A_234 : i32 to vector<16xi32>
          %parallel_loop3A_236 = arith.andi %parallel_loop3A_233, %parallel_loop3A_235 : vector<16xi32>
          %parallel_loop3A_237 = arith.addi %parallel_loop3A_236, %parallel_loop3A_157 : vector<16xi32>
          tpu.vector_store_idx %arg9[%broadcast_in_dim3A_73, %parallel_loop3A_237], %parallel_loop3A_227 : memref<8x6144xf32, #tpu.memory_space<vmem>>[vector<16xi32>, vector<16xi32>], vector<16xf32>,
          %parallel_loop3A_238 = arith.constant 16 : i32
          %parallel_loop3A_239 = arith.muli %parallel_loop3A_153, %parallel_loop3A_238 : i32
          %parallel_loop3A_240 = arith.constant 5 : i32
          %parallel_loop3A_241 = arith.index_cast %parallel_loop3A_240 : i32 to index
          %parallel_loop3A_242 = arith.index_cast %parallel_loop3A_239 : i32 to index
          %parallel_loop3A_243 = tpu.vector_load %arg5[%parallel_loop3A_241, %parallel_loop3A_242] {strides = array<i32>} : memref<8x768xf32, #tpu.memory_space<vmem>>, vector<16xf32>,
          %parallel_loop3A_244 = arith.constant 16 : i32
          %parallel_loop3A_245 = arith.muli %parallel_loop3A_153, %parallel_loop3A_244 : i32
          %parallel_loop3A_246 = arith.constant 5 : i32
          %parallel_loop3A_247 = arith.index_cast %parallel_loop3A_246 : i32 to index
          %parallel_loop3A_248 = arith.index_cast %parallel_loop3A_245 : i32 to index
          %parallel_loop3A_249 = tpu.vector_load %arg7[%parallel_loop3A_247, %parallel_loop3A_248] {strides = array<i32>} : memref<8x768xi32, #tpu.memory_space<vmem>>, vector<16xi32>,
          %parallel_loop3A_250 = arith.constant 7 : i32
          %parallel_loop3A_251 = vector.broadcast %parallel_loop3A_250 : i32 to vector<16xi32>
          %parallel_loop3A_252 = arith.andi %parallel_loop3A_249, %parallel_loop3A_251 : vector<16xi32>
          %parallel_loop3A_253 = arith.addi %parallel_loop3A_252, %parallel_loop3A_157 : vector<16xi32>
          tpu.vector_store_idx %arg9[%broadcast_in_dim3A_75, %parallel_loop3A_253], %parallel_loop3A_243 : memref<8x6144xf32, #tpu.memory_space<vmem>>[vector<16xi32>, vector<16xi32>], vector<16xf32>,
          %parallel_loop3A_254 = arith.constant 16 : i32
          %parallel_loop3A_255 = arith.muli %parallel_loop3A_153, %parallel_loop3A_254 : i32
          %parallel_loop3A_256 = arith.constant 6 : i32
          %parallel_loop3A_257 = arith.index_cast %parallel_loop3A_256 : i32 to index
          %parallel_loop3A_258 = arith.index_cast %parallel_loop3A_255 : i32 to index
          %parallel_loop3A_259 = tpu.vector_load %arg5[%parallel_loop3A_257, %parallel_loop3A_258] {strides = array<i32>} : memref<8x768xf32, #tpu.memory_space<vmem>>, vector<16xf32>,
          %parallel_loop3A_260 = arith.constant 16 : i32
          %parallel_loop3A_261 = arith.muli %parallel_loop3A_153, %parallel_loop3A_260 : i32
          %parallel_loop3A_262 = arith.constant 6 : i32
          %parallel_loop3A_263 = arith.index_cast %parallel_loop3A_262 : i32 to index
          %parallel_loop3A_264 = arith.index_cast %parallel_loop3A_261 : i32 to index
          %parallel_loop3A_265 = tpu.vector_load %arg7[%parallel_loop3A_263, %parallel_loop3A_264] {strides = array<i32>} : memref<8x768xi32, #tpu.memory_space<vmem>>, vector<16xi32>,
          %parallel_loop3A_266 = arith.constant 7 : i32
          %parallel_loop3A_267 = vector.broadcast %parallel_loop3A_266 : i32 to vector<16xi32>
          %parallel_loop3A_268 = arith.andi %parallel_loop3A_265, %parallel_loop3A_267 : vector<16xi32>
          %parallel_loop3A_269 = arith.addi %parallel_loop3A_268, %parallel_loop3A_157 : vector<16xi32>
          tpu.vector_store_idx %arg9[%broadcast_in_dim3A_77, %parallel_loop3A_269], %parallel_loop3A_259 : memref<8x6144xf32, #tpu.memory_space<vmem>>[vector<16xi32>, vector<16xi32>], vector<16xf32>,
          %parallel_loop3A_270 = arith.constant 16 : i32
          %parallel_loop3A_271 = arith.muli %parallel_loop3A_153, %parallel_loop3A_270 : i32
          %parallel_loop3A_272 = arith.constant 7 : i32
          %parallel_loop3A_273 = arith.index_cast %parallel_loop3A_272 : i32 to index
          %parallel_loop3A_274 = arith.index_cast %parallel_loop3A_271 : i32 to index
          %parallel_loop3A_275 = tpu.vector_load %arg5[%parallel_loop3A_273, %parallel_loop3A_274] {strides = array<i32>} : memref<8x768xf32, #tpu.memory_space<vmem>>, vector<16xf32>,
          %parallel_loop3A_276 = arith.constant 16 : i32
          %parallel_loop3A_277 = arith.muli %parallel_loop3A_153, %parallel_loop3A_276 : i32
          %parallel_loop3A_278 = arith.constant 7 : i32
          %parallel_loop3A_279 = arith.index_cast %parallel_loop3A_278 : i32 to index
          %parallel_loop3A_280 = arith.index_cast %parallel_loop3A_277 : i32 to index
          %parallel_loop3A_281 = tpu.vector_load %arg7[%parallel_loop3A_279, %parallel_loop3A_280] {strides = array<i32>} : memref<8x768xi32, #tpu.memory_space<vmem>>, vector<16xi32>,
          %parallel_loop3A_282 = arith.constant 7 : i32
          %parallel_loop3A_283 = vector.broadcast %parallel_loop3A_282 : i32 to vector<16xi32>
          %parallel_loop3A_284 = arith.andi %parallel_loop3A_281, %parallel_loop3A_283 : vector<16xi32>
          %parallel_loop3A_285 = arith.addi %parallel_loop3A_284, %parallel_loop3A_157 : vector<16xi32>
          tpu.vector_store_idx %arg9[%broadcast_in_dim3A_79, %parallel_loop3A_285], %parallel_loop3A_275 : memref<8x6144xf32, #tpu.memory_space<vmem>>[vector<16xi32>, vector<16xi32>], vector<16xf32>,
        } {sc.loop_unroll_factor = 1 : i64, sc.parallel_access}
        %mul3A_146 = arith.constant 4 : i32
        %mul3A_147 = arith.muli %add3A_108, %mul3A_146 : i32
        %add3A_148 = arith.addi %mul3A_147, %select_n3A_30 : i32
        %mul3A_149 = arith.constant 6144 : i32
        %mul3A_150 = arith.muli %add3A_148, %mul3A_149 : i32
        %multiple_of3A_151 = tpu.assume_multiple %mul3A_150, 128 : i32
        %dma_start3A = tpu.memref_slice %arg4[%multiple_of3A, %multiple_of3A_151] : memref<64x800000xf32, #tpu.memory_space<hbm>> -> memref<8x6144xf32, #tpu.memory_space<hbm>>
        %dma_start3A_152 = tpu.memref_slice %arg4[%multiple_of3A, %multiple_of3A_151] : memref<64x800000xf32, #tpu.memory_space<hbm>> -> memref<8x6144xf32, #tpu.memory_space<hbm>>
        tpu.enqueue_dma source(%arg9 : memref<8x6144xf32, #tpu.memory_space<vmem>>) target(%dma_start3A_152 : memref<8x6144xf32, #tpu.memory_space<hbm>>) target_semaphore(%arg15 : memref<!tpu.dma_semaphore, #tpu.memory_space<semaphore_mem>>)
      } else {
      }
      %add3A_113 = arith.constant 1 : i32
      %add3A_114 = arith.addi %mul3A_106, %add3A_113 : i32
      %lt3A_115 = arith.cmpi slt, %add3A_114, %select_n3A_62 : i32
      %convert_element_type3A_116 = arith.extui %lt3A_115 : i1 to i32
      %cond3A_117 = arith.constant 0 : i32
      %cond3A_118 = arith.cmpi ne, %convert_element_type3A_116, %cond3A_117 : i32
      scf.if %cond3A_118 {
        %dma_wait3A = arith.constant 0 : i32
        %dma_wait3A_119 = arith.constant 0 : i32
        %dma_wait3A_120 = tpu.memref_slice %arg2[%dma_wait3A, %dma_wait3A_119] : memref<64x100000xf32, #tpu.memory_space<hbm>> -> memref<8x768xf32, #tpu.memory_space<hbm>>
        %dma_wait3A_121 = arith.constant 0 : i32
        %dma_wait3A_122 = arith.constant 0 : i32
        %dma_wait3A_123 = tpu.memref_slice %arg2[%dma_wait3A_121, %dma_wait3A_122] : memref<64x100000xf32, #tpu.memory_space<hbm>> -> memref<8x768xf32, #tpu.memory_space<hbm>>
        tpu.wait_dma2 semaphore(%arg12 : memref<!tpu.dma_semaphore, #tpu.memory_space<semaphore_mem>>) src(%dma_wait3A_123 : memref<8x768xf32, #tpu.memory_space<hbm>>) dst(%arg6 : memref<8x768xf32, #tpu.memory_space<vmem>>)
        %dma_wait3A_124 = arith.constant 0 : i32
        %dma_wait3A_125 = arith.constant 0 : i32
        %dma_wait3A_126 = tpu.memref_slice %arg3[%dma_wait3A_124, %dma_wait3A_125] : memref<64x100000xi32, #tpu.memory_space<hbm>> -> memref<8x768xi32, #tpu.memory_space<hbm>>
        %dma_wait3A_127 = arith.constant 0 : i32
        %dma_wait3A_128 = arith.constant 0 : i32
        %dma_wait3A_129 = tpu.memref_slice %arg3[%dma_wait3A_127, %dma_wait3A_128] : memref<64x100000xi32, #tpu.memory_space<hbm>> -> memref<8x768xi32, #tpu.memory_space<hbm>>
        tpu.wait_dma2 semaphore(%arg14 : memref<!tpu.dma_semaphore, #tpu.memory_space<semaphore_mem>>) src(%dma_wait3A_129 : memref<8x768xi32, #tpu.memory_space<hbm>>) dst(%arg8 : memref<8x768xi32, #tpu.memory_space<vmem>>)
        %add3A_130 = arith.constant 1 : i32
        %add3A_131 = arith.addi %add3A_114, %add3A_130 : i32
        %lt3A_132 = arith.cmpi slt, %add3A_131, %select_n3A_62 : i32
        %convert_element_type3A_133 = arith.extui %lt3A_132 : i1 to i32
        %cond3A_134 = arith.constant 0 : i32
        %cond3A_135 = arith.cmpi ne, %convert_element_type3A_133, %cond3A_134 : i32
        scf.if %cond3A_135 {
          %add3A_153 = arith.constant 1 : i32
          %add3A_154 = arith.addi %add3A_114, %add3A_153 : i32
          %mul3A_155 = arith.constant 4 : i32
          %mul3A_156 = arith.muli %add3A_154, %mul3A_155 : i32
          %add3A_157 = arith.addi %mul3A_156, %select_n3A_30 : i32
          %mul3A_158 = arith.constant 768 : i32
          %mul3A_159 = arith.muli %add3A_157, %mul3A_158 : i32
          %multiple_of3A_160 = tpu.assume_multiple %mul3A_159, 128 : i32
          %dma_start3A_161 = tpu.memref_slice %arg2[%multiple_of3A, %multiple_of3A_160] : memref<64x100000xf32, #tpu.memory_space<hbm>> -> memref<8x768xf32, #tpu.memory_space<hbm>>
          %dma_start3A_162 = tpu.memref_slice %arg2[%multiple_of3A, %multiple_of3A_160] : memref<64x100000xf32, #tpu.memory_space<hbm>> -> memref<8x768xf32, #tpu.memory_space<hbm>>
          tpu.enqueue_dma source(%dma_start3A_162 : memref<8x768xf32, #tpu.memory_space<hbm>>) target(%arg5 : memref<8x768xf32, #tpu.memory_space<vmem>>) target_semaphore(%arg11 : memref<!tpu.dma_semaphore, #tpu.memory_space<semaphore_mem>>)
          %dma_start3A_163 = tpu.memref_slice %arg3[%multiple_of3A, %multiple_of3A_160] : memref<64x100000xi32, #tpu.memory_space<hbm>> -> memref<8x768xi32, #tpu.memory_space<hbm>>
          %dma_start3A_164 = tpu.memref_slice %arg3[%multiple_of3A, %multiple_of3A_160] : memref<64x100000xi32, #tpu.memory_space<hbm>> -> memref<8x768xi32, #tpu.memory_space<hbm>>
          tpu.enqueue_dma source(%dma_start3A_164 : memref<8x768xi32, #tpu.memory_space<hbm>>) target(%arg7 : memref<8x768xi32, #tpu.memory_space<vmem>>) target_semaphore(%arg13 : memref<!tpu.dma_semaphore, #tpu.memory_space<semaphore_mem>>)
        } else {
        }
        %ge3A_136 = arith.constant 2 : i32
        %ge3A_137 = arith.cmpi sge, %add3A_114, %ge3A_136 : i32
        %convert_element_type3A_138 = arith.extui %ge3A_137 : i1 to i32
        %cond3A_139 = arith.constant 0 : i32
        %cond3A_140 = arith.cmpi ne, %convert_element_type3A_138, %cond3A_139 : i32
        scf.if %cond3A_140 {
          %dma_wait3A_153 = arith.constant 0 : i32
          %dma_wait3A_154 = arith.constant 0 : i32
          %dma_wait3A_155 = tpu.memref_slice %arg4[%dma_wait3A_153, %dma_wait3A_154] : memref<64x800000xf32, #tpu.memory_space<hbm>> -> memref<8x6144xf32, #tpu.memory_space<hbm>>
          %dma_wait3A_156 = arith.constant 0 : i32
          %dma_wait3A_157 = arith.constant 0 : i32
          %dma_wait3A_158 = tpu.memref_slice %arg4[%dma_wait3A_156, %dma_wait3A_157] : memref<64x800000xf32, #tpu.memory_space<hbm>> -> memref<8x6144xf32, #tpu.memory_space<hbm>>
          tpu.wait_dma2 semaphore(%arg16 : memref<!tpu.dma_semaphore, #tpu.memory_space<semaphore_mem>>) src(%arg10 : memref<8x6144xf32, #tpu.memory_space<vmem>>) dst(%dma_wait3A_158 : memref<8x6144xf32, #tpu.memory_space<hbm>>)
        } else {
        }
        %parallel_loop3A = arith.constant 0 : i32
        %parallel_loop3A_141 = arith.constant 48 : i32
        %parallel_loop3A_142 = arith.constant 1 : i32
        scf.for %parallel_loop3A_153 = %parallel_loop3A to %parallel_loop3A_141 step %parallel_loop3A_142  : i32 {
          %parallel_loop3A_154 = arith.constant 8 : i32
          %parallel_loop3A_155 = arith.muli %parallel_loop3A_153, %parallel_loop3A_154 : i32
          %parallel_loop3A_156 = arith.constant 0 : i32
          %parallel_loop3A_157 = arith.addi %parallel_loop3A_155, %parallel_loop3A_156 : i32
          %parallel_loop3A_158 = arith.constant 16 : i32
          %parallel_loop3A_159 = arith.muli %parallel_loop3A_157, %parallel_loop3A_158 : i32
          %parallel_loop3A_160 = arith.constant 0 : i32
          %parallel_loop3A_161 = arith.index_cast %parallel_loop3A_160 : i32 to index
          %parallel_loop3A_162 = arith.index_cast %parallel_loop3A_159 : i32 to index
          %parallel_loop3A_163 = tpu.vector_load %arg10[%parallel_loop3A_161, %parallel_loop3A_162] {strides = array<i32>} : memref<8x6144xf32, #tpu.memory_space<vmem>>, vector<16xf32>,
          tpu.vector_store %arg10[%parallel_loop3A_161, %parallel_loop3A_162], %broadcast_in_dim3A_63 {strides = array<i32>} : memref<8x6144xf32, #tpu.memory_space<vmem>>, vector<16xf32>,
          %parallel_loop3A_164 = arith.constant 8 : i32
          %parallel_loop3A_165 = arith.muli %parallel_loop3A_153, %parallel_loop3A_164 : i32
          %parallel_loop3A_166 = arith.constant 1 : i32
          %parallel_loop3A_167 = arith.addi %parallel_loop3A_165, %parallel_loop3A_166 : i32
          %parallel_loop3A_168 = arith.constant 16 : i32
          %parallel_loop3A_169 = arith.muli %parallel_loop3A_167, %parallel_loop3A_168 : i32
          %parallel_loop3A_170 = arith.constant 0 : i32
          %parallel_loop3A_171 = arith.index_cast %parallel_loop3A_170 : i32 to index
          %parallel_loop3A_172 = arith.index_cast %parallel_loop3A_169 : i32 to index
          %parallel_loop3A_173 = tpu.vector_load %arg10[%parallel_loop3A_171, %parallel_loop3A_172] {strides = array<i32>} : memref<8x6144xf32, #tpu.memory_space<vmem>>, vector<16xf32>,
          tpu.vector_store %arg10[%parallel_loop3A_171, %parallel_loop3A_172], %broadcast_in_dim3A_63 {strides = array<i32>} : memref<8x6144xf32, #tpu.memory_space<vmem>>, vector<16xf32>,
          %parallel_loop3A_174 = arith.constant 8 : i32
          %parallel_loop3A_175 = arith.muli %parallel_loop3A_153, %parallel_loop3A_174 : i32
          %parallel_loop3A_176 = arith.constant 2 : i32
          %parallel_loop3A_177 = arith.addi %parallel_loop3A_175, %parallel_loop3A_176 : i32
          %parallel_loop3A_178 = arith.constant 16 : i32
          %parallel_loop3A_179 = arith.muli %parallel_loop3A_177, %parallel_loop3A_178 : i32
          %parallel_loop3A_180 = arith.constant 0 : i32
          %parallel_loop3A_181 = arith.index_cast %parallel_loop3A_180 : i32 to index
          %parallel_loop3A_182 = arith.index_cast %parallel_loop3A_179 : i32 to index
          %parallel_loop3A_183 = tpu.vector_load %arg10[%parallel_loop3A_181, %parallel_loop3A_182] {strides = array<i32>} : memref<8x6144xf32, #tpu.memory_space<vmem>>, vector<16xf32>,
          tpu.vector_store %arg10[%parallel_loop3A_181, %parallel_loop3A_182], %broadcast_in_dim3A_63 {strides = array<i32>} : memref<8x6144xf32, #tpu.memory_space<vmem>>, vector<16xf32>,
          %parallel_loop3A_184 = arith.constant 8 : i32
          %parallel_loop3A_185 = arith.muli %parallel_loop3A_153, %parallel_loop3A_184 : i32
          %parallel_loop3A_186 = arith.constant 3 : i32
          %parallel_loop3A_187 = arith.addi %parallel_loop3A_185, %parallel_loop3A_186 : i32
          %parallel_loop3A_188 = arith.constant 16 : i32
          %parallel_loop3A_189 = arith.muli %parallel_loop3A_187, %parallel_loop3A_188 : i32
          %parallel_loop3A_190 = arith.constant 0 : i32
          %parallel_loop3A_191 = arith.index_cast %parallel_loop3A_190 : i32 to index
          %parallel_loop3A_192 = arith.index_cast %parallel_loop3A_189 : i32 to index
          %parallel_loop3A_193 = tpu.vector_load %arg10[%parallel_loop3A_191, %parallel_loop3A_192] {strides = array<i32>} : memref<8x6144xf32, #tpu.memory_space<vmem>>, vector<16xf32>,
          tpu.vector_store %arg10[%parallel_loop3A_191, %parallel_loop3A_192], %broadcast_in_dim3A_63 {strides = array<i32>} : memref<8x6144xf32, #tpu.memory_space<vmem>>, vector<16xf32>,
          %parallel_loop3A_194 = arith.constant 8 : i32
          %parallel_loop3A_195 = arith.muli %parallel_loop3A_153, %parallel_loop3A_194 : i32
          %parallel_loop3A_196 = arith.constant 4 : i32
          %parallel_loop3A_197 = arith.addi %parallel_loop3A_195, %parallel_loop3A_196 : i32
          %parallel_loop3A_198 = arith.constant 16 : i32
          %parallel_loop3A_199 = arith.muli %parallel_loop3A_197, %parallel_loop3A_198 : i32
          %parallel_loop3A_200 = arith.constant 0 : i32
          %parallel_loop3A_201 = arith.index_cast %parallel_loop3A_200 : i32 to index
          %parallel_loop3A_202 = arith.index_cast %parallel_loop3A_199 : i32 to index
          %parallel_loop3A_203 = tpu.vector_load %arg10[%parallel_loop3A_201, %parallel_loop3A_202] {strides = array<i32>} : memref<8x6144xf32, #tpu.memory_space<vmem>>, vector<16xf32>,
          tpu.vector_store %arg10[%parallel_loop3A_201, %parallel_loop3A_202], %broadcast_in_dim3A_63 {strides = array<i32>} : memref<8x6144xf32, #tpu.memory_space<vmem>>, vector<16xf32>,
          %parallel_loop3A_204 = arith.constant 8 : i32
          %parallel_loop3A_205 = arith.muli %parallel_loop3A_153, %parallel_loop3A_204 : i32
          %parallel_loop3A_206 = arith.constant 5 : i32
          %parallel_loop3A_207 = arith.addi %parallel_loop3A_205, %parallel_loop3A_206 : i32
          %parallel_loop3A_208 = arith.constant 16 : i32
          %parallel_loop3A_209 = arith.muli %parallel_loop3A_207, %parallel_loop3A_208 : i32
          %parallel_loop3A_210 = arith.constant 0 : i32
          %parallel_loop3A_211 = arith.index_cast %parallel_loop3A_210 : i32 to index
          %parallel_loop3A_212 = arith.index_cast %parallel_loop3A_209 : i32 to index
          %parallel_loop3A_213 = tpu.vector_load %arg10[%parallel_loop3A_211, %parallel_loop3A_212] {strides = array<i32>} : memref<8x6144xf32, #tpu.memory_space<vmem>>, vector<16xf32>,
          tpu.vector_store %arg10[%parallel_loop3A_211, %parallel_loop3A_212], %broadcast_in_dim3A_63 {strides = array<i32>} : memref<8x6144xf32, #tpu.memory_space<vmem>>, vector<16xf32>,
          %parallel_loop3A_214 = arith.constant 8 : i32
          %parallel_loop3A_215 = arith.muli %parallel_loop3A_153, %parallel_loop3A_214 : i32
          %parallel_loop3A_216 = arith.constant 6 : i32
          %parallel_loop3A_217 = arith.addi %parallel_loop3A_215, %parallel_loop3A_216 : i32
          %parallel_loop3A_218 = arith.constant 16 : i32
          %parallel_loop3A_219 = arith.muli %parallel_loop3A_217, %parallel_loop3A_218 : i32
          %parallel_loop3A_220 = arith.constant 0 : i32
          %parallel_loop3A_221 = arith.index_cast %parallel_loop3A_220 : i32 to index
          %parallel_loop3A_222 = arith.index_cast %parallel_loop3A_219 : i32 to index
          %parallel_loop3A_223 = tpu.vector_load %arg10[%parallel_loop3A_221, %parallel_loop3A_222] {strides = array<i32>} : memref<8x6144xf32, #tpu.memory_space<vmem>>, vector<16xf32>,
          tpu.vector_store %arg10[%parallel_loop3A_221, %parallel_loop3A_222], %broadcast_in_dim3A_63 {strides = array<i32>} : memref<8x6144xf32, #tpu.memory_space<vmem>>, vector<16xf32>,
          %parallel_loop3A_224 = arith.constant 8 : i32
          %parallel_loop3A_225 = arith.muli %parallel_loop3A_153, %parallel_loop3A_224 : i32
          %parallel_loop3A_226 = arith.constant 7 : i32
          %parallel_loop3A_227 = arith.addi %parallel_loop3A_225, %parallel_loop3A_226 : i32
          %parallel_loop3A_228 = arith.constant 16 : i32
          %parallel_loop3A_229 = arith.muli %parallel_loop3A_227, %parallel_loop3A_228 : i32
          %parallel_loop3A_230 = arith.constant 0 : i32
          %parallel_loop3A_231 = arith.index_cast %parallel_loop3A_230 : i32 to index
          %parallel_loop3A_232 = arith.index_cast %parallel_loop3A_229 : i32 to index
          %parallel_loop3A_233 = tpu.vector_load %arg10[%parallel_loop3A_231, %parallel_loop3A_232] {strides = array<i32>} : memref<8x6144xf32, #tpu.memory_space<vmem>>, vector<16xf32>,
          tpu.vector_store %arg10[%parallel_loop3A_231, %parallel_loop3A_232], %broadcast_in_dim3A_63 {strides = array<i32>} : memref<8x6144xf32, #tpu.memory_space<vmem>>, vector<16xf32>,
          %parallel_loop3A_234 = arith.constant 8 : i32
          %parallel_loop3A_235 = arith.muli %parallel_loop3A_153, %parallel_loop3A_234 : i32
          %parallel_loop3A_236 = arith.constant 0 : i32
          %parallel_loop3A_237 = arith.addi %parallel_loop3A_235, %parallel_loop3A_236 : i32
          %parallel_loop3A_238 = arith.constant 16 : i32
          %parallel_loop3A_239 = arith.muli %parallel_loop3A_237, %parallel_loop3A_238 : i32
          %parallel_loop3A_240 = arith.constant 1 : i32
          %parallel_loop3A_241 = arith.index_cast %parallel_loop3A_240 : i32 to index
          %parallel_loop3A_242 = arith.index_cast %parallel_loop3A_239 : i32 to index
          %parallel_loop3A_243 = tpu.vector_load %arg10[%parallel_loop3A_241, %parallel_loop3A_242] {strides = array<i32>} : memref<8x6144xf32, #tpu.memory_space<vmem>>, vector<16xf32>,
          tpu.vector_store %arg10[%parallel_loop3A_241, %parallel_loop3A_242], %broadcast_in_dim3A_63 {strides = array<i32>} : memref<8x6144xf32, #tpu.memory_space<vmem>>, vector<16xf32>,
          %parallel_loop3A_244 = arith.constant 8 : i32
          %parallel_loop3A_245 = arith.muli %parallel_loop3A_153, %parallel_loop3A_244 : i32
          %parallel_loop3A_246 = arith.constant 1 : i32
          %parallel_loop3A_247 = arith.addi %parallel_loop3A_245, %parallel_loop3A_246 : i32
          %parallel_loop3A_248 = arith.constant 16 : i32
          %parallel_loop3A_249 = arith.muli %parallel_loop3A_247, %parallel_loop3A_248 : i32
          %parallel_loop3A_250 = arith.constant 1 : i32
          %parallel_loop3A_251 = arith.index_cast %parallel_loop3A_250 : i32 to index
          %parallel_loop3A_252 = arith.index_cast %parallel_loop3A_249 : i32 to index
          %parallel_loop3A_253 = tpu.vector_load %arg10[%parallel_loop3A_251, %parallel_loop3A_252] {strides = array<i32>} : memref<8x6144xf32, #tpu.memory_space<vmem>>, vector<16xf32>,
          tpu.vector_store %arg10[%parallel_loop3A_251, %parallel_loop3A_252], %broadcast_in_dim3A_63 {strides = array<i32>} : memref<8x6144xf32, #tpu.memory_space<vmem>>, vector<16xf32>,
          %parallel_loop3A_254 = arith.constant 8 : i32
          %parallel_loop3A_255 = arith.muli %parallel_loop3A_153, %parallel_loop3A_254 : i32
          %parallel_loop3A_256 = arith.constant 2 : i32
          %parallel_loop3A_257 = arith.addi %parallel_loop3A_255, %parallel_loop3A_256 : i32
          %parallel_loop3A_258 = arith.constant 16 : i32
          %parallel_loop3A_259 = arith.muli %parallel_loop3A_257, %parallel_loop3A_258 : i32
          %parallel_loop3A_260 = arith.constant 1 : i32
          %parallel_loop3A_261 = arith.index_cast %parallel_loop3A_260 : i32 to index
          %parallel_loop3A_262 = arith.index_cast %parallel_loop3A_259 : i32 to index
          %parallel_loop3A_263 = tpu.vector_load %arg10[%parallel_loop3A_261, %parallel_loop3A_262] {strides = array<i32>} : memref<8x6144xf32, #tpu.memory_space<vmem>>, vector<16xf32>,
          tpu.vector_store %arg10[%parallel_loop3A_261, %parallel_loop3A_262], %broadcast_in_dim3A_63 {strides = array<i32>} : memref<8x6144xf32, #tpu.memory_space<vmem>>, vector<16xf32>,
          %parallel_loop3A_264 = arith.constant 8 : i32
          %parallel_loop3A_265 = arith.muli %parallel_loop3A_153, %parallel_loop3A_264 : i32
          %parallel_loop3A_266 = arith.constant 3 : i32
          %parallel_loop3A_267 = arith.addi %parallel_loop3A_265, %parallel_loop3A_266 : i32
          %parallel_loop3A_268 = arith.constant 16 : i32
          %parallel_loop3A_269 = arith.muli %parallel_loop3A_267, %parallel_loop3A_268 : i32
          %parallel_loop3A_270 = arith.constant 1 : i32
          %parallel_loop3A_271 = arith.index_cast %parallel_loop3A_270 : i32 to index
          %parallel_loop3A_272 = arith.index_cast %parallel_loop3A_269 : i32 to index
          %parallel_loop3A_273 = tpu.vector_load %arg10[%parallel_loop3A_271, %parallel_loop3A_272] {strides = array<i32>} : memref<8x6144xf32, #tpu.memory_space<vmem>>, vector<16xf32>,
          tpu.vector_store %arg10[%parallel_loop3A_271, %parallel_loop3A_272], %broadcast_in_dim3A_63 {strides = array<i32>} : memref<8x6144xf32, #tpu.memory_space<vmem>>, vector<16xf32>,
          %parallel_loop3A_274 = arith.constant 8 : i32
          %parallel_loop3A_275 = arith.muli %parallel_loop3A_153, %parallel_loop3A_274 : i32
          %parallel_loop3A_276 = arith.constant 4 : i32
          %parallel_loop3A_277 = arith.addi %parallel_loop3A_275, %parallel_loop3A_276 : i32
          %parallel_loop3A_278 = arith.constant 16 : i32
          %parallel_loop3A_279 = arith.muli %parallel_loop3A_277, %parallel_loop3A_278 : i32
          %parallel_loop3A_280 = arith.constant 1 : i32
          %parallel_loop3A_281 = arith.index_cast %parallel_loop3A_280 : i32 to index
          %parallel_loop3A_282 = arith.index_cast %parallel_loop3A_279 : i32 to index
          %parallel_loop3A_283 = tpu.vector_load %arg10[%parallel_loop3A_281, %parallel_loop3A_282] {strides = array<i32>} : memref<8x6144xf32, #tpu.memory_space<vmem>>, vector<16xf32>,
          tpu.vector_store %arg10[%parallel_loop3A_281, %parallel_loop3A_282], %broadcast_in_dim3A_63 {strides = array<i32>} : memref<8x6144xf32, #tpu.memory_space<vmem>>, vector<16xf32>,
          %parallel_loop3A_284 = arith.constant 8 : i32
          %parallel_loop3A_285 = arith.muli %parallel_loop3A_153, %parallel_loop3A_284 : i32
          %parallel_loop3A_286 = arith.constant 5 : i32
          %parallel_loop3A_287 = arith.addi %parallel_loop3A_285, %parallel_loop3A_286 : i32
          %parallel_loop3A_288 = arith.constant 16 : i32
          %parallel_loop3A_289 = arith.muli %parallel_loop3A_287, %parallel_loop3A_288 : i32
          %parallel_loop3A_290 = arith.constant 1 : i32
          %parallel_loop3A_291 = arith.index_cast %parallel_loop3A_290 : i32 to index
          %parallel_loop3A_292 = arith.index_cast %parallel_loop3A_289 : i32 to index
          %parallel_loop3A_293 = tpu.vector_load %arg10[%parallel_loop3A_291, %parallel_loop3A_292] {strides = array<i32>} : memref<8x6144xf32, #tpu.memory_space<vmem>>, vector<16xf32>,
          tpu.vector_store %arg10[%parallel_loop3A_291, %parallel_loop3A_292], %broadcast_in_dim3A_63 {strides = array<i32>} : memref<8x6144xf32, #tpu.memory_space<vmem>>, vector<16xf32>,
          %parallel_loop3A_294 = arith.constant 8 : i32
          %parallel_loop3A_295 = arith.muli %parallel_loop3A_153, %parallel_loop3A_294 : i32
          %parallel_loop3A_296 = arith.constant 6 : i32
          %parallel_loop3A_297 = arith.addi %parallel_loop3A_295, %parallel_loop3A_296 : i32
          %parallel_loop3A_298 = arith.constant 16 : i32
          %parallel_loop3A_299 = arith.muli %parallel_loop3A_297, %parallel_loop3A_298 : i32
          %parallel_loop3A_300 = arith.constant 1 : i32
          %parallel_loop3A_301 = arith.index_cast %parallel_loop3A_300 : i32 to index
          %parallel_loop3A_302 = arith.index_cast %parallel_loop3A_299 : i32 to index
          %parallel_loop3A_303 = tpu.vector_load %arg10[%parallel_loop3A_301, %parallel_loop3A_302] {strides = array<i32>} : memref<8x6144xf32, #tpu.memory_space<vmem>>, vector<16xf32>,
          tpu.vector_store %arg10[%parallel_loop3A_301, %parallel_loop3A_302], %broadcast_in_dim3A_63 {strides = array<i32>} : memref<8x6144xf32, #tpu.memory_space<vmem>>, vector<16xf32>,
          %parallel_loop3A_304 = arith.constant 8 : i32
          %parallel_loop3A_305 = arith.muli %parallel_loop3A_153, %parallel_loop3A_304 : i32
          %parallel_loop3A_306 = arith.constant 7 : i32
          %parallel_loop3A_307 = arith.addi %parallel_loop3A_305, %parallel_loop3A_306 : i32
          %parallel_loop3A_308 = arith.constant 16 : i32
          %parallel_loop3A_309 = arith.muli %parallel_loop3A_307, %parallel_loop3A_308 : i32
          %parallel_loop3A_310 = arith.constant 1 : i32
          %parallel_loop3A_311 = arith.index_cast %parallel_loop3A_310 : i32 to index
          %parallel_loop3A_312 = arith.index_cast %parallel_loop3A_309 : i32 to index
          %parallel_loop3A_313 = tpu.vector_load %arg10[%parallel_loop3A_311, %parallel_loop3A_312] {strides = array<i32>} : memref<8x6144xf32, #tpu.memory_space<vmem>>, vector<16xf32>,
          tpu.vector_store %arg10[%parallel_loop3A_311, %parallel_loop3A_312], %broadcast_in_dim3A_63 {strides = array<i32>} : memref<8x6144xf32, #tpu.memory_space<vmem>>, vector<16xf32>,
          %parallel_loop3A_314 = arith.constant 8 : i32
          %parallel_loop3A_315 = arith.muli %parallel_loop3A_153, %parallel_loop3A_314 : i32
          %parallel_loop3A_316 = arith.constant 0 : i32
          %parallel_loop3A_317 = arith.addi %parallel_loop3A_315, %parallel_loop3A_316 : i32
          %parallel_loop3A_318 = arith.constant 16 : i32
          %parallel_loop3A_319 = arith.muli %parallel_loop3A_317, %parallel_loop3A_318 : i32
          %parallel_loop3A_320 = arith.constant 2 : i32
          %parallel_loop3A_321 = arith.index_cast %parallel_loop3A_320 : i32 to index
          %parallel_loop3A_322 = arith.index_cast %parallel_loop3A_319 : i32 to index
          %parallel_loop3A_323 = tpu.vector_load %arg10[%parallel_loop3A_321, %parallel_loop3A_322] {strides = array<i32>} : memref<8x6144xf32, #tpu.memory_space<vmem>>, vector<16xf32>,
          tpu.vector_store %arg10[%parallel_loop3A_321, %parallel_loop3A_322], %broadcast_in_dim3A_63 {strides = array<i32>} : memref<8x6144xf32, #tpu.memory_space<vmem>>, vector<16xf32>,
          %parallel_loop3A_324 = arith.constant 8 : i32
          %parallel_loop3A_325 = arith.muli %parallel_loop3A_153, %parallel_loop3A_324 : i32
          %parallel_loop3A_326 = arith.constant 1 : i32
          %parallel_loop3A_327 = arith.addi %parallel_loop3A_325, %parallel_loop3A_326 : i32
          %parallel_loop3A_328 = arith.constant 16 : i32
          %parallel_loop3A_329 = arith.muli %parallel_loop3A_327, %parallel_loop3A_328 : i32
          %parallel_loop3A_330 = arith.constant 2 : i32
          %parallel_loop3A_331 = arith.index_cast %parallel_loop3A_330 : i32 to index
          %parallel_loop3A_332 = arith.index_cast %parallel_loop3A_329 : i32 to index
          %parallel_loop3A_333 = tpu.vector_load %arg10[%parallel_loop3A_331, %parallel_loop3A_332] {strides = array<i32>} : memref<8x6144xf32, #tpu.memory_space<vmem>>, vector<16xf32>,
          tpu.vector_store %arg10[%parallel_loop3A_331, %parallel_loop3A_332], %broadcast_in_dim3A_63 {strides = array<i32>} : memref<8x6144xf32, #tpu.memory_space<vmem>>, vector<16xf32>,
          %parallel_loop3A_334 = arith.constant 8 : i32
          %parallel_loop3A_335 = arith.muli %parallel_loop3A_153, %parallel_loop3A_334 : i32
          %parallel_loop3A_336 = arith.constant 2 : i32
          %parallel_loop3A_337 = arith.addi %parallel_loop3A_335, %parallel_loop3A_336 : i32
          %parallel_loop3A_338 = arith.constant 16 : i32
          %parallel_loop3A_339 = arith.muli %parallel_loop3A_337, %parallel_loop3A_338 : i32
          %parallel_loop3A_340 = arith.constant 2 : i32
          %parallel_loop3A_341 = arith.index_cast %parallel_loop3A_340 : i32 to index
          %parallel_loop3A_342 = arith.index_cast %parallel_loop3A_339 : i32 to index
          %parallel_loop3A_343 = tpu.vector_load %arg10[%parallel_loop3A_341, %parallel_loop3A_342] {strides = array<i32>} : memref<8x6144xf32, #tpu.memory_space<vmem>>, vector<16xf32>,
          tpu.vector_store %arg10[%parallel_loop3A_341, %parallel_loop3A_342], %broadcast_in_dim3A_63 {strides = array<i32>} : memref<8x6144xf32, #tpu.memory_space<vmem>>, vector<16xf32>,
          %parallel_loop3A_344 = arith.constant 8 : i32
          %parallel_loop3A_345 = arith.muli %parallel_loop3A_153, %parallel_loop3A_344 : i32
          %parallel_loop3A_346 = arith.constant 3 : i32
          %parallel_loop3A_347 = arith.addi %parallel_loop3A_345, %parallel_loop3A_346 : i32
          %parallel_loop3A_348 = arith.constant 16 : i32
          %parallel_loop3A_349 = arith.muli %parallel_loop3A_347, %parallel_loop3A_348 : i32
          %parallel_loop3A_350 = arith.constant 2 : i32
          %parallel_loop3A_351 = arith.index_cast %parallel_loop3A_350 : i32 to index
          %parallel_loop3A_352 = arith.index_cast %parallel_loop3A_349 : i32 to index
          %parallel_loop3A_353 = tpu.vector_load %arg10[%parallel_loop3A_351, %parallel_loop3A_352] {strides = array<i32>} : memref<8x6144xf32, #tpu.memory_space<vmem>>, vector<16xf32>,
          tpu.vector_store %arg10[%parallel_loop3A_351, %parallel_loop3A_352], %broadcast_in_dim3A_63 {strides = array<i32>} : memref<8x6144xf32, #tpu.memory_space<vmem>>, vector<16xf32>,
          %parallel_loop3A_354 = arith.constant 8 : i32
          %parallel_loop3A_355 = arith.muli %parallel_loop3A_153, %parallel_loop3A_354 : i32
          %parallel_loop3A_356 = arith.constant 4 : i32
          %parallel_loop3A_357 = arith.addi %parallel_loop3A_355, %parallel_loop3A_356 : i32
          %parallel_loop3A_358 = arith.constant 16 : i32
          %parallel_loop3A_359 = arith.muli %parallel_loop3A_357, %parallel_loop3A_358 : i32
          %parallel_loop3A_360 = arith.constant 2 : i32
          %parallel_loop3A_361 = arith.index_cast %parallel_loop3A_360 : i32 to index
          %parallel_loop3A_362 = arith.index_cast %parallel_loop3A_359 : i32 to index
          %parallel_loop3A_363 = tpu.vector_load %arg10[%parallel_loop3A_361, %parallel_loop3A_362] {strides = array<i32>} : memref<8x6144xf32, #tpu.memory_space<vmem>>, vector<16xf32>,
          tpu.vector_store %arg10[%parallel_loop3A_361, %parallel_loop3A_362], %broadcast_in_dim3A_63 {strides = array<i32>} : memref<8x6144xf32, #tpu.memory_space<vmem>>, vector<16xf32>,
          %parallel_loop3A_364 = arith.constant 8 : i32
          %parallel_loop3A_365 = arith.muli %parallel_loop3A_153, %parallel_loop3A_364 : i32
          %parallel_loop3A_366 = arith.constant 5 : i32
          %parallel_loop3A_367 = arith.addi %parallel_loop3A_365, %parallel_loop3A_366 : i32
          %parallel_loop3A_368 = arith.constant 16 : i32
          %parallel_loop3A_369 = arith.muli %parallel_loop3A_367, %parallel_loop3A_368 : i32
          %parallel_loop3A_370 = arith.constant 2 : i32
          %parallel_loop3A_371 = arith.index_cast %parallel_loop3A_370 : i32 to index
          %parallel_loop3A_372 = arith.index_cast %parallel_loop3A_369 : i32 to index
          %parallel_loop3A_373 = tpu.vector_load %arg10[%parallel_loop3A_371, %parallel_loop3A_372] {strides = array<i32>} : memref<8x6144xf32, #tpu.memory_space<vmem>>, vector<16xf32>,
          tpu.vector_store %arg10[%parallel_loop3A_371, %parallel_loop3A_372], %broadcast_in_dim3A_63 {strides = array<i32>} : memref<8x6144xf32, #tpu.memory_space<vmem>>, vector<16xf32>,
          %parallel_loop3A_374 = arith.constant 8 : i32
          %parallel_loop3A_375 = arith.muli %parallel_loop3A_153, %parallel_loop3A_374 : i32
          %parallel_loop3A_376 = arith.constant 6 : i32
          %parallel_loop3A_377 = arith.addi %parallel_loop3A_375, %parallel_loop3A_376 : i32
          %parallel_loop3A_378 = arith.constant 16 : i32
          %parallel_loop3A_379 = arith.muli %parallel_loop3A_377, %parallel_loop3A_378 : i32
          %parallel_loop3A_380 = arith.constant 2 : i32
          %parallel_loop3A_381 = arith.index_cast %parallel_loop3A_380 : i32 to index
          %parallel_loop3A_382 = arith.index_cast %parallel_loop3A_379 : i32 to index
          %parallel_loop3A_383 = tpu.vector_load %arg10[%parallel_loop3A_381, %parallel_loop3A_382] {strides = array<i32>} : memref<8x6144xf32, #tpu.memory_space<vmem>>, vector<16xf32>,
          tpu.vector_store %arg10[%parallel_loop3A_381, %parallel_loop3A_382], %broadcast_in_dim3A_63 {strides = array<i32>} : memref<8x6144xf32, #tpu.memory_space<vmem>>, vector<16xf32>,
          %parallel_loop3A_384 = arith.constant 8 : i32
          %parallel_loop3A_385 = arith.muli %parallel_loop3A_153, %parallel_loop3A_384 : i32
          %parallel_loop3A_386 = arith.constant 7 : i32
          %parallel_loop3A_387 = arith.addi %parallel_loop3A_385, %parallel_loop3A_386 : i32
          %parallel_loop3A_388 = arith.constant 16 : i32
          %parallel_loop3A_389 = arith.muli %parallel_loop3A_387, %parallel_loop3A_388 : i32
          %parallel_loop3A_390 = arith.constant 2 : i32
          %parallel_loop3A_391 = arith.index_cast %parallel_loop3A_390 : i32 to index
          %parallel_loop3A_392 = arith.index_cast %parallel_loop3A_389 : i32 to index
          %parallel_loop3A_393 = tpu.vector_load %arg10[%parallel_loop3A_391, %parallel_loop3A_392] {strides = array<i32>} : memref<8x6144xf32, #tpu.memory_space<vmem>>, vector<16xf32>,
          tpu.vector_store %arg10[%parallel_loop3A_391, %parallel_loop3A_392], %broadcast_in_dim3A_63 {strides = array<i32>} : memref<8x6144xf32, #tpu.memory_space<vmem>>, vector<16xf32>,
          %parallel_loop3A_394 = arith.constant 8 : i32
          %parallel_loop3A_395 = arith.muli %parallel_loop3A_153, %parallel_loop3A_394 : i32
          %parallel_loop3A_396 = arith.constant 0 : i32
          %parallel_loop3A_397 = arith.addi %parallel_loop3A_395, %parallel_loop3A_396 : i32
          %parallel_loop3A_398 = arith.constant 16 : i32
          %parallel_loop3A_399 = arith.muli %parallel_loop3A_397, %parallel_loop3A_398 : i32
          %parallel_loop3A_400 = arith.constant 3 : i32
          %parallel_loop3A_401 = arith.index_cast %parallel_loop3A_400 : i32 to index
          %parallel_loop3A_402 = arith.index_cast %parallel_loop3A_399 : i32 to index
          %parallel_loop3A_403 = tpu.vector_load %arg10[%parallel_loop3A_401, %parallel_loop3A_402] {strides = array<i32>} : memref<8x6144xf32, #tpu.memory_space<vmem>>, vector<16xf32>,
          tpu.vector_store %arg10[%parallel_loop3A_401, %parallel_loop3A_402], %broadcast_in_dim3A_63 {strides = array<i32>} : memref<8x6144xf32, #tpu.memory_space<vmem>>, vector<16xf32>,
          %parallel_loop3A_404 = arith.constant 8 : i32
          %parallel_loop3A_405 = arith.muli %parallel_loop3A_153, %parallel_loop3A_404 : i32
          %parallel_loop3A_406 = arith.constant 1 : i32
          %parallel_loop3A_407 = arith.addi %parallel_loop3A_405, %parallel_loop3A_406 : i32
          %parallel_loop3A_408 = arith.constant 16 : i32
          %parallel_loop3A_409 = arith.muli %parallel_loop3A_407, %parallel_loop3A_408 : i32
          %parallel_loop3A_410 = arith.constant 3 : i32
          %parallel_loop3A_411 = arith.index_cast %parallel_loop3A_410 : i32 to index
          %parallel_loop3A_412 = arith.index_cast %parallel_loop3A_409 : i32 to index
          %parallel_loop3A_413 = tpu.vector_load %arg10[%parallel_loop3A_411, %parallel_loop3A_412] {strides = array<i32>} : memref<8x6144xf32, #tpu.memory_space<vmem>>, vector<16xf32>,
          tpu.vector_store %arg10[%parallel_loop3A_411, %parallel_loop3A_412], %broadcast_in_dim3A_63 {strides = array<i32>} : memref<8x6144xf32, #tpu.memory_space<vmem>>, vector<16xf32>,
          %parallel_loop3A_414 = arith.constant 8 : i32
          %parallel_loop3A_415 = arith.muli %parallel_loop3A_153, %parallel_loop3A_414 : i32
          %parallel_loop3A_416 = arith.constant 2 : i32
          %parallel_loop3A_417 = arith.addi %parallel_loop3A_415, %parallel_loop3A_416 : i32
          %parallel_loop3A_418 = arith.constant 16 : i32
          %parallel_loop3A_419 = arith.muli %parallel_loop3A_417, %parallel_loop3A_418 : i32
          %parallel_loop3A_420 = arith.constant 3 : i32
          %parallel_loop3A_421 = arith.index_cast %parallel_loop3A_420 : i32 to index
          %parallel_loop3A_422 = arith.index_cast %parallel_loop3A_419 : i32 to index
          %parallel_loop3A_423 = tpu.vector_load %arg10[%parallel_loop3A_421, %parallel_loop3A_422] {strides = array<i32>} : memref<8x6144xf32, #tpu.memory_space<vmem>>, vector<16xf32>,
          tpu.vector_store %arg10[%parallel_loop3A_421, %parallel_loop3A_422], %broadcast_in_dim3A_63 {strides = array<i32>} : memref<8x6144xf32, #tpu.memory_space<vmem>>, vector<16xf32>,
          %parallel_loop3A_424 = arith.constant 8 : i32
          %parallel_loop3A_425 = arith.muli %parallel_loop3A_153, %parallel_loop3A_424 : i32
          %parallel_loop3A_426 = arith.constant 3 : i32
          %parallel_loop3A_427 = arith.addi %parallel_loop3A_425, %parallel_loop3A_426 : i32
          %parallel_loop3A_428 = arith.constant 16 : i32
          %parallel_loop3A_429 = arith.muli %parallel_loop3A_427, %parallel_loop3A_428 : i32
          %parallel_loop3A_430 = arith.constant 3 : i32
          %parallel_loop3A_431 = arith.index_cast %parallel_loop3A_430 : i32 to index
          %parallel_loop3A_432 = arith.index_cast %parallel_loop3A_429 : i32 to index
          %parallel_loop3A_433 = tpu.vector_load %arg10[%parallel_loop3A_431, %parallel_loop3A_432] {strides = array<i32>} : memref<8x6144xf32, #tpu.memory_space<vmem>>, vector<16xf32>,
          tpu.vector_store %arg10[%parallel_loop3A_431, %parallel_loop3A_432], %broadcast_in_dim3A_63 {strides = array<i32>} : memref<8x6144xf32, #tpu.memory_space<vmem>>, vector<16xf32>,
          %parallel_loop3A_434 = arith.constant 8 : i32
          %parallel_loop3A_435 = arith.muli %parallel_loop3A_153, %parallel_loop3A_434 : i32
          %parallel_loop3A_436 = arith.constant 4 : i32
          %parallel_loop3A_437 = arith.addi %parallel_loop3A_435, %parallel_loop3A_436 : i32
          %parallel_loop3A_438 = arith.constant 16 : i32
          %parallel_loop3A_439 = arith.muli %parallel_loop3A_437, %parallel_loop3A_438 : i32
          %parallel_loop3A_440 = arith.constant 3 : i32
          %parallel_loop3A_441 = arith.index_cast %parallel_loop3A_440 : i32 to index
          %parallel_loop3A_442 = arith.index_cast %parallel_loop3A_439 : i32 to index
          %parallel_loop3A_443 = tpu.vector_load %arg10[%parallel_loop3A_441, %parallel_loop3A_442] {strides = array<i32>} : memref<8x6144xf32, #tpu.memory_space<vmem>>, vector<16xf32>,
          tpu.vector_store %arg10[%parallel_loop3A_441, %parallel_loop3A_442], %broadcast_in_dim3A_63 {strides = array<i32>} : memref<8x6144xf32, #tpu.memory_space<vmem>>, vector<16xf32>,
          %parallel_loop3A_444 = arith.constant 8 : i32
          %parallel_loop3A_445 = arith.muli %parallel_loop3A_153, %parallel_loop3A_444 : i32
          %parallel_loop3A_446 = arith.constant 5 : i32
          %parallel_loop3A_447 = arith.addi %parallel_loop3A_445, %parallel_loop3A_446 : i32
          %parallel_loop3A_448 = arith.constant 16 : i32
          %parallel_loop3A_449 = arith.muli %parallel_loop3A_447, %parallel_loop3A_448 : i32
          %parallel_loop3A_450 = arith.constant 3 : i32
          %parallel_loop3A_451 = arith.index_cast %parallel_loop3A_450 : i32 to index
          %parallel_loop3A_452 = arith.index_cast %parallel_loop3A_449 : i32 to index
          %parallel_loop3A_453 = tpu.vector_load %arg10[%parallel_loop3A_451, %parallel_loop3A_452] {strides = array<i32>} : memref<8x6144xf32, #tpu.memory_space<vmem>>, vector<16xf32>,
          tpu.vector_store %arg10[%parallel_loop3A_451, %parallel_loop3A_452], %broadcast_in_dim3A_63 {strides = array<i32>} : memref<8x6144xf32, #tpu.memory_space<vmem>>, vector<16xf32>,
          %parallel_loop3A_454 = arith.constant 8 : i32
          %parallel_loop3A_455 = arith.muli %parallel_loop3A_153, %parallel_loop3A_454 : i32
          %parallel_loop3A_456 = arith.constant 6 : i32
          %parallel_loop3A_457 = arith.addi %parallel_loop3A_455, %parallel_loop3A_456 : i32
          %parallel_loop3A_458 = arith.constant 16 : i32
          %parallel_loop3A_459 = arith.muli %parallel_loop3A_457, %parallel_loop3A_458 : i32
          %parallel_loop3A_460 = arith.constant 3 : i32
          %parallel_loop3A_461 = arith.index_cast %parallel_loop3A_460 : i32 to index
          %parallel_loop3A_462 = arith.index_cast %parallel_loop3A_459 : i32 to index
          %parallel_loop3A_463 = tpu.vector_load %arg10[%parallel_loop3A_461, %parallel_loop3A_462] {strides = array<i32>} : memref<8x6144xf32, #tpu.memory_space<vmem>>, vector<16xf32>,
          tpu.vector_store %arg10[%parallel_loop3A_461, %parallel_loop3A_462], %broadcast_in_dim3A_63 {strides = array<i32>} : memref<8x6144xf32, #tpu.memory_space<vmem>>, vector<16xf32>,
          %parallel_loop3A_464 = arith.constant 8 : i32
          %parallel_loop3A_465 = arith.muli %parallel_loop3A_153, %parallel_loop3A_464 : i32
          %parallel_loop3A_466 = arith.constant 7 : i32
          %parallel_loop3A_467 = arith.addi %parallel_loop3A_465, %parallel_loop3A_466 : i32
          %parallel_loop3A_468 = arith.constant 16 : i32
          %parallel_loop3A_469 = arith.muli %parallel_loop3A_467, %parallel_loop3A_468 : i32
          %parallel_loop3A_470 = arith.constant 3 : i32
          %parallel_loop3A_471 = arith.index_cast %parallel_loop3A_470 : i32 to index
          %parallel_loop3A_472 = arith.index_cast %parallel_loop3A_469 : i32 to index
          %parallel_loop3A_473 = tpu.vector_load %arg10[%parallel_loop3A_471, %parallel_loop3A_472] {strides = array<i32>} : memref<8x6144xf32, #tpu.memory_space<vmem>>, vector<16xf32>,
          tpu.vector_store %arg10[%parallel_loop3A_471, %parallel_loop3A_472], %broadcast_in_dim3A_63 {strides = array<i32>} : memref<8x6144xf32, #tpu.memory_space<vmem>>, vector<16xf32>,
          %parallel_loop3A_474 = arith.constant 8 : i32
          %parallel_loop3A_475 = arith.muli %parallel_loop3A_153, %parallel_loop3A_474 : i32
          %parallel_loop3A_476 = arith.constant 0 : i32
          %parallel_loop3A_477 = arith.addi %parallel_loop3A_475, %parallel_loop3A_476 : i32
          %parallel_loop3A_478 = arith.constant 16 : i32
          %parallel_loop3A_479 = arith.muli %parallel_loop3A_477, %parallel_loop3A_478 : i32
          %parallel_loop3A_480 = arith.constant 4 : i32
          %parallel_loop3A_481 = arith.index_cast %parallel_loop3A_480 : i32 to index
          %parallel_loop3A_482 = arith.index_cast %parallel_loop3A_479 : i32 to index
          %parallel_loop3A_483 = tpu.vector_load %arg10[%parallel_loop3A_481, %parallel_loop3A_482] {strides = array<i32>} : memref<8x6144xf32, #tpu.memory_space<vmem>>, vector<16xf32>,
          tpu.vector_store %arg10[%parallel_loop3A_481, %parallel_loop3A_482], %broadcast_in_dim3A_63 {strides = array<i32>} : memref<8x6144xf32, #tpu.memory_space<vmem>>, vector<16xf32>,
          %parallel_loop3A_484 = arith.constant 8 : i32
          %parallel_loop3A_485 = arith.muli %parallel_loop3A_153, %parallel_loop3A_484 : i32
          %parallel_loop3A_486 = arith.constant 1 : i32
          %parallel_loop3A_487 = arith.addi %parallel_loop3A_485, %parallel_loop3A_486 : i32
          %parallel_loop3A_488 = arith.constant 16 : i32
          %parallel_loop3A_489 = arith.muli %parallel_loop3A_487, %parallel_loop3A_488 : i32
          %parallel_loop3A_490 = arith.constant 4 : i32
          %parallel_loop3A_491 = arith.index_cast %parallel_loop3A_490 : i32 to index
          %parallel_loop3A_492 = arith.index_cast %parallel_loop3A_489 : i32 to index
          %parallel_loop3A_493 = tpu.vector_load %arg10[%parallel_loop3A_491, %parallel_loop3A_492] {strides = array<i32>} : memref<8x6144xf32, #tpu.memory_space<vmem>>, vector<16xf32>,
          tpu.vector_store %arg10[%parallel_loop3A_491, %parallel_loop3A_492], %broadcast_in_dim3A_63 {strides = array<i32>} : memref<8x6144xf32, #tpu.memory_space<vmem>>, vector<16xf32>,
          %parallel_loop3A_494 = arith.constant 8 : i32
          %parallel_loop3A_495 = arith.muli %parallel_loop3A_153, %parallel_loop3A_494 : i32
          %parallel_loop3A_496 = arith.constant 2 : i32
          %parallel_loop3A_497 = arith.addi %parallel_loop3A_495, %parallel_loop3A_496 : i32
          %parallel_loop3A_498 = arith.constant 16 : i32
          %parallel_loop3A_499 = arith.muli %parallel_loop3A_497, %parallel_loop3A_498 : i32
          %parallel_loop3A_500 = arith.constant 4 : i32
          %parallel_loop3A_501 = arith.index_cast %parallel_loop3A_500 : i32 to index
          %parallel_loop3A_502 = arith.index_cast %parallel_loop3A_499 : i32 to index
          %parallel_loop3A_503 = tpu.vector_load %arg10[%parallel_loop3A_501, %parallel_loop3A_502] {strides = array<i32>} : memref<8x6144xf32, #tpu.memory_space<vmem>>, vector<16xf32>,
          tpu.vector_store %arg10[%parallel_loop3A_501, %parallel_loop3A_502], %broadcast_in_dim3A_63 {strides = array<i32>} : memref<8x6144xf32, #tpu.memory_space<vmem>>, vector<16xf32>,
          %parallel_loop3A_504 = arith.constant 8 : i32
          %parallel_loop3A_505 = arith.muli %parallel_loop3A_153, %parallel_loop3A_504 : i32
          %parallel_loop3A_506 = arith.constant 3 : i32
          %parallel_loop3A_507 = arith.addi %parallel_loop3A_505, %parallel_loop3A_506 : i32
          %parallel_loop3A_508 = arith.constant 16 : i32
          %parallel_loop3A_509 = arith.muli %parallel_loop3A_507, %parallel_loop3A_508 : i32
          %parallel_loop3A_510 = arith.constant 4 : i32
          %parallel_loop3A_511 = arith.index_cast %parallel_loop3A_510 : i32 to index
          %parallel_loop3A_512 = arith.index_cast %parallel_loop3A_509 : i32 to index
          %parallel_loop3A_513 = tpu.vector_load %arg10[%parallel_loop3A_511, %parallel_loop3A_512] {strides = array<i32>} : memref<8x6144xf32, #tpu.memory_space<vmem>>, vector<16xf32>,
          tpu.vector_store %arg10[%parallel_loop3A_511, %parallel_loop3A_512], %broadcast_in_dim3A_63 {strides = array<i32>} : memref<8x6144xf32, #tpu.memory_space<vmem>>, vector<16xf32>,
          %parallel_loop3A_514 = arith.constant 8 : i32
          %parallel_loop3A_515 = arith.muli %parallel_loop3A_153, %parallel_loop3A_514 : i32
          %parallel_loop3A_516 = arith.constant 4 : i32
          %parallel_loop3A_517 = arith.addi %parallel_loop3A_515, %parallel_loop3A_516 : i32
          %parallel_loop3A_518 = arith.constant 16 : i32
          %parallel_loop3A_519 = arith.muli %parallel_loop3A_517, %parallel_loop3A_518 : i32
          %parallel_loop3A_520 = arith.constant 4 : i32
          %parallel_loop3A_521 = arith.index_cast %parallel_loop3A_520 : i32 to index
          %parallel_loop3A_522 = arith.index_cast %parallel_loop3A_519 : i32 to index
          %parallel_loop3A_523 = tpu.vector_load %arg10[%parallel_loop3A_521, %parallel_loop3A_522] {strides = array<i32>} : memref<8x6144xf32, #tpu.memory_space<vmem>>, vector<16xf32>,
          tpu.vector_store %arg10[%parallel_loop3A_521, %parallel_loop3A_522], %broadcast_in_dim3A_63 {strides = array<i32>} : memref<8x6144xf32, #tpu.memory_space<vmem>>, vector<16xf32>,
          %parallel_loop3A_524 = arith.constant 8 : i32
          %parallel_loop3A_525 = arith.muli %parallel_loop3A_153, %parallel_loop3A_524 : i32
          %parallel_loop3A_526 = arith.constant 5 : i32
          %parallel_loop3A_527 = arith.addi %parallel_loop3A_525, %parallel_loop3A_526 : i32
          %parallel_loop3A_528 = arith.constant 16 : i32
          %parallel_loop3A_529 = arith.muli %parallel_loop3A_527, %parallel_loop3A_528 : i32
          %parallel_loop3A_530 = arith.constant 4 : i32
          %parallel_loop3A_531 = arith.index_cast %parallel_loop3A_530 : i32 to index
          %parallel_loop3A_532 = arith.index_cast %parallel_loop3A_529 : i32 to index
          %parallel_loop3A_533 = tpu.vector_load %arg10[%parallel_loop3A_531, %parallel_loop3A_532] {strides = array<i32>} : memref<8x6144xf32, #tpu.memory_space<vmem>>, vector<16xf32>,
          tpu.vector_store %arg10[%parallel_loop3A_531, %parallel_loop3A_532], %broadcast_in_dim3A_63 {strides = array<i32>} : memref<8x6144xf32, #tpu.memory_space<vmem>>, vector<16xf32>,
          %parallel_loop3A_534 = arith.constant 8 : i32
          %parallel_loop3A_535 = arith.muli %parallel_loop3A_153, %parallel_loop3A_534 : i32
          %parallel_loop3A_536 = arith.constant 6 : i32
          %parallel_loop3A_537 = arith.addi %parallel_loop3A_535, %parallel_loop3A_536 : i32
          %parallel_loop3A_538 = arith.constant 16 : i32
          %parallel_loop3A_539 = arith.muli %parallel_loop3A_537, %parallel_loop3A_538 : i32
          %parallel_loop3A_540 = arith.constant 4 : i32
          %parallel_loop3A_541 = arith.index_cast %parallel_loop3A_540 : i32 to index
          %parallel_loop3A_542 = arith.index_cast %parallel_loop3A_539 : i32 to index
          %parallel_loop3A_543 = tpu.vector_load %arg10[%parallel_loop3A_541, %parallel_loop3A_542] {strides = array<i32>} : memref<8x6144xf32, #tpu.memory_space<vmem>>, vector<16xf32>,
          tpu.vector_store %arg10[%parallel_loop3A_541, %parallel_loop3A_542], %broadcast_in_dim3A_63 {strides = array<i32>} : memref<8x6144xf32, #tpu.memory_space<vmem>>, vector<16xf32>,
          %parallel_loop3A_544 = arith.constant 8 : i32
          %parallel_loop3A_545 = arith.muli %parallel_loop3A_153, %parallel_loop3A_544 : i32
          %parallel_loop3A_546 = arith.constant 7 : i32
          %parallel_loop3A_547 = arith.addi %parallel_loop3A_545, %parallel_loop3A_546 : i32
          %parallel_loop3A_548 = arith.constant 16 : i32
          %parallel_loop3A_549 = arith.muli %parallel_loop3A_547, %parallel_loop3A_548 : i32
          %parallel_loop3A_550 = arith.constant 4 : i32
          %parallel_loop3A_551 = arith.index_cast %parallel_loop3A_550 : i32 to index
          %parallel_loop3A_552 = arith.index_cast %parallel_loop3A_549 : i32 to index
          %parallel_loop3A_553 = tpu.vector_load %arg10[%parallel_loop3A_551, %parallel_loop3A_552] {strides = array<i32>} : memref<8x6144xf32, #tpu.memory_space<vmem>>, vector<16xf32>,
          tpu.vector_store %arg10[%parallel_loop3A_551, %parallel_loop3A_552], %broadcast_in_dim3A_63 {strides = array<i32>} : memref<8x6144xf32, #tpu.memory_space<vmem>>, vector<16xf32>,
          %parallel_loop3A_554 = arith.constant 8 : i32
          %parallel_loop3A_555 = arith.muli %parallel_loop3A_153, %parallel_loop3A_554 : i32
          %parallel_loop3A_556 = arith.constant 0 : i32
          %parallel_loop3A_557 = arith.addi %parallel_loop3A_555, %parallel_loop3A_556 : i32
          %parallel_loop3A_558 = arith.constant 16 : i32
          %parallel_loop3A_559 = arith.muli %parallel_loop3A_557, %parallel_loop3A_558 : i32
          %parallel_loop3A_560 = arith.constant 5 : i32
          %parallel_loop3A_561 = arith.index_cast %parallel_loop3A_560 : i32 to index
          %parallel_loop3A_562 = arith.index_cast %parallel_loop3A_559 : i32 to index
          %parallel_loop3A_563 = tpu.vector_load %arg10[%parallel_loop3A_561, %parallel_loop3A_562] {strides = array<i32>} : memref<8x6144xf32, #tpu.memory_space<vmem>>, vector<16xf32>,
          tpu.vector_store %arg10[%parallel_loop3A_561, %parallel_loop3A_562], %broadcast_in_dim3A_63 {strides = array<i32>} : memref<8x6144xf32, #tpu.memory_space<vmem>>, vector<16xf32>,
          %parallel_loop3A_564 = arith.constant 8 : i32
          %parallel_loop3A_565 = arith.muli %parallel_loop3A_153, %parallel_loop3A_564 : i32
          %parallel_loop3A_566 = arith.constant 1 : i32
          %parallel_loop3A_567 = arith.addi %parallel_loop3A_565, %parallel_loop3A_566 : i32
          %parallel_loop3A_568 = arith.constant 16 : i32
          %parallel_loop3A_569 = arith.muli %parallel_loop3A_567, %parallel_loop3A_568 : i32
          %parallel_loop3A_570 = arith.constant 5 : i32
          %parallel_loop3A_571 = arith.index_cast %parallel_loop3A_570 : i32 to index
          %parallel_loop3A_572 = arith.index_cast %parallel_loop3A_569 : i32 to index
          %parallel_loop3A_573 = tpu.vector_load %arg10[%parallel_loop3A_571, %parallel_loop3A_572] {strides = array<i32>} : memref<8x6144xf32, #tpu.memory_space<vmem>>, vector<16xf32>,
          tpu.vector_store %arg10[%parallel_loop3A_571, %parallel_loop3A_572], %broadcast_in_dim3A_63 {strides = array<i32>} : memref<8x6144xf32, #tpu.memory_space<vmem>>, vector<16xf32>,
          %parallel_loop3A_574 = arith.constant 8 : i32
          %parallel_loop3A_575 = arith.muli %parallel_loop3A_153, %parallel_loop3A_574 : i32
          %parallel_loop3A_576 = arith.constant 2 : i32
          %parallel_loop3A_577 = arith.addi %parallel_loop3A_575, %parallel_loop3A_576 : i32
          %parallel_loop3A_578 = arith.constant 16 : i32
          %parallel_loop3A_579 = arith.muli %parallel_loop3A_577, %parallel_loop3A_578 : i32
          %parallel_loop3A_580 = arith.constant 5 : i32
          %parallel_loop3A_581 = arith.index_cast %parallel_loop3A_580 : i32 to index
          %parallel_loop3A_582 = arith.index_cast %parallel_loop3A_579 : i32 to index
          %parallel_loop3A_583 = tpu.vector_load %arg10[%parallel_loop3A_581, %parallel_loop3A_582] {strides = array<i32>} : memref<8x6144xf32, #tpu.memory_space<vmem>>, vector<16xf32>,
          tpu.vector_store %arg10[%parallel_loop3A_581, %parallel_loop3A_582], %broadcast_in_dim3A_63 {strides = array<i32>} : memref<8x6144xf32, #tpu.memory_space<vmem>>, vector<16xf32>,
          %parallel_loop3A_584 = arith.constant 8 : i32
          %parallel_loop3A_585 = arith.muli %parallel_loop3A_153, %parallel_loop3A_584 : i32
          %parallel_loop3A_586 = arith.constant 3 : i32
          %parallel_loop3A_587 = arith.addi %parallel_loop3A_585, %parallel_loop3A_586 : i32
          %parallel_loop3A_588 = arith.constant 16 : i32
          %parallel_loop3A_589 = arith.muli %parallel_loop3A_587, %parallel_loop3A_588 : i32
          %parallel_loop3A_590 = arith.constant 5 : i32
          %parallel_loop3A_591 = arith.index_cast %parallel_loop3A_590 : i32 to index
          %parallel_loop3A_592 = arith.index_cast %parallel_loop3A_589 : i32 to index
          %parallel_loop3A_593 = tpu.vector_load %arg10[%parallel_loop3A_591, %parallel_loop3A_592] {strides = array<i32>} : memref<8x6144xf32, #tpu.memory_space<vmem>>, vector<16xf32>,
          tpu.vector_store %arg10[%parallel_loop3A_591, %parallel_loop3A_592], %broadcast_in_dim3A_63 {strides = array<i32>} : memref<8x6144xf32, #tpu.memory_space<vmem>>, vector<16xf32>,
          %parallel_loop3A_594 = arith.constant 8 : i32
          %parallel_loop3A_595 = arith.muli %parallel_loop3A_153, %parallel_loop3A_594 : i32
          %parallel_loop3A_596 = arith.constant 4 : i32
          %parallel_loop3A_597 = arith.addi %parallel_loop3A_595, %parallel_loop3A_596 : i32
          %parallel_loop3A_598 = arith.constant 16 : i32
          %parallel_loop3A_599 = arith.muli %parallel_loop3A_597, %parallel_loop3A_598 : i32
          %parallel_loop3A_600 = arith.constant 5 : i32
          %parallel_loop3A_601 = arith.index_cast %parallel_loop3A_600 : i32 to index
          %parallel_loop3A_602 = arith.index_cast %parallel_loop3A_599 : i32 to index
          %parallel_loop3A_603 = tpu.vector_load %arg10[%parallel_loop3A_601, %parallel_loop3A_602] {strides = array<i32>} : memref<8x6144xf32, #tpu.memory_space<vmem>>, vector<16xf32>,
          tpu.vector_store %arg10[%parallel_loop3A_601, %parallel_loop3A_602], %broadcast_in_dim3A_63 {strides = array<i32>} : memref<8x6144xf32, #tpu.memory_space<vmem>>, vector<16xf32>,
          %parallel_loop3A_604 = arith.constant 8 : i32
          %parallel_loop3A_605 = arith.muli %parallel_loop3A_153, %parallel_loop3A_604 : i32
          %parallel_loop3A_606 = arith.constant 5 : i32
          %parallel_loop3A_607 = arith.addi %parallel_loop3A_605, %parallel_loop3A_606 : i32
          %parallel_loop3A_608 = arith.constant 16 : i32
          %parallel_loop3A_609 = arith.muli %parallel_loop3A_607, %parallel_loop3A_608 : i32
          %parallel_loop3A_610 = arith.constant 5 : i32
          %parallel_loop3A_611 = arith.index_cast %parallel_loop3A_610 : i32 to index
          %parallel_loop3A_612 = arith.index_cast %parallel_loop3A_609 : i32 to index
          %parallel_loop3A_613 = tpu.vector_load %arg10[%parallel_loop3A_611, %parallel_loop3A_612] {strides = array<i32>} : memref<8x6144xf32, #tpu.memory_space<vmem>>, vector<16xf32>,
          tpu.vector_store %arg10[%parallel_loop3A_611, %parallel_loop3A_612], %broadcast_in_dim3A_63 {strides = array<i32>} : memref<8x6144xf32, #tpu.memory_space<vmem>>, vector<16xf32>,
          %parallel_loop3A_614 = arith.constant 8 : i32
          %parallel_loop3A_615 = arith.muli %parallel_loop3A_153, %parallel_loop3A_614 : i32
          %parallel_loop3A_616 = arith.constant 6 : i32
          %parallel_loop3A_617 = arith.addi %parallel_loop3A_615, %parallel_loop3A_616 : i32
          %parallel_loop3A_618 = arith.constant 16 : i32
          %parallel_loop3A_619 = arith.muli %parallel_loop3A_617, %parallel_loop3A_618 : i32
          %parallel_loop3A_620 = arith.constant 5 : i32
          %parallel_loop3A_621 = arith.index_cast %parallel_loop3A_620 : i32 to index
          %parallel_loop3A_622 = arith.index_cast %parallel_loop3A_619 : i32 to index
          %parallel_loop3A_623 = tpu.vector_load %arg10[%parallel_loop3A_621, %parallel_loop3A_622] {strides = array<i32>} : memref<8x6144xf32, #tpu.memory_space<vmem>>, vector<16xf32>,
          tpu.vector_store %arg10[%parallel_loop3A_621, %parallel_loop3A_622], %broadcast_in_dim3A_63 {strides = array<i32>} : memref<8x6144xf32, #tpu.memory_space<vmem>>, vector<16xf32>,
          %parallel_loop3A_624 = arith.constant 8 : i32
          %parallel_loop3A_625 = arith.muli %parallel_loop3A_153, %parallel_loop3A_624 : i32
          %parallel_loop3A_626 = arith.constant 7 : i32
          %parallel_loop3A_627 = arith.addi %parallel_loop3A_625, %parallel_loop3A_626 : i32
          %parallel_loop3A_628 = arith.constant 16 : i32
          %parallel_loop3A_629 = arith.muli %parallel_loop3A_627, %parallel_loop3A_628 : i32
          %parallel_loop3A_630 = arith.constant 5 : i32
          %parallel_loop3A_631 = arith.index_cast %parallel_loop3A_630 : i32 to index
          %parallel_loop3A_632 = arith.index_cast %parallel_loop3A_629 : i32 to index
          %parallel_loop3A_633 = tpu.vector_load %arg10[%parallel_loop3A_631, %parallel_loop3A_632] {strides = array<i32>} : memref<8x6144xf32, #tpu.memory_space<vmem>>, vector<16xf32>,
          tpu.vector_store %arg10[%parallel_loop3A_631, %parallel_loop3A_632], %broadcast_in_dim3A_63 {strides = array<i32>} : memref<8x6144xf32, #tpu.memory_space<vmem>>, vector<16xf32>,
          %parallel_loop3A_634 = arith.constant 8 : i32
          %parallel_loop3A_635 = arith.muli %parallel_loop3A_153, %parallel_loop3A_634 : i32
          %parallel_loop3A_636 = arith.constant 0 : i32
          %parallel_loop3A_637 = arith.addi %parallel_loop3A_635, %parallel_loop3A_636 : i32
          %parallel_loop3A_638 = arith.constant 16 : i32
          %parallel_loop3A_639 = arith.muli %parallel_loop3A_637, %parallel_loop3A_638 : i32
          %parallel_loop3A_640 = arith.constant 6 : i32
          %parallel_loop3A_641 = arith.index_cast %parallel_loop3A_640 : i32 to index
          %parallel_loop3A_642 = arith.index_cast %parallel_loop3A_639 : i32 to index
          %parallel_loop3A_643 = tpu.vector_load %arg10[%parallel_loop3A_641, %parallel_loop3A_642] {strides = array<i32>} : memref<8x6144xf32, #tpu.memory_space<vmem>>, vector<16xf32>,
          tpu.vector_store %arg10[%parallel_loop3A_641, %parallel_loop3A_642], %broadcast_in_dim3A_63 {strides = array<i32>} : memref<8x6144xf32, #tpu.memory_space<vmem>>, vector<16xf32>,
          %parallel_loop3A_644 = arith.constant 8 : i32
          %parallel_loop3A_645 = arith.muli %parallel_loop3A_153, %parallel_loop3A_644 : i32
          %parallel_loop3A_646 = arith.constant 1 : i32
          %parallel_loop3A_647 = arith.addi %parallel_loop3A_645, %parallel_loop3A_646 : i32
          %parallel_loop3A_648 = arith.constant 16 : i32
          %parallel_loop3A_649 = arith.muli %parallel_loop3A_647, %parallel_loop3A_648 : i32
          %parallel_loop3A_650 = arith.constant 6 : i32
          %parallel_loop3A_651 = arith.index_cast %parallel_loop3A_650 : i32 to index
          %parallel_loop3A_652 = arith.index_cast %parallel_loop3A_649 : i32 to index
          %parallel_loop3A_653 = tpu.vector_load %arg10[%parallel_loop3A_651, %parallel_loop3A_652] {strides = array<i32>} : memref<8x6144xf32, #tpu.memory_space<vmem>>, vector<16xf32>,
          tpu.vector_store %arg10[%parallel_loop3A_651, %parallel_loop3A_652], %broadcast_in_dim3A_63 {strides = array<i32>} : memref<8x6144xf32, #tpu.memory_space<vmem>>, vector<16xf32>,
          %parallel_loop3A_654 = arith.constant 8 : i32
          %parallel_loop3A_655 = arith.muli %parallel_loop3A_153, %parallel_loop3A_654 : i32
          %parallel_loop3A_656 = arith.constant 2 : i32
          %parallel_loop3A_657 = arith.addi %parallel_loop3A_655, %parallel_loop3A_656 : i32
          %parallel_loop3A_658 = arith.constant 16 : i32
          %parallel_loop3A_659 = arith.muli %parallel_loop3A_657, %parallel_loop3A_658 : i32
          %parallel_loop3A_660 = arith.constant 6 : i32
          %parallel_loop3A_661 = arith.index_cast %parallel_loop3A_660 : i32 to index
          %parallel_loop3A_662 = arith.index_cast %parallel_loop3A_659 : i32 to index
          %parallel_loop3A_663 = tpu.vector_load %arg10[%parallel_loop3A_661, %parallel_loop3A_662] {strides = array<i32>} : memref<8x6144xf32, #tpu.memory_space<vmem>>, vector<16xf32>,
          tpu.vector_store %arg10[%parallel_loop3A_661, %parallel_loop3A_662], %broadcast_in_dim3A_63 {strides = array<i32>} : memref<8x6144xf32, #tpu.memory_space<vmem>>, vector<16xf32>,
          %parallel_loop3A_664 = arith.constant 8 : i32
          %parallel_loop3A_665 = arith.muli %parallel_loop3A_153, %parallel_loop3A_664 : i32
          %parallel_loop3A_666 = arith.constant 3 : i32
          %parallel_loop3A_667 = arith.addi %parallel_loop3A_665, %parallel_loop3A_666 : i32
          %parallel_loop3A_668 = arith.constant 16 : i32
          %parallel_loop3A_669 = arith.muli %parallel_loop3A_667, %parallel_loop3A_668 : i32
          %parallel_loop3A_670 = arith.constant 6 : i32
          %parallel_loop3A_671 = arith.index_cast %parallel_loop3A_670 : i32 to index
          %parallel_loop3A_672 = arith.index_cast %parallel_loop3A_669 : i32 to index
          %parallel_loop3A_673 = tpu.vector_load %arg10[%parallel_loop3A_671, %parallel_loop3A_672] {strides = array<i32>} : memref<8x6144xf32, #tpu.memory_space<vmem>>, vector<16xf32>,
          tpu.vector_store %arg10[%parallel_loop3A_671, %parallel_loop3A_672], %broadcast_in_dim3A_63 {strides = array<i32>} : memref<8x6144xf32, #tpu.memory_space<vmem>>, vector<16xf32>,
          %parallel_loop3A_674 = arith.constant 8 : i32
          %parallel_loop3A_675 = arith.muli %parallel_loop3A_153, %parallel_loop3A_674 : i32
          %parallel_loop3A_676 = arith.constant 4 : i32
          %parallel_loop3A_677 = arith.addi %parallel_loop3A_675, %parallel_loop3A_676 : i32
          %parallel_loop3A_678 = arith.constant 16 : i32
          %parallel_loop3A_679 = arith.muli %parallel_loop3A_677, %parallel_loop3A_678 : i32
          %parallel_loop3A_680 = arith.constant 6 : i32
          %parallel_loop3A_681 = arith.index_cast %parallel_loop3A_680 : i32 to index
          %parallel_loop3A_682 = arith.index_cast %parallel_loop3A_679 : i32 to index
          %parallel_loop3A_683 = tpu.vector_load %arg10[%parallel_loop3A_681, %parallel_loop3A_682] {strides = array<i32>} : memref<8x6144xf32, #tpu.memory_space<vmem>>, vector<16xf32>,
          tpu.vector_store %arg10[%parallel_loop3A_681, %parallel_loop3A_682], %broadcast_in_dim3A_63 {strides = array<i32>} : memref<8x6144xf32, #tpu.memory_space<vmem>>, vector<16xf32>,
          %parallel_loop3A_684 = arith.constant 8 : i32
          %parallel_loop3A_685 = arith.muli %parallel_loop3A_153, %parallel_loop3A_684 : i32
          %parallel_loop3A_686 = arith.constant 5 : i32
          %parallel_loop3A_687 = arith.addi %parallel_loop3A_685, %parallel_loop3A_686 : i32
          %parallel_loop3A_688 = arith.constant 16 : i32
          %parallel_loop3A_689 = arith.muli %parallel_loop3A_687, %parallel_loop3A_688 : i32
          %parallel_loop3A_690 = arith.constant 6 : i32
          %parallel_loop3A_691 = arith.index_cast %parallel_loop3A_690 : i32 to index
          %parallel_loop3A_692 = arith.index_cast %parallel_loop3A_689 : i32 to index
          %parallel_loop3A_693 = tpu.vector_load %arg10[%parallel_loop3A_691, %parallel_loop3A_692] {strides = array<i32>} : memref<8x6144xf32, #tpu.memory_space<vmem>>, vector<16xf32>,
          tpu.vector_store %arg10[%parallel_loop3A_691, %parallel_loop3A_692], %broadcast_in_dim3A_63 {strides = array<i32>} : memref<8x6144xf32, #tpu.memory_space<vmem>>, vector<16xf32>,
          %parallel_loop3A_694 = arith.constant 8 : i32
          %parallel_loop3A_695 = arith.muli %parallel_loop3A_153, %parallel_loop3A_694 : i32
          %parallel_loop3A_696 = arith.constant 6 : i32
          %parallel_loop3A_697 = arith.addi %parallel_loop3A_695, %parallel_loop3A_696 : i32
          %parallel_loop3A_698 = arith.constant 16 : i32
          %parallel_loop3A_699 = arith.muli %parallel_loop3A_697, %parallel_loop3A_698 : i32
          %parallel_loop3A_700 = arith.constant 6 : i32
          %parallel_loop3A_701 = arith.index_cast %parallel_loop3A_700 : i32 to index
          %parallel_loop3A_702 = arith.index_cast %parallel_loop3A_699 : i32 to index
          %parallel_loop3A_703 = tpu.vector_load %arg10[%parallel_loop3A_701, %parallel_loop3A_702] {strides = array<i32>} : memref<8x6144xf32, #tpu.memory_space<vmem>>, vector<16xf32>,
          tpu.vector_store %arg10[%parallel_loop3A_701, %parallel_loop3A_702], %broadcast_in_dim3A_63 {strides = array<i32>} : memref<8x6144xf32, #tpu.memory_space<vmem>>, vector<16xf32>,
          %parallel_loop3A_704 = arith.constant 8 : i32
          %parallel_loop3A_705 = arith.muli %parallel_loop3A_153, %parallel_loop3A_704 : i32
          %parallel_loop3A_706 = arith.constant 7 : i32
          %parallel_loop3A_707 = arith.addi %parallel_loop3A_705, %parallel_loop3A_706 : i32
          %parallel_loop3A_708 = arith.constant 16 : i32
          %parallel_loop3A_709 = arith.muli %parallel_loop3A_707, %parallel_loop3A_708 : i32
          %parallel_loop3A_710 = arith.constant 6 : i32
          %parallel_loop3A_711 = arith.index_cast %parallel_loop3A_710 : i32 to index
          %parallel_loop3A_712 = arith.index_cast %parallel_loop3A_709 : i32 to index
          %parallel_loop3A_713 = tpu.vector_load %arg10[%parallel_loop3A_711, %parallel_loop3A_712] {strides = array<i32>} : memref<8x6144xf32, #tpu.memory_space<vmem>>, vector<16xf32>,
          tpu.vector_store %arg10[%parallel_loop3A_711, %parallel_loop3A_712], %broadcast_in_dim3A_63 {strides = array<i32>} : memref<8x6144xf32, #tpu.memory_space<vmem>>, vector<16xf32>,
          %parallel_loop3A_714 = arith.constant 8 : i32
          %parallel_loop3A_715 = arith.muli %parallel_loop3A_153, %parallel_loop3A_714 : i32
          %parallel_loop3A_716 = arith.constant 0 : i32
          %parallel_loop3A_717 = arith.addi %parallel_loop3A_715, %parallel_loop3A_716 : i32
          %parallel_loop3A_718 = arith.constant 16 : i32
          %parallel_loop3A_719 = arith.muli %parallel_loop3A_717, %parallel_loop3A_718 : i32
          %parallel_loop3A_720 = arith.constant 7 : i32
          %parallel_loop3A_721 = arith.index_cast %parallel_loop3A_720 : i32 to index
          %parallel_loop3A_722 = arith.index_cast %parallel_loop3A_719 : i32 to index
          %parallel_loop3A_723 = tpu.vector_load %arg10[%parallel_loop3A_721, %parallel_loop3A_722] {strides = array<i32>} : memref<8x6144xf32, #tpu.memory_space<vmem>>, vector<16xf32>,
          tpu.vector_store %arg10[%parallel_loop3A_721, %parallel_loop3A_722], %broadcast_in_dim3A_63 {strides = array<i32>} : memref<8x6144xf32, #tpu.memory_space<vmem>>, vector<16xf32>,
          %parallel_loop3A_724 = arith.constant 8 : i32
          %parallel_loop3A_725 = arith.muli %parallel_loop3A_153, %parallel_loop3A_724 : i32
          %parallel_loop3A_726 = arith.constant 1 : i32
          %parallel_loop3A_727 = arith.addi %parallel_loop3A_725, %parallel_loop3A_726 : i32
          %parallel_loop3A_728 = arith.constant 16 : i32
          %parallel_loop3A_729 = arith.muli %parallel_loop3A_727, %parallel_loop3A_728 : i32
          %parallel_loop3A_730 = arith.constant 7 : i32
          %parallel_loop3A_731 = arith.index_cast %parallel_loop3A_730 : i32 to index
          %parallel_loop3A_732 = arith.index_cast %parallel_loop3A_729 : i32 to index
          %parallel_loop3A_733 = tpu.vector_load %arg10[%parallel_loop3A_731, %parallel_loop3A_732] {strides = array<i32>} : memref<8x6144xf32, #tpu.memory_space<vmem>>, vector<16xf32>,
          tpu.vector_store %arg10[%parallel_loop3A_731, %parallel_loop3A_732], %broadcast_in_dim3A_63 {strides = array<i32>} : memref<8x6144xf32, #tpu.memory_space<vmem>>, vector<16xf32>,
          %parallel_loop3A_734 = arith.constant 8 : i32
          %parallel_loop3A_735 = arith.muli %parallel_loop3A_153, %parallel_loop3A_734 : i32
          %parallel_loop3A_736 = arith.constant 2 : i32
          %parallel_loop3A_737 = arith.addi %parallel_loop3A_735, %parallel_loop3A_736 : i32
          %parallel_loop3A_738 = arith.constant 16 : i32
          %parallel_loop3A_739 = arith.muli %parallel_loop3A_737, %parallel_loop3A_738 : i32
          %parallel_loop3A_740 = arith.constant 7 : i32
          %parallel_loop3A_741 = arith.index_cast %parallel_loop3A_740 : i32 to index
          %parallel_loop3A_742 = arith.index_cast %parallel_loop3A_739 : i32 to index
          %parallel_loop3A_743 = tpu.vector_load %arg10[%parallel_loop3A_741, %parallel_loop3A_742] {strides = array<i32>} : memref<8x6144xf32, #tpu.memory_space<vmem>>, vector<16xf32>,
          tpu.vector_store %arg10[%parallel_loop3A_741, %parallel_loop3A_742], %broadcast_in_dim3A_63 {strides = array<i32>} : memref<8x6144xf32, #tpu.memory_space<vmem>>, vector<16xf32>,
          %parallel_loop3A_744 = arith.constant 8 : i32
          %parallel_loop3A_745 = arith.muli %parallel_loop3A_153, %parallel_loop3A_744 : i32
          %parallel_loop3A_746 = arith.constant 3 : i32
          %parallel_loop3A_747 = arith.addi %parallel_loop3A_745, %parallel_loop3A_746 : i32
          %parallel_loop3A_748 = arith.constant 16 : i32
          %parallel_loop3A_749 = arith.muli %parallel_loop3A_747, %parallel_loop3A_748 : i32
          %parallel_loop3A_750 = arith.constant 7 : i32
          %parallel_loop3A_751 = arith.index_cast %parallel_loop3A_750 : i32 to index
          %parallel_loop3A_752 = arith.index_cast %parallel_loop3A_749 : i32 to index
          %parallel_loop3A_753 = tpu.vector_load %arg10[%parallel_loop3A_751, %parallel_loop3A_752] {strides = array<i32>} : memref<8x6144xf32, #tpu.memory_space<vmem>>, vector<16xf32>,
          tpu.vector_store %arg10[%parallel_loop3A_751, %parallel_loop3A_752], %broadcast_in_dim3A_63 {strides = array<i32>} : memref<8x6144xf32, #tpu.memory_space<vmem>>, vector<16xf32>,
          %parallel_loop3A_754 = arith.constant 8 : i32
          %parallel_loop3A_755 = arith.muli %parallel_loop3A_153, %parallel_loop3A_754 : i32
          %parallel_loop3A_756 = arith.constant 4 : i32
          %parallel_loop3A_757 = arith.addi %parallel_loop3A_755, %parallel_loop3A_756 : i32
          %parallel_loop3A_758 = arith.constant 16 : i32
          %parallel_loop3A_759 = arith.muli %parallel_loop3A_757, %parallel_loop3A_758 : i32
          %parallel_loop3A_760 = arith.constant 7 : i32
          %parallel_loop3A_761 = arith.index_cast %parallel_loop3A_760 : i32 to index
          %parallel_loop3A_762 = arith.index_cast %parallel_loop3A_759 : i32 to index
          %parallel_loop3A_763 = tpu.vector_load %arg10[%parallel_loop3A_761, %parallel_loop3A_762] {strides = array<i32>} : memref<8x6144xf32, #tpu.memory_space<vmem>>, vector<16xf32>,
          tpu.vector_store %arg10[%parallel_loop3A_761, %parallel_loop3A_762], %broadcast_in_dim3A_63 {strides = array<i32>} : memref<8x6144xf32, #tpu.memory_space<vmem>>, vector<16xf32>,
          %parallel_loop3A_764 = arith.constant 8 : i32
          %parallel_loop3A_765 = arith.muli %parallel_loop3A_153, %parallel_loop3A_764 : i32
          %parallel_loop3A_766 = arith.constant 5 : i32
          %parallel_loop3A_767 = arith.addi %parallel_loop3A_765, %parallel_loop3A_766 : i32
          %parallel_loop3A_768 = arith.constant 16 : i32
          %parallel_loop3A_769 = arith.muli %parallel_loop3A_767, %parallel_loop3A_768 : i32
          %parallel_loop3A_770 = arith.constant 7 : i32
          %parallel_loop3A_771 = arith.index_cast %parallel_loop3A_770 : i32 to index
          %parallel_loop3A_772 = arith.index_cast %parallel_loop3A_769 : i32 to index
          %parallel_loop3A_773 = tpu.vector_load %arg10[%parallel_loop3A_771, %parallel_loop3A_772] {strides = array<i32>} : memref<8x6144xf32, #tpu.memory_space<vmem>>, vector<16xf32>,
          tpu.vector_store %arg10[%parallel_loop3A_771, %parallel_loop3A_772], %broadcast_in_dim3A_63 {strides = array<i32>} : memref<8x6144xf32, #tpu.memory_space<vmem>>, vector<16xf32>,
          %parallel_loop3A_774 = arith.constant 8 : i32
          %parallel_loop3A_775 = arith.muli %parallel_loop3A_153, %parallel_loop3A_774 : i32
          %parallel_loop3A_776 = arith.constant 6 : i32
          %parallel_loop3A_777 = arith.addi %parallel_loop3A_775, %parallel_loop3A_776 : i32
          %parallel_loop3A_778 = arith.constant 16 : i32
          %parallel_loop3A_779 = arith.muli %parallel_loop3A_777, %parallel_loop3A_778 : i32
          %parallel_loop3A_780 = arith.constant 7 : i32
          %parallel_loop3A_781 = arith.index_cast %parallel_loop3A_780 : i32 to index
          %parallel_loop3A_782 = arith.index_cast %parallel_loop3A_779 : i32 to index
          %parallel_loop3A_783 = tpu.vector_load %arg10[%parallel_loop3A_781, %parallel_loop3A_782] {strides = array<i32>} : memref<8x6144xf32, #tpu.memory_space<vmem>>, vector<16xf32>,
          tpu.vector_store %arg10[%parallel_loop3A_781, %parallel_loop3A_782], %broadcast_in_dim3A_63 {strides = array<i32>} : memref<8x6144xf32, #tpu.memory_space<vmem>>, vector<16xf32>,
          %parallel_loop3A_784 = arith.constant 8 : i32
          %parallel_loop3A_785 = arith.muli %parallel_loop3A_153, %parallel_loop3A_784 : i32
          %parallel_loop3A_786 = arith.constant 7 : i32
          %parallel_loop3A_787 = arith.addi %parallel_loop3A_785, %parallel_loop3A_786 : i32
          %parallel_loop3A_788 = arith.constant 16 : i32
          %parallel_loop3A_789 = arith.muli %parallel_loop3A_787, %parallel_loop3A_788 : i32
          %parallel_loop3A_790 = arith.constant 7 : i32
          %parallel_loop3A_791 = arith.index_cast %parallel_loop3A_790 : i32 to index
          %parallel_loop3A_792 = arith.index_cast %parallel_loop3A_789 : i32 to index
          %parallel_loop3A_793 = tpu.vector_load %arg10[%parallel_loop3A_791, %parallel_loop3A_792] {strides = array<i32>} : memref<8x6144xf32, #tpu.memory_space<vmem>>, vector<16xf32>,
          tpu.vector_store %arg10[%parallel_loop3A_791, %parallel_loop3A_792], %broadcast_in_dim3A_63 {strides = array<i32>} : memref<8x6144xf32, #tpu.memory_space<vmem>>, vector<16xf32>,
        } {sc.loop_unroll_factor = 1 : i64, sc.parallel_access}
        %parallel_loop3A_143 = arith.constant 0 : i32
        %parallel_loop3A_144 = arith.constant 48 : i32
        %parallel_loop3A_145 = arith.constant 1 : i32
        scf.for %parallel_loop3A_153 = %parallel_loop3A_143 to %parallel_loop3A_144 step %parallel_loop3A_145  : i32 {
          %parallel_loop3A_154 = arith.constant 128 : i32
          %parallel_loop3A_155 = arith.muli %parallel_loop3A_153, %parallel_loop3A_154 : i32
          %parallel_loop3A_156 = vector.broadcast %parallel_loop3A_155 : i32 to vector<16xi32>
          %parallel_loop3A_157 = arith.addi %mul3A_82, %parallel_loop3A_156 : vector<16xi32>
          %parallel_loop3A_158 = arith.constant 16 : i32
          %parallel_loop3A_159 = arith.muli %parallel_loop3A_153, %parallel_loop3A_158 : i32
          %parallel_loop3A_160 = arith.constant 0 : i32
          %parallel_loop3A_161 = arith.index_cast %parallel_loop3A_160 : i32 to index
          %parallel_loop3A_162 = arith.index_cast %parallel_loop3A_159 : i32 to index
          %parallel_loop3A_163 = tpu.vector_load %arg6[%parallel_loop3A_161, %parallel_loop3A_162] {strides = array<i32>} : memref<8x768xf32, #tpu.memory_space<vmem>>, vector<16xf32>,
          %parallel_loop3A_164 = arith.constant 16 : i32
          %parallel_loop3A_165 = arith.muli %parallel_loop3A_153, %parallel_loop3A_164 : i32
          %parallel_loop3A_166 = arith.constant 0 : i32
          %parallel_loop3A_167 = arith.index_cast %parallel_loop3A_166 : i32 to index
          %parallel_loop3A_168 = arith.index_cast %parallel_loop3A_165 : i32 to index
          %parallel_loop3A_169 = tpu.vector_load %arg8[%parallel_loop3A_167, %parallel_loop3A_168] {strides = array<i32>} : memref<8x768xi32, #tpu.memory_space<vmem>>, vector<16xi32>,
          %parallel_loop3A_170 = arith.constant 7 : i32
          %parallel_loop3A_171 = vector.broadcast %parallel_loop3A_170 : i32 to vector<16xi32>
          %parallel_loop3A_172 = arith.andi %parallel_loop3A_169, %parallel_loop3A_171 : vector<16xi32>
          %parallel_loop3A_173 = arith.addi %parallel_loop3A_172, %parallel_loop3A_157 : vector<16xi32>
          tpu.vector_store_idx %arg10[%broadcast_in_dim3A_65, %parallel_loop3A_173], %parallel_loop3A_163 : memref<8x6144xf32, #tpu.memory_space<vmem>>[vector<16xi32>, vector<16xi32>], vector<16xf32>,
          %parallel_loop3A_174 = arith.constant 16 : i32
          %parallel_loop3A_175 = arith.muli %parallel_loop3A_153, %parallel_loop3A_174 : i32
          %parallel_loop3A_176 = arith.constant 1 : i32
          %parallel_loop3A_177 = arith.index_cast %parallel_loop3A_176 : i32 to index
          %parallel_loop3A_178 = arith.index_cast %parallel_loop3A_175 : i32 to index
          %parallel_loop3A_179 = tpu.vector_load %arg6[%parallel_loop3A_177, %parallel_loop3A_178] {strides = array<i32>} : memref<8x768xf32, #tpu.memory_space<vmem>>, vector<16xf32>,
          %parallel_loop3A_180 = arith.constant 16 : i32
          %parallel_loop3A_181 = arith.muli %parallel_loop3A_153, %parallel_loop3A_180 : i32
          %parallel_loop3A_182 = arith.constant 1 : i32
          %parallel_loop3A_183 = arith.index_cast %parallel_loop3A_182 : i32 to index
          %parallel_loop3A_184 = arith.index_cast %parallel_loop3A_181 : i32 to index
          %parallel_loop3A_185 = tpu.vector_load %arg8[%parallel_loop3A_183, %parallel_loop3A_184] {strides = array<i32>} : memref<8x768xi32, #tpu.memory_space<vmem>>, vector<16xi32>,
          %parallel_loop3A_186 = arith.constant 7 : i32
          %parallel_loop3A_187 = vector.broadcast %parallel_loop3A_186 : i32 to vector<16xi32>
          %parallel_loop3A_188 = arith.andi %parallel_loop3A_185, %parallel_loop3A_187 : vector<16xi32>
          %parallel_loop3A_189 = arith.addi %parallel_loop3A_188, %parallel_loop3A_157 : vector<16xi32>
          tpu.vector_store_idx %arg10[%broadcast_in_dim3A_67, %parallel_loop3A_189], %parallel_loop3A_179 : memref<8x6144xf32, #tpu.memory_space<vmem>>[vector<16xi32>, vector<16xi32>], vector<16xf32>,
          %parallel_loop3A_190 = arith.constant 16 : i32
          %parallel_loop3A_191 = arith.muli %parallel_loop3A_153, %parallel_loop3A_190 : i32
          %parallel_loop3A_192 = arith.constant 2 : i32
          %parallel_loop3A_193 = arith.index_cast %parallel_loop3A_192 : i32 to index
          %parallel_loop3A_194 = arith.index_cast %parallel_loop3A_191 : i32 to index
          %parallel_loop3A_195 = tpu.vector_load %arg6[%parallel_loop3A_193, %parallel_loop3A_194] {strides = array<i32>} : memref<8x768xf32, #tpu.memory_space<vmem>>, vector<16xf32>,
          %parallel_loop3A_196 = arith.constant 16 : i32
          %parallel_loop3A_197 = arith.muli %parallel_loop3A_153, %parallel_loop3A_196 : i32
          %parallel_loop3A_198 = arith.constant 2 : i32
          %parallel_loop3A_199 = arith.index_cast %parallel_loop3A_198 : i32 to index
          %parallel_loop3A_200 = arith.index_cast %parallel_loop3A_197 : i32 to index
          %parallel_loop3A_201 = tpu.vector_load %arg8[%parallel_loop3A_199, %parallel_loop3A_200] {strides = array<i32>} : memref<8x768xi32, #tpu.memory_space<vmem>>, vector<16xi32>,
          %parallel_loop3A_202 = arith.constant 7 : i32
          %parallel_loop3A_203 = vector.broadcast %parallel_loop3A_202 : i32 to vector<16xi32>
          %parallel_loop3A_204 = arith.andi %parallel_loop3A_201, %parallel_loop3A_203 : vector<16xi32>
          %parallel_loop3A_205 = arith.addi %parallel_loop3A_204, %parallel_loop3A_157 : vector<16xi32>
          tpu.vector_store_idx %arg10[%broadcast_in_dim3A_69, %parallel_loop3A_205], %parallel_loop3A_195 : memref<8x6144xf32, #tpu.memory_space<vmem>>[vector<16xi32>, vector<16xi32>], vector<16xf32>,
          %parallel_loop3A_206 = arith.constant 16 : i32
          %parallel_loop3A_207 = arith.muli %parallel_loop3A_153, %parallel_loop3A_206 : i32
          %parallel_loop3A_208 = arith.constant 3 : i32
          %parallel_loop3A_209 = arith.index_cast %parallel_loop3A_208 : i32 to index
          %parallel_loop3A_210 = arith.index_cast %parallel_loop3A_207 : i32 to index
          %parallel_loop3A_211 = tpu.vector_load %arg6[%parallel_loop3A_209, %parallel_loop3A_210] {strides = array<i32>} : memref<8x768xf32, #tpu.memory_space<vmem>>, vector<16xf32>,
          %parallel_loop3A_212 = arith.constant 16 : i32
          %parallel_loop3A_213 = arith.muli %parallel_loop3A_153, %parallel_loop3A_212 : i32
          %parallel_loop3A_214 = arith.constant 3 : i32
          %parallel_loop3A_215 = arith.index_cast %parallel_loop3A_214 : i32 to index
          %parallel_loop3A_216 = arith.index_cast %parallel_loop3A_213 : i32 to index
          %parallel_loop3A_217 = tpu.vector_load %arg8[%parallel_loop3A_215, %parallel_loop3A_216] {strides = array<i32>} : memref<8x768xi32, #tpu.memory_space<vmem>>, vector<16xi32>,
          %parallel_loop3A_218 = arith.constant 7 : i32
          %parallel_loop3A_219 = vector.broadcast %parallel_loop3A_218 : i32 to vector<16xi32>
          %parallel_loop3A_220 = arith.andi %parallel_loop3A_217, %parallel_loop3A_219 : vector<16xi32>
          %parallel_loop3A_221 = arith.addi %parallel_loop3A_220, %parallel_loop3A_157 : vector<16xi32>
          tpu.vector_store_idx %arg10[%broadcast_in_dim3A_71, %parallel_loop3A_221], %parallel_loop3A_211 : memref<8x6144xf32, #tpu.memory_space<vmem>>[vector<16xi32>, vector<16xi32>], vector<16xf32>,
          %parallel_loop3A_222 = arith.constant 16 : i32
          %parallel_loop3A_223 = arith.muli %parallel_loop3A_153, %parallel_loop3A_222 : i32
          %parallel_loop3A_224 = arith.constant 4 : i32
          %parallel_loop3A_225 = arith.index_cast %parallel_loop3A_224 : i32 to index
          %parallel_loop3A_226 = arith.index_cast %parallel_loop3A_223 : i32 to index
          %parallel_loop3A_227 = tpu.vector_load %arg6[%parallel_loop3A_225, %parallel_loop3A_226] {strides = array<i32>} : memref<8x768xf32, #tpu.memory_space<vmem>>, vector<16xf32>,
          %parallel_loop3A_228 = arith.constant 16 : i32
          %parallel_loop3A_229 = arith.muli %parallel_loop3A_153, %parallel_loop3A_228 : i32
          %parallel_loop3A_230 = arith.constant 4 : i32
          %parallel_loop3A_231 = arith.index_cast %parallel_loop3A_230 : i32 to index
          %parallel_loop3A_232 = arith.index_cast %parallel_loop3A_229 : i32 to index
          %parallel_loop3A_233 = tpu.vector_load %arg8[%parallel_loop3A_231, %parallel_loop3A_232] {strides = array<i32>} : memref<8x768xi32, #tpu.memory_space<vmem>>, vector<16xi32>,
          %parallel_loop3A_234 = arith.constant 7 : i32
          %parallel_loop3A_235 = vector.broadcast %parallel_loop3A_234 : i32 to vector<16xi32>
          %parallel_loop3A_236 = arith.andi %parallel_loop3A_233, %parallel_loop3A_235 : vector<16xi32>
          %parallel_loop3A_237 = arith.addi %parallel_loop3A_236, %parallel_loop3A_157 : vector<16xi32>
          tpu.vector_store_idx %arg10[%broadcast_in_dim3A_73, %parallel_loop3A_237], %parallel_loop3A_227 : memref<8x6144xf32, #tpu.memory_space<vmem>>[vector<16xi32>, vector<16xi32>], vector<16xf32>,
          %parallel_loop3A_238 = arith.constant 16 : i32
          %parallel_loop3A_239 = arith.muli %parallel_loop3A_153, %parallel_loop3A_238 : i32
          %parallel_loop3A_240 = arith.constant 5 : i32
          %parallel_loop3A_241 = arith.index_cast %parallel_loop3A_240 : i32 to index
          %parallel_loop3A_242 = arith.index_cast %parallel_loop3A_239 : i32 to index
          %parallel_loop3A_243 = tpu.vector_load %arg6[%parallel_loop3A_241, %parallel_loop3A_242] {strides = array<i32>} : memref<8x768xf32, #tpu.memory_space<vmem>>, vector<16xf32>,
          %parallel_loop3A_244 = arith.constant 16 : i32
          %parallel_loop3A_245 = arith.muli %parallel_loop3A_153, %parallel_loop3A_244 : i32
          %parallel_loop3A_246 = arith.constant 5 : i32
          %parallel_loop3A_247 = arith.index_cast %parallel_loop3A_246 : i32 to index
          %parallel_loop3A_248 = arith.index_cast %parallel_loop3A_245 : i32 to index
          %parallel_loop3A_249 = tpu.vector_load %arg8[%parallel_loop3A_247, %parallel_loop3A_248] {strides = array<i32>} : memref<8x768xi32, #tpu.memory_space<vmem>>, vector<16xi32>,
          %parallel_loop3A_250 = arith.constant 7 : i32
          %parallel_loop3A_251 = vector.broadcast %parallel_loop3A_250 : i32 to vector<16xi32>
          %parallel_loop3A_252 = arith.andi %parallel_loop3A_249, %parallel_loop3A_251 : vector<16xi32>
          %parallel_loop3A_253 = arith.addi %parallel_loop3A_252, %parallel_loop3A_157 : vector<16xi32>
          tpu.vector_store_idx %arg10[%broadcast_in_dim3A_75, %parallel_loop3A_253], %parallel_loop3A_243 : memref<8x6144xf32, #tpu.memory_space<vmem>>[vector<16xi32>, vector<16xi32>], vector<16xf32>,
          %parallel_loop3A_254 = arith.constant 16 : i32
          %parallel_loop3A_255 = arith.muli %parallel_loop3A_153, %parallel_loop3A_254 : i32
          %parallel_loop3A_256 = arith.constant 6 : i32
          %parallel_loop3A_257 = arith.index_cast %parallel_loop3A_256 : i32 to index
          %parallel_loop3A_258 = arith.index_cast %parallel_loop3A_255 : i32 to index
          %parallel_loop3A_259 = tpu.vector_load %arg6[%parallel_loop3A_257, %parallel_loop3A_258] {strides = array<i32>} : memref<8x768xf32, #tpu.memory_space<vmem>>, vector<16xf32>,
          %parallel_loop3A_260 = arith.constant 16 : i32
          %parallel_loop3A_261 = arith.muli %parallel_loop3A_153, %parallel_loop3A_260 : i32
          %parallel_loop3A_262 = arith.constant 6 : i32
          %parallel_loop3A_263 = arith.index_cast %parallel_loop3A_262 : i32 to index
          %parallel_loop3A_264 = arith.index_cast %parallel_loop3A_261 : i32 to index
          %parallel_loop3A_265 = tpu.vector_load %arg8[%parallel_loop3A_263, %parallel_loop3A_264] {strides = array<i32>} : memref<8x768xi32, #tpu.memory_space<vmem>>, vector<16xi32>,
          %parallel_loop3A_266 = arith.constant 7 : i32
          %parallel_loop3A_267 = vector.broadcast %parallel_loop3A_266 : i32 to vector<16xi32>
          %parallel_loop3A_268 = arith.andi %parallel_loop3A_265, %parallel_loop3A_267 : vector<16xi32>
          %parallel_loop3A_269 = arith.addi %parallel_loop3A_268, %parallel_loop3A_157 : vector<16xi32>
          tpu.vector_store_idx %arg10[%broadcast_in_dim3A_77, %parallel_loop3A_269], %parallel_loop3A_259 : memref<8x6144xf32, #tpu.memory_space<vmem>>[vector<16xi32>, vector<16xi32>], vector<16xf32>,
          %parallel_loop3A_270 = arith.constant 16 : i32
          %parallel_loop3A_271 = arith.muli %parallel_loop3A_153, %parallel_loop3A_270 : i32
          %parallel_loop3A_272 = arith.constant 7 : i32
          %parallel_loop3A_273 = arith.index_cast %parallel_loop3A_272 : i32 to index
          %parallel_loop3A_274 = arith.index_cast %parallel_loop3A_271 : i32 to index
          %parallel_loop3A_275 = tpu.vector_load %arg6[%parallel_loop3A_273, %parallel_loop3A_274] {strides = array<i32>} : memref<8x768xf32, #tpu.memory_space<vmem>>, vector<16xf32>,
          %parallel_loop3A_276 = arith.constant 16 : i32
          %parallel_loop3A_277 = arith.muli %parallel_loop3A_153, %parallel_loop3A_276 : i32
          %parallel_loop3A_278 = arith.constant 7 : i32
          %parallel_loop3A_279 = arith.index_cast %parallel_loop3A_278 : i32 to index
          %parallel_loop3A_280 = arith.index_cast %parallel_loop3A_277 : i32 to index
          %parallel_loop3A_281 = tpu.vector_load %arg8[%parallel_loop3A_279, %parallel_loop3A_280] {strides = array<i32>} : memref<8x768xi32, #tpu.memory_space<vmem>>, vector<16xi32>,
          %parallel_loop3A_282 = arith.constant 7 : i32
          %parallel_loop3A_283 = vector.broadcast %parallel_loop3A_282 : i32 to vector<16xi32>
          %parallel_loop3A_284 = arith.andi %parallel_loop3A_281, %parallel_loop3A_283 : vector<16xi32>
          %parallel_loop3A_285 = arith.addi %parallel_loop3A_284, %parallel_loop3A_157 : vector<16xi32>
          tpu.vector_store_idx %arg10[%broadcast_in_dim3A_79, %parallel_loop3A_285], %parallel_loop3A_275 : memref<8x6144xf32, #tpu.memory_space<vmem>>[vector<16xi32>, vector<16xi32>], vector<16xf32>,
        } {sc.loop_unroll_factor = 1 : i64, sc.parallel_access}
        %mul3A_146 = arith.constant 4 : i32
        %mul3A_147 = arith.muli %add3A_114, %mul3A_146 : i32
        %add3A_148 = arith.addi %mul3A_147, %select_n3A_30 : i32
        %mul3A_149 = arith.constant 6144 : i32
        %mul3A_150 = arith.muli %add3A_148, %mul3A_149 : i32
        %multiple_of3A_151 = tpu.assume_multiple %mul3A_150, 128 : i32
        %dma_start3A = tpu.memref_slice %arg4[%multiple_of3A, %multiple_of3A_151] : memref<64x800000xf32, #tpu.memory_space<hbm>> -> memref<8x6144xf32, #tpu.memory_space<hbm>>
        %dma_start3A_152 = tpu.memref_slice %arg4[%multiple_of3A, %multiple_of3A_151] : memref<64x800000xf32, #tpu.memory_space<hbm>> -> memref<8x6144xf32, #tpu.memory_space<hbm>>
        tpu.enqueue_dma source(%arg10 : memref<8x6144xf32, #tpu.memory_space<vmem>>) target(%dma_start3A_152 : memref<8x6144xf32, #tpu.memory_space<hbm>>) target_semaphore(%arg16 : memref<!tpu.dma_semaphore, #tpu.memory_space<semaphore_mem>>)
      } else {
      }
    }
    %scan3A_89 = arith.constant 17 : i32
    %ge3A = arith.constant 1 : i32
    %ge3A_90 = arith.cmpi sge, %select_n3A_62, %ge3A : i32
    %convert_element_type3A_91 = arith.extui %ge3A_90 : i1 to i32
    %cond3A_92 = arith.constant 0 : i32
    %cond3A_93 = arith.cmpi ne, %convert_element_type3A_91, %cond3A_92 : i32
    scf.if %cond3A_93 {
      %dma_wait3A = arith.constant 0 : i32
      %dma_wait3A_104 = arith.constant 0 : i32
      %dma_wait3A_105 = tpu.memref_slice %arg4[%dma_wait3A, %dma_wait3A_104] : memref<64x800000xf32, #tpu.memory_space<hbm>> -> memref<8x6144xf32, #tpu.memory_space<hbm>>
      %dma_wait3A_106 = arith.constant 0 : i32
      %dma_wait3A_107 = arith.constant 0 : i32
      %dma_wait3A_108 = tpu.memref_slice %arg4[%dma_wait3A_106, %dma_wait3A_107] : memref<64x800000xf32, #tpu.memory_space<hbm>> -> memref<8x6144xf32, #tpu.memory_space<hbm>>
      tpu.wait_dma2 semaphore(%arg15 : memref<!tpu.dma_semaphore, #tpu.memory_space<semaphore_mem>>) src(%arg9 : memref<8x6144xf32, #tpu.memory_space<vmem>>) dst(%dma_wait3A_108 : memref<8x6144xf32, #tpu.memory_space<hbm>>)
    } else {
    }
    %ge3A_94 = arith.constant 2 : i32
    %ge3A_95 = arith.cmpi sge, %select_n3A_62, %ge3A_94 : i32
    %convert_element_type3A_96 = arith.extui %ge3A_95 : i1 to i32
    %cond3A_97 = arith.constant 0 : i32
    %cond3A_98 = arith.cmpi ne, %convert_element_type3A_96, %cond3A_97 : i32
    scf.if %cond3A_98 {
      %dma_wait3A = arith.constant 0 : i32
      %dma_wait3A_104 = arith.constant 0 : i32
      %dma_wait3A_105 = tpu.memref_slice %arg4[%dma_wait3A, %dma_wait3A_104] : memref<64x800000xf32, #tpu.memory_space<hbm>> -> memref<8x6144xf32, #tpu.memory_space<hbm>>
      %dma_wait3A_106 = arith.constant 0 : i32
      %dma_wait3A_107 = arith.constant 0 : i32
      %dma_wait3A_108 = tpu.memref_slice %arg4[%dma_wait3A_106, %dma_wait3A_107] : memref<64x800000xf32, #tpu.memory_space<hbm>> -> memref<8x6144xf32, #tpu.memory_space<hbm>>
      tpu.wait_dma2 semaphore(%arg16 : memref<!tpu.dma_semaphore, #tpu.memory_space<semaphore_mem>>) src(%arg10 : memref<8x6144xf32, #tpu.memory_space<vmem>>) dst(%dma_wait3A_108 : memref<8x6144xf32, #tpu.memory_space<hbm>>)
    } else {
    }
    %eq3A_99 = arith.constant 2 : i32
    %eq3A_100 = arith.cmpi eq, %select_n3A_30, %eq3A_99 : i32
    %convert_element_type3A_101 = arith.extui %eq3A_100 : i1 to i32
    %cond3A_102 = arith.constant 0 : i32
    %cond3A_103 = arith.cmpi ne, %convert_element_type3A_101, %cond3A_102 : i32
    scf.if %cond3A_103 {
      %multiple_of3A_104 = arith.constant 99840 : i32
      %multiple_of3A_105 = tpu.assume_multiple %multiple_of3A_104, 128 : i32
      "tpu.region"() ({
        %run_scoped3A = tpu.sem_alloc : memref<!tpu.dma_semaphore, #tpu.memory_space<semaphore_mem>>
        %dma_start3A = arith.constant 0 : i32
        %dma_start3A_113 = arith.constant 0 : i32
        %dma_start3A_114 = tpu.memref_slice %arg5[%dma_start3A, %dma_start3A_113] : memref<8x768xf32, #tpu.memory_space<vmem>> -> memref<8x256xf32, #tpu.memory_space<vmem>>
        %dma_start3A_115 = tpu.memref_slice %arg2[%multiple_of3A, %multiple_of3A_105] : memref<64x100000xf32, #tpu.memory_space<hbm>> -> memref<8x256xf32, #tpu.memory_space<hbm>>
        %dma_start3A_116 = arith.constant 0 : i32
        %dma_start3A_117 = arith.constant 0 : i32
        %dma_start3A_118 = tpu.memref_slice %arg5[%dma_start3A_116, %dma_start3A_117] : memref<8x768xf32, #tpu.memory_space<vmem>> -> memref<8x256xf32, #tpu.memory_space<vmem>>
        %dma_start3A_119 = tpu.memref_slice %arg2[%multiple_of3A, %multiple_of3A_105] : memref<64x100000xf32, #tpu.memory_space<hbm>> -> memref<8x256xf32, #tpu.memory_space<hbm>>
        tpu.enqueue_dma source(%dma_start3A_119 : memref<8x256xf32, #tpu.memory_space<hbm>>) target(%dma_start3A_118 : memref<8x256xf32, #tpu.memory_space<vmem>>) target_semaphore(%run_scoped3A : memref<!tpu.dma_semaphore, #tpu.memory_space<semaphore_mem>>)
        %dma_wait3A = arith.constant 0 : i32
        %dma_wait3A_120 = arith.constant 0 : i32
        %dma_wait3A_121 = tpu.memref_slice %arg5[%dma_wait3A, %dma_wait3A_120] : memref<8x768xf32, #tpu.memory_space<vmem>> -> memref<8x256xf32, #tpu.memory_space<vmem>>
        %dma_wait3A_122 = tpu.memref_slice %arg2[%multiple_of3A, %multiple_of3A_105] : memref<64x100000xf32, #tpu.memory_space<hbm>> -> memref<8x256xf32, #tpu.memory_space<hbm>>
        %dma_wait3A_123 = arith.constant 0 : i32
        %dma_wait3A_124 = arith.constant 0 : i32
        %dma_wait3A_125 = tpu.memref_slice %arg5[%dma_wait3A_123, %dma_wait3A_124] : memref<8x768xf32, #tpu.memory_space<vmem>> -> memref<8x256xf32, #tpu.memory_space<vmem>>
        %dma_wait3A_126 = tpu.memref_slice %arg2[%multiple_of3A, %multiple_of3A_105] : memref<64x100000xf32, #tpu.memory_space<hbm>> -> memref<8x256xf32, #tpu.memory_space<hbm>>
        tpu.wait_dma2 semaphore(%run_scoped3A : memref<!tpu.dma_semaphore, #tpu.memory_space<semaphore_mem>>) src(%dma_wait3A_126 : memref<8x256xf32, #tpu.memory_space<hbm>>) dst(%dma_wait3A_125 : memref<8x256xf32, #tpu.memory_space<vmem>>)
        tpu.yield
      }) : () -> ()
      "tpu.region"() ({
        %run_scoped3A = tpu.sem_alloc : memref<!tpu.dma_semaphore, #tpu.memory_space<semaphore_mem>>
        %dma_start3A = arith.constant 0 : i32
        %dma_start3A_113 = arith.constant 0 : i32
        %dma_start3A_114 = tpu.memref_slice %arg7[%dma_start3A, %dma_start3A_113] : memref<8x768xi32, #tpu.memory_space<vmem>> -> memref<8x256xi32, #tpu.memory_space<vmem>>
        %dma_start3A_115 = tpu.memref_slice %arg3[%multiple_of3A, %multiple_of3A_105] : memref<64x100000xi32, #tpu.memory_space<hbm>> -> memref<8x256xi32, #tpu.memory_space<hbm>>
        %dma_start3A_116 = arith.constant 0 : i32
        %dma_start3A_117 = arith.constant 0 : i32
        %dma_start3A_118 = tpu.memref_slice %arg7[%dma_start3A_116, %dma_start3A_117] : memref<8x768xi32, #tpu.memory_space<vmem>> -> memref<8x256xi32, #tpu.memory_space<vmem>>
        %dma_start3A_119 = tpu.memref_slice %arg3[%multiple_of3A, %multiple_of3A_105] : memref<64x100000xi32, #tpu.memory_space<hbm>> -> memref<8x256xi32, #tpu.memory_space<hbm>>
        tpu.enqueue_dma source(%dma_start3A_119 : memref<8x256xi32, #tpu.memory_space<hbm>>) target(%dma_start3A_118 : memref<8x256xi32, #tpu.memory_space<vmem>>) target_semaphore(%run_scoped3A : memref<!tpu.dma_semaphore, #tpu.memory_space<semaphore_mem>>)
        %dma_wait3A = arith.constant 0 : i32
        %dma_wait3A_120 = arith.constant 0 : i32
        %dma_wait3A_121 = tpu.memref_slice %arg7[%dma_wait3A, %dma_wait3A_120] : memref<8x768xi32, #tpu.memory_space<vmem>> -> memref<8x256xi32, #tpu.memory_space<vmem>>
        %dma_wait3A_122 = tpu.memref_slice %arg3[%multiple_of3A, %multiple_of3A_105] : memref<64x100000xi32, #tpu.memory_space<hbm>> -> memref<8x256xi32, #tpu.memory_space<hbm>>
        %dma_wait3A_123 = arith.constant 0 : i32
        %dma_wait3A_124 = arith.constant 0 : i32
        %dma_wait3A_125 = tpu.memref_slice %arg7[%dma_wait3A_123, %dma_wait3A_124] : memref<8x768xi32, #tpu.memory_space<vmem>> -> memref<8x256xi32, #tpu.memory_space<vmem>>
        %dma_wait3A_126 = tpu.memref_slice %arg3[%multiple_of3A, %multiple_of3A_105] : memref<64x100000xi32, #tpu.memory_space<hbm>> -> memref<8x256xi32, #tpu.memory_space<hbm>>
        tpu.wait_dma2 semaphore(%run_scoped3A : memref<!tpu.dma_semaphore, #tpu.memory_space<semaphore_mem>>) src(%dma_wait3A_126 : memref<8x256xi32, #tpu.memory_space<hbm>>) dst(%dma_wait3A_125 : memref<8x256xi32, #tpu.memory_space<vmem>>)
        tpu.yield
      }) : () -> ()
      %parallel_loop3A = arith.constant 0 : i32
      %parallel_loop3A_106 = arith.constant 16 : i32
      %parallel_loop3A_107 = arith.constant 1 : i32
      scf.for %parallel_loop3A_113 = %parallel_loop3A to %parallel_loop3A_106 step %parallel_loop3A_107  : i32 {
        %parallel_loop3A_114 = arith.constant 8 : i32
        %parallel_loop3A_115 = arith.muli %parallel_loop3A_113, %parallel_loop3A_114 : i32
        %parallel_loop3A_116 = arith.constant 0 : i32
        %parallel_loop3A_117 = arith.addi %parallel_loop3A_115, %parallel_loop3A_116 : i32
        %parallel_loop3A_118 = arith.constant 16 : i32
        %parallel_loop3A_119 = arith.muli %parallel_loop3A_117, %parallel_loop3A_118 : i32
        %parallel_loop3A_120 = arith.constant 0 : i32
        %parallel_loop3A_121 = arith.index_cast %parallel_loop3A_120 : i32 to index
        %parallel_loop3A_122 = arith.index_cast %parallel_loop3A_119 : i32 to index
        %parallel_loop3A_123 = tpu.vector_load %arg9[%parallel_loop3A_121, %parallel_loop3A_122] {strides = array<i32>} : memref<8x6144xf32, #tpu.memory_space<vmem>>, vector<16xf32>,
        tpu.vector_store %arg9[%parallel_loop3A_121, %parallel_loop3A_122], %broadcast_in_dim3A_63 {strides = array<i32>} : memref<8x6144xf32, #tpu.memory_space<vmem>>, vector<16xf32>,
        %parallel_loop3A_124 = arith.constant 8 : i32
        %parallel_loop3A_125 = arith.muli %parallel_loop3A_113, %parallel_loop3A_124 : i32
        %parallel_loop3A_126 = arith.constant 1 : i32
        %parallel_loop3A_127 = arith.addi %parallel_loop3A_125, %parallel_loop3A_126 : i32
        %parallel_loop3A_128 = arith.constant 16 : i32
        %parallel_loop3A_129 = arith.muli %parallel_loop3A_127, %parallel_loop3A_128 : i32
        %parallel_loop3A_130 = arith.constant 0 : i32
        %parallel_loop3A_131 = arith.index_cast %parallel_loop3A_130 : i32 to index
        %parallel_loop3A_132 = arith.index_cast %parallel_loop3A_129 : i32 to index
        %parallel_loop3A_133 = tpu.vector_load %arg9[%parallel_loop3A_131, %parallel_loop3A_132] {strides = array<i32>} : memref<8x6144xf32, #tpu.memory_space<vmem>>, vector<16xf32>,
        tpu.vector_store %arg9[%parallel_loop3A_131, %parallel_loop3A_132], %broadcast_in_dim3A_63 {strides = array<i32>} : memref<8x6144xf32, #tpu.memory_space<vmem>>, vector<16xf32>,
        %parallel_loop3A_134 = arith.constant 8 : i32
        %parallel_loop3A_135 = arith.muli %parallel_loop3A_113, %parallel_loop3A_134 : i32
        %parallel_loop3A_136 = arith.constant 2 : i32
        %parallel_loop3A_137 = arith.addi %parallel_loop3A_135, %parallel_loop3A_136 : i32
        %parallel_loop3A_138 = arith.constant 16 : i32
        %parallel_loop3A_139 = arith.muli %parallel_loop3A_137, %parallel_loop3A_138 : i32
        %parallel_loop3A_140 = arith.constant 0 : i32
        %parallel_loop3A_141 = arith.index_cast %parallel_loop3A_140 : i32 to index
        %parallel_loop3A_142 = arith.index_cast %parallel_loop3A_139 : i32 to index
        %parallel_loop3A_143 = tpu.vector_load %arg9[%parallel_loop3A_141, %parallel_loop3A_142] {strides = array<i32>} : memref<8x6144xf32, #tpu.memory_space<vmem>>, vector<16xf32>,
        tpu.vector_store %arg9[%parallel_loop3A_141, %parallel_loop3A_142], %broadcast_in_dim3A_63 {strides = array<i32>} : memref<8x6144xf32, #tpu.memory_space<vmem>>, vector<16xf32>,
        %parallel_loop3A_144 = arith.constant 8 : i32
        %parallel_loop3A_145 = arith.muli %parallel_loop3A_113, %parallel_loop3A_144 : i32
        %parallel_loop3A_146 = arith.constant 3 : i32
        %parallel_loop3A_147 = arith.addi %parallel_loop3A_145, %parallel_loop3A_146 : i32
        %parallel_loop3A_148 = arith.constant 16 : i32
        %parallel_loop3A_149 = arith.muli %parallel_loop3A_147, %parallel_loop3A_148 : i32
        %parallel_loop3A_150 = arith.constant 0 : i32
        %parallel_loop3A_151 = arith.index_cast %parallel_loop3A_150 : i32 to index
        %parallel_loop3A_152 = arith.index_cast %parallel_loop3A_149 : i32 to index
        %parallel_loop3A_153 = tpu.vector_load %arg9[%parallel_loop3A_151, %parallel_loop3A_152] {strides = array<i32>} : memref<8x6144xf32, #tpu.memory_space<vmem>>, vector<16xf32>,
        tpu.vector_store %arg9[%parallel_loop3A_151, %parallel_loop3A_152], %broadcast_in_dim3A_63 {strides = array<i32>} : memref<8x6144xf32, #tpu.memory_space<vmem>>, vector<16xf32>,
        %parallel_loop3A_154 = arith.constant 8 : i32
        %parallel_loop3A_155 = arith.muli %parallel_loop3A_113, %parallel_loop3A_154 : i32
        %parallel_loop3A_156 = arith.constant 4 : i32
        %parallel_loop3A_157 = arith.addi %parallel_loop3A_155, %parallel_loop3A_156 : i32
        %parallel_loop3A_158 = arith.constant 16 : i32
        %parallel_loop3A_159 = arith.muli %parallel_loop3A_157, %parallel_loop3A_158 : i32
        %parallel_loop3A_160 = arith.constant 0 : i32
        %parallel_loop3A_161 = arith.index_cast %parallel_loop3A_160 : i32 to index
        %parallel_loop3A_162 = arith.index_cast %parallel_loop3A_159 : i32 to index
        %parallel_loop3A_163 = tpu.vector_load %arg9[%parallel_loop3A_161, %parallel_loop3A_162] {strides = array<i32>} : memref<8x6144xf32, #tpu.memory_space<vmem>>, vector<16xf32>,
        tpu.vector_store %arg9[%parallel_loop3A_161, %parallel_loop3A_162], %broadcast_in_dim3A_63 {strides = array<i32>} : memref<8x6144xf32, #tpu.memory_space<vmem>>, vector<16xf32>,
        %parallel_loop3A_164 = arith.constant 8 : i32
        %parallel_loop3A_165 = arith.muli %parallel_loop3A_113, %parallel_loop3A_164 : i32
        %parallel_loop3A_166 = arith.constant 5 : i32
        %parallel_loop3A_167 = arith.addi %parallel_loop3A_165, %parallel_loop3A_166 : i32
        %parallel_loop3A_168 = arith.constant 16 : i32
        %parallel_loop3A_169 = arith.muli %parallel_loop3A_167, %parallel_loop3A_168 : i32
        %parallel_loop3A_170 = arith.constant 0 : i32
        %parallel_loop3A_171 = arith.index_cast %parallel_loop3A_170 : i32 to index
        %parallel_loop3A_172 = arith.index_cast %parallel_loop3A_169 : i32 to index
        %parallel_loop3A_173 = tpu.vector_load %arg9[%parallel_loop3A_171, %parallel_loop3A_172] {strides = array<i32>} : memref<8x6144xf32, #tpu.memory_space<vmem>>, vector<16xf32>,
        tpu.vector_store %arg9[%parallel_loop3A_171, %parallel_loop3A_172], %broadcast_in_dim3A_63 {strides = array<i32>} : memref<8x6144xf32, #tpu.memory_space<vmem>>, vector<16xf32>,
        %parallel_loop3A_174 = arith.constant 8 : i32
        %parallel_loop3A_175 = arith.muli %parallel_loop3A_113, %parallel_loop3A_174 : i32
        %parallel_loop3A_176 = arith.constant 6 : i32
        %parallel_loop3A_177 = arith.addi %parallel_loop3A_175, %parallel_loop3A_176 : i32
        %parallel_loop3A_178 = arith.constant 16 : i32
        %parallel_loop3A_179 = arith.muli %parallel_loop3A_177, %parallel_loop3A_178 : i32
        %parallel_loop3A_180 = arith.constant 0 : i32
        %parallel_loop3A_181 = arith.index_cast %parallel_loop3A_180 : i32 to index
        %parallel_loop3A_182 = arith.index_cast %parallel_loop3A_179 : i32 to index
        %parallel_loop3A_183 = tpu.vector_load %arg9[%parallel_loop3A_181, %parallel_loop3A_182] {strides = array<i32>} : memref<8x6144xf32, #tpu.memory_space<vmem>>, vector<16xf32>,
        tpu.vector_store %arg9[%parallel_loop3A_181, %parallel_loop3A_182], %broadcast_in_dim3A_63 {strides = array<i32>} : memref<8x6144xf32, #tpu.memory_space<vmem>>, vector<16xf32>,
        %parallel_loop3A_184 = arith.constant 8 : i32
        %parallel_loop3A_185 = arith.muli %parallel_loop3A_113, %parallel_loop3A_184 : i32
        %parallel_loop3A_186 = arith.constant 7 : i32
        %parallel_loop3A_187 = arith.addi %parallel_loop3A_185, %parallel_loop3A_186 : i32
        %parallel_loop3A_188 = arith.constant 16 : i32
        %parallel_loop3A_189 = arith.muli %parallel_loop3A_187, %parallel_loop3A_188 : i32
        %parallel_loop3A_190 = arith.constant 0 : i32
        %parallel_loop3A_191 = arith.index_cast %parallel_loop3A_190 : i32 to index
        %parallel_loop3A_192 = arith.index_cast %parallel_loop3A_189 : i32 to index
        %parallel_loop3A_193 = tpu.vector_load %arg9[%parallel_loop3A_191, %parallel_loop3A_192] {strides = array<i32>} : memref<8x6144xf32, #tpu.memory_space<vmem>>, vector<16xf32>,
        tpu.vector_store %arg9[%parallel_loop3A_191, %parallel_loop3A_192], %broadcast_in_dim3A_63 {strides = array<i32>} : memref<8x6144xf32, #tpu.memory_space<vmem>>, vector<16xf32>,
        %parallel_loop3A_194 = arith.constant 8 : i32
        %parallel_loop3A_195 = arith.muli %parallel_loop3A_113, %parallel_loop3A_194 : i32
        %parallel_loop3A_196 = arith.constant 0 : i32
        %parallel_loop3A_197 = arith.addi %parallel_loop3A_195, %parallel_loop3A_196 : i32
        %parallel_loop3A_198 = arith.constant 16 : i32
        %parallel_loop3A_199 = arith.muli %parallel_loop3A_197, %parallel_loop3A_198 : i32
        %parallel_loop3A_200 = arith.constant 1 : i32
        %parallel_loop3A_201 = arith.index_cast %parallel_loop3A_200 : i32 to index
        %parallel_loop3A_202 = arith.index_cast %parallel_loop3A_199 : i32 to index
        %parallel_loop3A_203 = tpu.vector_load %arg9[%parallel_loop3A_201, %parallel_loop3A_202] {strides = array<i32>} : memref<8x6144xf32, #tpu.memory_space<vmem>>, vector<16xf32>,
        tpu.vector_store %arg9[%parallel_loop3A_201, %parallel_loop3A_202], %broadcast_in_dim3A_63 {strides = array<i32>} : memref<8x6144xf32, #tpu.memory_space<vmem>>, vector<16xf32>,
        %parallel_loop3A_204 = arith.constant 8 : i32
        %parallel_loop3A_205 = arith.muli %parallel_loop3A_113, %parallel_loop3A_204 : i32
        %parallel_loop3A_206 = arith.constant 1 : i32
        %parallel_loop3A_207 = arith.addi %parallel_loop3A_205, %parallel_loop3A_206 : i32
        %parallel_loop3A_208 = arith.constant 16 : i32
        %parallel_loop3A_209 = arith.muli %parallel_loop3A_207, %parallel_loop3A_208 : i32
        %parallel_loop3A_210 = arith.constant 1 : i32
        %parallel_loop3A_211 = arith.index_cast %parallel_loop3A_210 : i32 to index
        %parallel_loop3A_212 = arith.index_cast %parallel_loop3A_209 : i32 to index
        %parallel_loop3A_213 = tpu.vector_load %arg9[%parallel_loop3A_211, %parallel_loop3A_212] {strides = array<i32>} : memref<8x6144xf32, #tpu.memory_space<vmem>>, vector<16xf32>,
        tpu.vector_store %arg9[%parallel_loop3A_211, %parallel_loop3A_212], %broadcast_in_dim3A_63 {strides = array<i32>} : memref<8x6144xf32, #tpu.memory_space<vmem>>, vector<16xf32>,
        %parallel_loop3A_214 = arith.constant 8 : i32
        %parallel_loop3A_215 = arith.muli %parallel_loop3A_113, %parallel_loop3A_214 : i32
        %parallel_loop3A_216 = arith.constant 2 : i32
        %parallel_loop3A_217 = arith.addi %parallel_loop3A_215, %parallel_loop3A_216 : i32
        %parallel_loop3A_218 = arith.constant 16 : i32
        %parallel_loop3A_219 = arith.muli %parallel_loop3A_217, %parallel_loop3A_218 : i32
        %parallel_loop3A_220 = arith.constant 1 : i32
        %parallel_loop3A_221 = arith.index_cast %parallel_loop3A_220 : i32 to index
        %parallel_loop3A_222 = arith.index_cast %parallel_loop3A_219 : i32 to index
        %parallel_loop3A_223 = tpu.vector_load %arg9[%parallel_loop3A_221, %parallel_loop3A_222] {strides = array<i32>} : memref<8x6144xf32, #tpu.memory_space<vmem>>, vector<16xf32>,
        tpu.vector_store %arg9[%parallel_loop3A_221, %parallel_loop3A_222], %broadcast_in_dim3A_63 {strides = array<i32>} : memref<8x6144xf32, #tpu.memory_space<vmem>>, vector<16xf32>,
        %parallel_loop3A_224 = arith.constant 8 : i32
        %parallel_loop3A_225 = arith.muli %parallel_loop3A_113, %parallel_loop3A_224 : i32
        %parallel_loop3A_226 = arith.constant 3 : i32
        %parallel_loop3A_227 = arith.addi %parallel_loop3A_225, %parallel_loop3A_226 : i32
        %parallel_loop3A_228 = arith.constant 16 : i32
        %parallel_loop3A_229 = arith.muli %parallel_loop3A_227, %parallel_loop3A_228 : i32
        %parallel_loop3A_230 = arith.constant 1 : i32
        %parallel_loop3A_231 = arith.index_cast %parallel_loop3A_230 : i32 to index
        %parallel_loop3A_232 = arith.index_cast %parallel_loop3A_229 : i32 to index
        %parallel_loop3A_233 = tpu.vector_load %arg9[%parallel_loop3A_231, %parallel_loop3A_232] {strides = array<i32>} : memref<8x6144xf32, #tpu.memory_space<vmem>>, vector<16xf32>,
        tpu.vector_store %arg9[%parallel_loop3A_231, %parallel_loop3A_232], %broadcast_in_dim3A_63 {strides = array<i32>} : memref<8x6144xf32, #tpu.memory_space<vmem>>, vector<16xf32>,
        %parallel_loop3A_234 = arith.constant 8 : i32
        %parallel_loop3A_235 = arith.muli %parallel_loop3A_113, %parallel_loop3A_234 : i32
        %parallel_loop3A_236 = arith.constant 4 : i32
        %parallel_loop3A_237 = arith.addi %parallel_loop3A_235, %parallel_loop3A_236 : i32
        %parallel_loop3A_238 = arith.constant 16 : i32
        %parallel_loop3A_239 = arith.muli %parallel_loop3A_237, %parallel_loop3A_238 : i32
        %parallel_loop3A_240 = arith.constant 1 : i32
        %parallel_loop3A_241 = arith.index_cast %parallel_loop3A_240 : i32 to index
        %parallel_loop3A_242 = arith.index_cast %parallel_loop3A_239 : i32 to index
        %parallel_loop3A_243 = tpu.vector_load %arg9[%parallel_loop3A_241, %parallel_loop3A_242] {strides = array<i32>} : memref<8x6144xf32, #tpu.memory_space<vmem>>, vector<16xf32>,
        tpu.vector_store %arg9[%parallel_loop3A_241, %parallel_loop3A_242], %broadcast_in_dim3A_63 {strides = array<i32>} : memref<8x6144xf32, #tpu.memory_space<vmem>>, vector<16xf32>,
        %parallel_loop3A_244 = arith.constant 8 : i32
        %parallel_loop3A_245 = arith.muli %parallel_loop3A_113, %parallel_loop3A_244 : i32
        %parallel_loop3A_246 = arith.constant 5 : i32
        %parallel_loop3A_247 = arith.addi %parallel_loop3A_245, %parallel_loop3A_246 : i32
        %parallel_loop3A_248 = arith.constant 16 : i32
        %parallel_loop3A_249 = arith.muli %parallel_loop3A_247, %parallel_loop3A_248 : i32
        %parallel_loop3A_250 = arith.constant 1 : i32
        %parallel_loop3A_251 = arith.index_cast %parallel_loop3A_250 : i32 to index
        %parallel_loop3A_252 = arith.index_cast %parallel_loop3A_249 : i32 to index
        %parallel_loop3A_253 = tpu.vector_load %arg9[%parallel_loop3A_251, %parallel_loop3A_252] {strides = array<i32>} : memref<8x6144xf32, #tpu.memory_space<vmem>>, vector<16xf32>,
        tpu.vector_store %arg9[%parallel_loop3A_251, %parallel_loop3A_252], %broadcast_in_dim3A_63 {strides = array<i32>} : memref<8x6144xf32, #tpu.memory_space<vmem>>, vector<16xf32>,
        %parallel_loop3A_254 = arith.constant 8 : i32
        %parallel_loop3A_255 = arith.muli %parallel_loop3A_113, %parallel_loop3A_254 : i32
        %parallel_loop3A_256 = arith.constant 6 : i32
        %parallel_loop3A_257 = arith.addi %parallel_loop3A_255, %parallel_loop3A_256 : i32
        %parallel_loop3A_258 = arith.constant 16 : i32
        %parallel_loop3A_259 = arith.muli %parallel_loop3A_257, %parallel_loop3A_258 : i32
        %parallel_loop3A_260 = arith.constant 1 : i32
        %parallel_loop3A_261 = arith.index_cast %parallel_loop3A_260 : i32 to index
        %parallel_loop3A_262 = arith.index_cast %parallel_loop3A_259 : i32 to index
        %parallel_loop3A_263 = tpu.vector_load %arg9[%parallel_loop3A_261, %parallel_loop3A_262] {strides = array<i32>} : memref<8x6144xf32, #tpu.memory_space<vmem>>, vector<16xf32>,
        tpu.vector_store %arg9[%parallel_loop3A_261, %parallel_loop3A_262], %broadcast_in_dim3A_63 {strides = array<i32>} : memref<8x6144xf32, #tpu.memory_space<vmem>>, vector<16xf32>,
        %parallel_loop3A_264 = arith.constant 8 : i32
        %parallel_loop3A_265 = arith.muli %parallel_loop3A_113, %parallel_loop3A_264 : i32
        %parallel_loop3A_266 = arith.constant 7 : i32
        %parallel_loop3A_267 = arith.addi %parallel_loop3A_265, %parallel_loop3A_266 : i32
        %parallel_loop3A_268 = arith.constant 16 : i32
        %parallel_loop3A_269 = arith.muli %parallel_loop3A_267, %parallel_loop3A_268 : i32
        %parallel_loop3A_270 = arith.constant 1 : i32
        %parallel_loop3A_271 = arith.index_cast %parallel_loop3A_270 : i32 to index
        %parallel_loop3A_272 = arith.index_cast %parallel_loop3A_269 : i32 to index
        %parallel_loop3A_273 = tpu.vector_load %arg9[%parallel_loop3A_271, %parallel_loop3A_272] {strides = array<i32>} : memref<8x6144xf32, #tpu.memory_space<vmem>>, vector<16xf32>,
        tpu.vector_store %arg9[%parallel_loop3A_271, %parallel_loop3A_272], %broadcast_in_dim3A_63 {strides = array<i32>} : memref<8x6144xf32, #tpu.memory_space<vmem>>, vector<16xf32>,
        %parallel_loop3A_274 = arith.constant 8 : i32
        %parallel_loop3A_275 = arith.muli %parallel_loop3A_113, %parallel_loop3A_274 : i32
        %parallel_loop3A_276 = arith.constant 0 : i32
        %parallel_loop3A_277 = arith.addi %parallel_loop3A_275, %parallel_loop3A_276 : i32
        %parallel_loop3A_278 = arith.constant 16 : i32
        %parallel_loop3A_279 = arith.muli %parallel_loop3A_277, %parallel_loop3A_278 : i32
        %parallel_loop3A_280 = arith.constant 2 : i32
        %parallel_loop3A_281 = arith.index_cast %parallel_loop3A_280 : i32 to index
        %parallel_loop3A_282 = arith.index_cast %parallel_loop3A_279 : i32 to index
        %parallel_loop3A_283 = tpu.vector_load %arg9[%parallel_loop3A_281, %parallel_loop3A_282] {strides = array<i32>} : memref<8x6144xf32, #tpu.memory_space<vmem>>, vector<16xf32>,
        tpu.vector_store %arg9[%parallel_loop3A_281, %parallel_loop3A_282], %broadcast_in_dim3A_63 {strides = array<i32>} : memref<8x6144xf32, #tpu.memory_space<vmem>>, vector<16xf32>,
        %parallel_loop3A_284 = arith.constant 8 : i32
        %parallel_loop3A_285 = arith.muli %parallel_loop3A_113, %parallel_loop3A_284 : i32
        %parallel_loop3A_286 = arith.constant 1 : i32
        %parallel_loop3A_287 = arith.addi %parallel_loop3A_285, %parallel_loop3A_286 : i32
        %parallel_loop3A_288 = arith.constant 16 : i32
        %parallel_loop3A_289 = arith.muli %parallel_loop3A_287, %parallel_loop3A_288 : i32
        %parallel_loop3A_290 = arith.constant 2 : i32
        %parallel_loop3A_291 = arith.index_cast %parallel_loop3A_290 : i32 to index
        %parallel_loop3A_292 = arith.index_cast %parallel_loop3A_289 : i32 to index
        %parallel_loop3A_293 = tpu.vector_load %arg9[%parallel_loop3A_291, %parallel_loop3A_292] {strides = array<i32>} : memref<8x6144xf32, #tpu.memory_space<vmem>>, vector<16xf32>,
        tpu.vector_store %arg9[%parallel_loop3A_291, %parallel_loop3A_292], %broadcast_in_dim3A_63 {strides = array<i32>} : memref<8x6144xf32, #tpu.memory_space<vmem>>, vector<16xf32>,
        %parallel_loop3A_294 = arith.constant 8 : i32
        %parallel_loop3A_295 = arith.muli %parallel_loop3A_113, %parallel_loop3A_294 : i32
        %parallel_loop3A_296 = arith.constant 2 : i32
        %parallel_loop3A_297 = arith.addi %parallel_loop3A_295, %parallel_loop3A_296 : i32
        %parallel_loop3A_298 = arith.constant 16 : i32
        %parallel_loop3A_299 = arith.muli %parallel_loop3A_297, %parallel_loop3A_298 : i32
        %parallel_loop3A_300 = arith.constant 2 : i32
        %parallel_loop3A_301 = arith.index_cast %parallel_loop3A_300 : i32 to index
        %parallel_loop3A_302 = arith.index_cast %parallel_loop3A_299 : i32 to index
        %parallel_loop3A_303 = tpu.vector_load %arg9[%parallel_loop3A_301, %parallel_loop3A_302] {strides = array<i32>} : memref<8x6144xf32, #tpu.memory_space<vmem>>, vector<16xf32>,
        tpu.vector_store %arg9[%parallel_loop3A_301, %parallel_loop3A_302], %broadcast_in_dim3A_63 {strides = array<i32>} : memref<8x6144xf32, #tpu.memory_space<vmem>>, vector<16xf32>,
        %parallel_loop3A_304 = arith.constant 8 : i32
        %parallel_loop3A_305 = arith.muli %parallel_loop3A_113, %parallel_loop3A_304 : i32
        %parallel_loop3A_306 = arith.constant 3 : i32
        %parallel_loop3A_307 = arith.addi %parallel_loop3A_305, %parallel_loop3A_306 : i32
        %parallel_loop3A_308 = arith.constant 16 : i32
        %parallel_loop3A_309 = arith.muli %parallel_loop3A_307, %parallel_loop3A_308 : i32
        %parallel_loop3A_310 = arith.constant 2 : i32
        %parallel_loop3A_311 = arith.index_cast %parallel_loop3A_310 : i32 to index
        %parallel_loop3A_312 = arith.index_cast %parallel_loop3A_309 : i32 to index
        %parallel_loop3A_313 = tpu.vector_load %arg9[%parallel_loop3A_311, %parallel_loop3A_312] {strides = array<i32>} : memref<8x6144xf32, #tpu.memory_space<vmem>>, vector<16xf32>,
        tpu.vector_store %arg9[%parallel_loop3A_311, %parallel_loop3A_312], %broadcast_in_dim3A_63 {strides = array<i32>} : memref<8x6144xf32, #tpu.memory_space<vmem>>, vector<16xf32>,
        %parallel_loop3A_314 = arith.constant 8 : i32
        %parallel_loop3A_315 = arith.muli %parallel_loop3A_113, %parallel_loop3A_314 : i32
        %parallel_loop3A_316 = arith.constant 4 : i32
        %parallel_loop3A_317 = arith.addi %parallel_loop3A_315, %parallel_loop3A_316 : i32
        %parallel_loop3A_318 = arith.constant 16 : i32
        %parallel_loop3A_319 = arith.muli %parallel_loop3A_317, %parallel_loop3A_318 : i32
        %parallel_loop3A_320 = arith.constant 2 : i32
        %parallel_loop3A_321 = arith.index_cast %parallel_loop3A_320 : i32 to index
        %parallel_loop3A_322 = arith.index_cast %parallel_loop3A_319 : i32 to index
        %parallel_loop3A_323 = tpu.vector_load %arg9[%parallel_loop3A_321, %parallel_loop3A_322] {strides = array<i32>} : memref<8x6144xf32, #tpu.memory_space<vmem>>, vector<16xf32>,
        tpu.vector_store %arg9[%parallel_loop3A_321, %parallel_loop3A_322], %broadcast_in_dim3A_63 {strides = array<i32>} : memref<8x6144xf32, #tpu.memory_space<vmem>>, vector<16xf32>,
        %parallel_loop3A_324 = arith.constant 8 : i32
        %parallel_loop3A_325 = arith.muli %parallel_loop3A_113, %parallel_loop3A_324 : i32
        %parallel_loop3A_326 = arith.constant 5 : i32
        %parallel_loop3A_327 = arith.addi %parallel_loop3A_325, %parallel_loop3A_326 : i32
        %parallel_loop3A_328 = arith.constant 16 : i32
        %parallel_loop3A_329 = arith.muli %parallel_loop3A_327, %parallel_loop3A_328 : i32
        %parallel_loop3A_330 = arith.constant 2 : i32
        %parallel_loop3A_331 = arith.index_cast %parallel_loop3A_330 : i32 to index
        %parallel_loop3A_332 = arith.index_cast %parallel_loop3A_329 : i32 to index
        %parallel_loop3A_333 = tpu.vector_load %arg9[%parallel_loop3A_331, %parallel_loop3A_332] {strides = array<i32>} : memref<8x6144xf32, #tpu.memory_space<vmem>>, vector<16xf32>,
        tpu.vector_store %arg9[%parallel_loop3A_331, %parallel_loop3A_332], %broadcast_in_dim3A_63 {strides = array<i32>} : memref<8x6144xf32, #tpu.memory_space<vmem>>, vector<16xf32>,
        %parallel_loop3A_334 = arith.constant 8 : i32
        %parallel_loop3A_335 = arith.muli %parallel_loop3A_113, %parallel_loop3A_334 : i32
        %parallel_loop3A_336 = arith.constant 6 : i32
        %parallel_loop3A_337 = arith.addi %parallel_loop3A_335, %parallel_loop3A_336 : i32
        %parallel_loop3A_338 = arith.constant 16 : i32
        %parallel_loop3A_339 = arith.muli %parallel_loop3A_337, %parallel_loop3A_338 : i32
        %parallel_loop3A_340 = arith.constant 2 : i32
        %parallel_loop3A_341 = arith.index_cast %parallel_loop3A_340 : i32 to index
        %parallel_loop3A_342 = arith.index_cast %parallel_loop3A_339 : i32 to index
        %parallel_loop3A_343 = tpu.vector_load %arg9[%parallel_loop3A_341, %parallel_loop3A_342] {strides = array<i32>} : memref<8x6144xf32, #tpu.memory_space<vmem>>, vector<16xf32>,
        tpu.vector_store %arg9[%parallel_loop3A_341, %parallel_loop3A_342], %broadcast_in_dim3A_63 {strides = array<i32>} : memref<8x6144xf32, #tpu.memory_space<vmem>>, vector<16xf32>,
        %parallel_loop3A_344 = arith.constant 8 : i32
        %parallel_loop3A_345 = arith.muli %parallel_loop3A_113, %parallel_loop3A_344 : i32
        %parallel_loop3A_346 = arith.constant 7 : i32
        %parallel_loop3A_347 = arith.addi %parallel_loop3A_345, %parallel_loop3A_346 : i32
        %parallel_loop3A_348 = arith.constant 16 : i32
        %parallel_loop3A_349 = arith.muli %parallel_loop3A_347, %parallel_loop3A_348 : i32
        %parallel_loop3A_350 = arith.constant 2 : i32
        %parallel_loop3A_351 = arith.index_cast %parallel_loop3A_350 : i32 to index
        %parallel_loop3A_352 = arith.index_cast %parallel_loop3A_349 : i32 to index
        %parallel_loop3A_353 = tpu.vector_load %arg9[%parallel_loop3A_351, %parallel_loop3A_352] {strides = array<i32>} : memref<8x6144xf32, #tpu.memory_space<vmem>>, vector<16xf32>,
        tpu.vector_store %arg9[%parallel_loop3A_351, %parallel_loop3A_352], %broadcast_in_dim3A_63 {strides = array<i32>} : memref<8x6144xf32, #tpu.memory_space<vmem>>, vector<16xf32>,
        %parallel_loop3A_354 = arith.constant 8 : i32
        %parallel_loop3A_355 = arith.muli %parallel_loop3A_113, %parallel_loop3A_354 : i32
        %parallel_loop3A_356 = arith.constant 0 : i32
        %parallel_loop3A_357 = arith.addi %parallel_loop3A_355, %parallel_loop3A_356 : i32
        %parallel_loop3A_358 = arith.constant 16 : i32
        %parallel_loop3A_359 = arith.muli %parallel_loop3A_357, %parallel_loop3A_358 : i32
        %parallel_loop3A_360 = arith.constant 3 : i32
        %parallel_loop3A_361 = arith.index_cast %parallel_loop3A_360 : i32 to index
        %parallel_loop3A_362 = arith.index_cast %parallel_loop3A_359 : i32 to index
        %parallel_loop3A_363 = tpu.vector_load %arg9[%parallel_loop3A_361, %parallel_loop3A_362] {strides = array<i32>} : memref<8x6144xf32, #tpu.memory_space<vmem>>, vector<16xf32>,
        tpu.vector_store %arg9[%parallel_loop3A_361, %parallel_loop3A_362], %broadcast_in_dim3A_63 {strides = array<i32>} : memref<8x6144xf32, #tpu.memory_space<vmem>>, vector<16xf32>,
        %parallel_loop3A_364 = arith.constant 8 : i32
        %parallel_loop3A_365 = arith.muli %parallel_loop3A_113, %parallel_loop3A_364 : i32
        %parallel_loop3A_366 = arith.constant 1 : i32
        %parallel_loop3A_367 = arith.addi %parallel_loop3A_365, %parallel_loop3A_366 : i32
        %parallel_loop3A_368 = arith.constant 16 : i32
        %parallel_loop3A_369 = arith.muli %parallel_loop3A_367, %parallel_loop3A_368 : i32
        %parallel_loop3A_370 = arith.constant 3 : i32
        %parallel_loop3A_371 = arith.index_cast %parallel_loop3A_370 : i32 to index
        %parallel_loop3A_372 = arith.index_cast %parallel_loop3A_369 : i32 to index
        %parallel_loop3A_373 = tpu.vector_load %arg9[%parallel_loop3A_371, %parallel_loop3A_372] {strides = array<i32>} : memref<8x6144xf32, #tpu.memory_space<vmem>>, vector<16xf32>,
        tpu.vector_store %arg9[%parallel_loop3A_371, %parallel_loop3A_372], %broadcast_in_dim3A_63 {strides = array<i32>} : memref<8x6144xf32, #tpu.memory_space<vmem>>, vector<16xf32>,
        %parallel_loop3A_374 = arith.constant 8 : i32
        %parallel_loop3A_375 = arith.muli %parallel_loop3A_113, %parallel_loop3A_374 : i32
        %parallel_loop3A_376 = arith.constant 2 : i32
        %parallel_loop3A_377 = arith.addi %parallel_loop3A_375, %parallel_loop3A_376 : i32
        %parallel_loop3A_378 = arith.constant 16 : i32
        %parallel_loop3A_379 = arith.muli %parallel_loop3A_377, %parallel_loop3A_378 : i32
        %parallel_loop3A_380 = arith.constant 3 : i32
        %parallel_loop3A_381 = arith.index_cast %parallel_loop3A_380 : i32 to index
        %parallel_loop3A_382 = arith.index_cast %parallel_loop3A_379 : i32 to index
        %parallel_loop3A_383 = tpu.vector_load %arg9[%parallel_loop3A_381, %parallel_loop3A_382] {strides = array<i32>} : memref<8x6144xf32, #tpu.memory_space<vmem>>, vector<16xf32>,
        tpu.vector_store %arg9[%parallel_loop3A_381, %parallel_loop3A_382], %broadcast_in_dim3A_63 {strides = array<i32>} : memref<8x6144xf32, #tpu.memory_space<vmem>>, vector<16xf32>,
        %parallel_loop3A_384 = arith.constant 8 : i32
        %parallel_loop3A_385 = arith.muli %parallel_loop3A_113, %parallel_loop3A_384 : i32
        %parallel_loop3A_386 = arith.constant 3 : i32
        %parallel_loop3A_387 = arith.addi %parallel_loop3A_385, %parallel_loop3A_386 : i32
        %parallel_loop3A_388 = arith.constant 16 : i32
        %parallel_loop3A_389 = arith.muli %parallel_loop3A_387, %parallel_loop3A_388 : i32
        %parallel_loop3A_390 = arith.constant 3 : i32
        %parallel_loop3A_391 = arith.index_cast %parallel_loop3A_390 : i32 to index
        %parallel_loop3A_392 = arith.index_cast %parallel_loop3A_389 : i32 to index
        %parallel_loop3A_393 = tpu.vector_load %arg9[%parallel_loop3A_391, %parallel_loop3A_392] {strides = array<i32>} : memref<8x6144xf32, #tpu.memory_space<vmem>>, vector<16xf32>,
        tpu.vector_store %arg9[%parallel_loop3A_391, %parallel_loop3A_392], %broadcast_in_dim3A_63 {strides = array<i32>} : memref<8x6144xf32, #tpu.memory_space<vmem>>, vector<16xf32>,
        %parallel_loop3A_394 = arith.constant 8 : i32
        %parallel_loop3A_395 = arith.muli %parallel_loop3A_113, %parallel_loop3A_394 : i32
        %parallel_loop3A_396 = arith.constant 4 : i32
        %parallel_loop3A_397 = arith.addi %parallel_loop3A_395, %parallel_loop3A_396 : i32
        %parallel_loop3A_398 = arith.constant 16 : i32
        %parallel_loop3A_399 = arith.muli %parallel_loop3A_397, %parallel_loop3A_398 : i32
        %parallel_loop3A_400 = arith.constant 3 : i32
        %parallel_loop3A_401 = arith.index_cast %parallel_loop3A_400 : i32 to index
        %parallel_loop3A_402 = arith.index_cast %parallel_loop3A_399 : i32 to index
        %parallel_loop3A_403 = tpu.vector_load %arg9[%parallel_loop3A_401, %parallel_loop3A_402] {strides = array<i32>} : memref<8x6144xf32, #tpu.memory_space<vmem>>, vector<16xf32>,
        tpu.vector_store %arg9[%parallel_loop3A_401, %parallel_loop3A_402], %broadcast_in_dim3A_63 {strides = array<i32>} : memref<8x6144xf32, #tpu.memory_space<vmem>>, vector<16xf32>,
        %parallel_loop3A_404 = arith.constant 8 : i32
        %parallel_loop3A_405 = arith.muli %parallel_loop3A_113, %parallel_loop3A_404 : i32
        %parallel_loop3A_406 = arith.constant 5 : i32
        %parallel_loop3A_407 = arith.addi %parallel_loop3A_405, %parallel_loop3A_406 : i32
        %parallel_loop3A_408 = arith.constant 16 : i32
        %parallel_loop3A_409 = arith.muli %parallel_loop3A_407, %parallel_loop3A_408 : i32
        %parallel_loop3A_410 = arith.constant 3 : i32
        %parallel_loop3A_411 = arith.index_cast %parallel_loop3A_410 : i32 to index
        %parallel_loop3A_412 = arith.index_cast %parallel_loop3A_409 : i32 to index
        %parallel_loop3A_413 = tpu.vector_load %arg9[%parallel_loop3A_411, %parallel_loop3A_412] {strides = array<i32>} : memref<8x6144xf32, #tpu.memory_space<vmem>>, vector<16xf32>,
        tpu.vector_store %arg9[%parallel_loop3A_411, %parallel_loop3A_412], %broadcast_in_dim3A_63 {strides = array<i32>} : memref<8x6144xf32, #tpu.memory_space<vmem>>, vector<16xf32>,
        %parallel_loop3A_414 = arith.constant 8 : i32
        %parallel_loop3A_415 = arith.muli %parallel_loop3A_113, %parallel_loop3A_414 : i32
        %parallel_loop3A_416 = arith.constant 6 : i32
        %parallel_loop3A_417 = arith.addi %parallel_loop3A_415, %parallel_loop3A_416 : i32
        %parallel_loop3A_418 = arith.constant 16 : i32
        %parallel_loop3A_419 = arith.muli %parallel_loop3A_417, %parallel_loop3A_418 : i32
        %parallel_loop3A_420 = arith.constant 3 : i32
        %parallel_loop3A_421 = arith.index_cast %parallel_loop3A_420 : i32 to index
        %parallel_loop3A_422 = arith.index_cast %parallel_loop3A_419 : i32 to index
        %parallel_loop3A_423 = tpu.vector_load %arg9[%parallel_loop3A_421, %parallel_loop3A_422] {strides = array<i32>} : memref<8x6144xf32, #tpu.memory_space<vmem>>, vector<16xf32>,
        tpu.vector_store %arg9[%parallel_loop3A_421, %parallel_loop3A_422], %broadcast_in_dim3A_63 {strides = array<i32>} : memref<8x6144xf32, #tpu.memory_space<vmem>>, vector<16xf32>,
        %parallel_loop3A_424 = arith.constant 8 : i32
        %parallel_loop3A_425 = arith.muli %parallel_loop3A_113, %parallel_loop3A_424 : i32
        %parallel_loop3A_426 = arith.constant 7 : i32
        %parallel_loop3A_427 = arith.addi %parallel_loop3A_425, %parallel_loop3A_426 : i32
        %parallel_loop3A_428 = arith.constant 16 : i32
        %parallel_loop3A_429 = arith.muli %parallel_loop3A_427, %parallel_loop3A_428 : i32
        %parallel_loop3A_430 = arith.constant 3 : i32
        %parallel_loop3A_431 = arith.index_cast %parallel_loop3A_430 : i32 to index
        %parallel_loop3A_432 = arith.index_cast %parallel_loop3A_429 : i32 to index
        %parallel_loop3A_433 = tpu.vector_load %arg9[%parallel_loop3A_431, %parallel_loop3A_432] {strides = array<i32>} : memref<8x6144xf32, #tpu.memory_space<vmem>>, vector<16xf32>,
        tpu.vector_store %arg9[%parallel_loop3A_431, %parallel_loop3A_432], %broadcast_in_dim3A_63 {strides = array<i32>} : memref<8x6144xf32, #tpu.memory_space<vmem>>, vector<16xf32>,
        %parallel_loop3A_434 = arith.constant 8 : i32
        %parallel_loop3A_435 = arith.muli %parallel_loop3A_113, %parallel_loop3A_434 : i32
        %parallel_loop3A_436 = arith.constant 0 : i32
        %parallel_loop3A_437 = arith.addi %parallel_loop3A_435, %parallel_loop3A_436 : i32
        %parallel_loop3A_438 = arith.constant 16 : i32
        %parallel_loop3A_439 = arith.muli %parallel_loop3A_437, %parallel_loop3A_438 : i32
        %parallel_loop3A_440 = arith.constant 4 : i32
        %parallel_loop3A_441 = arith.index_cast %parallel_loop3A_440 : i32 to index
        %parallel_loop3A_442 = arith.index_cast %parallel_loop3A_439 : i32 to index
        %parallel_loop3A_443 = tpu.vector_load %arg9[%parallel_loop3A_441, %parallel_loop3A_442] {strides = array<i32>} : memref<8x6144xf32, #tpu.memory_space<vmem>>, vector<16xf32>,
        tpu.vector_store %arg9[%parallel_loop3A_441, %parallel_loop3A_442], %broadcast_in_dim3A_63 {strides = array<i32>} : memref<8x6144xf32, #tpu.memory_space<vmem>>, vector<16xf32>,
        %parallel_loop3A_444 = arith.constant 8 : i32
        %parallel_loop3A_445 = arith.muli %parallel_loop3A_113, %parallel_loop3A_444 : i32
        %parallel_loop3A_446 = arith.constant 1 : i32
        %parallel_loop3A_447 = arith.addi %parallel_loop3A_445, %parallel_loop3A_446 : i32
        %parallel_loop3A_448 = arith.constant 16 : i32
        %parallel_loop3A_449 = arith.muli %parallel_loop3A_447, %parallel_loop3A_448 : i32
        %parallel_loop3A_450 = arith.constant 4 : i32
        %parallel_loop3A_451 = arith.index_cast %parallel_loop3A_450 : i32 to index
        %parallel_loop3A_452 = arith.index_cast %parallel_loop3A_449 : i32 to index
        %parallel_loop3A_453 = tpu.vector_load %arg9[%parallel_loop3A_451, %parallel_loop3A_452] {strides = array<i32>} : memref<8x6144xf32, #tpu.memory_space<vmem>>, vector<16xf32>,
        tpu.vector_store %arg9[%parallel_loop3A_451, %parallel_loop3A_452], %broadcast_in_dim3A_63 {strides = array<i32>} : memref<8x6144xf32, #tpu.memory_space<vmem>>, vector<16xf32>,
        %parallel_loop3A_454 = arith.constant 8 : i32
        %parallel_loop3A_455 = arith.muli %parallel_loop3A_113, %parallel_loop3A_454 : i32
        %parallel_loop3A_456 = arith.constant 2 : i32
        %parallel_loop3A_457 = arith.addi %parallel_loop3A_455, %parallel_loop3A_456 : i32
        %parallel_loop3A_458 = arith.constant 16 : i32
        %parallel_loop3A_459 = arith.muli %parallel_loop3A_457, %parallel_loop3A_458 : i32
        %parallel_loop3A_460 = arith.constant 4 : i32
        %parallel_loop3A_461 = arith.index_cast %parallel_loop3A_460 : i32 to index
        %parallel_loop3A_462 = arith.index_cast %parallel_loop3A_459 : i32 to index
        %parallel_loop3A_463 = tpu.vector_load %arg9[%parallel_loop3A_461, %parallel_loop3A_462] {strides = array<i32>} : memref<8x6144xf32, #tpu.memory_space<vmem>>, vector<16xf32>,
        tpu.vector_store %arg9[%parallel_loop3A_461, %parallel_loop3A_462], %broadcast_in_dim3A_63 {strides = array<i32>} : memref<8x6144xf32, #tpu.memory_space<vmem>>, vector<16xf32>,
        %parallel_loop3A_464 = arith.constant 8 : i32
        %parallel_loop3A_465 = arith.muli %parallel_loop3A_113, %parallel_loop3A_464 : i32
        %parallel_loop3A_466 = arith.constant 3 : i32
        %parallel_loop3A_467 = arith.addi %parallel_loop3A_465, %parallel_loop3A_466 : i32
        %parallel_loop3A_468 = arith.constant 16 : i32
        %parallel_loop3A_469 = arith.muli %parallel_loop3A_467, %parallel_loop3A_468 : i32
        %parallel_loop3A_470 = arith.constant 4 : i32
        %parallel_loop3A_471 = arith.index_cast %parallel_loop3A_470 : i32 to index
        %parallel_loop3A_472 = arith.index_cast %parallel_loop3A_469 : i32 to index
        %parallel_loop3A_473 = tpu.vector_load %arg9[%parallel_loop3A_471, %parallel_loop3A_472] {strides = array<i32>} : memref<8x6144xf32, #tpu.memory_space<vmem>>, vector<16xf32>,
        tpu.vector_store %arg9[%parallel_loop3A_471, %parallel_loop3A_472], %broadcast_in_dim3A_63 {strides = array<i32>} : memref<8x6144xf32, #tpu.memory_space<vmem>>, vector<16xf32>,
        %parallel_loop3A_474 = arith.constant 8 : i32
        %parallel_loop3A_475 = arith.muli %parallel_loop3A_113, %parallel_loop3A_474 : i32
        %parallel_loop3A_476 = arith.constant 4 : i32
        %parallel_loop3A_477 = arith.addi %parallel_loop3A_475, %parallel_loop3A_476 : i32
        %parallel_loop3A_478 = arith.constant 16 : i32
        %parallel_loop3A_479 = arith.muli %parallel_loop3A_477, %parallel_loop3A_478 : i32
        %parallel_loop3A_480 = arith.constant 4 : i32
        %parallel_loop3A_481 = arith.index_cast %parallel_loop3A_480 : i32 to index
        %parallel_loop3A_482 = arith.index_cast %parallel_loop3A_479 : i32 to index
        %parallel_loop3A_483 = tpu.vector_load %arg9[%parallel_loop3A_481, %parallel_loop3A_482] {strides = array<i32>} : memref<8x6144xf32, #tpu.memory_space<vmem>>, vector<16xf32>,
        tpu.vector_store %arg9[%parallel_loop3A_481, %parallel_loop3A_482], %broadcast_in_dim3A_63 {strides = array<i32>} : memref<8x6144xf32, #tpu.memory_space<vmem>>, vector<16xf32>,
        %parallel_loop3A_484 = arith.constant 8 : i32
        %parallel_loop3A_485 = arith.muli %parallel_loop3A_113, %parallel_loop3A_484 : i32
        %parallel_loop3A_486 = arith.constant 5 : i32
        %parallel_loop3A_487 = arith.addi %parallel_loop3A_485, %parallel_loop3A_486 : i32
        %parallel_loop3A_488 = arith.constant 16 : i32
        %parallel_loop3A_489 = arith.muli %parallel_loop3A_487, %parallel_loop3A_488 : i32
        %parallel_loop3A_490 = arith.constant 4 : i32
        %parallel_loop3A_491 = arith.index_cast %parallel_loop3A_490 : i32 to index
        %parallel_loop3A_492 = arith.index_cast %parallel_loop3A_489 : i32 to index
        %parallel_loop3A_493 = tpu.vector_load %arg9[%parallel_loop3A_491, %parallel_loop3A_492] {strides = array<i32>} : memref<8x6144xf32, #tpu.memory_space<vmem>>, vector<16xf32>,
        tpu.vector_store %arg9[%parallel_loop3A_491, %parallel_loop3A_492], %broadcast_in_dim3A_63 {strides = array<i32>} : memref<8x6144xf32, #tpu.memory_space<vmem>>, vector<16xf32>,
        %parallel_loop3A_494 = arith.constant 8 : i32
        %parallel_loop3A_495 = arith.muli %parallel_loop3A_113, %parallel_loop3A_494 : i32
        %parallel_loop3A_496 = arith.constant 6 : i32
        %parallel_loop3A_497 = arith.addi %parallel_loop3A_495, %parallel_loop3A_496 : i32
        %parallel_loop3A_498 = arith.constant 16 : i32
        %parallel_loop3A_499 = arith.muli %parallel_loop3A_497, %parallel_loop3A_498 : i32
        %parallel_loop3A_500 = arith.constant 4 : i32
        %parallel_loop3A_501 = arith.index_cast %parallel_loop3A_500 : i32 to index
        %parallel_loop3A_502 = arith.index_cast %parallel_loop3A_499 : i32 to index
        %parallel_loop3A_503 = tpu.vector_load %arg9[%parallel_loop3A_501, %parallel_loop3A_502] {strides = array<i32>} : memref<8x6144xf32, #tpu.memory_space<vmem>>, vector<16xf32>,
        tpu.vector_store %arg9[%parallel_loop3A_501, %parallel_loop3A_502], %broadcast_in_dim3A_63 {strides = array<i32>} : memref<8x6144xf32, #tpu.memory_space<vmem>>, vector<16xf32>,
        %parallel_loop3A_504 = arith.constant 8 : i32
        %parallel_loop3A_505 = arith.muli %parallel_loop3A_113, %parallel_loop3A_504 : i32
        %parallel_loop3A_506 = arith.constant 7 : i32
        %parallel_loop3A_507 = arith.addi %parallel_loop3A_505, %parallel_loop3A_506 : i32
        %parallel_loop3A_508 = arith.constant 16 : i32
        %parallel_loop3A_509 = arith.muli %parallel_loop3A_507, %parallel_loop3A_508 : i32
        %parallel_loop3A_510 = arith.constant 4 : i32
        %parallel_loop3A_511 = arith.index_cast %parallel_loop3A_510 : i32 to index
        %parallel_loop3A_512 = arith.index_cast %parallel_loop3A_509 : i32 to index
        %parallel_loop3A_513 = tpu.vector_load %arg9[%parallel_loop3A_511, %parallel_loop3A_512] {strides = array<i32>} : memref<8x6144xf32, #tpu.memory_space<vmem>>, vector<16xf32>,
        tpu.vector_store %arg9[%parallel_loop3A_511, %parallel_loop3A_512], %broadcast_in_dim3A_63 {strides = array<i32>} : memref<8x6144xf32, #tpu.memory_space<vmem>>, vector<16xf32>,
        %parallel_loop3A_514 = arith.constant 8 : i32
        %parallel_loop3A_515 = arith.muli %parallel_loop3A_113, %parallel_loop3A_514 : i32
        %parallel_loop3A_516 = arith.constant 0 : i32
        %parallel_loop3A_517 = arith.addi %parallel_loop3A_515, %parallel_loop3A_516 : i32
        %parallel_loop3A_518 = arith.constant 16 : i32
        %parallel_loop3A_519 = arith.muli %parallel_loop3A_517, %parallel_loop3A_518 : i32
        %parallel_loop3A_520 = arith.constant 5 : i32
        %parallel_loop3A_521 = arith.index_cast %parallel_loop3A_520 : i32 to index
        %parallel_loop3A_522 = arith.index_cast %parallel_loop3A_519 : i32 to index
        %parallel_loop3A_523 = tpu.vector_load %arg9[%parallel_loop3A_521, %parallel_loop3A_522] {strides = array<i32>} : memref<8x6144xf32, #tpu.memory_space<vmem>>, vector<16xf32>,
        tpu.vector_store %arg9[%parallel_loop3A_521, %parallel_loop3A_522], %broadcast_in_dim3A_63 {strides = array<i32>} : memref<8x6144xf32, #tpu.memory_space<vmem>>, vector<16xf32>,
        %parallel_loop3A_524 = arith.constant 8 : i32
        %parallel_loop3A_525 = arith.muli %parallel_loop3A_113, %parallel_loop3A_524 : i32
        %parallel_loop3A_526 = arith.constant 1 : i32
        %parallel_loop3A_527 = arith.addi %parallel_loop3A_525, %parallel_loop3A_526 : i32
        %parallel_loop3A_528 = arith.constant 16 : i32
        %parallel_loop3A_529 = arith.muli %parallel_loop3A_527, %parallel_loop3A_528 : i32
        %parallel_loop3A_530 = arith.constant 5 : i32
        %parallel_loop3A_531 = arith.index_cast %parallel_loop3A_530 : i32 to index
        %parallel_loop3A_532 = arith.index_cast %parallel_loop3A_529 : i32 to index
        %parallel_loop3A_533 = tpu.vector_load %arg9[%parallel_loop3A_531, %parallel_loop3A_532] {strides = array<i32>} : memref<8x6144xf32, #tpu.memory_space<vmem>>, vector<16xf32>,
        tpu.vector_store %arg9[%parallel_loop3A_531, %parallel_loop3A_532], %broadcast_in_dim3A_63 {strides = array<i32>} : memref<8x6144xf32, #tpu.memory_space<vmem>>, vector<16xf32>,
        %parallel_loop3A_534 = arith.constant 8 : i32
        %parallel_loop3A_535 = arith.muli %parallel_loop3A_113, %parallel_loop3A_534 : i32
        %parallel_loop3A_536 = arith.constant 2 : i32
        %parallel_loop3A_537 = arith.addi %parallel_loop3A_535, %parallel_loop3A_536 : i32
        %parallel_loop3A_538 = arith.constant 16 : i32
        %parallel_loop3A_539 = arith.muli %parallel_loop3A_537, %parallel_loop3A_538 : i32
        %parallel_loop3A_540 = arith.constant 5 : i32
        %parallel_loop3A_541 = arith.index_cast %parallel_loop3A_540 : i32 to index
        %parallel_loop3A_542 = arith.index_cast %parallel_loop3A_539 : i32 to index
        %parallel_loop3A_543 = tpu.vector_load %arg9[%parallel_loop3A_541, %parallel_loop3A_542] {strides = array<i32>} : memref<8x6144xf32, #tpu.memory_space<vmem>>, vector<16xf32>,
        tpu.vector_store %arg9[%parallel_loop3A_541, %parallel_loop3A_542], %broadcast_in_dim3A_63 {strides = array<i32>} : memref<8x6144xf32, #tpu.memory_space<vmem>>, vector<16xf32>,
        %parallel_loop3A_544 = arith.constant 8 : i32
        %parallel_loop3A_545 = arith.muli %parallel_loop3A_113, %parallel_loop3A_544 : i32
        %parallel_loop3A_546 = arith.constant 3 : i32
        %parallel_loop3A_547 = arith.addi %parallel_loop3A_545, %parallel_loop3A_546 : i32
        %parallel_loop3A_548 = arith.constant 16 : i32
        %parallel_loop3A_549 = arith.muli %parallel_loop3A_547, %parallel_loop3A_548 : i32
        %parallel_loop3A_550 = arith.constant 5 : i32
        %parallel_loop3A_551 = arith.index_cast %parallel_loop3A_550 : i32 to index
        %parallel_loop3A_552 = arith.index_cast %parallel_loop3A_549 : i32 to index
        %parallel_loop3A_553 = tpu.vector_load %arg9[%parallel_loop3A_551, %parallel_loop3A_552] {strides = array<i32>} : memref<8x6144xf32, #tpu.memory_space<vmem>>, vector<16xf32>,
        tpu.vector_store %arg9[%parallel_loop3A_551, %parallel_loop3A_552], %broadcast_in_dim3A_63 {strides = array<i32>} : memref<8x6144xf32, #tpu.memory_space<vmem>>, vector<16xf32>,
        %parallel_loop3A_554 = arith.constant 8 : i32
        %parallel_loop3A_555 = arith.muli %parallel_loop3A_113, %parallel_loop3A_554 : i32
        %parallel_loop3A_556 = arith.constant 4 : i32
        %parallel_loop3A_557 = arith.addi %parallel_loop3A_555, %parallel_loop3A_556 : i32
        %parallel_loop3A_558 = arith.constant 16 : i32
        %parallel_loop3A_559 = arith.muli %parallel_loop3A_557, %parallel_loop3A_558 : i32
        %parallel_loop3A_560 = arith.constant 5 : i32
        %parallel_loop3A_561 = arith.index_cast %parallel_loop3A_560 : i32 to index
        %parallel_loop3A_562 = arith.index_cast %parallel_loop3A_559 : i32 to index
        %parallel_loop3A_563 = tpu.vector_load %arg9[%parallel_loop3A_561, %parallel_loop3A_562] {strides = array<i32>} : memref<8x6144xf32, #tpu.memory_space<vmem>>, vector<16xf32>,
        tpu.vector_store %arg9[%parallel_loop3A_561, %parallel_loop3A_562], %broadcast_in_dim3A_63 {strides = array<i32>} : memref<8x6144xf32, #tpu.memory_space<vmem>>, vector<16xf32>,
        %parallel_loop3A_564 = arith.constant 8 : i32
        %parallel_loop3A_565 = arith.muli %parallel_loop3A_113, %parallel_loop3A_564 : i32
        %parallel_loop3A_566 = arith.constant 5 : i32
        %parallel_loop3A_567 = arith.addi %parallel_loop3A_565, %parallel_loop3A_566 : i32
        %parallel_loop3A_568 = arith.constant 16 : i32
        %parallel_loop3A_569 = arith.muli %parallel_loop3A_567, %parallel_loop3A_568 : i32
        %parallel_loop3A_570 = arith.constant 5 : i32
        %parallel_loop3A_571 = arith.index_cast %parallel_loop3A_570 : i32 to index
        %parallel_loop3A_572 = arith.index_cast %parallel_loop3A_569 : i32 to index
        %parallel_loop3A_573 = tpu.vector_load %arg9[%parallel_loop3A_571, %parallel_loop3A_572] {strides = array<i32>} : memref<8x6144xf32, #tpu.memory_space<vmem>>, vector<16xf32>,
        tpu.vector_store %arg9[%parallel_loop3A_571, %parallel_loop3A_572], %broadcast_in_dim3A_63 {strides = array<i32>} : memref<8x6144xf32, #tpu.memory_space<vmem>>, vector<16xf32>,
        %parallel_loop3A_574 = arith.constant 8 : i32
        %parallel_loop3A_575 = arith.muli %parallel_loop3A_113, %parallel_loop3A_574 : i32
        %parallel_loop3A_576 = arith.constant 6 : i32
        %parallel_loop3A_577 = arith.addi %parallel_loop3A_575, %parallel_loop3A_576 : i32
        %parallel_loop3A_578 = arith.constant 16 : i32
        %parallel_loop3A_579 = arith.muli %parallel_loop3A_577, %parallel_loop3A_578 : i32
        %parallel_loop3A_580 = arith.constant 5 : i32
        %parallel_loop3A_581 = arith.index_cast %parallel_loop3A_580 : i32 to index
        %parallel_loop3A_582 = arith.index_cast %parallel_loop3A_579 : i32 to index
        %parallel_loop3A_583 = tpu.vector_load %arg9[%parallel_loop3A_581, %parallel_loop3A_582] {strides = array<i32>} : memref<8x6144xf32, #tpu.memory_space<vmem>>, vector<16xf32>,
        tpu.vector_store %arg9[%parallel_loop3A_581, %parallel_loop3A_582], %broadcast_in_dim3A_63 {strides = array<i32>} : memref<8x6144xf32, #tpu.memory_space<vmem>>, vector<16xf32>,
        %parallel_loop3A_584 = arith.constant 8 : i32
        %parallel_loop3A_585 = arith.muli %parallel_loop3A_113, %parallel_loop3A_584 : i32
        %parallel_loop3A_586 = arith.constant 7 : i32
        %parallel_loop3A_587 = arith.addi %parallel_loop3A_585, %parallel_loop3A_586 : i32
        %parallel_loop3A_588 = arith.constant 16 : i32
        %parallel_loop3A_589 = arith.muli %parallel_loop3A_587, %parallel_loop3A_588 : i32
        %parallel_loop3A_590 = arith.constant 5 : i32
        %parallel_loop3A_591 = arith.index_cast %parallel_loop3A_590 : i32 to index
        %parallel_loop3A_592 = arith.index_cast %parallel_loop3A_589 : i32 to index
        %parallel_loop3A_593 = tpu.vector_load %arg9[%parallel_loop3A_591, %parallel_loop3A_592] {strides = array<i32>} : memref<8x6144xf32, #tpu.memory_space<vmem>>, vector<16xf32>,
        tpu.vector_store %arg9[%parallel_loop3A_591, %parallel_loop3A_592], %broadcast_in_dim3A_63 {strides = array<i32>} : memref<8x6144xf32, #tpu.memory_space<vmem>>, vector<16xf32>,
        %parallel_loop3A_594 = arith.constant 8 : i32
        %parallel_loop3A_595 = arith.muli %parallel_loop3A_113, %parallel_loop3A_594 : i32
        %parallel_loop3A_596 = arith.constant 0 : i32
        %parallel_loop3A_597 = arith.addi %parallel_loop3A_595, %parallel_loop3A_596 : i32
        %parallel_loop3A_598 = arith.constant 16 : i32
        %parallel_loop3A_599 = arith.muli %parallel_loop3A_597, %parallel_loop3A_598 : i32
        %parallel_loop3A_600 = arith.constant 6 : i32
        %parallel_loop3A_601 = arith.index_cast %parallel_loop3A_600 : i32 to index
        %parallel_loop3A_602 = arith.index_cast %parallel_loop3A_599 : i32 to index
        %parallel_loop3A_603 = tpu.vector_load %arg9[%parallel_loop3A_601, %parallel_loop3A_602] {strides = array<i32>} : memref<8x6144xf32, #tpu.memory_space<vmem>>, vector<16xf32>,
        tpu.vector_store %arg9[%parallel_loop3A_601, %parallel_loop3A_602], %broadcast_in_dim3A_63 {strides = array<i32>} : memref<8x6144xf32, #tpu.memory_space<vmem>>, vector<16xf32>,
        %parallel_loop3A_604 = arith.constant 8 : i32
        %parallel_loop3A_605 = arith.muli %parallel_loop3A_113, %parallel_loop3A_604 : i32
        %parallel_loop3A_606 = arith.constant 1 : i32
        %parallel_loop3A_607 = arith.addi %parallel_loop3A_605, %parallel_loop3A_606 : i32
        %parallel_loop3A_608 = arith.constant 16 : i32
        %parallel_loop3A_609 = arith.muli %parallel_loop3A_607, %parallel_loop3A_608 : i32
        %parallel_loop3A_610 = arith.constant 6 : i32
        %parallel_loop3A_611 = arith.index_cast %parallel_loop3A_610 : i32 to index
        %parallel_loop3A_612 = arith.index_cast %parallel_loop3A_609 : i32 to index
        %parallel_loop3A_613 = tpu.vector_load %arg9[%parallel_loop3A_611, %parallel_loop3A_612] {strides = array<i32>} : memref<8x6144xf32, #tpu.memory_space<vmem>>, vector<16xf32>,
        tpu.vector_store %arg9[%parallel_loop3A_611, %parallel_loop3A_612], %broadcast_in_dim3A_63 {strides = array<i32>} : memref<8x6144xf32, #tpu.memory_space<vmem>>, vector<16xf32>,
        %parallel_loop3A_614 = arith.constant 8 : i32
        %parallel_loop3A_615 = arith.muli %parallel_loop3A_113, %parallel_loop3A_614 : i32
        %parallel_loop3A_616 = arith.constant 2 : i32
        %parallel_loop3A_617 = arith.addi %parallel_loop3A_615, %parallel_loop3A_616 : i32
        %parallel_loop3A_618 = arith.constant 16 : i32
        %parallel_loop3A_619 = arith.muli %parallel_loop3A_617, %parallel_loop3A_618 : i32
        %parallel_loop3A_620 = arith.constant 6 : i32
        %parallel_loop3A_621 = arith.index_cast %parallel_loop3A_620 : i32 to index
        %parallel_loop3A_622 = arith.index_cast %parallel_loop3A_619 : i32 to index
        %parallel_loop3A_623 = tpu.vector_load %arg9[%parallel_loop3A_621, %parallel_loop3A_622] {strides = array<i32>} : memref<8x6144xf32, #tpu.memory_space<vmem>>, vector<16xf32>,
        tpu.vector_store %arg9[%parallel_loop3A_621, %parallel_loop3A_622], %broadcast_in_dim3A_63 {strides = array<i32>} : memref<8x6144xf32, #tpu.memory_space<vmem>>, vector<16xf32>,
        %parallel_loop3A_624 = arith.constant 8 : i32
        %parallel_loop3A_625 = arith.muli %parallel_loop3A_113, %parallel_loop3A_624 : i32
        %parallel_loop3A_626 = arith.constant 3 : i32
        %parallel_loop3A_627 = arith.addi %parallel_loop3A_625, %parallel_loop3A_626 : i32
        %parallel_loop3A_628 = arith.constant 16 : i32
        %parallel_loop3A_629 = arith.muli %parallel_loop3A_627, %parallel_loop3A_628 : i32
        %parallel_loop3A_630 = arith.constant 6 : i32
        %parallel_loop3A_631 = arith.index_cast %parallel_loop3A_630 : i32 to index
        %parallel_loop3A_632 = arith.index_cast %parallel_loop3A_629 : i32 to index
        %parallel_loop3A_633 = tpu.vector_load %arg9[%parallel_loop3A_631, %parallel_loop3A_632] {strides = array<i32>} : memref<8x6144xf32, #tpu.memory_space<vmem>>, vector<16xf32>,
        tpu.vector_store %arg9[%parallel_loop3A_631, %parallel_loop3A_632], %broadcast_in_dim3A_63 {strides = array<i32>} : memref<8x6144xf32, #tpu.memory_space<vmem>>, vector<16xf32>,
        %parallel_loop3A_634 = arith.constant 8 : i32
        %parallel_loop3A_635 = arith.muli %parallel_loop3A_113, %parallel_loop3A_634 : i32
        %parallel_loop3A_636 = arith.constant 4 : i32
        %parallel_loop3A_637 = arith.addi %parallel_loop3A_635, %parallel_loop3A_636 : i32
        %parallel_loop3A_638 = arith.constant 16 : i32
        %parallel_loop3A_639 = arith.muli %parallel_loop3A_637, %parallel_loop3A_638 : i32
        %parallel_loop3A_640 = arith.constant 6 : i32
        %parallel_loop3A_641 = arith.index_cast %parallel_loop3A_640 : i32 to index
        %parallel_loop3A_642 = arith.index_cast %parallel_loop3A_639 : i32 to index
        %parallel_loop3A_643 = tpu.vector_load %arg9[%parallel_loop3A_641, %parallel_loop3A_642] {strides = array<i32>} : memref<8x6144xf32, #tpu.memory_space<vmem>>, vector<16xf32>,
        tpu.vector_store %arg9[%parallel_loop3A_641, %parallel_loop3A_642], %broadcast_in_dim3A_63 {strides = array<i32>} : memref<8x6144xf32, #tpu.memory_space<vmem>>, vector<16xf32>,
        %parallel_loop3A_644 = arith.constant 8 : i32
        %parallel_loop3A_645 = arith.muli %parallel_loop3A_113, %parallel_loop3A_644 : i32
        %parallel_loop3A_646 = arith.constant 5 : i32
        %parallel_loop3A_647 = arith.addi %parallel_loop3A_645, %parallel_loop3A_646 : i32
        %parallel_loop3A_648 = arith.constant 16 : i32
        %parallel_loop3A_649 = arith.muli %parallel_loop3A_647, %parallel_loop3A_648 : i32
        %parallel_loop3A_650 = arith.constant 6 : i32
        %parallel_loop3A_651 = arith.index_cast %parallel_loop3A_650 : i32 to index
        %parallel_loop3A_652 = arith.index_cast %parallel_loop3A_649 : i32 to index
        %parallel_loop3A_653 = tpu.vector_load %arg9[%parallel_loop3A_651, %parallel_loop3A_652] {strides = array<i32>} : memref<8x6144xf32, #tpu.memory_space<vmem>>, vector<16xf32>,
        tpu.vector_store %arg9[%parallel_loop3A_651, %parallel_loop3A_652], %broadcast_in_dim3A_63 {strides = array<i32>} : memref<8x6144xf32, #tpu.memory_space<vmem>>, vector<16xf32>,
        %parallel_loop3A_654 = arith.constant 8 : i32
        %parallel_loop3A_655 = arith.muli %parallel_loop3A_113, %parallel_loop3A_654 : i32
        %parallel_loop3A_656 = arith.constant 6 : i32
        %parallel_loop3A_657 = arith.addi %parallel_loop3A_655, %parallel_loop3A_656 : i32
        %parallel_loop3A_658 = arith.constant 16 : i32
        %parallel_loop3A_659 = arith.muli %parallel_loop3A_657, %parallel_loop3A_658 : i32
        %parallel_loop3A_660 = arith.constant 6 : i32
        %parallel_loop3A_661 = arith.index_cast %parallel_loop3A_660 : i32 to index
        %parallel_loop3A_662 = arith.index_cast %parallel_loop3A_659 : i32 to index
        %parallel_loop3A_663 = tpu.vector_load %arg9[%parallel_loop3A_661, %parallel_loop3A_662] {strides = array<i32>} : memref<8x6144xf32, #tpu.memory_space<vmem>>, vector<16xf32>,
        tpu.vector_store %arg9[%parallel_loop3A_661, %parallel_loop3A_662], %broadcast_in_dim3A_63 {strides = array<i32>} : memref<8x6144xf32, #tpu.memory_space<vmem>>, vector<16xf32>,
        %parallel_loop3A_664 = arith.constant 8 : i32
        %parallel_loop3A_665 = arith.muli %parallel_loop3A_113, %parallel_loop3A_664 : i32
        %parallel_loop3A_666 = arith.constant 7 : i32
        %parallel_loop3A_667 = arith.addi %parallel_loop3A_665, %parallel_loop3A_666 : i32
        %parallel_loop3A_668 = arith.constant 16 : i32
        %parallel_loop3A_669 = arith.muli %parallel_loop3A_667, %parallel_loop3A_668 : i32
        %parallel_loop3A_670 = arith.constant 6 : i32
        %parallel_loop3A_671 = arith.index_cast %parallel_loop3A_670 : i32 to index
        %parallel_loop3A_672 = arith.index_cast %parallel_loop3A_669 : i32 to index
        %parallel_loop3A_673 = tpu.vector_load %arg9[%parallel_loop3A_671, %parallel_loop3A_672] {strides = array<i32>} : memref<8x6144xf32, #tpu.memory_space<vmem>>, vector<16xf32>,
        tpu.vector_store %arg9[%parallel_loop3A_671, %parallel_loop3A_672], %broadcast_in_dim3A_63 {strides = array<i32>} : memref<8x6144xf32, #tpu.memory_space<vmem>>, vector<16xf32>,
        %parallel_loop3A_674 = arith.constant 8 : i32
        %parallel_loop3A_675 = arith.muli %parallel_loop3A_113, %parallel_loop3A_674 : i32
        %parallel_loop3A_676 = arith.constant 0 : i32
        %parallel_loop3A_677 = arith.addi %parallel_loop3A_675, %parallel_loop3A_676 : i32
        %parallel_loop3A_678 = arith.constant 16 : i32
        %parallel_loop3A_679 = arith.muli %parallel_loop3A_677, %parallel_loop3A_678 : i32
        %parallel_loop3A_680 = arith.constant 7 : i32
        %parallel_loop3A_681 = arith.index_cast %parallel_loop3A_680 : i32 to index
        %parallel_loop3A_682 = arith.index_cast %parallel_loop3A_679 : i32 to index
        %parallel_loop3A_683 = tpu.vector_load %arg9[%parallel_loop3A_681, %parallel_loop3A_682] {strides = array<i32>} : memref<8x6144xf32, #tpu.memory_space<vmem>>, vector<16xf32>,
        tpu.vector_store %arg9[%parallel_loop3A_681, %parallel_loop3A_682], %broadcast_in_dim3A_63 {strides = array<i32>} : memref<8x6144xf32, #tpu.memory_space<vmem>>, vector<16xf32>,
        %parallel_loop3A_684 = arith.constant 8 : i32
        %parallel_loop3A_685 = arith.muli %parallel_loop3A_113, %parallel_loop3A_684 : i32
        %parallel_loop3A_686 = arith.constant 1 : i32
        %parallel_loop3A_687 = arith.addi %parallel_loop3A_685, %parallel_loop3A_686 : i32
        %parallel_loop3A_688 = arith.constant 16 : i32
        %parallel_loop3A_689 = arith.muli %parallel_loop3A_687, %parallel_loop3A_688 : i32
        %parallel_loop3A_690 = arith.constant 7 : i32
        %parallel_loop3A_691 = arith.index_cast %parallel_loop3A_690 : i32 to index
        %parallel_loop3A_692 = arith.index_cast %parallel_loop3A_689 : i32 to index
        %parallel_loop3A_693 = tpu.vector_load %arg9[%parallel_loop3A_691, %parallel_loop3A_692] {strides = array<i32>} : memref<8x6144xf32, #tpu.memory_space<vmem>>, vector<16xf32>,
        tpu.vector_store %arg9[%parallel_loop3A_691, %parallel_loop3A_692], %broadcast_in_dim3A_63 {strides = array<i32>} : memref<8x6144xf32, #tpu.memory_space<vmem>>, vector<16xf32>,
        %parallel_loop3A_694 = arith.constant 8 : i32
        %parallel_loop3A_695 = arith.muli %parallel_loop3A_113, %parallel_loop3A_694 : i32
        %parallel_loop3A_696 = arith.constant 2 : i32
        %parallel_loop3A_697 = arith.addi %parallel_loop3A_695, %parallel_loop3A_696 : i32
        %parallel_loop3A_698 = arith.constant 16 : i32
        %parallel_loop3A_699 = arith.muli %parallel_loop3A_697, %parallel_loop3A_698 : i32
        %parallel_loop3A_700 = arith.constant 7 : i32
        %parallel_loop3A_701 = arith.index_cast %parallel_loop3A_700 : i32 to index
        %parallel_loop3A_702 = arith.index_cast %parallel_loop3A_699 : i32 to index
        %parallel_loop3A_703 = tpu.vector_load %arg9[%parallel_loop3A_701, %parallel_loop3A_702] {strides = array<i32>} : memref<8x6144xf32, #tpu.memory_space<vmem>>, vector<16xf32>,
        tpu.vector_store %arg9[%parallel_loop3A_701, %parallel_loop3A_702], %broadcast_in_dim3A_63 {strides = array<i32>} : memref<8x6144xf32, #tpu.memory_space<vmem>>, vector<16xf32>,
        %parallel_loop3A_704 = arith.constant 8 : i32
        %parallel_loop3A_705 = arith.muli %parallel_loop3A_113, %parallel_loop3A_704 : i32
        %parallel_loop3A_706 = arith.constant 3 : i32
        %parallel_loop3A_707 = arith.addi %parallel_loop3A_705, %parallel_loop3A_706 : i32
        %parallel_loop3A_708 = arith.constant 16 : i32
        %parallel_loop3A_709 = arith.muli %parallel_loop3A_707, %parallel_loop3A_708 : i32
        %parallel_loop3A_710 = arith.constant 7 : i32
        %parallel_loop3A_711 = arith.index_cast %parallel_loop3A_710 : i32 to index
        %parallel_loop3A_712 = arith.index_cast %parallel_loop3A_709 : i32 to index
        %parallel_loop3A_713 = tpu.vector_load %arg9[%parallel_loop3A_711, %parallel_loop3A_712] {strides = array<i32>} : memref<8x6144xf32, #tpu.memory_space<vmem>>, vector<16xf32>,
        tpu.vector_store %arg9[%parallel_loop3A_711, %parallel_loop3A_712], %broadcast_in_dim3A_63 {strides = array<i32>} : memref<8x6144xf32, #tpu.memory_space<vmem>>, vector<16xf32>,
        %parallel_loop3A_714 = arith.constant 8 : i32
        %parallel_loop3A_715 = arith.muli %parallel_loop3A_113, %parallel_loop3A_714 : i32
        %parallel_loop3A_716 = arith.constant 4 : i32
        %parallel_loop3A_717 = arith.addi %parallel_loop3A_715, %parallel_loop3A_716 : i32
        %parallel_loop3A_718 = arith.constant 16 : i32
        %parallel_loop3A_719 = arith.muli %parallel_loop3A_717, %parallel_loop3A_718 : i32
        %parallel_loop3A_720 = arith.constant 7 : i32
        %parallel_loop3A_721 = arith.index_cast %parallel_loop3A_720 : i32 to index
        %parallel_loop3A_722 = arith.index_cast %parallel_loop3A_719 : i32 to index
        %parallel_loop3A_723 = tpu.vector_load %arg9[%parallel_loop3A_721, %parallel_loop3A_722] {strides = array<i32>} : memref<8x6144xf32, #tpu.memory_space<vmem>>, vector<16xf32>,
        tpu.vector_store %arg9[%parallel_loop3A_721, %parallel_loop3A_722], %broadcast_in_dim3A_63 {strides = array<i32>} : memref<8x6144xf32, #tpu.memory_space<vmem>>, vector<16xf32>,
        %parallel_loop3A_724 = arith.constant 8 : i32
        %parallel_loop3A_725 = arith.muli %parallel_loop3A_113, %parallel_loop3A_724 : i32
        %parallel_loop3A_726 = arith.constant 5 : i32
        %parallel_loop3A_727 = arith.addi %parallel_loop3A_725, %parallel_loop3A_726 : i32
        %parallel_loop3A_728 = arith.constant 16 : i32
        %parallel_loop3A_729 = arith.muli %parallel_loop3A_727, %parallel_loop3A_728 : i32
        %parallel_loop3A_730 = arith.constant 7 : i32
        %parallel_loop3A_731 = arith.index_cast %parallel_loop3A_730 : i32 to index
        %parallel_loop3A_732 = arith.index_cast %parallel_loop3A_729 : i32 to index
        %parallel_loop3A_733 = tpu.vector_load %arg9[%parallel_loop3A_731, %parallel_loop3A_732] {strides = array<i32>} : memref<8x6144xf32, #tpu.memory_space<vmem>>, vector<16xf32>,
        tpu.vector_store %arg9[%parallel_loop3A_731, %parallel_loop3A_732], %broadcast_in_dim3A_63 {strides = array<i32>} : memref<8x6144xf32, #tpu.memory_space<vmem>>, vector<16xf32>,
        %parallel_loop3A_734 = arith.constant 8 : i32
        %parallel_loop3A_735 = arith.muli %parallel_loop3A_113, %parallel_loop3A_734 : i32
        %parallel_loop3A_736 = arith.constant 6 : i32
        %parallel_loop3A_737 = arith.addi %parallel_loop3A_735, %parallel_loop3A_736 : i32
        %parallel_loop3A_738 = arith.constant 16 : i32
        %parallel_loop3A_739 = arith.muli %parallel_loop3A_737, %parallel_loop3A_738 : i32
        %parallel_loop3A_740 = arith.constant 7 : i32
        %parallel_loop3A_741 = arith.index_cast %parallel_loop3A_740 : i32 to index
        %parallel_loop3A_742 = arith.index_cast %parallel_loop3A_739 : i32 to index
        %parallel_loop3A_743 = tpu.vector_load %arg9[%parallel_loop3A_741, %parallel_loop3A_742] {strides = array<i32>} : memref<8x6144xf32, #tpu.memory_space<vmem>>, vector<16xf32>,
        tpu.vector_store %arg9[%parallel_loop3A_741, %parallel_loop3A_742], %broadcast_in_dim3A_63 {strides = array<i32>} : memref<8x6144xf32, #tpu.memory_space<vmem>>, vector<16xf32>,
        %parallel_loop3A_744 = arith.constant 8 : i32
        %parallel_loop3A_745 = arith.muli %parallel_loop3A_113, %parallel_loop3A_744 : i32
        %parallel_loop3A_746 = arith.constant 7 : i32
        %parallel_loop3A_747 = arith.addi %parallel_loop3A_745, %parallel_loop3A_746 : i32
        %parallel_loop3A_748 = arith.constant 16 : i32
        %parallel_loop3A_749 = arith.muli %parallel_loop3A_747, %parallel_loop3A_748 : i32
        %parallel_loop3A_750 = arith.constant 7 : i32
        %parallel_loop3A_751 = arith.index_cast %parallel_loop3A_750 : i32 to index
        %parallel_loop3A_752 = arith.index_cast %parallel_loop3A_749 : i32 to index
        %parallel_loop3A_753 = tpu.vector_load %arg9[%parallel_loop3A_751, %parallel_loop3A_752] {strides = array<i32>} : memref<8x6144xf32, #tpu.memory_space<vmem>>, vector<16xf32>,
        tpu.vector_store %arg9[%parallel_loop3A_751, %parallel_loop3A_752], %broadcast_in_dim3A_63 {strides = array<i32>} : memref<8x6144xf32, #tpu.memory_space<vmem>>, vector<16xf32>,
      } {sc.loop_unroll_factor = 1 : i64, sc.parallel_access}
      %parallel_loop3A_108 = arith.constant 0 : i32
      %parallel_loop3A_109 = arith.constant 16 : i32
      %parallel_loop3A_110 = arith.constant 1 : i32
      scf.for %parallel_loop3A_113 = %parallel_loop3A_108 to %parallel_loop3A_109 step %parallel_loop3A_110  : i32 {
        %parallel_loop3A_114 = arith.constant 128 : i32
        %parallel_loop3A_115 = arith.muli %parallel_loop3A_113, %parallel_loop3A_114 : i32
        %parallel_loop3A_116 = vector.broadcast %parallel_loop3A_115 : i32 to vector<16xi32>
        %parallel_loop3A_117 = arith.addi %mul3A_82, %parallel_loop3A_116 : vector<16xi32>
        %parallel_loop3A_118 = arith.constant 16 : i32
        %parallel_loop3A_119 = arith.muli %parallel_loop3A_113, %parallel_loop3A_118 : i32
        %parallel_loop3A_120 = arith.constant 0 : i32
        %parallel_loop3A_121 = arith.index_cast %parallel_loop3A_120 : i32 to index
        %parallel_loop3A_122 = arith.index_cast %parallel_loop3A_119 : i32 to index
        %parallel_loop3A_123 = tpu.vector_load %arg5[%parallel_loop3A_121, %parallel_loop3A_122] {strides = array<i32>} : memref<8x768xf32, #tpu.memory_space<vmem>>, vector<16xf32>,
        %parallel_loop3A_124 = arith.constant 16 : i32
        %parallel_loop3A_125 = arith.muli %parallel_loop3A_113, %parallel_loop3A_124 : i32
        %parallel_loop3A_126 = arith.constant 0 : i32
        %parallel_loop3A_127 = arith.index_cast %parallel_loop3A_126 : i32 to index
        %parallel_loop3A_128 = arith.index_cast %parallel_loop3A_125 : i32 to index
        %parallel_loop3A_129 = tpu.vector_load %arg7[%parallel_loop3A_127, %parallel_loop3A_128] {strides = array<i32>} : memref<8x768xi32, #tpu.memory_space<vmem>>, vector<16xi32>,
        %parallel_loop3A_130 = arith.constant 7 : i32
        %parallel_loop3A_131 = vector.broadcast %parallel_loop3A_130 : i32 to vector<16xi32>
        %parallel_loop3A_132 = arith.andi %parallel_loop3A_129, %parallel_loop3A_131 : vector<16xi32>
        %parallel_loop3A_133 = arith.addi %parallel_loop3A_132, %parallel_loop3A_117 : vector<16xi32>
        tpu.vector_store_idx %arg9[%broadcast_in_dim3A_65, %parallel_loop3A_133], %parallel_loop3A_123 : memref<8x6144xf32, #tpu.memory_space<vmem>>[vector<16xi32>, vector<16xi32>], vector<16xf32>,
        %parallel_loop3A_134 = arith.constant 16 : i32
        %parallel_loop3A_135 = arith.muli %parallel_loop3A_113, %parallel_loop3A_134 : i32
        %parallel_loop3A_136 = arith.constant 1 : i32
        %parallel_loop3A_137 = arith.index_cast %parallel_loop3A_136 : i32 to index
        %parallel_loop3A_138 = arith.index_cast %parallel_loop3A_135 : i32 to index
        %parallel_loop3A_139 = tpu.vector_load %arg5[%parallel_loop3A_137, %parallel_loop3A_138] {strides = array<i32>} : memref<8x768xf32, #tpu.memory_space<vmem>>, vector<16xf32>,
        %parallel_loop3A_140 = arith.constant 16 : i32
        %parallel_loop3A_141 = arith.muli %parallel_loop3A_113, %parallel_loop3A_140 : i32
        %parallel_loop3A_142 = arith.constant 1 : i32
        %parallel_loop3A_143 = arith.index_cast %parallel_loop3A_142 : i32 to index
        %parallel_loop3A_144 = arith.index_cast %parallel_loop3A_141 : i32 to index
        %parallel_loop3A_145 = tpu.vector_load %arg7[%parallel_loop3A_143, %parallel_loop3A_144] {strides = array<i32>} : memref<8x768xi32, #tpu.memory_space<vmem>>, vector<16xi32>,
        %parallel_loop3A_146 = arith.constant 7 : i32
        %parallel_loop3A_147 = vector.broadcast %parallel_loop3A_146 : i32 to vector<16xi32>
        %parallel_loop3A_148 = arith.andi %parallel_loop3A_145, %parallel_loop3A_147 : vector<16xi32>
        %parallel_loop3A_149 = arith.addi %parallel_loop3A_148, %parallel_loop3A_117 : vector<16xi32>
        tpu.vector_store_idx %arg9[%broadcast_in_dim3A_67, %parallel_loop3A_149], %parallel_loop3A_139 : memref<8x6144xf32, #tpu.memory_space<vmem>>[vector<16xi32>, vector<16xi32>], vector<16xf32>,
        %parallel_loop3A_150 = arith.constant 16 : i32
        %parallel_loop3A_151 = arith.muli %parallel_loop3A_113, %parallel_loop3A_150 : i32
        %parallel_loop3A_152 = arith.constant 2 : i32
        %parallel_loop3A_153 = arith.index_cast %parallel_loop3A_152 : i32 to index
        %parallel_loop3A_154 = arith.index_cast %parallel_loop3A_151 : i32 to index
        %parallel_loop3A_155 = tpu.vector_load %arg5[%parallel_loop3A_153, %parallel_loop3A_154] {strides = array<i32>} : memref<8x768xf32, #tpu.memory_space<vmem>>, vector<16xf32>,
        %parallel_loop3A_156 = arith.constant 16 : i32
        %parallel_loop3A_157 = arith.muli %parallel_loop3A_113, %parallel_loop3A_156 : i32
        %parallel_loop3A_158 = arith.constant 2 : i32
        %parallel_loop3A_159 = arith.index_cast %parallel_loop3A_158 : i32 to index
        %parallel_loop3A_160 = arith.index_cast %parallel_loop3A_157 : i32 to index
        %parallel_loop3A_161 = tpu.vector_load %arg7[%parallel_loop3A_159, %parallel_loop3A_160] {strides = array<i32>} : memref<8x768xi32, #tpu.memory_space<vmem>>, vector<16xi32>,
        %parallel_loop3A_162 = arith.constant 7 : i32
        %parallel_loop3A_163 = vector.broadcast %parallel_loop3A_162 : i32 to vector<16xi32>
        %parallel_loop3A_164 = arith.andi %parallel_loop3A_161, %parallel_loop3A_163 : vector<16xi32>
        %parallel_loop3A_165 = arith.addi %parallel_loop3A_164, %parallel_loop3A_117 : vector<16xi32>
        tpu.vector_store_idx %arg9[%broadcast_in_dim3A_69, %parallel_loop3A_165], %parallel_loop3A_155 : memref<8x6144xf32, #tpu.memory_space<vmem>>[vector<16xi32>, vector<16xi32>], vector<16xf32>,
        %parallel_loop3A_166 = arith.constant 16 : i32
        %parallel_loop3A_167 = arith.muli %parallel_loop3A_113, %parallel_loop3A_166 : i32
        %parallel_loop3A_168 = arith.constant 3 : i32
        %parallel_loop3A_169 = arith.index_cast %parallel_loop3A_168 : i32 to index
        %parallel_loop3A_170 = arith.index_cast %parallel_loop3A_167 : i32 to index
        %parallel_loop3A_171 = tpu.vector_load %arg5[%parallel_loop3A_169, %parallel_loop3A_170] {strides = array<i32>} : memref<8x768xf32, #tpu.memory_space<vmem>>, vector<16xf32>,
        %parallel_loop3A_172 = arith.constant 16 : i32
        %parallel_loop3A_173 = arith.muli %parallel_loop3A_113, %parallel_loop3A_172 : i32
        %parallel_loop3A_174 = arith.constant 3 : i32
        %parallel_loop3A_175 = arith.index_cast %parallel_loop3A_174 : i32 to index
        %parallel_loop3A_176 = arith.index_cast %parallel_loop3A_173 : i32 to index
        %parallel_loop3A_177 = tpu.vector_load %arg7[%parallel_loop3A_175, %parallel_loop3A_176] {strides = array<i32>} : memref<8x768xi32, #tpu.memory_space<vmem>>, vector<16xi32>,
        %parallel_loop3A_178 = arith.constant 7 : i32
        %parallel_loop3A_179 = vector.broadcast %parallel_loop3A_178 : i32 to vector<16xi32>
        %parallel_loop3A_180 = arith.andi %parallel_loop3A_177, %parallel_loop3A_179 : vector<16xi32>
        %parallel_loop3A_181 = arith.addi %parallel_loop3A_180, %parallel_loop3A_117 : vector<16xi32>
        tpu.vector_store_idx %arg9[%broadcast_in_dim3A_71, %parallel_loop3A_181], %parallel_loop3A_171 : memref<8x6144xf32, #tpu.memory_space<vmem>>[vector<16xi32>, vector<16xi32>], vector<16xf32>,
        %parallel_loop3A_182 = arith.constant 16 : i32
        %parallel_loop3A_183 = arith.muli %parallel_loop3A_113, %parallel_loop3A_182 : i32
        %parallel_loop3A_184 = arith.constant 4 : i32
        %parallel_loop3A_185 = arith.index_cast %parallel_loop3A_184 : i32 to index
        %parallel_loop3A_186 = arith.index_cast %parallel_loop3A_183 : i32 to index
        %parallel_loop3A_187 = tpu.vector_load %arg5[%parallel_loop3A_185, %parallel_loop3A_186] {strides = array<i32>} : memref<8x768xf32, #tpu.memory_space<vmem>>, vector<16xf32>,
        %parallel_loop3A_188 = arith.constant 16 : i32
        %parallel_loop3A_189 = arith.muli %parallel_loop3A_113, %parallel_loop3A_188 : i32
        %parallel_loop3A_190 = arith.constant 4 : i32
        %parallel_loop3A_191 = arith.index_cast %parallel_loop3A_190 : i32 to index
        %parallel_loop3A_192 = arith.index_cast %parallel_loop3A_189 : i32 to index
        %parallel_loop3A_193 = tpu.vector_load %arg7[%parallel_loop3A_191, %parallel_loop3A_192] {strides = array<i32>} : memref<8x768xi32, #tpu.memory_space<vmem>>, vector<16xi32>,
        %parallel_loop3A_194 = arith.constant 7 : i32
        %parallel_loop3A_195 = vector.broadcast %parallel_loop3A_194 : i32 to vector<16xi32>
        %parallel_loop3A_196 = arith.andi %parallel_loop3A_193, %parallel_loop3A_195 : vector<16xi32>
        %parallel_loop3A_197 = arith.addi %parallel_loop3A_196, %parallel_loop3A_117 : vector<16xi32>
        tpu.vector_store_idx %arg9[%broadcast_in_dim3A_73, %parallel_loop3A_197], %parallel_loop3A_187 : memref<8x6144xf32, #tpu.memory_space<vmem>>[vector<16xi32>, vector<16xi32>], vector<16xf32>,
        %parallel_loop3A_198 = arith.constant 16 : i32
        %parallel_loop3A_199 = arith.muli %parallel_loop3A_113, %parallel_loop3A_198 : i32
        %parallel_loop3A_200 = arith.constant 5 : i32
        %parallel_loop3A_201 = arith.index_cast %parallel_loop3A_200 : i32 to index
        %parallel_loop3A_202 = arith.index_cast %parallel_loop3A_199 : i32 to index
        %parallel_loop3A_203 = tpu.vector_load %arg5[%parallel_loop3A_201, %parallel_loop3A_202] {strides = array<i32>} : memref<8x768xf32, #tpu.memory_space<vmem>>, vector<16xf32>,
        %parallel_loop3A_204 = arith.constant 16 : i32
        %parallel_loop3A_205 = arith.muli %parallel_loop3A_113, %parallel_loop3A_204 : i32
        %parallel_loop3A_206 = arith.constant 5 : i32
        %parallel_loop3A_207 = arith.index_cast %parallel_loop3A_206 : i32 to index
        %parallel_loop3A_208 = arith.index_cast %parallel_loop3A_205 : i32 to index
        %parallel_loop3A_209 = tpu.vector_load %arg7[%parallel_loop3A_207, %parallel_loop3A_208] {strides = array<i32>} : memref<8x768xi32, #tpu.memory_space<vmem>>, vector<16xi32>,
        %parallel_loop3A_210 = arith.constant 7 : i32
        %parallel_loop3A_211 = vector.broadcast %parallel_loop3A_210 : i32 to vector<16xi32>
        %parallel_loop3A_212 = arith.andi %parallel_loop3A_209, %parallel_loop3A_211 : vector<16xi32>
        %parallel_loop3A_213 = arith.addi %parallel_loop3A_212, %parallel_loop3A_117 : vector<16xi32>
        tpu.vector_store_idx %arg9[%broadcast_in_dim3A_75, %parallel_loop3A_213], %parallel_loop3A_203 : memref<8x6144xf32, #tpu.memory_space<vmem>>[vector<16xi32>, vector<16xi32>], vector<16xf32>,
        %parallel_loop3A_214 = arith.constant 16 : i32
        %parallel_loop3A_215 = arith.muli %parallel_loop3A_113, %parallel_loop3A_214 : i32
        %parallel_loop3A_216 = arith.constant 6 : i32
        %parallel_loop3A_217 = arith.index_cast %parallel_loop3A_216 : i32 to index
        %parallel_loop3A_218 = arith.index_cast %parallel_loop3A_215 : i32 to index
        %parallel_loop3A_219 = tpu.vector_load %arg5[%parallel_loop3A_217, %parallel_loop3A_218] {strides = array<i32>} : memref<8x768xf32, #tpu.memory_space<vmem>>, vector<16xf32>,
        %parallel_loop3A_220 = arith.constant 16 : i32
        %parallel_loop3A_221 = arith.muli %parallel_loop3A_113, %parallel_loop3A_220 : i32
        %parallel_loop3A_222 = arith.constant 6 : i32
        %parallel_loop3A_223 = arith.index_cast %parallel_loop3A_222 : i32 to index
        %parallel_loop3A_224 = arith.index_cast %parallel_loop3A_221 : i32 to index
        %parallel_loop3A_225 = tpu.vector_load %arg7[%parallel_loop3A_223, %parallel_loop3A_224] {strides = array<i32>} : memref<8x768xi32, #tpu.memory_space<vmem>>, vector<16xi32>,
        %parallel_loop3A_226 = arith.constant 7 : i32
        %parallel_loop3A_227 = vector.broadcast %parallel_loop3A_226 : i32 to vector<16xi32>
        %parallel_loop3A_228 = arith.andi %parallel_loop3A_225, %parallel_loop3A_227 : vector<16xi32>
        %parallel_loop3A_229 = arith.addi %parallel_loop3A_228, %parallel_loop3A_117 : vector<16xi32>
        tpu.vector_store_idx %arg9[%broadcast_in_dim3A_77, %parallel_loop3A_229], %parallel_loop3A_219 : memref<8x6144xf32, #tpu.memory_space<vmem>>[vector<16xi32>, vector<16xi32>], vector<16xf32>,
        %parallel_loop3A_230 = arith.constant 16 : i32
        %parallel_loop3A_231 = arith.muli %parallel_loop3A_113, %parallel_loop3A_230 : i32
        %parallel_loop3A_232 = arith.constant 7 : i32
        %parallel_loop3A_233 = arith.index_cast %parallel_loop3A_232 : i32 to index
        %parallel_loop3A_234 = arith.index_cast %parallel_loop3A_231 : i32 to index
        %parallel_loop3A_235 = tpu.vector_load %arg5[%parallel_loop3A_233, %parallel_loop3A_234] {strides = array<i32>} : memref<8x768xf32, #tpu.memory_space<vmem>>, vector<16xf32>,
        %parallel_loop3A_236 = arith.constant 16 : i32
        %parallel_loop3A_237 = arith.muli %parallel_loop3A_113, %parallel_loop3A_236 : i32
        %parallel_loop3A_238 = arith.constant 7 : i32
        %parallel_loop3A_239 = arith.index_cast %parallel_loop3A_238 : i32 to index
        %parallel_loop3A_240 = arith.index_cast %parallel_loop3A_237 : i32 to index
        %parallel_loop3A_241 = tpu.vector_load %arg7[%parallel_loop3A_239, %parallel_loop3A_240] {strides = array<i32>} : memref<8x768xi32, #tpu.memory_space<vmem>>, vector<16xi32>,
        %parallel_loop3A_242 = arith.constant 7 : i32
        %parallel_loop3A_243 = vector.broadcast %parallel_loop3A_242 : i32 to vector<16xi32>
        %parallel_loop3A_244 = arith.andi %parallel_loop3A_241, %parallel_loop3A_243 : vector<16xi32>
        %parallel_loop3A_245 = arith.addi %parallel_loop3A_244, %parallel_loop3A_117 : vector<16xi32>
        tpu.vector_store_idx %arg9[%broadcast_in_dim3A_79, %parallel_loop3A_245], %parallel_loop3A_235 : memref<8x6144xf32, #tpu.memory_space<vmem>>[vector<16xi32>, vector<16xi32>], vector<16xf32>,
      } {sc.loop_unroll_factor = 1 : i64, sc.parallel_access}
      %mul3A_111 = arith.constant 8 : i32
      %mul3A_112 = arith.muli %multiple_of3A_105, %mul3A_111 : i32
      "tpu.region"() ({
        %run_scoped3A = tpu.sem_alloc : memref<!tpu.dma_semaphore, #tpu.memory_space<semaphore_mem>>
        %dma_start3A = arith.constant 0 : i32
        %dma_start3A_113 = arith.constant 0 : i32
        %dma_start3A_114 = tpu.memref_slice %arg9[%dma_start3A, %dma_start3A_113] : memref<8x6144xf32, #tpu.memory_space<vmem>> -> memref<8x1280xf32, #tpu.memory_space<vmem>>
        %dma_start3A_115 = tpu.memref_slice %arg4[%multiple_of3A, %mul3A_112] : memref<64x800000xf32, #tpu.memory_space<hbm>> -> memref<8x1280xf32, #tpu.memory_space<hbm>>
        %dma_start3A_116 = tpu.memref_slice %arg4[%multiple_of3A, %mul3A_112] : memref<64x800000xf32, #tpu.memory_space<hbm>> -> memref<8x1280xf32, #tpu.memory_space<hbm>>
        %dma_start3A_117 = arith.constant 0 : i32
        %dma_start3A_118 = arith.constant 0 : i32
        %dma_start3A_119 = tpu.memref_slice %arg9[%dma_start3A_117, %dma_start3A_118] : memref<8x6144xf32, #tpu.memory_space<vmem>> -> memref<8x1280xf32, #tpu.memory_space<vmem>>
        tpu.enqueue_dma source(%dma_start3A_119 : memref<8x1280xf32, #tpu.memory_space<vmem>>) target(%dma_start3A_116 : memref<8x1280xf32, #tpu.memory_space<hbm>>) target_semaphore(%run_scoped3A : memref<!tpu.dma_semaphore, #tpu.memory_space<semaphore_mem>>)
        %dma_wait3A = arith.constant 0 : i32
        %dma_wait3A_120 = arith.constant 0 : i32
        %dma_wait3A_121 = tpu.memref_slice %arg9[%dma_wait3A, %dma_wait3A_120] : memref<8x6144xf32, #tpu.memory_space<vmem>> -> memref<8x1280xf32, #tpu.memory_space<vmem>>
        %dma_wait3A_122 = tpu.memref_slice %arg4[%multiple_of3A, %mul3A_112] : memref<64x800000xf32, #tpu.memory_space<hbm>> -> memref<8x1280xf32, #tpu.memory_space<hbm>>
        %dma_wait3A_123 = tpu.memref_slice %arg4[%multiple_of3A, %mul3A_112] : memref<64x800000xf32, #tpu.memory_space<hbm>> -> memref<8x1280xf32, #tpu.memory_space<hbm>>
        %dma_wait3A_124 = arith.constant 0 : i32
        %dma_wait3A_125 = arith.constant 0 : i32
        %dma_wait3A_126 = tpu.memref_slice %arg9[%dma_wait3A_124, %dma_wait3A_125] : memref<8x6144xf32, #tpu.memory_space<vmem>> -> memref<8x1280xf32, #tpu.memory_space<vmem>>
        tpu.wait_dma2 semaphore(%run_scoped3A : memref<!tpu.dma_semaphore, #tpu.memory_space<semaphore_mem>>) src(%dma_wait3A_126 : memref<8x1280xf32, #tpu.memory_space<vmem>>) dst(%dma_wait3A_123 : memref<8x1280xf32, #tpu.memory_space<hbm>>)
        tpu.yield
      }) : () -> ()
    } else {
    }
    return
  }
}

</mosaic_0001>

<sc_bundles>
// kernel: kernel.3.cloned.1.call-start
scs
__scs_entry_jumppad:
0x0: {  	(pc) =	sbr.rel $0x88, $3  }
0x1: {  	(tag) =	ssettag $0x0;
	lr =	simm.s32 $0x1  }
0x2: {  	[smem:$0x3F9F] =	sst lr;
	_ =	strace $0xD0000000  }
0x3: {  	_ = 	snop  }
0x4: {  	_ = 	snop  }
0x5: {  	_ = 	snop  }
0x6: {  	_ = 	snop  }
0x7: {  	_ = 	snop  }
__scs_overlays_trampoline_lowered:
0x8: {  	[smem:$0x3FAE] =	sst s0  }
0x9: {  	[smem:$0x3FAF] =	sst s1  }
0xa: {  	[smem:$0x3FB0] =	sst s2  }
0xb: {  	[smem:$0x3FB1] =	sst s3  }
0xc: {  	[smem:$0x3FB2] =	sst s4  }
0xd: {  	[smem:$0x3FB3] =	sst s5  }
0xe: {  	[smem:$0x3FB4] =	sst s6  }
0xf: {  	[smem:$0x3FB5] =	sst s7  }
0x10: {  	[smem:$0x3FB6] =	sst s8  }
0x11: {  	[smem:$0x3FB7] =	sst s9;
	s0 =	simm.s32 @!p0 $0x0  }
0x12: {  	s1 =	sld [smem:$0x3F9D];
	s0 =	simm.s32 @p0 $0x1  }
0x13: {  	[smem:$0x3FB8] =	sst s0;
	s0 =	simm.s32 @!p1 $0x0  }
0x14: {  	s2 =	sld [smem:$0x3F9C];
	s0 =	simm.s32 @p1 $0x1  }
0x15: {  	[smem:$0x3FB9] =	sst s0;
	s0 =	simm.s32 @!p2 $0x0  }
0x16: {  	s3 =	sld [smem:$0x3FDB];
	s0 =	simm.s32 @p2 $0x1  }
0x17: {  	s4 =	simm.s32 $0x1BF5;
	[smem:$0x3FBB] =	sst s0  }
0x18: {  	s0 =	sld [smem:$0x3F9E];
	_ =	swait.ge [sflag:s4], $0x0  }
0x19: {  	s7 =	sld [smem:$0x3F9F]  }
0x1a: {  	s8 =	sadd.s32 $0xFFFFE003, lr  }
0x1b: {  	s9 =	sadd.s32 $0xFFFFFEF7, lr;
	s5 =	simm.s32 $0xFFFFFFFF;
	p2 =	slt.u32 s8, $0xFFFFF086  }
0x1c: {  	p1 =	slt.u32 s9, $0xF7A;
	s5 =	simm.s32 @!p2 $0x0  }
0x1d: {  	s5 =	simm.s32 @p1 $0x1;
	p0 =	seq.s32 s7, s2  }
0x1e: {  	s7 =	smul.u32 @!p0 $0xF7A, s2;
	p2 =	seq.s32 @!p0 s5, $0x0  }
0x1f: {  	s9 =	smul.u32 $0xF7A, s1;
	s8 =	simm.s32 @!p0 $0x1BF5;
	p2 =	por !p2, p0  }
0x20: {  	[sflag:s8] =	ssyncset.s32 @!p0 $0xFFFFF086;
	s6 =	sadd.s32 @!p0 s3, s7;
	s7 =	simm.s32 @!p0 $0x108  }
0x21: {  	s3 =	sadd.s32 s3, s9;
	s6 =	sadd.s32 @!p0 $0x88, s6;
	s7 =	simm.s32 @p2 $0x1082  }
0x22: {  	[simem:s7], [sflag:s8] =	dma.local @!p0 [hbm:s6], $0xF7A  }
0x23: {  	s9 =	sor.u32 $0xD0000000, s2;
	s6 =	simm.s32 $0x108;
	_ =	swait.ge @!p0 [sflag:s8], $0x0  }
0x24: {  	s3 =	sadd.s32 $0x88, s3;
	s6 =	simm.s32 @!p1 $0x1082;
	[sflag:s4] =	ssyncset.s32 $0xFFFFF086  }
0x25: {  	[simem:s6], [sflag:s4] =	dma.local [hbm:s3], $0xF7A  }
0x26: {  	[smem:$0x3F9F] =	sst s1;
	(tag) =	ssettag s2;
	_ =	strace s9  }
0x27: {  	s1 =	sld [smem:$0x3FAF]  }
0x28: {  	s2 =	sld [smem:$0x3FB0]  }
0x29: {  	s4 =	sld [smem:$0x3FB2]  }
0x2a: {  	p0 =	seq.s32 s5, $0x0;
	s5 =	sld [smem:$0x3FB3]  }
0x2b: {  	s6 =	sld [smem:$0x3FB4]  }
0x2c: {  	s7 =	sld [smem:$0x3FB5]  }
0x2d: {  	s3 =	simm.s32 $0x108;
	s8 =	sld [smem:$0x3FB6]  }
0x2e: {  	s3 =	simm.s32 @!p0 $0x1082;
	s9 =	sld [smem:$0x3FB7]  }
0x2f: {  	lr =	sadd.s32 s0, s3;
	s0 =	sld [smem:$0x3FAE]  }
0x30: {  	s3 =	sld [smem:$0x3FB1]  }
0x31: {  	[smem:$0x3FBA] =	sst s10  }
0x32: {  	s10 =	sld [smem:$0x3FB8];
	_ =	sdelay $0x3  }
0x33: {  	p0 =	seq.s32 s10, $0x1;
	s10 =	sld [smem:$0x3FBA];
	_ =	sdelay $0x3  }
0x34: {  	[smem:$0x3FBA] =	sst s10  }
0x35: {  	s10 =	sld [smem:$0x3FB9];
	_ =	sdelay $0x3  }
0x36: {  	p1 =	seq.s32 s10, $0x1;
	s10 =	sld [smem:$0x3FBA];
	_ =	sdelay $0x3  }
0x37: {  	[smem:$0x3FBA] =	sst s10  }
0x38: {  	s10 =	sld [smem:$0x3FBB]  }
0x39: {  	_ = 	snop;
	(pc) =	sbr.ind lr, $3  }
0x3a: {  	_ = 	snop  }
0x3b: {  	_ = 	snop  }
0x3c: {  	p2 =	seq.s32 s10, $0x1;
	s10 =	sld [smem:$0x3FBA]  }
0x3d: {  	_ =	shalt  }
0x3e: {  	_ =	shalt  }
0x3f: {  	_ =	shalt  }
0x40: {  	_ =	shalt  }
0x41: {  	_ =	shalt  }
0x42: {  	_ =	shalt  }
0x43: {  	_ =	shalt  }
0x44: {  	_ =	shalt  }
0x45: {  	_ =	shalt  }
0x46: {  	_ =	shalt  }
0x47: {  	_ =	shalt  }
0x48: {  	_ =	shalt  }
0x49: {  	_ =	shalt  }
0x4a: {  	_ =	shalt  }
0x4b: {  	_ =	shalt  }
0x4c: {  	_ =	shalt  }
0x4d: {  	_ =	shalt  }
0x4e: {  	_ =	shalt  }
0x4f: {  	_ =	shalt  }
0x50: {  	_ =	shalt  }
0x51: {  	_ =	shalt  }
0x52: {  	_ =	shalt  }
0x53: {  	_ =	shalt  }
0x54: {  	_ =	shalt  }
0x55: {  	_ =	shalt  }
0x56: {  	_ =	shalt  }
0x57: {  	_ =	shalt  }
0x58: {  	_ =	shalt  }
0x59: {  	_ =	shalt  }
0x5a: {  	_ =	shalt  }
0x5b: {  	_ =	shalt  }
0x5c: {  	_ =	shalt  }
0x5d: {  	_ =	shalt  }
0x5e: {  	_ =	shalt  }
0x5f: {  	_ =	shalt  }
0x60: {  	_ =	shalt  }
0x61: {  	_ =	shalt  }
0x62: {  	_ =	shalt  }
0x63: {  	_ =	shalt  }
0x64: {  	_ =	shalt  }
0x65: {  	_ =	shalt  }
0x66: {  	_ =	shalt  }
0x67: {  	_ =	shalt  }
0x68: {  	_ =	shalt  }
0x69: {  	_ =	shalt  }
0x6a: {  	_ =	shalt  }
0x6b: {  	_ =	shalt  }
0x6c: {  	_ =	shalt  }
0x6d: {  	_ =	shalt  }
0x6e: {  	_ =	shalt  }
0x6f: {  	_ =	shalt  }
0x70: {  	_ =	shalt  }
0x71: {  	_ =	shalt  }
0x72: {  	_ =	shalt  }
0x73: {  	_ =	shalt  }
0x74: {  	_ =	shalt  }
0x75: {  	_ =	shalt  }
0x76: {  	_ =	shalt  }
0x77: {  	_ =	shalt  }
0x78: {  	_ =	shalt  }
0x79: {  	_ =	shalt  }
0x7a: {  	_ =	shalt  }
0x7b: {  	_ =	shalt  }
0x7c: {  	_ =	shalt  }
0x7d: {  	_ =	shalt  }
0x7e: {  	_ =	shalt  }
0x7f: {  	_ =	shalt  }
0x80: {  	_ =	shalt  }
0x81: {  	_ =	shalt  }
0x82: {  	_ =	shalt  }
0x83: {  	_ =	shalt  }
0x84: {  	_ =	shalt  }
0x85: {  	_ =	shalt  }
0x86: {  	_ =	shalt  }
0x87: {  	_ =	shalt  }
.Lfunc_end0:
.L_simem_size_0:
called_computation_lowered:
.L_overlay_start_0:
0x88: {  	s2 =	sld [smem:$0x3FD9]  }
0x89: {  	s3 =	sld [smem:$0x3FFE];
	_ =	sdelay $0x1  }
0x8a: {  	s1 =	srdreg.scid  }
0x8b: {  	s0 =	sand.u32 $0x1, s1  }
0x8c: {  	s18 =	sshll.u32 s0, $0xA;
	s2 =	sadd.s32 s3, s2  }
0x8d: {  	s2 =	sadd.s32 s2, s18  }
0x8e: {  	[smem:$0x3FC6] =	sst s2  }
0x8f: {  	_ = 	snop  }
0x90: {  	s2 =	sld [smem:$0x3FC9]  }
0x91: {  	s19 =	sld [smem:$0x3FC8]  }
0x92: {  	s4 =	sld [smem:$0x3FD0];
	(tm) =	ssettm $0x1  }
0x93: {  	s5 =	sld [smem:$0x3FFB];
	_ =	sdelay $0x3  }
0x94: {  	_ =	strace s5  }
0x95: {  	s5 =	sld [smem:$0x3FFC];
	_ =	sdelay $0x3  }
0x96: {  	_ =	strace s5  }
0x97: {  	s5 =	sld [smem:$0x3FFD];
	_ =	sdelay $0x3  }
0x98: {  	_ =	strace s5  }
0x99: {  	_ =	strace $0x8FFFFFFF  }
0x9a: {  	s20 =	sld [smem:$0x3FDB];
	_ =	sdelay $0x1  }
0x9b: {  	s6 =	simm.s32 $_scs_section_size  }
0x9c: {  	s7 =	simm.s32 $_size__tile_overlayer_lowered;
	s8 =	simm.s32 $_tile_overlayer_lowered  }
0x9d: {  	s23 =	simm.s32 $0x1BFF;
	s22 =	sshll.u32 s8, $0x1;
	s5 =	sadd.s32 s6, s20  }
0x9e: {  	s9 =	simm.s32 $0x0;
	s21 =	sshll.u32 s7, $0x1;
	s7 =	sadd.s32 s22, s5  }
0x9f: {  	[timem:s9], [sflag:s23] =	dma.local [hbm:s7], s21  }
0xa0: {  	_ =	swait.ge [sflag:s23], s21  }
0xa1: {  	s6 =	ssub.s32 $0x0, s21;
	[sflag:s23] =	ssyncset.done $0x0  }
0xa2: {  	[sflag:s23] =	ssyncadd.s32 s6;
	_ =	sdelay $0x1  }
0xa3: {  	s24 =	simm.s32 $0x1B8B  }
0xa4: {  	_ =	swait.ge [sflag:s24], $0x1  }
0xa5: {  	[sflag:s24] =	ssyncset.done $0x0  }
0xa6: {  	s25 =	simm.s32 $0x1B8E;
	[sflag:s24] =	ssyncadd.s32 $0xFFFFFFFF  }
0xa7: {  	s26 =	simm.s32 $execute0_lowered;
	[smem:$0x3FD2] =	sst s25  }
0xa8: {  	s6 =	sshll.u32 s26, $0x1;
	_ =	strace $0x80000046;
	[dreg:$0x1] =	wrdreg $0xFFFFFFFF  }
0xa9: {  	s28 =	simm.s32 $_size_execute0_lowered;
	s5 =	sadd.s32 s5, s6;
	[dreg:$0x0] =	wrdreg $0x0  }
0xaa: {  	s6 =	sshll.u32 s28, $0x1;
	[dreg:$0x2] =	wrdreg s5  }
0xab: {  	[dreg:$0x3] =	wrdreg s6  }
0xac: {  	[dreg:$0x4] =	wrdreg $0xC0  }
0xad: {  	_ =	task [dreg:s9], $0x5FFFF  }
0xae: {  	[dreg:$0x1] =	wrdreg $0xFFFFFFFF  }
0xaf: {  	[dreg:$0x0] =	wrdreg $0x60  }
0xb0: {  	[dreg:$0x2] =	wrdreg s2  }
0xb1: {  	[dreg:$0x3] =	wrdreg s19  }
0xb2: {  	[dreg:$0x4] =	wrdreg s4  }
0xb3: {  	[dreg:$0x5] =	wrdreg $0x9  }
0xb4: {  	_ =	task.clear_ibuf [dreg:s9], $0x6FFFF;
	_ =	strace $0x90000046  }
0xb5: {  	s29 =	simm.s32 $0x9;
	_ =	strace $0x80000048  }
0xb6: {  	_ =	swait.ge [sflag:s29], $0x1  }
0xb7: {  	[sflag:s29] =	ssyncadd.s32 $0xFFFFFFFF  }
0xb8: {  	_ =	strace $0x90000048  }
0xb9: {  	_ =	sfence  }
0xba: {  	s30 =	sld [smem:$0x0];
	_ =	sdelay $0x2  }
0xbb: {  	s31 =	sshll.u32 s1, $0xD;
	s1 =	sshrl.u32 s1, $0x2  }
0xbc: {  	s3 =	sand.u32 $0x4000, s31;
	s1 =	sadd.s32 s1, s30  }
0xbd: {  	s0 =	sor.u32 s3, s0;
	s1 =	sshll.u32 s1, $0x11  }
0xbe: {  	s0 =	sor.u32 s1, s0  }
0xbf: {  	s0 =	sadd.s32 $0x8F2B, s0  }
0xc0: {  	[sflag:s0] =	ssyncadd.remote.s32 $0x1  }
0xc1: {  	_ =	sfence.sel $0xFFFF  }
0xc2: {  	[dreg:$0x0] =	wrdreg $0xFFFFFFFF;
	(pc) =	sbr.abs _section_cstart, $3  }
0xc3: {  	[dreg:$0x1] =	wrdreg $0xFFFFFFFF  }
0xc4: {  	_ =	task.clear_ibuf [dreg:s9], $0x2FFFF;
	_ =	strace $0x9FFFFFFF  }
0xc5: {  	(tm) =	ssettm $0x7FFFFFFF  }
tec
execute0_lowered:
.L_overlay_start_1:
0x0: {  	(tag) =	ssettag $0x1  }
0x1: {  	s6 =	rddreg [dreg:$0x0]  }
0x2: {  	s8 =	rddreg [dreg:$0x1]  }
0x3: {  	s21 =	rddreg [dreg:$0x2];
	s2 =	stileid.u32;
	s31 =	simm.s32 $0x0  }
0x4: {  	s0 =	srdreg.scid;
	s19 =	simm.s32 $0x6000;
	s22 =	simm.s32 $0x12000  }
0x5: {  	s1 =	sshll.u32 s2, $0x1;
	s0 =	sand.u32 $0x1, s0;
	s2 =	sshrl.u32 s2, $0x1  }
0x6: {  	[smem:$0x7FF] =	sst s31;
	s1 =	sand.u32 $0x2, s1;
	s5 =	smul.u32 $0xC3800, s2  }
0x7: {  	s3 =	ssub.s32 $0x2, s0;
	_ =	strace $0x80000047;
	s7 =	smul.u32 $0x61A800, s2  }
0x8: {  	s4 =	sor.u32 s0, s1;
	s23 =	sshrl.u32 s3, $0x1;
	[dreg:$0x5] =	wrdreg s5  }
0x9: {  	s1 =	smul.u32 $0x1800, s4;
	s0 =	ssub.s32 s3, s23;
	[dreg:$0x6] =	wrdreg s7  }
0xa: {  	s24 =	ssub.s32 $0x85, s4;
	s25 =	sshrl.u32 s5, $0x3;
	[dreg:$0x4] =	wrdreg s4  }
0xb: {  	s2 =	sadd.s32 $0x18600, s25;
	s0 =	smax.u32 s0, $0x1;
	s1 =	sadd.s32 s5, s1  }
0xc: {  	v0 =	vlaneseq.u32;
	s29 =	sadd.s32 s6, s2;
	s2 =	sadd.s32 s8, s2;
	[dreg:$0xc] =	wrdreg s0  }
.Ltmp0:
0xd: {  	v0 =	vmul.u32 $0x8, v0;
	s1 =	sshrl.u32 s1, $0x3;
	[dreg:$0x9] =	wrdreg s29;
	(pc) =	sbr.rel .LBB2_1-.Ltmp0, $4  }
0xe: {  	s28 =	sshrl.u32 s7, $0x3;
	[dreg:$0xa] =	wrdreg s2;
	s26 =	sadd.s32 s6, s1  }
0xf: {  	v1 =	vimm.f32 $0.0e+00;
	v2 =	vor.u32 $0x80, v0;
	s30 =	sadd.s32 s21, s28;
	s1 =	sadd.s32 s8, s1;
	[dreg:$0x7] =	wrdreg s26  }
0x10: {  	v3 =	vor.u32 $0x100, v0;
	v4 =	vor.u32 $0x180, v0;
	v5 =	vor.u32 $0x200, v0;
	p0 =	sne.s32 s4, $0x2;
	[dreg:$0x8] =	wrdreg s1;
	s1 =	sadd.s32 $0xC3000, s30  }
0x11: {  	v6 =	vor.u32 $0x280, v0;
	v7 =	vor.u32 $0x300, v0;
	v8 =	vor.u32 $0x380, v0;
	s9 =	sshrl.u32 s24, $0x2;
	[dreg:$0xb] =	wrdreg s1;
	s1 =	simm.s32 $0x0  }
.LBB2_21:
0x12: {  	s1 =	sadd.s32 $0x1, s1;
	s0 =	rddreg [dreg:$0xc]  }
0x13: {  	p1 =	sne.s32 s1, s0  }
.Ltmp1:
0x14: {  	_ = 	snop;
	(pc) =	sbr.rel @!p1 .LBB2_22-.Ltmp1, $1  }
0x15: {  	_ =	sdelay $0x3  }
.LBB2_1:
.Ltmp2:
0x16: {  	[dreg:$0xd] =	wrdreg s1;
	(pc) =	sbr.rel .LBB2_2-.Ltmp2, $4  }
0x17: {  	s0 =	rddreg [dreg:$0x7]  }
0x18: {  	[tilespmem:s31], [sflag:$0x1] =	stream.linear.gather [hbm4b:s0+s31], $0x1800, $0x38;
	[tilespmem:$0x1E000] =	vst v63  }
0x19: {  	s29 =	rddreg [dreg:$0x8];
	s30 =	simm.s32 $0x3000;
	s28 =	simm.s32 $0x0  }
0x1a: {  	[tilespmem:s30], [sflag:$0x3] =	stream.linear.gather [hbm4b:s29+s31], $0x1800, $0x38;
	[tilespmem:$0x1E000] =	vst v63  }
.LBB2_14:
0x1b: {  	s28 =	sadd.s32 $0x1, s28  }
0x1c: {  	p1 =	sne.s32 s28, $0x11  }
.Ltmp3:
0x1d: {  	_ = 	snop;
	(pc) =	sbr.rel @!p1 .LBB2_15-.Ltmp3, $1  }
0x1e: {  	_ =	sdelay $0x3  }
.LBB2_2:
0x1f: {  	s30 =	sshll.u32 s28, $0x1  }
0x20: {  	p1 =	slt.u32 s30, s9  }
.Ltmp4:
0x21: {  	_ = 	snop;
	(pc) =	sbr.rel @!p1 .LBB2_8-.Ltmp4, $2  }
0x22: {  	_ =	sdelay $0x2  }
0x23: {  	s29 =	sor.u32 $0x1, s30  }
0x24: {  	s2 =	simm.s32 $0x1  }
0x25: {  	p1 =	sge.u32 s29, s9;
	_ =	swait.ge [sflag:s2], $0x1800  }
0x26: {  	s0 =	sshll.u32 @!p1 s29, $0x2;
	[sflag:s2] =	ssyncset.done $0x0;
	s1 =	rddreg [dreg:$0x4]  }
0x27: {  	s31 =	simm.s32 $0x3;
	s0 =	sor.u32 @!p1 s1, s0;
	[sflag:s2] =	ssyncadd.s32 $0xFFFFE800  }
0x28: {  	s0 =	smul.u32 @!p1 $0x1800, s0;
	_ =	swait.ge [sflag:s31], $0x1800  }
0x29: {  	s1 =	rddreg [dreg:$0x5]  }
0x2a: {  	s0 =	sadd.s32 @!p1 s1, s0  }
0x2b: {  	s3 =	simm.s32 @!p1 $0x1800;
	[sflag:s31] =	ssyncset.done $0x0;
	s0 =	sshrl.u32 @!p1 s0, $0x3  }
0x2c: {  	s2 =	simm.s32 @!p1 $0x0;
	[sflag:s31] =	ssyncadd.s32 $0xFFFFE800;
	s1 =	sadd.s32 @!p1 s6, s0  }
0x2d: {  	[tilespmem:s3], [sflag:$0x2] =	stream.linear.gather @!p1 [hbm4b:s1+s2], $0x1800, $0x38;
	[tilespmem:$0x1E000] =	vst v63  }
0x2e: {  	s0 =	sadd.s32 @!p1 s8, s0;
	s1 =	simm.s32 @!p1 $0x4800  }
0x2f: {  	[tilespmem:s1], [sflag:$0x4] =	stream.linear.gather @!p1 [hbm4b:s0+s2], $0x1800, $0x38;
	[tilespmem:$0x1E000] =	vst v63  }
0x30: {  	p1 =	seq.s32 s28, $0x0  }
0x31: {  	s0 =	simm.s32 @!p1 $0x5  }
0x32: {  	_ =	swait.ge @!p1 [sflag:s0], $0xC000  }
0x33: {  	s10 =	simm.s32 $0x0;
	[sflag:s0] =	ssyncset.done @!p1 $0x0  }
0x34: {  	s1 =	simm.s32 $0x1000;
	[sflag:s0] =	ssyncadd.s32 @!p1 $0xFFFF4000;
	s0 =	simm.s32 $0x0  }
.LBB2_4:
0x35: {  	p1 =	sne.s32 s1, $0x2F000;
	[tilespmem:s0+$0x63F0] =	vst v1  }
0x36: {  	[tilespmem:s0+$0x6000] =	vst v1  }
0x37: {  	[tilespmem:s0+$0x6010] =	vst v1  }
0x38: {  	[tilespmem:s0+$0x6020] =	vst v1  }
0x39: {  	[tilespmem:s0+$0x6030] =	vst v1  }
0x3a: {  	[tilespmem:s0+$0x6040] =	vst v1  }
0x3b: {  	[tilespmem:s0+$0x6050] =	vst v1  }
0x3c: {  	[tilespmem:s0+$0x6060] =	vst v1  }
0x3d: {  	[tilespmem:s0+$0x6070] =	vst v1  }
0x3e: {  	[tilespmem:s0+$0x6080] =	vst v1  }
0x3f: {  	[tilespmem:s0+$0x6090] =	vst v1  }
0x40: {  	[tilespmem:s0+$0x60A0] =	vst v1  }
0x41: {  	[tilespmem:s0+$0x60B0] =	vst v1  }
0x42: {  	[tilespmem:s0+$0x60C0] =	vst v1  }
0x43: {  	[tilespmem:s0+$0x60D0] =	vst v1  }
0x44: {  	[tilespmem:s0+$0x60E0] =	vst v1  }
0x45: {  	[tilespmem:s0+$0x60F0] =	vst v1  }
0x46: {  	[tilespmem:s0+$0x6100] =	vst v1  }
0x47: {  	[tilespmem:s0+$0x6110] =	vst v1  }
0x48: {  	[tilespmem:s0+$0x6120] =	vst v1  }
0x49: {  	[tilespmem:s0+$0x6130] =	vst v1  }
0x4a: {  	[tilespmem:s0+$0x6140] =	vst v1  }
0x4b: {  	[tilespmem:s0+$0x6150] =	vst v1  }
0x4c: {  	[tilespmem:s0+$0x6160] =	vst v1  }
0x4d: {  	[tilespmem:s0+$0x6170] =	vst v1  }
0x4e: {  	[tilespmem:s0+$0x6180] =	vst v1  }
0x4f: {  	[tilespmem:s0+$0x6190] =	vst v1  }
0x50: {  	[tilespmem:s0+$0x61A0] =	vst v1  }
0x51: {  	[tilespmem:s0+$0x61B0] =	vst v1  }
0x52: {  	[tilespmem:s0+$0x61C0] =	vst v1  }
0x53: {  	[tilespmem:s0+$0x61D0] =	vst v1  }
0x54: {  	[tilespmem:s0+$0x61E0] =	vst v1  }
0x55: {  	[tilespmem:s0+$0x61F0] =	vst v1  }
0x56: {  	[tilespmem:s0+$0x6200] =	vst v1  }
0x57: {  	[tilespmem:s0+$0x6210] =	vst v1  }
0x58: {  	[tilespmem:s0+$0x6220] =	vst v1  }
0x59: {  	[tilespmem:s0+$0x6230] =	vst v1  }
0x5a: {  	[tilespmem:s0+$0x6240] =	vst v1  }
0x5b: {  	[tilespmem:s0+$0x6250] =	vst v1  }
0x5c: {  	[tilespmem:s0+$0x6260] =	vst v1  }
0x5d: {  	[tilespmem:s0+$0x6270] =	vst v1  }
0x5e: {  	[tilespmem:s0+$0x6280] =	vst v1  }
0x5f: {  	[tilespmem:s0+$0x6290] =	vst v1  }
0x60: {  	[tilespmem:s0+$0x62A0] =	vst v1  }
0x61: {  	[tilespmem:s0+$0x62B0] =	vst v1  }
0x62: {  	[tilespmem:s0+$0x62C0] =	vst v1  }
0x63: {  	[tilespmem:s0+$0x62D0] =	vst v1  }
0x64: {  	[tilespmem:s0+$0x62E0] =	vst v1  }
0x65: {  	[tilespmem:s0+$0x62F0] =	vst v1  }
0x66: {  	[tilespmem:s0+$0x6300] =	vst v1  }
0x67: {  	[tilespmem:s0+$0x6310] =	vst v1  }
0x68: {  	[tilespmem:s0+$0x6320] =	vst v1  }
0x69: {  	[tilespmem:s0+$0x6330] =	vst v1  }
0x6a: {  	[tilespmem:s0+$0x6340] =	vst v1  }
0x6b: {  	[tilespmem:s0+$0x6350] =	vst v1  }
0x6c: {  	[tilespmem:s0+$0x6360] =	vst v1  }
0x6d: {  	[tilespmem:s0+$0x6370] =	vst v1  }
0x6e: {  	[tilespmem:s0+$0x6380] =	vst v1  }
0x6f: {  	[tilespmem:s0+$0x6390] =	vst v1  }
.Ltmp5:
0x70: {  	[tilespmem:s0+$0x63A0] =	vst v1;
	(pc) =	sbr.rel @p1 .LBB2_4-.Ltmp5, $4  }
0x71: {  	[tilespmem:s0+$0x63B0] =	vst v1  }
0x72: {  	[tilespmem:s0+$0x63C0] =	vst v1  }
0x73: {  	[tilespmem:s0+$0x63D0] =	vst v1  }
0x74: {  	[tilespmem:s0+$0x63E0] =	vst v1;
	s0 =	sshra.s32 s1, $0x2;
	s1 =	sadd.s32 $0x1000, s1  }
0x75: {  	[tilespmem:s0+$0x63F0] =	vst v1  }
0x76: {  	[tilespmem:s0+$0x6000] =	vst v1  }
0x77: {  	[tilespmem:s0+$0x6010] =	vst v1  }
0x78: {  	[tilespmem:s0+$0x6020] =	vst v1  }
0x79: {  	[tilespmem:s0+$0x6030] =	vst v1  }
0x7a: {  	[tilespmem:s0+$0x6040] =	vst v1  }
0x7b: {  	[tilespmem:s0+$0x6050] =	vst v1  }
0x7c: {  	[tilespmem:s0+$0x6060] =	vst v1  }
0x7d: {  	[tilespmem:s0+$0x6070] =	vst v1  }
0x7e: {  	[tilespmem:s0+$0x6080] =	vst v1  }
0x7f: {  	[tilespmem:s0+$0x6090] =	vst v1  }
0x80: {  	[tilespmem:s0+$0x60A0] =	vst v1  }
0x81: {  	[tilespmem:s0+$0x60B0] =	vst v1  }
0x82: {  	[tilespmem:s0+$0x60C0] =	vst v1  }
0x83: {  	[tilespmem:s0+$0x60D0] =	vst v1  }
0x84: {  	[tilespmem:s0+$0x60E0] =	vst v1  }
0x85: {  	[tilespmem:s0+$0x60F0] =	vst v1  }
0x86: {  	[tilespmem:s0+$0x6100] =	vst v1  }
0x87: {  	[tilespmem:s0+$0x6110] =	vst v1  }
0x88: {  	[tilespmem:s0+$0x6120] =	vst v1  }
0x89: {  	[tilespmem:s0+$0x6130] =	vst v1  }
0x8a: {  	[tilespmem:s0+$0x6140] =	vst v1  }
0x8b: {  	[tilespmem:s0+$0x6150] =	vst v1  }
0x8c: {  	[tilespmem:s0+$0x6160] =	vst v1  }
0x8d: {  	[tilespmem:s0+$0x6170] =	vst v1  }
0x8e: {  	[tilespmem:s0+$0x6180] =	vst v1  }
0x8f: {  	[tilespmem:s0+$0x6190] =	vst v1  }
0x90: {  	[tilespmem:s0+$0x61A0] =	vst v1  }
0x91: {  	[tilespmem:s0+$0x61B0] =	vst v1  }
0x92: {  	[tilespmem:s0+$0x61C0] =	vst v1  }
0x93: {  	[tilespmem:s0+$0x61D0] =	vst v1  }
0x94: {  	[tilespmem:s0+$0x61E0] =	vst v1  }
0x95: {  	[tilespmem:s0+$0x61F0] =	vst v1  }
0x96: {  	[tilespmem:s0+$0x6200] =	vst v1  }
0x97: {  	[tilespmem:s0+$0x6210] =	vst v1  }
0x98: {  	[tilespmem:s0+$0x6220] =	vst v1  }
0x99: {  	[tilespmem:s0+$0x6230] =	vst v1  }
0x9a: {  	[tilespmem:s0+$0x6240] =	vst v1  }
0x9b: {  	[tilespmem:s0+$0x6250] =	vst v1  }
0x9c: {  	[tilespmem:s0+$0x6260] =	vst v1  }
0x9d: {  	[tilespmem:s0+$0x6270] =	vst v1  }
0x9e: {  	[tilespmem:s0+$0x6280] =	vst v1  }
0x9f: {  	[tilespmem:s0+$0x6290] =	vst v1  }
0xa0: {  	[tilespmem:s0+$0x62A0] =	vst v1  }
0xa1: {  	[tilespmem:s0+$0x62B0] =	vst v1  }
0xa2: {  	[tilespmem:s0+$0x62C0] =	vst v1  }
0xa3: {  	[tilespmem:s0+$0x62D0] =	vst v1  }
0xa4: {  	[tilespmem:s0+$0x62E0] =	vst v1  }
0xa5: {  	[tilespmem:s0+$0x62F0] =	vst v1  }
0xa6: {  	[tilespmem:s0+$0x6300] =	vst v1  }
0xa7: {  	[tilespmem:s0+$0x6310] =	vst v1  }
0xa8: {  	[tilespmem:s0+$0x6320] =	vst v1  }
0xa9: {  	[tilespmem:s0+$0x6330] =	vst v1  }
0xaa: {  	[tilespmem:s0+$0x6340] =	vst v1  }
0xab: {  	[tilespmem:s0+$0x6350] =	vst v1  }
0xac: {  	[tilespmem:s0+$0x6360] =	vst v1  }
0xad: {  	[tilespmem:s0+$0x6370] =	vst v1  }
0xae: {  	[tilespmem:s0+$0x6380] =	vst v1  }
0xaf: {  	[tilespmem:s0+$0x6390] =	vst v1  }
0xb0: {  	[tilespmem:s0+$0x63A0] =	vst v1  }
0xb1: {  	[tilespmem:s0+$0x63B0] =	vst v1  }
0xb2: {  	[tilespmem:s0+$0x63C0] =	vst v1  }
0xb3: {  	[tilespmem:s0+$0x63D0] =	vst v1;
	s1 =	sand.u32 $0x70, s10;
	s2 =	sand.u32 $0x1C00, s10  }
0xb4: {  	[tilespmem:s0+$0x63E0] =	vst v1;
	s3 =	sor.u32 s1, s2  }
0xb5: {  	v10 =	vld [tilespmem:s3+$0x3000];
	_ =	sdelay $0x1  }
0xb6: {  	v9 =	vmov s10  }
0xb7: {  	v9 =	vshll.u32 v9, $0x3  }
0xb8: {  	v9 =	vbroadcast v9, $0x0  }
0xb9: {  	v10 =	vand.u32 $0x7, v10  }
0xba: {  	v10 =	vor.u32 v10, v9  }
0xbb: {  	v11 =	vld [tilespmem:s3+$0x0];
	v10 =	vor.u32 v0, v10;
	_ =	sdelay $0x4  }
0xbc: {  	[tilespmem:v10+s19+$0x0] =	vst.idx.msk $0xffff, v11  }
0xbd: {  	s0 =	simm.s32 $0x10;
	s1 =	simm.s32 $0x80;
	v10 =	vld [tilespmem:s3+$0x3080]  }
0xbe: {  	s24 =	sand.u32 $0x70, s0;
	s4 =	sand.u32 $0x1C00, s1  }
0xbf: {  	s14 =	sor.u32 s24, s4  }
0xc0: {  	v11 =	vld [tilespmem:s14+$0x3000];
	_ =	sdelay $0x1  }
0xc1: {  	v12 =	vmov s1;
	v10 =	vand.u32 $0x7, v10  }
0xc2: {  	v12 =	vshll.u32 v12, $0x3;
	v13 =	vor.u32 v10, v9  }
0xc3: {  	v10 =	vbroadcast v12, $0x0;
	v12 =	vld [tilespmem:s3+$0x80];
	v13 =	vor.u32 v2, v13  }
0xc4: {  	v11 =	vand.u32 $0x7, v11  }
0xc5: {  	v11 =	vor.u32 v11, v10  }
0xc6: {  	v14 =	vld [tilespmem:s14+$0x0];
	v11 =	vor.u32 v0, v11;
	_ =	sdelay $0x1  }
0xc7: {  	[tilespmem:v13+s19+$0x0] =	vst.idx.msk $0xffff, v12  }
0xc8: {  	v12 =	vld [tilespmem:s3+$0x3100];
	_ =	sdelay $0x1  }
0xc9: {  	[tilespmem:v11+s19+$0x0] =	vst.idx.msk $0xffff, v14  }
0xca: {  	s13 =	simm.s32 $0x100;
	s12 =	simm.s32 $0x20;
	v11 =	vld [tilespmem:s14+$0x3080]  }
0xcb: {  	s25 =	sand.u32 $0x70, s12;
	s26 =	sand.u32 $0x1C00, s13  }
0xcc: {  	s31 =	sor.u32 s25, s26;
	v12 =	vand.u32 $0x7, v12  }
0xcd: {  	v13 =	vld [tilespmem:s31+$0x3000];
	v12 =	vor.u32 v12, v9  }
0xce: {  	v14 =	vld [tilespmem:s3+$0x100];
	v12 =	vor.u32 v3, v12  }
0xcf: {  	v15 =	vmov s13;
	v11 =	vand.u32 $0x7, v11  }
0xd0: {  	v15 =	vshll.u32 v15, $0x3;
	v16 =	vor.u32 v11, v10  }
0xd1: {  	v11 =	vbroadcast v15, $0x0;
	v15 =	vld [tilespmem:s14+$0x80];
	v16 =	vor.u32 v2, v16  }
0xd2: {  	v13 =	vand.u32 $0x7, v13  }
0xd3: {  	v17 =	vld [tilespmem:s31+$0x0];
	v13 =	vor.u32 v13, v11;
	[tilespmem:v12+s19+$0x0] =	vst.idx.msk $0xffff, v14  }
0xd4: {  	v12 =	vor.u32 v0, v13;
	v13 =	vld [tilespmem:s3+$0x3180];
	_ =	sdelay $0x1  }
0xd5: {  	[tilespmem:v16+s19+$0x0] =	vst.idx.msk $0xffff, v15  }
0xd6: {  	v14 =	vld [tilespmem:s14+$0x3100];
	_ =	sdelay $0x1  }
0xd7: {  	s16 =	simm.s32 $0x180;
	s11 =	simm.s32 $0x30;
	[tilespmem:v12+s19+$0x0] =	vst.idx.msk $0xffff, v17;
	v12 =	vand.u32 $0x7, v13  }
0xd8: {  	s5 =	sand.u32 $0x1C00, s16;
	s4 =	sand.u32 $0x70, s11;
	v13 =	vld [tilespmem:s31+$0x3080];
	v12 =	vor.u32 v12, v9  }
0xd9: {  	s15 =	sor.u32 s4, s5;
	v15 =	vld [tilespmem:s3+$0x180];
	v12 =	vor.u32 v4, v12  }
0xda: {  	v16 =	vld [tilespmem:s15+$0x3000];
	v14 =	vand.u32 $0x7, v14  }
0xdb: {  	v14 =	vor.u32 v14, v10  }
0xdc: {  	v18 =	vmov s16;
	v17 =	vld [tilespmem:s14+$0x100];
	v14 =	vor.u32 v3, v14  }
0xdd: {  	v18 =	vshll.u32 v18, $0x3;
	v13 =	vand.u32 $0x7, v13  }
0xde: {  	v19 =	vld [tilespmem:s31+$0x80];
	v13 =	vor.u32 v13, v11;
	[tilespmem:v12+s19+$0x0] =	vst.idx.msk $0xffff, v15;
	v12 =	vbroadcast v18, $0x0  }
0xdf: {  	v16 =	vand.u32 $0x7, v16;
	v13 =	vor.u32 v2, v13;
	v15 =	vld [tilespmem:s3+$0x3200]  }
0xe0: {  	v16 =	vor.u32 v16, v12  }
0xe1: {  	v18 =	vld [tilespmem:s15+$0x0];
	[tilespmem:v14+s19+$0x0] =	vst.idx.msk $0xffff, v17;
	v14 =	vor.u32 v0, v16  }
0xe2: {  	v16 =	vld [tilespmem:s14+$0x3180];
	_ =	sdelay $0x1  }
0xe3: {  	[tilespmem:v13+s19+$0x0] =	vst.idx.msk $0xffff, v19;
	v13 =	vand.u32 $0x7, v15  }
0xe4: {  	v15 =	vld [tilespmem:s31+$0x3100];
	v13 =	vor.u32 v13, v9  }
0xe5: {  	v17 =	vld [tilespmem:s3+$0x200];
	v13 =	vor.u32 v5, v13;
	[tilespmem:v14+s19+$0x0] =	vst.idx.msk $0xffff, v18  }
0xe6: {  	s23 =	simm.s32 $0x40;
	s24 =	simm.s32 $0x200;
	v14 =	vand.u32 $0x7, v16;
	v16 =	vld [tilespmem:s15+$0x3080]  }
0xe7: {  	s7 =	sand.u32 $0x70, s23;
	s17 =	sand.u32 $0x1C00, s24;
	v14 =	vor.u32 v14, v10  }
0xe8: {  	s25 =	sor.u32 s7, s17;
	v18 =	vld [tilespmem:s14+$0x180];
	v14 =	vor.u32 v4, v14  }
0xe9: {  	v19 =	vld [tilespmem:s25+$0x3000];
	v15 =	vand.u32 $0x7, v15  }
0xea: {  	v20 =	vld [tilespmem:s31+$0x100];
	v15 =	vor.u32 v15, v11;
	[tilespmem:v13+s19+$0x0] =	vst.idx.msk $0xffff, v17  }
0xeb: {  	v13 =	vmov s24;
	v15 =	vor.u32 v3, v15;
	v17 =	vld [tilespmem:s3+$0x3280];
	v16 =	vand.u32 $0x7, v16  }
0xec: {  	v13 =	vshll.u32 v13, $0x3;
	v16 =	vor.u32 v16, v12  }
0xed: {  	v21 =	vld [tilespmem:s15+$0x80];
	v13 =	vbroadcast v13, $0x0;
	[tilespmem:v14+s19+$0x0] =	vst.idx.msk $0xffff, v18;
	v14 =	vor.u32 v2, v16  }
0xee: {  	v16 =	vand.u32 $0x7, v19;
	v18 =	vld [tilespmem:s14+$0x3200]  }
0xef: {  	v16 =	vor.u32 v16, v13  }
0xf0: {  	v19 =	vld [tilespmem:s25+$0x0];
	v16 =	vor.u32 v0, v16;
	[tilespmem:v15+s19+$0x0] =	vst.idx.msk $0xffff, v20;
	v15 =	vand.u32 $0x7, v17  }
0xf1: {  	v17 =	vld [tilespmem:s31+$0x3180];
	v15 =	vor.u32 v15, v9  }
0xf2: {  	v20 =	vld [tilespmem:s3+$0x280];
	v15 =	vor.u32 v6, v15;
	[tilespmem:v14+s19+$0x0] =	vst.idx.msk $0xffff, v21  }
0xf3: {  	v14 =	vand.u32 $0x7, v18;
	v18 =	vld [tilespmem:s15+$0x3100]  }
0xf4: {  	s26 =	simm.s32 $0x50;
	s4 =	simm.s32 $0x280;
	v21 =	vld [tilespmem:s14+$0x200];
	v14 =	vor.u32 v14, v10  }
0xf5: {  	s18 =	sand.u32 $0x70, s26;
	s5 =	sand.u32 $0x1C00, s4;
	[tilespmem:v16+s19+$0x0] =	vst.idx.msk $0xffff, v19;
	v14 =	vor.u32 v5, v14;
	v19 =	vld [tilespmem:s31+$0x180]  }
0xf6: {  	s2 =	sor.u32 s18, s5;
	v16 =	vld [tilespmem:s25+$0x3080];
	v17 =	vand.u32 $0x7, v17  }
0xf7: {  	v17 =	vor.u32 v17, v11;
	[tilespmem:v15+s19+$0x0] =	vst.idx.msk $0xffff, v20;
	v20 =	vld [tilespmem:s2+$0x3000]  }
0xf8: {  	v15 =	vor.u32 v4, v17;
	v17 =	vld [tilespmem:s3+$0x3300];
	v18 =	vand.u32 $0x7, v18  }
0xf9: {  	v18 =	vor.u32 v18, v12  }
0xfa: {  	v22 =	vld [tilespmem:s15+$0x100];
	[tilespmem:v14+s19+$0x0] =	vst.idx.msk $0xffff, v21;
	v14 =	vmov s4;
	v18 =	vor.u32 v3, v18  }
0xfb: {  	v21 =	vld [tilespmem:s14+$0x3280];
	v14 =	vshll.u32 v14, $0x3  }
0xfc: {  	v24 =	vld [tilespmem:s2+$0x0];
	v16 =	vand.u32 $0x7, v16;
	v14 =	vbroadcast v14, $0x0  }
0xfd: {  	v23 =	vld [tilespmem:s25+$0x80];
	v16 =	vor.u32 v16, v13;
	[tilespmem:v15+s19+$0x0] =	vst.idx.msk $0xffff, v19;
	v15 =	vand.u32 $0x7, v17;
	v17 =	vand.u32 $0x7, v20  }
0xfe: {  	v16 =	vor.u32 v2, v16;
	v19 =	vld [tilespmem:s31+$0x3200];
	v17 =	vor.u32 v17, v14  }
0xff: {  	v20 =	vld [tilespmem:s3+$0x300];
	v15 =	vor.u32 v15, v9;
	v17 =	vor.u32 v0, v17;
	[tilespmem:v18+s19+$0x0] =	vst.idx.msk $0xffff, v22  }
0x100: {  	v15 =	vor.u32 v7, v15;
	v18 =	vand.u32 $0x7, v21;
	v21 =	vld [tilespmem:s15+$0x3180];
	_ =	sdelay $0x1  }
0x101: {  	v18 =	vor.u32 v18, v10  }
0x102: {  	[tilespmem:v16+s19+$0x0] =	vst.idx.msk $0xffff, v23;
	v16 =	vld [tilespmem:s14+$0x280];
	v25 =	vor.u32 v6, v18  }
0x103: {  	s20 =	sor.u32 s10, s10;
	v18 =	vld [tilespmem:s31+$0x200];
	[tilespmem:v17+s19+$0x0] =	vst.idx.msk $0xffff, v24;
	v17 =	vand.u32 $0x7, v19  }
0x104: {  	s5 =	sor.u32 $0x380, s20;
	v22 =	vld [tilespmem:s25+$0x3100];
	[tilespmem:v15+s19+$0x0] =	vst.idx.msk $0xffff, v20;
	v19 =	vand.u32 $0x7, v21;
	v17 =	vor.u32 v17, v11  }
0x105: {  	v15 =	vld [tilespmem:s5+$0x3000];
	v21 =	vor.u32 v19, v12;
	v19 =	vor.u32 v5, v17  }
0x106: {  	s10 =	simm.s32 $0x300;
	s3 =	simm.s32 $0x60;
	v23 =	vld [tilespmem:s2+$0x3080]  }
0x107: {  	s17 =	sand.u32 $0x1C00, s10;
	s7 =	sand.u32 $0x70, s3;
	v20 =	vld [tilespmem:s15+$0x180];
	[tilespmem:v25+s19+$0x0] =	vst.idx.msk $0xffff, v16  }
0x108: {  	s18 =	simm.s32 $0x380;
	s17 =	sor.u32 s7, s17;
	v21 =	vor.u32 v4, v21;
	v17 =	vld [tilespmem:s14+$0x3300]  }
.LBB2_6:
0x109: {  	p1 =	sne.s32 s18, $0x1780;
	v16 =	vld [tilespmem:s17+$0x3000];
	v22 =	vand.u32 $0x7, v22;
	s7 =	smov.u32 s10;
	s10 =	smov.u32 s18  }
0x10a: {  	v24 =	vmov s7;
	v25 =	vld [tilespmem:s25+$0x100];
	v22 =	vor.u32 v22, v13;
	[tilespmem:v19+s19+$0x0] =	vst.idx.msk $0xffff, v18;
	v15 =	vand.u32 $0x7, v15  }
0x10b: {  	v18 =	vand.u32 $0x7, v23;
	v19 =	vor.u32 v3, v22;
	v22 =	vld [tilespmem:s31+$0x3280];
	v15 =	vor.u32 v15, v9;
	v9 =	vmovc v10;
	v10 =	vmovc v11  }
0x10c: {  	v23 =	vshll.u32 v24, $0x3;
	v11 =	vmovc v12;
	v12 =	vmovc v13;
	v18 =	vor.u32 v18, v14;
	v24 =	vld [tilespmem:s5+$0x0];
	v15 =	vor.u32 v8, v15  }
0x10d: {  	v13 =	vmovc v14;
	v14 =	vbroadcast v23, $0x0;
	v26 =	vld [tilespmem:s2+$0x80];
	v18 =	vor.u32 v2, v18;
	[tilespmem:v21+s19+$0x0] =	vst.idx.msk $0xffff, v20;
	v17 =	vand.u32 $0x7, v17  }
0x10e: {  	v16 =	vand.u32 $0x7, v16;
	v20 =	vld [tilespmem:s15+$0x3200];
	v17 =	vor.u32 v17, v9  }
0x10f: {  	v16 =	vor.u32 v16, v14;
	v21 =	vld [tilespmem:s14+$0x300];
	v17 =	vor.u32 v7, v17;
	s14 =	smov.u32 s31;
	s31 =	smov.u32 s15;
	s15 =	smov.u32 s25  }
0x110: {  	s25 =	smov.u32 s2;
	s2 =	smov.u32 s17;
	v23 =	vld [tilespmem:s17+$0x0];
	v16 =	vor.u32 v0, v16;
	[tilespmem:v19+s19+$0x0] =	vst.idx.msk $0xffff, v25;
	v19 =	vand.u32 $0x7, v22  }
0x111: {  	v25 =	vld [tilespmem:s15+$0x3180];
	v19 =	vor.u32 v19, v10;
	[tilespmem:v15+s19+$0x0] =	vst.idx.msk $0xffff, v24  }
0x112: {  	[tilespmem:v18+s19+$0x0] =	vst.idx.msk $0xffff, v26;
	v24 =	vld [tilespmem:s14+$0x280];
	v26 =	vor.u32 v6, v19  }
0x113: {  	s1 =	sor.u32 s1, s0;
	s0 =	smov.u32 s12;
	s12 =	smov.u32 s11;
	v22 =	vld [tilespmem:s25+$0x3100];
	v15 =	vand.u32 $0x7, v20  }
.Ltmp6:
0x114: {  	s11 =	smov.u32 s23;
	s5 =	sor.u32 $0x380, s1;
	v18 =	vld [tilespmem:s31+$0x200];
	v15 =	vor.u32 v15, v11;
	[tilespmem:v17+s19+$0x0] =	vst.idx.msk $0xffff, v21;
	(pc) =	sbr.rel @p1 .LBB2_6-.Ltmp6, $4  }
0x115: {  	s23 =	smov.u32 s26;
	s26 =	smov.u32 s3;
	s1 =	smov.u32 s13;
	[tilespmem:v16+s19+$0x0] =	vst.idx.msk $0xffff, v23;
	v19 =	vor.u32 v5, v15;
	v15 =	vld [tilespmem:s5+$0x3000]  }
0x116: {  	s3 =	sadd.s32 $0x10, s3;
	s13 =	smov.u32 s16;
	s16 =	smov.u32 s24;
	v23 =	vld [tilespmem:s2+$0x3080];
	v16 =	vand.u32 $0x7, v25  }
0x117: {  	s20 =	sand.u32 $0x1C00, s18;
	s24 =	smov.u32 s4;
	s17 =	sand.u32 $0x70, s3;
	v20 =	vld [tilespmem:s15+$0x180];
	v16 =	vor.u32 v16, v12;
	[tilespmem:v26+s19+$0x0] =	vst.idx.msk $0xffff, v24  }
0x118: {  	s18 =	sadd.s32 $0x80, s18;
	s4 =	smov.u32 s7;
	s17 =	sor.u32 s17, s20;
	v21 =	vor.u32 v4, v16;
	v17 =	vld [tilespmem:s14+$0x3300]  }
0x119: {  	v24 =	vld [tilespmem:s17+$0x3000];
	_ =	sdelay $0x1  }
0x11a: {  	v16 =	vmov s10  }
0x11b: {  	v16 =	vshll.u32 v16, $0x3  }
0x11c: {  	v16 =	vbroadcast v16, $0x0  }
0x11d: {  	v24 =	vand.u32 $0x7, v24  }
0x11e: {  	v24 =	vor.u32 v24, v16  }
0x11f: {  	v25 =	vld [tilespmem:s17+$0x0];
	v24 =	vor.u32 v0, v24;
	_ =	sdelay $0x4  }
0x120: {  	[tilespmem:v24+s19+$0x0] =	vst.idx.msk $0xffff, v25  }
0x121: {  	v24 =	vld [tilespmem:s17+$0x3080];
	_ =	sdelay $0x3  }
0x122: {  	v23 =	vand.u32 $0x7, v23  }
0x123: {  	v23 =	vor.u32 v23, v14;
	v24 =	vand.u32 $0x7, v24  }
0x124: {  	v30 =	vld [tilespmem:s2+$0x80];
	v23 =	vor.u32 v2, v23;
	v24 =	vor.u32 v24, v16  }
0x125: {  	v26 =	vld [tilespmem:s17+$0x80];
	v24 =	vor.u32 v2, v24;
	_ =	sdelay $0x3  }
0x126: {  	[tilespmem:v23+s19+$0x0] =	vst.idx.msk $0xffff, v30  }
0x127: {  	v23 =	vld [tilespmem:s2+$0x3100];
	[tilespmem:v24+s19+$0x0] =	vst.idx.msk $0xffff, v26  }
0x128: {  	v24 =	vld [tilespmem:s17+$0x3100]  }
0x129: {  	v22 =	vand.u32 $0x7, v22  }
0x12a: {  	v22 =	vor.u32 v22, v13  }
0x12b: {  	v31 =	vld [tilespmem:s25+$0x100];
	v22 =	vor.u32 v3, v22  }
0x12c: {  	v23 =	vand.u32 $0x7, v23  }
0x12d: {  	v23 =	vor.u32 v23, v14;
	v24 =	vand.u32 $0x7, v24  }
0x12e: {  	v32 =	vld [tilespmem:s2+$0x100];
	v23 =	vor.u32 v3, v23;
	v24 =	vor.u32 v24, v16  }
0x12f: {  	v27 =	vld [tilespmem:s17+$0x100];
	v24 =	vor.u32 v3, v24  }
0x130: {  	[tilespmem:v22+s19+$0x0] =	vst.idx.msk $0xffff, v31  }
0x131: {  	v22 =	vld [tilespmem:s25+$0x3180];
	_ =	sdelay $0x1  }
0x132: {  	[tilespmem:v23+s19+$0x0] =	vst.idx.msk $0xffff, v32  }
0x133: {  	v23 =	vld [tilespmem:s2+$0x3180];
	[tilespmem:v24+s19+$0x0] =	vst.idx.msk $0xffff, v27  }
0x134: {  	v24 =	vld [tilespmem:s17+$0x3180]  }
0x135: {  	v22 =	vand.u32 $0x7, v22  }
0x136: {  	v22 =	vor.u32 v22, v13  }
0x137: {  	v25 =	vld [tilespmem:s25+$0x180];
	v22 =	vor.u32 v4, v22  }
0x138: {  	v23 =	vand.u32 $0x7, v23  }
0x139: {  	v23 =	vor.u32 v23, v14;
	v24 =	vand.u32 $0x7, v24  }
0x13a: {  	v26 =	vld [tilespmem:s2+$0x180];
	v23 =	vor.u32 v4, v23;
	v24 =	vor.u32 v24, v16  }
0x13b: {  	[tilespmem:v21+s19+$0x0] =	vst.idx.msk $0xffff, v20;
	v27 =	vld [tilespmem:s17+$0x180];
	v24 =	vor.u32 v4, v24  }
0x13c: {  	v20 =	vld [tilespmem:s15+$0x3200];
	[tilespmem:v22+s19+$0x0] =	vst.idx.msk $0xffff, v25  }
0x13d: {  	v33 =	vld [tilespmem:s25+$0x3200];
	_ =	sdelay $0x1  }
0x13e: {  	[tilespmem:v23+s19+$0x0] =	vst.idx.msk $0xffff, v26  }
0x13f: {  	v34 =	vld [tilespmem:s2+$0x3200];
	[tilespmem:v24+s19+$0x0] =	vst.idx.msk $0xffff, v27  }
0x140: {  	v20 =	vand.u32 $0x7, v20;
	v35 =	vld [tilespmem:s17+$0x3200]  }
0x141: {  	v20 =	vor.u32 v20, v12;
	v21 =	vand.u32 $0x7, v33  }
0x142: {  	v36 =	vld [tilespmem:s15+$0x200];
	v20 =	vor.u32 v5, v20;
	v21 =	vor.u32 v21, v13  }
0x143: {  	v25 =	vld [tilespmem:s25+$0x200];
	v21 =	vor.u32 v5, v21  }
0x144: {  	[tilespmem:v19+s19+$0x0] =	vst.idx.msk $0xffff, v18;
	v22 =	vand.u32 $0x7, v34  }
0x145: {  	v18 =	vld [tilespmem:s31+$0x3280];
	v22 =	vor.u32 v22, v14;
	v23 =	vand.u32 $0x7, v35  }
0x146: {  	v26 =	vld [tilespmem:s2+$0x200];
	v22 =	vor.u32 v5, v22;
	v23 =	vor.u32 v23, v16  }
0x147: {  	[tilespmem:v20+s19+$0x0] =	vst.idx.msk $0xffff, v36;
	v27 =	vld [tilespmem:s17+$0x200];
	v23 =	vor.u32 v5, v23  }
0x148: {  	v37 =	vld [tilespmem:s15+$0x3280];
	[tilespmem:v21+s19+$0x0] =	vst.idx.msk $0xffff, v25  }
0x149: {  	v38 =	vld [tilespmem:s25+$0x3280]  }
0x14a: {  	v18 =	vand.u32 $0x7, v18  }
0x14b: {  	v41 =	vld [tilespmem:s31+$0x280];
	v18 =	vor.u32 v18, v11;
	[tilespmem:v22+s19+$0x0] =	vst.idx.msk $0xffff, v26  }
0x14c: {  	v18 =	vor.u32 v6, v18;
	v39 =	vld [tilespmem:s2+$0x3280];
	[tilespmem:v23+s19+$0x0] =	vst.idx.msk $0xffff, v27  }
0x14d: {  	v19 =	vand.u32 $0x7, v37;
	v40 =	vld [tilespmem:s17+$0x3280]  }
0x14e: {  	v19 =	vor.u32 v19, v12;
	v20 =	vand.u32 $0x7, v38  }
0x14f: {  	v19 =	vor.u32 v6, v19;
	v20 =	vor.u32 v20, v13;
	v24 =	vld [tilespmem:s15+$0x280]  }
0x150: {  	v25 =	vld [tilespmem:s25+$0x280];
	v20 =	vor.u32 v6, v20  }
0x151: {  	[tilespmem:v18+s19+$0x0] =	vst.idx.msk $0xffff, v41;
	v21 =	vand.u32 $0x7, v39  }
0x152: {  	v18 =	vld [tilespmem:s31+$0x3300];
	v21 =	vor.u32 v21, v14;
	v22 =	vand.u32 $0x7, v40  }
0x153: {  	v26 =	vld [tilespmem:s2+$0x280];
	v21 =	vor.u32 v6, v21;
	v22 =	vor.u32 v22, v16  }
0x154: {  	[tilespmem:v19+s19+$0x0] =	vst.idx.msk $0xffff, v24;
	v27 =	vld [tilespmem:s17+$0x280];
	v22 =	vor.u32 v6, v22  }
0x155: {  	[tilespmem:v20+s19+$0x0] =	vst.idx.msk $0xffff, v25;
	v19 =	vld [tilespmem:s15+$0x3300]  }
0x156: {  	v17 =	vand.u32 $0x7, v17;
	v20 =	vld [tilespmem:s25+$0x3300]  }
0x157: {  	v42 =	vld [tilespmem:s14+$0x300];
	v17 =	vor.u32 v17, v10;
	v18 =	vand.u32 $0x7, v18  }
0x158: {  	v17 =	vor.u32 v7, v17;
	v43 =	vld [tilespmem:s31+$0x300];
	v18 =	vor.u32 v18, v11;
	[tilespmem:v21+s19+$0x0] =	vst.idx.msk $0xffff, v26  }
0x159: {  	v18 =	vor.u32 v7, v18;
	v21 =	vld [tilespmem:s2+$0x3300];
	[tilespmem:v22+s19+$0x0] =	vst.idx.msk $0xffff, v27  }
0x15a: {  	v19 =	vand.u32 $0x7, v19;
	v22 =	vld [tilespmem:s17+$0x3300]  }
0x15b: {  	v20 =	vand.u32 $0x7, v20;
	v19 =	vor.u32 v19, v12  }
0x15c: {  	s0 =	sor.u32 s1, s0;
	v20 =	vor.u32 v20, v13;
	v44 =	vld [tilespmem:s15+$0x300];
	v19 =	vor.u32 v7, v19  }
0x15d: {  	s18 =	sor.u32 s13, s12;
	s0 =	sor.u32 $0x380, s0;
	[tilespmem:v17+s19+$0x0] =	vst.idx.msk $0xffff, v42;
	v45 =	vld [tilespmem:s25+$0x300];
	v20 =	vor.u32 v7, v20  }
0x15e: {  	s1 =	sor.u32 $0x380, s18;
	v48 =	vld [tilespmem:s0+$0x3000];
	[tilespmem:v18+s19+$0x0] =	vst.idx.msk $0xffff, v43;
	v21 =	vand.u32 $0x7, v21  }
0x15f: {  	v49 =	vld [tilespmem:s1+$0x3000];
	v21 =	vor.u32 v21, v14;
	v22 =	vand.u32 $0x7, v22  }
0x160: {  	s20 =	sor.u32 s16, s11;
	v46 =	vld [tilespmem:s2+$0x300];
	v21 =	vor.u32 v7, v21;
	v22 =	vor.u32 v22, v16  }
0x161: {  	s7 =	sor.u32 s24, s23;
	s2 =	sor.u32 $0x380, s20;
	[tilespmem:v19+s19+$0x0] =	vst.idx.msk $0xffff, v44;
	v47 =	vld [tilespmem:s17+$0x300];
	v22 =	vor.u32 v7, v22  }
0x162: {  	s7 =	sor.u32 $0x380, s7;
	[tilespmem:v20+s19+$0x0] =	vst.idx.msk $0xffff, v45;
	v19 =	vld [tilespmem:s2+$0x3000]  }
0x163: {  	v20 =	vld [tilespmem:s7+$0x3000]  }
0x164: {  	s4 =	sor.u32 s4, s26;
	v51 =	vld [tilespmem:s5+$0x0];
	v15 =	vand.u32 $0x7, v15  }
0x165: {  	s3 =	sor.u32 s10, s3;
	s4 =	sor.u32 $0x380, s4;
	v9 =	vor.u32 v15, v9;
	v53 =	vld [tilespmem:s0+$0x0];
	v50 =	vand.u32 $0x7, v48;
	[tilespmem:v21+s19+$0x0] =	vst.idx.msk $0xffff, v46  }
0x166: {  	s3 =	sor.u32 $0x380, s3;
	v9 =	vor.u32 v8, v9;
	v10 =	vor.u32 v50, v10;
	v52 =	vand.u32 $0x7, v49;
	v21 =	vld [tilespmem:s4+$0x3000];
	[tilespmem:v22+s19+$0x0] =	vst.idx.msk $0xffff, v47  }
0x167: {  	v10 =	vor.u32 v8, v10;
	v11 =	vor.u32 v52, v11;
	v54 =	vand.u32 $0x7, v19;
	v17 =	vld [tilespmem:s3+$0x3000]  }
0x168: {  	v55 =	vld [tilespmem:s1+$0x0];
	v11 =	vor.u32 v8, v11;
	v57 =	vand.u32 $0x7, v20;
	v56 =	vor.u32 v54, v12  }
0x169: {  	v59 =	vor.u32 v57, v13;
	v58 =	vld [tilespmem:s2+$0x0];
	v12 =	vor.u32 v8, v56  }
0x16a: {  	v61 =	vld [tilespmem:s7+$0x0];
	v13 =	vor.u32 v8, v59  }
0x16b: {  	[tilespmem:v9+s19+$0x0] =	vst.idx.msk $0xffff, v51;
	v60 =	vand.u32 $0x7, v21  }
0x16c: {  	[tilespmem:v10+s19+$0x0] =	vst.idx.msk $0xffff, v53;
	v62 =	vor.u32 v60, v14;
	v63 =	vand.u32 $0x7, v17  }
0x16d: {  	s24 =	sshll.u32 s28, $0x3;
	v9 =	vld [tilespmem:s4+$0x0];
	v14 =	vor.u32 v8, v62;
	s25 =	rddreg [dreg:$0x4];
	[tilespmem:v11+s19+$0x0] =	vst.idx.msk $0xffff, v55;
	v15 =	vor.u32 v63, v16  }
0x16e: {  	v10 =	vld [tilespmem:s3+$0x0];
	[tilespmem:v12+s19+$0x0] =	vst.idx.msk $0xffff, v58;
	s0 =	sor.u32 s25, s24;
	v15 =	vor.u32 v8, v15  }
0x16f: {  	[tilespmem:v13+s19+$0x0] =	vst.idx.msk $0xffff, v61;
	s0 =	smul.u32 $0xC000, s0  }
0x170: {  	s26 =	rddreg [dreg:$0x6]  }
0x171: {  	s0 =	sadd.s32 s26, s0  }
0x172: {  	[tilespmem:v14+s19+$0x0] =	vst.idx.msk $0xffff, v9;
	s0 =	sshrl.u32 s0, $0x3  }
0x173: {  	s31 =	simm.s32 $0x0;
	s0 =	sadd.s32 s21, s0;
	[tilespmem:v15+s19+$0x0] =	vst.idx.msk $0xffff, v10  }
0x174: {  	[hbm4b:s0+s31] =	stream.linear.scatter [tilespmem:s19], [sflag:$0x5], $0xC000, $0x38;
	[tilespmem:$0x1E000] =	vst v63  }
.LBB2_8:
0x175: {  	p1 =	sge.u32 s29, s9  }
.Ltmp7:
0x176: {  	_ = 	snop;
	(pc) =	sbr.rel @p1 .LBB2_14-.Ltmp7, $1  }
0x177: {  	_ =	sdelay $0x3  }
0x178: {  	s0 =	sadd.s32 $0x2, s30;
	s2 =	simm.s32 $0x2  }
0x179: {  	p1 =	sge.u32 s0, s9;
	_ =	swait.ge [sflag:s2], $0x1800  }
0x17a: {  	s0 =	sshll.u32 @!p1 s0, $0x2;
	s1 =	rddreg [dreg:$0x4];
	[sflag:s2] =	ssyncset.done $0x0  }
0x17b: {  	s30 =	simm.s32 $0x4;
	s0 =	sor.u32 @!p1 s1, s0;
	[sflag:s2] =	ssyncadd.s32 $0xFFFFE800  }
0x17c: {  	s0 =	smul.u32 @!p1 $0x1800, s0;
	_ =	swait.ge [sflag:s30], $0x1800  }
0x17d: {  	s1 =	rddreg [dreg:$0x5]  }
0x17e: {  	s0 =	sadd.s32 @!p1 s1, s0  }
0x17f: {  	[sflag:s30] =	ssyncset.done $0x0;
	s0 =	sshrl.u32 @!p1 s0, $0x3  }
0x180: {  	s2 =	simm.s32 @!p1 $0x0;
	[sflag:s30] =	ssyncadd.s32 $0xFFFFE800;
	s1 =	sadd.s32 @!p1 s6, s0  }
0x181: {  	[tilespmem:s2], [sflag:$0x1] =	stream.linear.gather @!p1 [hbm4b:s1+s2], $0x1800, $0x38;
	[tilespmem:$0x1E000] =	vst v63  }
0x182: {  	s0 =	sadd.s32 @!p1 s8, s0;
	s1 =	simm.s32 @!p1 $0x3000  }
0x183: {  	[tilespmem:s1], [sflag:$0x3] =	stream.linear.gather @!p1 [hbm4b:s0+s2], $0x1800, $0x38;
	[tilespmem:$0x1E000] =	vst v63  }
0x184: {  	p1 =	seq.s32 s28, $0x0  }
0x185: {  	s0 =	simm.s32 @!p1 $0x6  }
0x186: {  	_ =	swait.ge @!p1 [sflag:s0], $0xC000  }
0x187: {  	s10 =	simm.s32 $0x0;
	[sflag:s0] =	ssyncset.done @!p1 $0x0  }
0x188: {  	s1 =	simm.s32 $0x1000;
	[sflag:s0] =	ssyncadd.s32 @!p1 $0xFFFF4000;
	s0 =	simm.s32 $0x0  }
.LBB2_10:
0x189: {  	p1 =	sne.s32 s1, $0x2F000;
	[tilespmem:s0+$0x123F0] =	vst v1  }
0x18a: {  	[tilespmem:s0+$0x12000] =	vst v1  }
0x18b: {  	[tilespmem:s0+$0x12010] =	vst v1  }
0x18c: {  	[tilespmem:s0+$0x12020] =	vst v1  }
0x18d: {  	[tilespmem:s0+$0x12030] =	vst v1  }
0x18e: {  	[tilespmem:s0+$0x12040] =	vst v1  }
0x18f: {  	[tilespmem:s0+$0x12050] =	vst v1  }
0x190: {  	[tilespmem:s0+$0x12060] =	vst v1  }
0x191: {  	[tilespmem:s0+$0x12070] =	vst v1  }
0x192: {  	[tilespmem:s0+$0x12080] =	vst v1  }
0x193: {  	[tilespmem:s0+$0x12090] =	vst v1  }
0x194: {  	[tilespmem:s0+$0x120A0] =	vst v1  }
0x195: {  	[tilespmem:s0+$0x120B0] =	vst v1  }
0x196: {  	[tilespmem:s0+$0x120C0] =	vst v1  }
0x197: {  	[tilespmem:s0+$0x120D0] =	vst v1  }
0x198: {  	[tilespmem:s0+$0x120E0] =	vst v1  }
0x199: {  	[tilespmem:s0+$0x120F0] =	vst v1  }
0x19a: {  	[tilespmem:s0+$0x12100] =	vst v1  }
0x19b: {  	[tilespmem:s0+$0x12110] =	vst v1  }
0x19c: {  	[tilespmem:s0+$0x12120] =	vst v1  }
0x19d: {  	[tilespmem:s0+$0x12130] =	vst v1  }
0x19e: {  	[tilespmem:s0+$0x12140] =	vst v1  }
0x19f: {  	[tilespmem:s0+$0x12150] =	vst v1  }
0x1a0: {  	[tilespmem:s0+$0x12160] =	vst v1  }
0x1a1: {  	[tilespmem:s0+$0x12170] =	vst v1  }
0x1a2: {  	[tilespmem:s0+$0x12180] =	vst v1  }
0x1a3: {  	[tilespmem:s0+$0x12190] =	vst v1  }
0x1a4: {  	[tilespmem:s0+$0x121A0] =	vst v1  }
0x1a5: {  	[tilespmem:s0+$0x121B0] =	vst v1  }
0x1a6: {  	[tilespmem:s0+$0x121C0] =	vst v1  }
0x1a7: {  	[tilespmem:s0+$0x121D0] =	vst v1  }
0x1a8: {  	[tilespmem:s0+$0x121E0] =	vst v1  }
0x1a9: {  	[tilespmem:s0+$0x121F0] =	vst v1  }
0x1aa: {  	[tilespmem:s0+$0x12200] =	vst v1  }
0x1ab: {  	[tilespmem:s0+$0x12210] =	vst v1  }
0x1ac: {  	[tilespmem:s0+$0x12220] =	vst v1  }
0x1ad: {  	[tilespmem:s0+$0x12230] =	vst v1  }
0x1ae: {  	[tilespmem:s0+$0x12240] =	vst v1  }
0x1af: {  	[tilespmem:s0+$0x12250] =	vst v1  }
0x1b0: {  	[tilespmem:s0+$0x12260] =	vst v1  }
0x1b1: {  	[tilespmem:s0+$0x12270] =	vst v1  }
0x1b2: {  	[tilespmem:s0+$0x12280] =	vst v1  }
0x1b3: {  	[tilespmem:s0+$0x12290] =	vst v1  }
0x1b4: {  	[tilespmem:s0+$0x122A0] =	vst v1  }
0x1b5: {  	[tilespmem:s0+$0x122B0] =	vst v1  }
0x1b6: {  	[tilespmem:s0+$0x122C0] =	vst v1  }
0x1b7: {  	[tilespmem:s0+$0x122D0] =	vst v1  }
0x1b8: {  	[tilespmem:s0+$0x122E0] =	vst v1  }
0x1b9: {  	[tilespmem:s0+$0x122F0] =	vst v1  }
0x1ba: {  	[tilespmem:s0+$0x12300] =	vst v1  }
0x1bb: {  	[tilespmem:s0+$0x12310] =	vst v1  }
0x1bc: {  	[tilespmem:s0+$0x12320] =	vst v1  }
0x1bd: {  	[tilespmem:s0+$0x12330] =	vst v1  }
0x1be: {  	[tilespmem:s0+$0x12340] =	vst v1  }
0x1bf: {  	[tilespmem:s0+$0x12350] =	vst v1  }
0x1c0: {  	[tilespmem:s0+$0x12360] =	vst v1  }
0x1c1: {  	[tilespmem:s0+$0x12370] =	vst v1  }
0x1c2: {  	[tilespmem:s0+$0x12380] =	vst v1  }
0x1c3: {  	[tilespmem:s0+$0x12390] =	vst v1  }
.Ltmp8:
0x1c4: {  	[tilespmem:s0+$0x123A0] =	vst v1;
	(pc) =	sbr.rel @p1 .LBB2_10-.Ltmp8, $4  }
0x1c5: {  	[tilespmem:s0+$0x123B0] =	vst v1  }
0x1c6: {  	[tilespmem:s0+$0x123C0] =	vst v1  }
0x1c7: {  	[tilespmem:s0+$0x123D0] =	vst v1  }
0x1c8: {  	[tilespmem:s0+$0x123E0] =	vst v1;
	s0 =	sshra.s32 s1, $0x2;
	s1 =	sadd.s32 $0x1000, s1  }
0x1c9: {  	[tilespmem:s0+$0x123F0] =	vst v1  }
0x1ca: {  	[tilespmem:s0+$0x12000] =	vst v1  }
0x1cb: {  	[tilespmem:s0+$0x12010] =	vst v1  }
0x1cc: {  	[tilespmem:s0+$0x12020] =	vst v1  }
0x1cd: {  	[tilespmem:s0+$0x12030] =	vst v1  }
0x1ce: {  	[tilespmem:s0+$0x12040] =	vst v1  }
0x1cf: {  	[tilespmem:s0+$0x12050] =	vst v1  }
0x1d0: {  	[tilespmem:s0+$0x12060] =	vst v1  }
0x1d1: {  	[tilespmem:s0+$0x12070] =	vst v1  }
0x1d2: {  	[tilespmem:s0+$0x12080] =	vst v1  }
0x1d3: {  	[tilespmem:s0+$0x12090] =	vst v1  }
0x1d4: {  	[tilespmem:s0+$0x120A0] =	vst v1  }
0x1d5: {  	[tilespmem:s0+$0x120B0] =	vst v1  }
0x1d6: {  	[tilespmem:s0+$0x120C0] =	vst v1  }
0x1d7: {  	[tilespmem:s0+$0x120D0] =	vst v1  }
0x1d8: {  	[tilespmem:s0+$0x120E0] =	vst v1  }
0x1d9: {  	[tilespmem:s0+$0x120F0] =	vst v1  }
0x1da: {  	[tilespmem:s0+$0x12100] =	vst v1  }
0x1db: {  	[tilespmem:s0+$0x12110] =	vst v1  }
0x1dc: {  	[tilespmem:s0+$0x12120] =	vst v1  }
0x1dd: {  	[tilespmem:s0+$0x12130] =	vst v1  }
0x1de: {  	[tilespmem:s0+$0x12140] =	vst v1  }
0x1df: {  	[tilespmem:s0+$0x12150] =	vst v1  }
0x1e0: {  	[tilespmem:s0+$0x12160] =	vst v1  }
0x1e1: {  	[tilespmem:s0+$0x12170] =	vst v1  }
0x1e2: {  	[tilespmem:s0+$0x12180] =	vst v1  }
0x1e3: {  	[tilespmem:s0+$0x12190] =	vst v1  }
0x1e4: {  	[tilespmem:s0+$0x121A0] =	vst v1  }
0x1e5: {  	[tilespmem:s0+$0x121B0] =	vst v1  }
0x1e6: {  	[tilespmem:s0+$0x121C0] =	vst v1  }
0x1e7: {  	[tilespmem:s0+$0x121D0] =	vst v1  }
0x1e8: {  	[tilespmem:s0+$0x121E0] =	vst v1  }
0x1e9: {  	[tilespmem:s0+$0x121F0] =	vst v1  }
0x1ea: {  	[tilespmem:s0+$0x12200] =	vst v1  }
0x1eb: {  	[tilespmem:s0+$0x12210] =	vst v1  }
0x1ec: {  	[tilespmem:s0+$0x12220] =	vst v1  }
0x1ed: {  	[tilespmem:s0+$0x12230] =	vst v1  }
0x1ee: {  	[tilespmem:s0+$0x12240] =	vst v1  }
0x1ef: {  	[tilespmem:s0+$0x12250] =	vst v1  }
0x1f0: {  	[tilespmem:s0+$0x12260] =	vst v1  }
0x1f1: {  	[tilespmem:s0+$0x12270] =	vst v1  }
0x1f2: {  	[tilespmem:s0+$0x12280] =	vst v1  }
0x1f3: {  	[tilespmem:s0+$0x12290] =	vst v1  }
0x1f4: {  	[tilespmem:s0+$0x122A0] =	vst v1  }
0x1f5: {  	[tilespmem:s0+$0x122B0] =	vst v1  }
0x1f6: {  	[tilespmem:s0+$0x122C0] =	vst v1  }
0x1f7: {  	[tilespmem:s0+$0x122D0] =	vst v1  }
0x1f8: {  	[tilespmem:s0+$0x122E0] =	vst v1  }
0x1f9: {  	[tilespmem:s0+$0x122F0] =	vst v1  }
0x1fa: {  	[tilespmem:s0+$0x12300] =	vst v1  }
0x1fb: {  	[tilespmem:s0+$0x12310] =	vst v1  }
0x1fc: {  	[tilespmem:s0+$0x12320] =	vst v1  }
0x1fd: {  	[tilespmem:s0+$0x12330] =	vst v1  }
0x1fe: {  	[tilespmem:s0+$0x12340] =	vst v1  }
0x1ff: {  	[tilespmem:s0+$0x12350] =	vst v1  }
0x200: {  	[tilespmem:s0+$0x12360] =	vst v1  }
0x201: {  	[tilespmem:s0+$0x12370] =	vst v1  }
0x202: {  	[tilespmem:s0+$0x12380] =	vst v1  }
0x203: {  	[tilespmem:s0+$0x12390] =	vst v1  }
0x204: {  	[tilespmem:s0+$0x123A0] =	vst v1  }
0x205: {  	[tilespmem:s0+$0x123B0] =	vst v1  }
0x206: {  	[tilespmem:s0+$0x123C0] =	vst v1  }
0x207: {  	[tilespmem:s0+$0x123D0] =	vst v1;
	s1 =	sand.u32 $0x70, s10;
	s2 =	sand.u32 $0x1C00, s10  }
0x208: {  	[tilespmem:s0+$0x123E0] =	vst v1;
	s3 =	sor.u32 s1, s2  }
0x209: {  	v10 =	vld [tilespmem:s3+$0x4800];
	_ =	sdelay $0x1  }
0x20a: {  	v9 =	vmov s10  }
0x20b: {  	v9 =	vshll.u32 v9, $0x3  }
0x20c: {  	v9 =	vbroadcast v9, $0x0  }
0x20d: {  	v10 =	vand.u32 $0x7, v10  }
0x20e: {  	v10 =	vor.u32 v10, v9  }
0x20f: {  	v11 =	vld [tilespmem:s3+$0x1800];
	v10 =	vor.u32 v0, v10;
	_ =	sdelay $0x4  }
0x210: {  	[tilespmem:v10+s22+$0x0] =	vst.idx.msk $0xffff, v11  }
0x211: {  	s0 =	simm.s32 $0x10;
	s1 =	simm.s32 $0x80;
	v10 =	vld [tilespmem:s3+$0x4880]  }
0x212: {  	s24 =	sand.u32 $0x70, s0;
	s4 =	sand.u32 $0x1C00, s1  }
0x213: {  	s14 =	sor.u32 s24, s4  }
0x214: {  	v11 =	vld [tilespmem:s14+$0x4800];
	_ =	sdelay $0x1  }
0x215: {  	v12 =	vmov s1;
	v10 =	vand.u32 $0x7, v10  }
0x216: {  	v12 =	vshll.u32 v12, $0x3;
	v13 =	vor.u32 v10, v9  }
0x217: {  	v10 =	vbroadcast v12, $0x0;
	v12 =	vld [tilespmem:s3+$0x1880];
	v13 =	vor.u32 v2, v13  }
0x218: {  	v11 =	vand.u32 $0x7, v11  }
0x219: {  	v11 =	vor.u32 v11, v10  }
0x21a: {  	v14 =	vld [tilespmem:s14+$0x1800];
	v11 =	vor.u32 v0, v11;
	_ =	sdelay $0x1  }
0x21b: {  	[tilespmem:v13+s22+$0x0] =	vst.idx.msk $0xffff, v12  }
0x21c: {  	v12 =	vld [tilespmem:s3+$0x4900];
	_ =	sdelay $0x1  }
0x21d: {  	[tilespmem:v11+s22+$0x0] =	vst.idx.msk $0xffff, v14  }
0x21e: {  	s13 =	simm.s32 $0x100;
	s12 =	simm.s32 $0x20;
	v11 =	vld [tilespmem:s14+$0x4880]  }
0x21f: {  	s25 =	sand.u32 $0x70, s12;
	s26 =	sand.u32 $0x1C00, s13  }
0x220: {  	s30 =	sor.u32 s25, s26;
	v12 =	vand.u32 $0x7, v12  }
0x221: {  	v13 =	vld [tilespmem:s30+$0x4800];
	v12 =	vor.u32 v12, v9  }
0x222: {  	v14 =	vld [tilespmem:s3+$0x1900];
	v12 =	vor.u32 v3, v12  }
0x223: {  	v15 =	vmov s13;
	v11 =	vand.u32 $0x7, v11  }
0x224: {  	v15 =	vshll.u32 v15, $0x3;
	v16 =	vor.u32 v11, v10  }
0x225: {  	v11 =	vbroadcast v15, $0x0;
	v15 =	vld [tilespmem:s14+$0x1880];
	v16 =	vor.u32 v2, v16  }
0x226: {  	v13 =	vand.u32 $0x7, v13  }
0x227: {  	v17 =	vld [tilespmem:s30+$0x1800];
	v13 =	vor.u32 v13, v11;
	[tilespmem:v12+s22+$0x0] =	vst.idx.msk $0xffff, v14  }
0x228: {  	v12 =	vor.u32 v0, v13;
	v13 =	vld [tilespmem:s3+$0x4980];
	_ =	sdelay $0x1  }
0x229: {  	[tilespmem:v16+s22+$0x0] =	vst.idx.msk $0xffff, v15  }
0x22a: {  	v14 =	vld [tilespmem:s14+$0x4900];
	_ =	sdelay $0x1  }
0x22b: {  	s16 =	simm.s32 $0x180;
	s11 =	simm.s32 $0x30;
	[tilespmem:v12+s22+$0x0] =	vst.idx.msk $0xffff, v17;
	v12 =	vand.u32 $0x7, v13  }
0x22c: {  	s5 =	sand.u32 $0x1C00, s16;
	s4 =	sand.u32 $0x70, s11;
	v13 =	vld [tilespmem:s30+$0x4880];
	v12 =	vor.u32 v12, v9  }
0x22d: {  	s15 =	sor.u32 s4, s5;
	v15 =	vld [tilespmem:s3+$0x1980];
	v12 =	vor.u32 v4, v12  }
0x22e: {  	v16 =	vld [tilespmem:s15+$0x4800];
	v14 =	vand.u32 $0x7, v14  }
0x22f: {  	v14 =	vor.u32 v14, v10  }
0x230: {  	v18 =	vmov s16;
	v17 =	vld [tilespmem:s14+$0x1900];
	v14 =	vor.u32 v3, v14  }
0x231: {  	v18 =	vshll.u32 v18, $0x3;
	v13 =	vand.u32 $0x7, v13  }
0x232: {  	v19 =	vld [tilespmem:s30+$0x1880];
	v13 =	vor.u32 v13, v11;
	[tilespmem:v12+s22+$0x0] =	vst.idx.msk $0xffff, v15;
	v12 =	vbroadcast v18, $0x0  }
0x233: {  	v16 =	vand.u32 $0x7, v16;
	v13 =	vor.u32 v2, v13;
	v15 =	vld [tilespmem:s3+$0x4A00]  }
0x234: {  	v16 =	vor.u32 v16, v12  }
0x235: {  	v18 =	vld [tilespmem:s15+$0x1800];
	[tilespmem:v14+s22+$0x0] =	vst.idx.msk $0xffff, v17;
	v14 =	vor.u32 v0, v16  }
0x236: {  	v16 =	vld [tilespmem:s14+$0x4980];
	_ =	sdelay $0x1  }
0x237: {  	[tilespmem:v13+s22+$0x0] =	vst.idx.msk $0xffff, v19;
	v13 =	vand.u32 $0x7, v15  }
0x238: {  	v15 =	vld [tilespmem:s30+$0x4900];
	v13 =	vor.u32 v13, v9  }
0x239: {  	v17 =	vld [tilespmem:s3+$0x1A00];
	v13 =	vor.u32 v5, v13;
	[tilespmem:v14+s22+$0x0] =	vst.idx.msk $0xffff, v18  }
0x23a: {  	s23 =	simm.s32 $0x40;
	s24 =	simm.s32 $0x200;
	v14 =	vand.u32 $0x7, v16;
	v16 =	vld [tilespmem:s15+$0x4880]  }
0x23b: {  	s7 =	sand.u32 $0x70, s23;
	s17 =	sand.u32 $0x1C00, s24;
	v14 =	vor.u32 v14, v10  }
0x23c: {  	s25 =	sor.u32 s7, s17;
	v18 =	vld [tilespmem:s14+$0x1980];
	v14 =	vor.u32 v4, v14  }
0x23d: {  	v19 =	vld [tilespmem:s25+$0x4800];
	v15 =	vand.u32 $0x7, v15  }
0x23e: {  	v20 =	vld [tilespmem:s30+$0x1900];
	v15 =	vor.u32 v15, v11;
	[tilespmem:v13+s22+$0x0] =	vst.idx.msk $0xffff, v17  }
0x23f: {  	v13 =	vmov s24;
	v15 =	vor.u32 v3, v15;
	v17 =	vld [tilespmem:s3+$0x4A80];
	v16 =	vand.u32 $0x7, v16  }
0x240: {  	v13 =	vshll.u32 v13, $0x3;
	v16 =	vor.u32 v16, v12  }
0x241: {  	v21 =	vld [tilespmem:s15+$0x1880];
	v13 =	vbroadcast v13, $0x0;
	[tilespmem:v14+s22+$0x0] =	vst.idx.msk $0xffff, v18;
	v14 =	vor.u32 v2, v16  }
0x242: {  	v16 =	vand.u32 $0x7, v19;
	v18 =	vld [tilespmem:s14+$0x4A00]  }
0x243: {  	v16 =	vor.u32 v16, v13  }
0x244: {  	v19 =	vld [tilespmem:s25+$0x1800];
	v16 =	vor.u32 v0, v16;
	[tilespmem:v15+s22+$0x0] =	vst.idx.msk $0xffff, v20;
	v15 =	vand.u32 $0x7, v17  }
0x245: {  	v17 =	vld [tilespmem:s30+$0x4980];
	v15 =	vor.u32 v15, v9  }
0x246: {  	v20 =	vld [tilespmem:s3+$0x1A80];
	v15 =	vor.u32 v6, v15;
	[tilespmem:v14+s22+$0x0] =	vst.idx.msk $0xffff, v21  }
0x247: {  	v14 =	vand.u32 $0x7, v18;
	v18 =	vld [tilespmem:s15+$0x4900]  }
0x248: {  	s26 =	simm.s32 $0x50;
	s4 =	simm.s32 $0x280;
	v21 =	vld [tilespmem:s14+$0x1A00];
	v14 =	vor.u32 v14, v10  }
0x249: {  	s18 =	sand.u32 $0x70, s26;
	s5 =	sand.u32 $0x1C00, s4;
	[tilespmem:v16+s22+$0x0] =	vst.idx.msk $0xffff, v19;
	v14 =	vor.u32 v5, v14;
	v19 =	vld [tilespmem:s30+$0x1980]  }
0x24a: {  	s2 =	sor.u32 s18, s5;
	v16 =	vld [tilespmem:s25+$0x4880];
	v17 =	vand.u32 $0x7, v17  }
0x24b: {  	v17 =	vor.u32 v17, v11;
	[tilespmem:v15+s22+$0x0] =	vst.idx.msk $0xffff, v20;
	v20 =	vld [tilespmem:s2+$0x4800]  }
0x24c: {  	v15 =	vor.u32 v4, v17;
	v17 =	vld [tilespmem:s3+$0x4B00];
	v18 =	vand.u32 $0x7, v18  }
0x24d: {  	v18 =	vor.u32 v18, v12  }
0x24e: {  	v22 =	vld [tilespmem:s15+$0x1900];
	[tilespmem:v14+s22+$0x0] =	vst.idx.msk $0xffff, v21;
	v14 =	vmov s4;
	v18 =	vor.u32 v3, v18  }
0x24f: {  	v21 =	vld [tilespmem:s14+$0x4A80];
	v14 =	vshll.u32 v14, $0x3  }
0x250: {  	v24 =	vld [tilespmem:s2+$0x1800];
	v16 =	vand.u32 $0x7, v16;
	v14 =	vbroadcast v14, $0x0  }
0x251: {  	v23 =	vld [tilespmem:s25+$0x1880];
	v16 =	vor.u32 v16, v13;
	[tilespmem:v15+s22+$0x0] =	vst.idx.msk $0xffff, v19;
	v15 =	vand.u32 $0x7, v17;
	v17 =	vand.u32 $0x7, v20  }
0x252: {  	v16 =	vor.u32 v2, v16;
	v19 =	vld [tilespmem:s30+$0x4A00];
	v17 =	vor.u32 v17, v14  }
0x253: {  	v20 =	vld [tilespmem:s3+$0x1B00];
	v15 =	vor.u32 v15, v9;
	v17 =	vor.u32 v0, v17;
	[tilespmem:v18+s22+$0x0] =	vst.idx.msk $0xffff, v22  }
0x254: {  	v15 =	vor.u32 v7, v15;
	v18 =	vand.u32 $0x7, v21;
	v21 =	vld [tilespmem:s15+$0x4980];
	_ =	sdelay $0x1  }
0x255: {  	v18 =	vor.u32 v18, v10  }
0x256: {  	[tilespmem:v16+s22+$0x0] =	vst.idx.msk $0xffff, v23;
	v16 =	vld [tilespmem:s14+$0x1A80];
	v25 =	vor.u32 v6, v18  }
0x257: {  	s20 =	sor.u32 s10, s10;
	v18 =	vld [tilespmem:s30+$0x1A00];
	[tilespmem:v17+s22+$0x0] =	vst.idx.msk $0xffff, v24;
	v17 =	vand.u32 $0x7, v19  }
0x258: {  	s5 =	sor.u32 $0x380, s20;
	v22 =	vld [tilespmem:s25+$0x4900];
	[tilespmem:v15+s22+$0x0] =	vst.idx.msk $0xffff, v20;
	v19 =	vand.u32 $0x7, v21;
	v17 =	vor.u32 v17, v11  }
0x259: {  	v15 =	vld [tilespmem:s5+$0x4800];
	v21 =	vor.u32 v19, v12;
	v19 =	vor.u32 v5, v17  }
0x25a: {  	s10 =	simm.s32 $0x300;
	s3 =	simm.s32 $0x60;
	v23 =	vld [tilespmem:s2+$0x4880]  }
0x25b: {  	s17 =	sand.u32 $0x1C00, s10;
	s7 =	sand.u32 $0x70, s3;
	v20 =	vld [tilespmem:s15+$0x1980];
	[tilespmem:v25+s22+$0x0] =	vst.idx.msk $0xffff, v16  }
0x25c: {  	s18 =	simm.s32 $0x380;
	s17 =	sor.u32 s7, s17;
	v21 =	vor.u32 v4, v21;
	v17 =	vld [tilespmem:s14+$0x4B00]  }
.LBB2_12:
0x25d: {  	p1 =	sne.s32 s18, $0x1780;
	v16 =	vld [tilespmem:s17+$0x4800];
	v22 =	vand.u32 $0x7, v22;
	s7 =	smov.u32 s10;
	s10 =	smov.u32 s18  }
0x25e: {  	v24 =	vmov s7;
	v25 =	vld [tilespmem:s25+$0x1900];
	v22 =	vor.u32 v22, v13;
	[tilespmem:v19+s22+$0x0] =	vst.idx.msk $0xffff, v18;
	v15 =	vand.u32 $0x7, v15  }
0x25f: {  	v18 =	vand.u32 $0x7, v23;
	v19 =	vor.u32 v3, v22;
	v22 =	vld [tilespmem:s30+$0x4A80];
	v15 =	vor.u32 v15, v9;
	v9 =	vmovc v10;
	v10 =	vmovc v11  }
0x260: {  	v23 =	vshll.u32 v24, $0x3;
	v11 =	vmovc v12;
	v12 =	vmovc v13;
	v18 =	vor.u32 v18, v14;
	v24 =	vld [tilespmem:s5+$0x1800];
	v15 =	vor.u32 v8, v15  }
0x261: {  	v13 =	vmovc v14;
	v14 =	vbroadcast v23, $0x0;
	v26 =	vld [tilespmem:s2+$0x1880];
	v18 =	vor.u32 v2, v18;
	[tilespmem:v21+s22+$0x0] =	vst.idx.msk $0xffff, v20;
	v17 =	vand.u32 $0x7, v17  }
0x262: {  	v16 =	vand.u32 $0x7, v16;
	v20 =	vld [tilespmem:s15+$0x4A00];
	v17 =	vor.u32 v17, v9  }
0x263: {  	v16 =	vor.u32 v16, v14;
	v21 =	vld [tilespmem:s14+$0x1B00];
	v17 =	vor.u32 v7, v17;
	s14 =	smov.u32 s30;
	s30 =	smov.u32 s15;
	s15 =	smov.u32 s25  }
0x264: {  	s25 =	smov.u32 s2;
	s2 =	smov.u32 s17;
	v23 =	vld [tilespmem:s17+$0x1800];
	v16 =	vor.u32 v0, v16;
	[tilespmem:v19+s22+$0x0] =	vst.idx.msk $0xffff, v25;
	v19 =	vand.u32 $0x7, v22  }
0x265: {  	v25 =	vld [tilespmem:s15+$0x4980];
	v19 =	vor.u32 v19, v10;
	[tilespmem:v15+s22+$0x0] =	vst.idx.msk $0xffff, v24  }
0x266: {  	[tilespmem:v18+s22+$0x0] =	vst.idx.msk $0xffff, v26;
	v24 =	vld [tilespmem:s14+$0x1A80];
	v26 =	vor.u32 v6, v19  }
0x267: {  	s1 =	sor.u32 s1, s0;
	s0 =	smov.u32 s12;
	s12 =	smov.u32 s11;
	v22 =	vld [tilespmem:s25+$0x4900];
	v15 =	vand.u32 $0x7, v20  }
.Ltmp9:
0x268: {  	s11 =	smov.u32 s23;
	s5 =	sor.u32 $0x380, s1;
	v18 =	vld [tilespmem:s30+$0x1A00];
	v15 =	vor.u32 v15, v11;
	[tilespmem:v17+s22+$0x0] =	vst.idx.msk $0xffff, v21;
	(pc) =	sbr.rel @p1 .LBB2_12-.Ltmp9, $4  }
0x269: {  	s23 =	smov.u32 s26;
	s26 =	smov.u32 s3;
	s1 =	smov.u32 s13;
	[tilespmem:v16+s22+$0x0] =	vst.idx.msk $0xffff, v23;
	v19 =	vor.u32 v5, v15;
	v15 =	vld [tilespmem:s5+$0x4800]  }
0x26a: {  	s3 =	sadd.s32 $0x10, s3;
	s13 =	smov.u32 s16;
	s16 =	smov.u32 s24;
	v23 =	vld [tilespmem:s2+$0x4880];
	v16 =	vand.u32 $0x7, v25  }
0x26b: {  	s20 =	sand.u32 $0x1C00, s18;
	s24 =	smov.u32 s4;
	s17 =	sand.u32 $0x70, s3;
	v20 =	vld [tilespmem:s15+$0x1980];
	v16 =	vor.u32 v16, v12;
	[tilespmem:v26+s22+$0x0] =	vst.idx.msk $0xffff, v24  }
0x26c: {  	s18 =	sadd.s32 $0x80, s18;
	s4 =	smov.u32 s7;
	s17 =	sor.u32 s17, s20;
	v21 =	vor.u32 v4, v16;
	v17 =	vld [tilespmem:s14+$0x4B00]  }
0x26d: {  	v24 =	vld [tilespmem:s17+$0x4800];
	_ =	sdelay $0x1  }
0x26e: {  	v16 =	vmov s10  }
0x26f: {  	v16 =	vshll.u32 v16, $0x3  }
0x270: {  	v16 =	vbroadcast v16, $0x0  }
0x271: {  	v24 =	vand.u32 $0x7, v24  }
0x272: {  	v24 =	vor.u32 v24, v16  }
0x273: {  	v25 =	vld [tilespmem:s17+$0x1800];
	v24 =	vor.u32 v0, v24;
	_ =	sdelay $0x4  }
0x274: {  	[tilespmem:v24+s22+$0x0] =	vst.idx.msk $0xffff, v25  }
0x275: {  	v24 =	vld [tilespmem:s17+$0x4880];
	_ =	sdelay $0x3  }
0x276: {  	v23 =	vand.u32 $0x7, v23  }
0x277: {  	v23 =	vor.u32 v23, v14;
	v24 =	vand.u32 $0x7, v24  }
0x278: {  	v30 =	vld [tilespmem:s2+$0x1880];
	v23 =	vor.u32 v2, v23;
	v24 =	vor.u32 v24, v16  }
0x279: {  	v26 =	vld [tilespmem:s17+$0x1880];
	v24 =	vor.u32 v2, v24;
	_ =	sdelay $0x3  }
0x27a: {  	[tilespmem:v23+s22+$0x0] =	vst.idx.msk $0xffff, v30  }
0x27b: {  	v23 =	vld [tilespmem:s2+$0x4900];
	[tilespmem:v24+s22+$0x0] =	vst.idx.msk $0xffff, v26  }
0x27c: {  	v24 =	vld [tilespmem:s17+$0x4900]  }
0x27d: {  	v22 =	vand.u32 $0x7, v22  }
0x27e: {  	v22 =	vor.u32 v22, v13  }
0x27f: {  	v31 =	vld [tilespmem:s25+$0x1900];
	v22 =	vor.u32 v3, v22  }
0x280: {  	v23 =	vand.u32 $0x7, v23  }
0x281: {  	v23 =	vor.u32 v23, v14;
	v24 =	vand.u32 $0x7, v24  }
0x282: {  	v32 =	vld [tilespmem:s2+$0x1900];
	v23 =	vor.u32 v3, v23;
	v24 =	vor.u32 v24, v16  }
0x283: {  	v27 =	vld [tilespmem:s17+$0x1900];
	v24 =	vor.u32 v3, v24  }
0x284: {  	[tilespmem:v22+s22+$0x0] =	vst.idx.msk $0xffff, v31  }
0x285: {  	v22 =	vld [tilespmem:s25+$0x4980];
	_ =	sdelay $0x1  }
0x286: {  	[tilespmem:v23+s22+$0x0] =	vst.idx.msk $0xffff, v32  }
0x287: {  	v23 =	vld [tilespmem:s2+$0x4980];
	[tilespmem:v24+s22+$0x0] =	vst.idx.msk $0xffff, v27  }
0x288: {  	v24 =	vld [tilespmem:s17+$0x4980]  }
0x289: {  	v22 =	vand.u32 $0x7, v22  }
0x28a: {  	v22 =	vor.u32 v22, v13  }
0x28b: {  	v25 =	vld [tilespmem:s25+$0x1980];
	v22 =	vor.u32 v4, v22  }
0x28c: {  	v23 =	vand.u32 $0x7, v23  }
0x28d: {  	v23 =	vor.u32 v23, v14;
	v24 =	vand.u32 $0x7, v24  }
0x28e: {  	v26 =	vld [tilespmem:s2+$0x1980];
	v23 =	vor.u32 v4, v23;
	v24 =	vor.u32 v24, v16  }
0x28f: {  	[tilespmem:v21+s22+$0x0] =	vst.idx.msk $0xffff, v20;
	v27 =	vld [tilespmem:s17+$0x1980];
	v24 =	vor.u32 v4, v24  }
0x290: {  	v20 =	vld [tilespmem:s15+$0x4A00];
	[tilespmem:v22+s22+$0x0] =	vst.idx.msk $0xffff, v25  }
0x291: {  	v33 =	vld [tilespmem:s25+$0x4A00];
	_ =	sdelay $0x1  }
0x292: {  	[tilespmem:v23+s22+$0x0] =	vst.idx.msk $0xffff, v26  }
0x293: {  	v34 =	vld [tilespmem:s2+$0x4A00];
	[tilespmem:v24+s22+$0x0] =	vst.idx.msk $0xffff, v27  }
0x294: {  	v20 =	vand.u32 $0x7, v20;
	v35 =	vld [tilespmem:s17+$0x4A00]  }
0x295: {  	v20 =	vor.u32 v20, v12;
	v21 =	vand.u32 $0x7, v33  }
0x296: {  	v36 =	vld [tilespmem:s15+$0x1A00];
	v20 =	vor.u32 v5, v20;
	v21 =	vor.u32 v21, v13  }
0x297: {  	v25 =	vld [tilespmem:s25+$0x1A00];
	v21 =	vor.u32 v5, v21  }
0x298: {  	[tilespmem:v19+s22+$0x0] =	vst.idx.msk $0xffff, v18;
	v22 =	vand.u32 $0x7, v34  }
0x299: {  	v18 =	vld [tilespmem:s30+$0x4A80];
	v22 =	vor.u32 v22, v14;
	v23 =	vand.u32 $0x7, v35  }
0x29a: {  	v26 =	vld [tilespmem:s2+$0x1A00];
	v22 =	vor.u32 v5, v22;
	v23 =	vor.u32 v23, v16  }
0x29b: {  	[tilespmem:v20+s22+$0x0] =	vst.idx.msk $0xffff, v36;
	v27 =	vld [tilespmem:s17+$0x1A00];
	v23 =	vor.u32 v5, v23  }
0x29c: {  	v37 =	vld [tilespmem:s15+$0x4A80];
	[tilespmem:v21+s22+$0x0] =	vst.idx.msk $0xffff, v25  }
0x29d: {  	v38 =	vld [tilespmem:s25+$0x4A80]  }
0x29e: {  	v18 =	vand.u32 $0x7, v18  }
0x29f: {  	v41 =	vld [tilespmem:s30+$0x1A80];
	v18 =	vor.u32 v18, v11;
	[tilespmem:v22+s22+$0x0] =	vst.idx.msk $0xffff, v26  }
0x2a0: {  	v18 =	vor.u32 v6, v18;
	v39 =	vld [tilespmem:s2+$0x4A80];
	[tilespmem:v23+s22+$0x0] =	vst.idx.msk $0xffff, v27  }
0x2a1: {  	v19 =	vand.u32 $0x7, v37;
	v40 =	vld [tilespmem:s17+$0x4A80]  }
0x2a2: {  	v19 =	vor.u32 v19, v12;
	v20 =	vand.u32 $0x7, v38  }
0x2a3: {  	v19 =	vor.u32 v6, v19;
	v20 =	vor.u32 v20, v13;
	v24 =	vld [tilespmem:s15+$0x1A80]  }
0x2a4: {  	v25 =	vld [tilespmem:s25+$0x1A80];
	v20 =	vor.u32 v6, v20  }
0x2a5: {  	[tilespmem:v18+s22+$0x0] =	vst.idx.msk $0xffff, v41;
	v21 =	vand.u32 $0x7, v39  }
0x2a6: {  	v18 =	vld [tilespmem:s30+$0x4B00];
	v21 =	vor.u32 v21, v14;
	v22 =	vand.u32 $0x7, v40  }
0x2a7: {  	v26 =	vld [tilespmem:s2+$0x1A80];
	v21 =	vor.u32 v6, v21;
	v22 =	vor.u32 v22, v16  }
0x2a8: {  	[tilespmem:v19+s22+$0x0] =	vst.idx.msk $0xffff, v24;
	v27 =	vld [tilespmem:s17+$0x1A80];
	v22 =	vor.u32 v6, v22  }
0x2a9: {  	[tilespmem:v20+s22+$0x0] =	vst.idx.msk $0xffff, v25;
	v19 =	vld [tilespmem:s15+$0x4B00]  }
0x2aa: {  	v17 =	vand.u32 $0x7, v17;
	v20 =	vld [tilespmem:s25+$0x4B00]  }
0x2ab: {  	v42 =	vld [tilespmem:s14+$0x1B00];
	v17 =	vor.u32 v17, v10;
	v18 =	vand.u32 $0x7, v18  }
0x2ac: {  	v17 =	vor.u32 v7, v17;
	v43 =	vld [tilespmem:s30+$0x1B00];
	v18 =	vor.u32 v18, v11;
	[tilespmem:v21+s22+$0x0] =	vst.idx.msk $0xffff, v26  }
0x2ad: {  	v18 =	vor.u32 v7, v18;
	v21 =	vld [tilespmem:s2+$0x4B00];
	[tilespmem:v22+s22+$0x0] =	vst.idx.msk $0xffff, v27  }
0x2ae: {  	v19 =	vand.u32 $0x7, v19;
	v22 =	vld [tilespmem:s17+$0x4B00]  }
0x2af: {  	v20 =	vand.u32 $0x7, v20;
	v19 =	vor.u32 v19, v12  }
0x2b0: {  	s0 =	sor.u32 s1, s0;
	v20 =	vor.u32 v20, v13;
	v44 =	vld [tilespmem:s15+$0x1B00];
	v19 =	vor.u32 v7, v19  }
0x2b1: {  	s20 =	sor.u32 s13, s12;
	s0 =	sor.u32 $0x380, s0;
	[tilespmem:v17+s22+$0x0] =	vst.idx.msk $0xffff, v42;
	v45 =	vld [tilespmem:s25+$0x1B00];
	v20 =	vor.u32 v7, v20  }
0x2b2: {  	s1 =	sor.u32 $0x380, s20;
	v48 =	vld [tilespmem:s0+$0x4800];
	[tilespmem:v18+s22+$0x0] =	vst.idx.msk $0xffff, v43;
	v21 =	vand.u32 $0x7, v21  }
0x2b3: {  	v49 =	vld [tilespmem:s1+$0x4800];
	v21 =	vor.u32 v21, v14;
	v22 =	vand.u32 $0x7, v22  }
0x2b4: {  	s25 =	sor.u32 s16, s11;
	v46 =	vld [tilespmem:s2+$0x1B00];
	v21 =	vor.u32 v7, v21;
	v22 =	vor.u32 v22, v16  }
0x2b5: {  	s7 =	sor.u32 s24, s23;
	s2 =	sor.u32 $0x380, s25;
	[tilespmem:v19+s22+$0x0] =	vst.idx.msk $0xffff, v44;
	v47 =	vld [tilespmem:s17+$0x1B00];
	v22 =	vor.u32 v7, v22  }
0x2b6: {  	s7 =	sor.u32 $0x380, s7;
	[tilespmem:v20+s22+$0x0] =	vst.idx.msk $0xffff, v45;
	v19 =	vld [tilespmem:s2+$0x4800]  }
0x2b7: {  	v20 =	vld [tilespmem:s7+$0x4800]  }
0x2b8: {  	s4 =	sor.u32 s4, s26;
	v51 =	vld [tilespmem:s5+$0x1800];
	v15 =	vand.u32 $0x7, v15  }
0x2b9: {  	s3 =	sor.u32 s10, s3;
	s4 =	sor.u32 $0x380, s4;
	v9 =	vor.u32 v15, v9;
	v53 =	vld [tilespmem:s0+$0x1800];
	v50 =	vand.u32 $0x7, v48;
	[tilespmem:v21+s22+$0x0] =	vst.idx.msk $0xffff, v46  }
0x2ba: {  	s3 =	sor.u32 $0x380, s3;
	v9 =	vor.u32 v8, v9;
	v10 =	vor.u32 v50, v10;
	v52 =	vand.u32 $0x7, v49;
	v21 =	vld [tilespmem:s4+$0x4800];
	[tilespmem:v22+s22+$0x0] =	vst.idx.msk $0xffff, v47  }
0x2bb: {  	v10 =	vor.u32 v8, v10;
	v11 =	vor.u32 v52, v11;
	v54 =	vand.u32 $0x7, v19;
	v17 =	vld [tilespmem:s3+$0x4800]  }
0x2bc: {  	v55 =	vld [tilespmem:s1+$0x1800];
	v11 =	vor.u32 v8, v11;
	v57 =	vand.u32 $0x7, v20;
	v56 =	vor.u32 v54, v12  }
0x2bd: {  	v59 =	vor.u32 v57, v13;
	v58 =	vld [tilespmem:s2+$0x1800];
	v12 =	vor.u32 v8, v56  }
0x2be: {  	v61 =	vld [tilespmem:s7+$0x1800];
	v13 =	vor.u32 v8, v59  }
0x2bf: {  	[tilespmem:v9+s22+$0x0] =	vst.idx.msk $0xffff, v51;
	v60 =	vand.u32 $0x7, v21  }
0x2c0: {  	[tilespmem:v10+s22+$0x0] =	vst.idx.msk $0xffff, v53;
	v62 =	vor.u32 v60, v14;
	v63 =	vand.u32 $0x7, v17  }
0x2c1: {  	s26 =	sshll.u32 s29, $0x2;
	v9 =	vld [tilespmem:s4+$0x1800];
	v14 =	vor.u32 v8, v62;
	s29 =	rddreg [dreg:$0x4];
	[tilespmem:v11+s22+$0x0] =	vst.idx.msk $0xffff, v55;
	v15 =	vor.u32 v63, v16  }
0x2c2: {  	v10 =	vld [tilespmem:s3+$0x1800];
	[tilespmem:v12+s22+$0x0] =	vst.idx.msk $0xffff, v58;
	s0 =	sor.u32 s29, s26;
	v15 =	vor.u32 v8, v15  }
0x2c3: {  	[tilespmem:v13+s22+$0x0] =	vst.idx.msk $0xffff, v61;
	s0 =	smul.u32 $0xC000, s0  }
.Ltmp10:
0x2c4: {  	s30 =	rddreg [dreg:$0x6];
	(pc) =	sbr.rel .LBB2_14-.Ltmp10, $4  }
0x2c5: {  	s0 =	sadd.s32 s30, s0  }
0x2c6: {  	[tilespmem:v14+s22+$0x0] =	vst.idx.msk $0xffff, v9;
	s0 =	sshrl.u32 s0, $0x3  }
0x2c7: {  	s0 =	sadd.s32 s21, s0;
	[tilespmem:v15+s22+$0x0] =	vst.idx.msk $0xffff, v10  }
0x2c8: {  	[hbm4b:s0+s31] =	stream.linear.scatter [tilespmem:s22], [sflag:$0x6], $0xC000, $0x38;
	[tilespmem:$0x1E000] =	vst v63  }
.LBB2_15:
0x2c9: {  	s0 =	simm.s32 $0x5  }
0x2ca: {  	_ =	swait.ge [sflag:s0], $0xC000  }
.Ltmp11:
0x2cb: {  	[sflag:s0] =	ssyncset.done $0x0;
	(pc) =	sbr.rel @p0 .LBB2_21-.Ltmp11, $4  }
0x2cc: {  	s30 =	simm.s32 $0x6;
	[sflag:s0] =	ssyncadd.s32 $0xFFFF4000  }
0x2cd: {  	_ =	swait.ge [sflag:s30], $0xC000  }
0x2ce: {  	[sflag:s30] =	ssyncset.done $0x0  }
0x2cf: {  	s1 =	rddreg [dreg:$0xd];
	[sflag:s30] =	ssyncadd.s32 $0xFFFF4000  }
0x2d0: {  	s6 =	simm.s32 $0x0;
	s0 =	rddreg [dreg:$0x9];
	s2 =	simm.s32 $0x7  }
0x2d1: {  	[tilespmem:s6], [sflag:$0x7] =	stream.linear.gather [hbm4b:s0+s6], $0x800, $0x38;
	[tilespmem:$0x1E000] =	vst v63  }
0x2d2: {  	_ =	swait.ge [sflag:s2], $0x800  }
0x2d3: {  	[sflag:s2] =	ssyncset.done $0x0  }
0x2d4: {  	s1 =	simm.s32 $0x3000;
	s31 =	rddreg [dreg:$0xa];
	[sflag:s2] =	ssyncadd.s32 $0xFFFFF800  }
0x2d5: {  	[tilespmem:s1], [sflag:$0x7] =	stream.linear.gather [hbm4b:s31+s6], $0x800, $0x38;
	[tilespmem:$0x1E000] =	vst v63  }
0x2d6: {  	_ =	swait.ge [sflag:s2], $0x800  }
0x2d7: {  	[sflag:s2] =	ssyncset.done $0x0  }
0x2d8: {  	s0 =	simm.s32 $0x0;
	s1 =	simm.s32 $0x1000;
	[sflag:s2] =	ssyncadd.s32 $0xFFFFF800  }
.LBB2_17:
0x2d9: {  	p1 =	sne.s32 s1, $0xF000;
	[tilespmem:s0+$0x63F0] =	vst v1  }
0x2da: {  	[tilespmem:s0+$0x6000] =	vst v1  }
0x2db: {  	[tilespmem:s0+$0x6010] =	vst v1  }
0x2dc: {  	[tilespmem:s0+$0x6020] =	vst v1  }
0x2dd: {  	[tilespmem:s0+$0x6030] =	vst v1  }
0x2de: {  	[tilespmem:s0+$0x6040] =	vst v1  }
0x2df: {  	[tilespmem:s0+$0x6050] =	vst v1  }
0x2e0: {  	[tilespmem:s0+$0x6060] =	vst v1  }
0x2e1: {  	[tilespmem:s0+$0x6070] =	vst v1  }
0x2e2: {  	[tilespmem:s0+$0x6080] =	vst v1  }
0x2e3: {  	[tilespmem:s0+$0x6090] =	vst v1  }
0x2e4: {  	[tilespmem:s0+$0x60A0] =	vst v1  }
0x2e5: {  	[tilespmem:s0+$0x60B0] =	vst v1  }
0x2e6: {  	[tilespmem:s0+$0x60C0] =	vst v1  }
0x2e7: {  	[tilespmem:s0+$0x60D0] =	vst v1  }
0x2e8: {  	[tilespmem:s0+$0x60E0] =	vst v1  }
0x2e9: {  	[tilespmem:s0+$0x60F0] =	vst v1  }
0x2ea: {  	[tilespmem:s0+$0x6100] =	vst v1  }
0x2eb: {  	[tilespmem:s0+$0x6110] =	vst v1  }
0x2ec: {  	[tilespmem:s0+$0x6120] =	vst v1  }
0x2ed: {  	[tilespmem:s0+$0x6130] =	vst v1  }
0x2ee: {  	[tilespmem:s0+$0x6140] =	vst v1  }
0x2ef: {  	[tilespmem:s0+$0x6150] =	vst v1  }
0x2f0: {  	[tilespmem:s0+$0x6160] =	vst v1  }
0x2f1: {  	[tilespmem:s0+$0x6170] =	vst v1  }
0x2f2: {  	[tilespmem:s0+$0x6180] =	vst v1  }
0x2f3: {  	[tilespmem:s0+$0x6190] =	vst v1  }
0x2f4: {  	[tilespmem:s0+$0x61A0] =	vst v1  }
0x2f5: {  	[tilespmem:s0+$0x61B0] =	vst v1  }
0x2f6: {  	[tilespmem:s0+$0x61C0] =	vst v1  }
0x2f7: {  	[tilespmem:s0+$0x61D0] =	vst v1  }
0x2f8: {  	[tilespmem:s0+$0x61E0] =	vst v1  }
0x2f9: {  	[tilespmem:s0+$0x61F0] =	vst v1  }
0x2fa: {  	[tilespmem:s0+$0x6200] =	vst v1  }
0x2fb: {  	[tilespmem:s0+$0x6210] =	vst v1  }
0x2fc: {  	[tilespmem:s0+$0x6220] =	vst v1  }
0x2fd: {  	[tilespmem:s0+$0x6230] =	vst v1  }
0x2fe: {  	[tilespmem:s0+$0x6240] =	vst v1  }
0x2ff: {  	[tilespmem:s0+$0x6250] =	vst v1  }
0x300: {  	[tilespmem:s0+$0x6260] =	vst v1  }
0x301: {  	[tilespmem:s0+$0x6270] =	vst v1  }
0x302: {  	[tilespmem:s0+$0x6280] =	vst v1  }
0x303: {  	[tilespmem:s0+$0x6290] =	vst v1  }
0x304: {  	[tilespmem:s0+$0x62A0] =	vst v1  }
0x305: {  	[tilespmem:s0+$0x62B0] =	vst v1  }
0x306: {  	[tilespmem:s0+$0x62C0] =	vst v1  }
0x307: {  	[tilespmem:s0+$0x62D0] =	vst v1  }
0x308: {  	[tilespmem:s0+$0x62E0] =	vst v1  }
0x309: {  	[tilespmem:s0+$0x62F0] =	vst v1  }
0x30a: {  	[tilespmem:s0+$0x6300] =	vst v1  }
0x30b: {  	[tilespmem:s0+$0x6310] =	vst v1  }
0x30c: {  	[tilespmem:s0+$0x6320] =	vst v1  }
0x30d: {  	[tilespmem:s0+$0x6330] =	vst v1  }
0x30e: {  	[tilespmem:s0+$0x6340] =	vst v1  }
0x30f: {  	[tilespmem:s0+$0x6350] =	vst v1  }
0x310: {  	[tilespmem:s0+$0x6360] =	vst v1  }
0x311: {  	[tilespmem:s0+$0x6370] =	vst v1  }
0x312: {  	[tilespmem:s0+$0x6380] =	vst v1  }
0x313: {  	[tilespmem:s0+$0x6390] =	vst v1  }
.Ltmp12:
0x314: {  	[tilespmem:s0+$0x63A0] =	vst v1;
	(pc) =	sbr.rel @p1 .LBB2_17-.Ltmp12, $4  }
0x315: {  	[tilespmem:s0+$0x63B0] =	vst v1  }
0x316: {  	[tilespmem:s0+$0x63C0] =	vst v1  }
0x317: {  	[tilespmem:s0+$0x63D0] =	vst v1  }
0x318: {  	[tilespmem:s0+$0x63E0] =	vst v1;
	s0 =	sshra.s32 s1, $0x2;
	s1 =	sadd.s32 $0x1000, s1  }
0x319: {  	[tilespmem:s0+$0x63F0] =	vst v1  }
0x31a: {  	[tilespmem:s0+$0x6000] =	vst v1  }
0x31b: {  	[tilespmem:s0+$0x6010] =	vst v1  }
0x31c: {  	[tilespmem:s0+$0x6020] =	vst v1  }
0x31d: {  	[tilespmem:s0+$0x6030] =	vst v1  }
0x31e: {  	[tilespmem:s0+$0x6040] =	vst v1  }
0x31f: {  	[tilespmem:s0+$0x6050] =	vst v1  }
0x320: {  	[tilespmem:s0+$0x6060] =	vst v1  }
0x321: {  	[tilespmem:s0+$0x6070] =	vst v1  }
0x322: {  	[tilespmem:s0+$0x6080] =	vst v1  }
0x323: {  	[tilespmem:s0+$0x6090] =	vst v1  }
0x324: {  	[tilespmem:s0+$0x60A0] =	vst v1  }
0x325: {  	[tilespmem:s0+$0x60B0] =	vst v1  }
0x326: {  	[tilespmem:s0+$0x60C0] =	vst v1  }
0x327: {  	[tilespmem:s0+$0x60D0] =	vst v1  }
0x328: {  	[tilespmem:s0+$0x60E0] =	vst v1  }
0x329: {  	[tilespmem:s0+$0x60F0] =	vst v1  }
0x32a: {  	[tilespmem:s0+$0x6100] =	vst v1  }
0x32b: {  	[tilespmem:s0+$0x6110] =	vst v1  }
0x32c: {  	[tilespmem:s0+$0x6120] =	vst v1  }
0x32d: {  	[tilespmem:s0+$0x6130] =	vst v1  }
0x32e: {  	[tilespmem:s0+$0x6140] =	vst v1  }
0x32f: {  	[tilespmem:s0+$0x6150] =	vst v1  }
0x330: {  	[tilespmem:s0+$0x6160] =	vst v1  }
0x331: {  	[tilespmem:s0+$0x6170] =	vst v1  }
0x332: {  	[tilespmem:s0+$0x6180] =	vst v1  }
0x333: {  	[tilespmem:s0+$0x6190] =	vst v1  }
0x334: {  	[tilespmem:s0+$0x61A0] =	vst v1  }
0x335: {  	[tilespmem:s0+$0x61B0] =	vst v1  }
0x336: {  	[tilespmem:s0+$0x61C0] =	vst v1  }
0x337: {  	[tilespmem:s0+$0x61D0] =	vst v1  }
0x338: {  	[tilespmem:s0+$0x61E0] =	vst v1  }
0x339: {  	[tilespmem:s0+$0x61F0] =	vst v1  }
0x33a: {  	[tilespmem:s0+$0x6200] =	vst v1  }
0x33b: {  	[tilespmem:s0+$0x6210] =	vst v1  }
0x33c: {  	[tilespmem:s0+$0x6220] =	vst v1  }
0x33d: {  	[tilespmem:s0+$0x6230] =	vst v1  }
0x33e: {  	[tilespmem:s0+$0x6240] =	vst v1  }
0x33f: {  	[tilespmem:s0+$0x6250] =	vst v1  }
0x340: {  	[tilespmem:s0+$0x6260] =	vst v1  }
0x341: {  	[tilespmem:s0+$0x6270] =	vst v1  }
0x342: {  	[tilespmem:s0+$0x6280] =	vst v1  }
0x343: {  	[tilespmem:s0+$0x6290] =	vst v1  }
0x344: {  	[tilespmem:s0+$0x62A0] =	vst v1  }
0x345: {  	[tilespmem:s0+$0x62B0] =	vst v1  }
0x346: {  	[tilespmem:s0+$0x62C0] =	vst v1  }
0x347: {  	[tilespmem:s0+$0x62D0] =	vst v1  }
0x348: {  	[tilespmem:s0+$0x62E0] =	vst v1  }
0x349: {  	[tilespmem:s0+$0x62F0] =	vst v1  }
0x34a: {  	[tilespmem:s0+$0x6300] =	vst v1  }
0x34b: {  	[tilespmem:s0+$0x6310] =	vst v1  }
0x34c: {  	[tilespmem:s0+$0x6320] =	vst v1  }
0x34d: {  	[tilespmem:s0+$0x6330] =	vst v1  }
0x34e: {  	[tilespmem:s0+$0x6340] =	vst v1  }
0x34f: {  	[tilespmem:s0+$0x6350] =	vst v1  }
0x350: {  	[tilespmem:s0+$0x6360] =	vst v1  }
0x351: {  	[tilespmem:s0+$0x6370] =	vst v1  }
0x352: {  	[tilespmem:s0+$0x6380] =	vst v1  }
0x353: {  	[tilespmem:s0+$0x6390] =	vst v1  }
0x354: {  	[tilespmem:s0+$0x63A0] =	vst v1  }
0x355: {  	[tilespmem:s0+$0x63B0] =	vst v1  }
0x356: {  	[tilespmem:s0+$0x63C0] =	vst v1  }
0x357: {  	[tilespmem:s0+$0x63D0] =	vst v1;
	s1 =	sand.u32 $0x70, s6;
	s2 =	sand.u32 $0x400, s6  }
0x358: {  	[tilespmem:s0+$0x63E0] =	vst v1;
	s2 =	sor.u32 s1, s2  }
0x359: {  	v10 =	vld [tilespmem:s2+$0x3000];
	_ =	sdelay $0x1  }
0x35a: {  	v9 =	vmov s6  }
0x35b: {  	v9 =	vshll.u32 v9, $0x3  }
0x35c: {  	v9 =	vbroadcast v9, $0x0  }
0x35d: {  	v10 =	vand.u32 $0x7, v10  }
0x35e: {  	v10 =	vor.u32 v10, v9  }
0x35f: {  	v11 =	vld [tilespmem:s2+$0x0];
	v10 =	vor.u32 v0, v10;
	_ =	sdelay $0x2  }
0x360: {  	s20 =	sand.u32 $0xFFFFFC00, s6  }
0x361: {  	s3 =	sadd.s32 $0x0, s20  }
0x362: {  	s0 =	sor.u32 $0x80, s3;
	[tilespmem:v10+s19+$0x0] =	vst.idx.msk $0xffff, v11  }
0x363: {  	s31 =	simm.s32 $0x80;
	s28 =	simm.s32 $0x10;
	v10 =	vld [tilespmem:s0+$0x3000]  }
0x364: {  	s21 =	sand.u32 $0x70, s28;
	s4 =	sand.u32 $0x400, s31  }
0x365: {  	s29 =	sor.u32 s21, s4  }
0x366: {  	v11 =	vld [tilespmem:s29+$0x3000];
	_ =	sdelay $0x1  }
0x367: {  	v12 =	vmov s31;
	v10 =	vand.u32 $0x7, v10  }
0x368: {  	v12 =	vshll.u32 v12, $0x3;
	v13 =	vor.u32 v10, v9  }
0x369: {  	v10 =	vbroadcast v12, $0x0;
	v12 =	vld [tilespmem:s0+$0x0];
	v13 =	vor.u32 v2, v13  }
0x36a: {  	v11 =	vand.u32 $0x7, v11  }
0x36b: {  	v11 =	vor.u32 v11, v10  }
0x36c: {  	v14 =	vld [tilespmem:s29+$0x0];
	v11 =	vor.u32 v0, v11;
	_ =	sdelay $0x1  }
0x36d: {  	[tilespmem:v13+s19+$0x0] =	vst.idx.msk $0xffff, v12  }
0x36e: {  	s23 =	sand.u32 $0xFFFFFC00, s31;
	v12 =	vld [tilespmem:s2+$0x3100]  }
0x36f: {  	s4 =	sadd.s32 $0x10, s23  }
0x370: {  	s5 =	sor.u32 $0x80, s4;
	[tilespmem:v11+s19+$0x0] =	vst.idx.msk $0xffff, v14  }
0x371: {  	s30 =	simm.s32 $0x100;
	s0 =	simm.s32 $0x20;
	v11 =	vld [tilespmem:s5+$0x3000]  }
0x372: {  	s7 =	sand.u32 $0x400, s30;
	s24 =	sand.u32 $0x70, s0  }
0x373: {  	s1 =	sor.u32 s24, s7;
	v12 =	vand.u32 $0x7, v12  }
0x374: {  	v13 =	vld [tilespmem:s1+$0x3000];
	v12 =	vor.u32 v12, v9  }
0x375: {  	v14 =	vld [tilespmem:s2+$0x100];
	v12 =	vor.u32 v3, v12  }
0x376: {  	v15 =	vmov s30;
	v11 =	vand.u32 $0x7, v11  }
0x377: {  	v15 =	vshll.u32 v15, $0x3;
	v16 =	vor.u32 v11, v10  }
0x378: {  	v11 =	vbroadcast v15, $0x0;
	v15 =	vld [tilespmem:s5+$0x0];
	v16 =	vor.u32 v2, v16  }
0x379: {  	v13 =	vand.u32 $0x7, v13  }
0x37a: {  	s25 =	sor.u32 $0x180, s3;
	v17 =	vld [tilespmem:s1+$0x0];
	v13 =	vor.u32 v13, v11;
	[tilespmem:v12+s19+$0x0] =	vst.idx.msk $0xffff, v14  }
0x37b: {  	v12 =	vor.u32 v0, v13;
	v13 =	vld [tilespmem:s25+$0x3000];
	_ =	sdelay $0x1  }
0x37c: {  	[tilespmem:v16+s19+$0x0] =	vst.idx.msk $0xffff, v15  }
0x37d: {  	s26 =	sand.u32 $0xFFFFFC00, s30;
	v14 =	vld [tilespmem:s29+$0x3100]  }
0x37e: {  	s23 =	sadd.s32 $0x20, s26  }
0x37f: {  	s12 =	simm.s32 $0x180;
	s13 =	simm.s32 $0x30;
	s7 =	sor.u32 $0x80, s23;
	[tilespmem:v12+s19+$0x0] =	vst.idx.msk $0xffff, v17;
	v12 =	vand.u32 $0x7, v13  }
0x380: {  	s10 =	sand.u32 $0x70, s13;
	s11 =	sand.u32 $0x400, s12;
	v13 =	vld [tilespmem:s7+$0x3000];
	v12 =	vor.u32 v12, v9  }
0x381: {  	s16 =	sor.u32 s10, s11;
	v15 =	vld [tilespmem:s25+$0x0];
	v12 =	vor.u32 v4, v12  }
0x382: {  	v16 =	vld [tilespmem:s16+$0x3000];
	v14 =	vand.u32 $0x7, v14  }
0x383: {  	v14 =	vor.u32 v14, v10  }
0x384: {  	v18 =	vmov s12;
	v17 =	vld [tilespmem:s29+$0x100];
	v14 =	vor.u32 v3, v14  }
0x385: {  	v18 =	vshll.u32 v18, $0x3;
	v13 =	vand.u32 $0x7, v13  }
0x386: {  	v19 =	vld [tilespmem:s7+$0x0];
	v13 =	vor.u32 v13, v11;
	[tilespmem:v12+s19+$0x0] =	vst.idx.msk $0xffff, v15;
	v12 =	vbroadcast v18, $0x0  }
0x387: {  	v16 =	vand.u32 $0x7, v16;
	v13 =	vor.u32 v2, v13;
	v15 =	vld [tilespmem:s2+$0x3200]  }
0x388: {  	v16 =	vor.u32 v16, v12  }
0x389: {  	s8 =	sor.u32 $0x180, s4;
	v18 =	vld [tilespmem:s16+$0x0];
	[tilespmem:v14+s19+$0x0] =	vst.idx.msk $0xffff, v17;
	v14 =	vor.u32 v0, v16  }
0x38a: {  	v16 =	vld [tilespmem:s8+$0x3000];
	_ =	sdelay $0x1  }
0x38b: {  	s11 =	sand.u32 $0xFFFFFC00, s12;
	[tilespmem:v13+s19+$0x0] =	vst.idx.msk $0xffff, v19;
	v13 =	vand.u32 $0x7, v15  }
0x38c: {  	s26 =	sadd.s32 $0x30, s11;
	v15 =	vld [tilespmem:s1+$0x3100];
	v13 =	vor.u32 v13, v9  }
0x38d: {  	s7 =	sor.u32 $0x80, s26;
	v17 =	vld [tilespmem:s2+$0x200];
	v13 =	vor.u32 v5, v13;
	[tilespmem:v14+s19+$0x0] =	vst.idx.msk $0xffff, v18  }
0x38e: {  	s10 =	simm.s32 $0x40;
	s11 =	simm.s32 $0x200;
	v14 =	vand.u32 $0x7, v16;
	v16 =	vld [tilespmem:s7+$0x3000]  }
0x38f: {  	s14 =	sand.u32 $0x70, s10;
	s15 =	sand.u32 $0x400, s11;
	v14 =	vor.u32 v14, v10  }
0x390: {  	s15 =	sor.u32 s14, s15;
	v18 =	vld [tilespmem:s8+$0x0];
	v14 =	vor.u32 v4, v14  }
0x391: {  	v19 =	vld [tilespmem:s15+$0x3000];
	v15 =	vand.u32 $0x7, v15  }
0x392: {  	s3 =	sor.u32 $0x280, s3;
	v20 =	vld [tilespmem:s1+$0x100];
	v15 =	vor.u32 v15, v11;
	[tilespmem:v13+s19+$0x0] =	vst.idx.msk $0xffff, v17  }
0x393: {  	v13 =	vmov s11;
	v15 =	vor.u32 v3, v15;
	v17 =	vld [tilespmem:s3+$0x3000];
	v16 =	vand.u32 $0x7, v16  }
0x394: {  	v13 =	vshll.u32 v13, $0x3;
	v16 =	vor.u32 v16, v12  }
0x395: {  	v21 =	vld [tilespmem:s7+$0x0];
	v13 =	vbroadcast v13, $0x0;
	[tilespmem:v14+s19+$0x0] =	vst.idx.msk $0xffff, v18;
	v14 =	vor.u32 v2, v16  }
0x396: {  	v16 =	vand.u32 $0x7, v19;
	v18 =	vld [tilespmem:s29+$0x3200]  }
0x397: {  	v16 =	vor.u32 v16, v13  }
0x398: {  	s14 =	sor.u32 $0x180, s23;
	v19 =	vld [tilespmem:s15+$0x0];
	v16 =	vor.u32 v0, v16;
	[tilespmem:v15+s19+$0x0] =	vst.idx.msk $0xffff, v20;
	v15 =	vand.u32 $0x7, v17  }
0x399: {  	v17 =	vld [tilespmem:s14+$0x3000];
	v15 =	vor.u32 v15, v9  }
0x39a: {  	v20 =	vld [tilespmem:s3+$0x0];
	v15 =	vor.u32 v6, v15;
	[tilespmem:v14+s19+$0x0] =	vst.idx.msk $0xffff, v21  }
0x39b: {  	s18 =	sand.u32 $0xFFFFFC00, s11;
	v14 =	vand.u32 $0x7, v18;
	v18 =	vld [tilespmem:s16+$0x3100]  }
0x39c: {  	s24 =	simm.s32 $0x280;
	s25 =	simm.s32 $0x50;
	s3 =	sadd.s32 $0x40, s18;
	v21 =	vld [tilespmem:s29+$0x200];
	v14 =	vor.u32 v14, v10  }
0x39d: {  	s17 =	sand.u32 $0x400, s24;
	s21 =	sand.u32 $0x70, s25;
	s20 =	sor.u32 $0x80, s3;
	[tilespmem:v16+s19+$0x0] =	vst.idx.msk $0xffff, v19;
	v14 =	vor.u32 v5, v14;
	v19 =	vld [tilespmem:s14+$0x0]  }
0x39e: {  	s14 =	sor.u32 s21, s17;
	v16 =	vld [tilespmem:s20+$0x3000];
	v17 =	vand.u32 $0x7, v17  }
0x39f: {  	v17 =	vor.u32 v17, v11;
	[tilespmem:v15+s19+$0x0] =	vst.idx.msk $0xffff, v20;
	v20 =	vld [tilespmem:s14+$0x3000]  }
0x3a0: {  	v15 =	vor.u32 v4, v17;
	v17 =	vld [tilespmem:s2+$0x3300];
	v18 =	vand.u32 $0x7, v18  }
0x3a1: {  	v18 =	vor.u32 v18, v12  }
0x3a2: {  	s4 =	sor.u32 $0x280, s4;
	v22 =	vld [tilespmem:s16+$0x100];
	[tilespmem:v14+s19+$0x0] =	vst.idx.msk $0xffff, v21;
	v14 =	vmov s24;
	v18 =	vor.u32 v3, v18  }
0x3a3: {  	v21 =	vld [tilespmem:s4+$0x3000];
	v14 =	vshll.u32 v14, $0x3  }
0x3a4: {  	v23 =	vld [tilespmem:s20+$0x0];
	v16 =	vand.u32 $0x7, v16;
	v14 =	vbroadcast v14, $0x0  }
0x3a5: {  	v24 =	vld [tilespmem:s14+$0x0];
	v16 =	vor.u32 v16, v13;
	[tilespmem:v15+s19+$0x0] =	vst.idx.msk $0xffff, v19;
	v15 =	vand.u32 $0x7, v17;
	v17 =	vand.u32 $0x7, v20  }
0x3a6: {  	v16 =	vor.u32 v2, v16;
	v19 =	vld [tilespmem:s1+$0x3200];
	v17 =	vor.u32 v17, v14  }
0x3a7: {  	s8 =	sor.u32 $0x180, s26;
	v20 =	vld [tilespmem:s2+$0x300];
	v15 =	vor.u32 v15, v9;
	v17 =	vor.u32 v0, v17;
	[tilespmem:v18+s19+$0x0] =	vst.idx.msk $0xffff, v22  }
0x3a8: {  	v15 =	vor.u32 v7, v15;
	v18 =	vand.u32 $0x7, v21;
	v21 =	vld [tilespmem:s8+$0x3000];
	_ =	sdelay $0x1  }
0x3a9: {  	v18 =	vor.u32 v18, v10  }
0x3aa: {  	[tilespmem:v16+s19+$0x0] =	vst.idx.msk $0xffff, v23;
	v16 =	vld [tilespmem:s4+$0x0];
	v25 =	vor.u32 v6, v18  }
0x3ab: {  	s18 =	sand.u32 $0xFFFFFC00, s24;
	s20 =	sor.u32 s6, s6;
	v18 =	vld [tilespmem:s1+$0x200];
	[tilespmem:v17+s19+$0x0] =	vst.idx.msk $0xffff, v24;
	v17 =	vand.u32 $0x7, v19  }
0x3ac: {  	s18 =	sadd.s32 $0x50, s18;
	s5 =	sor.u32 $0x380, s20;
	v22 =	vld [tilespmem:s15+$0x3100];
	[tilespmem:v15+s19+$0x0] =	vst.idx.msk $0xffff, v20;
	v19 =	vand.u32 $0x7, v21;
	v17 =	vor.u32 v17, v11  }
0x3ad: {  	s7 =	sor.u32 $0x80, s18;
	v15 =	vld [tilespmem:s5+$0x3000];
	v21 =	vor.u32 v19, v12;
	v19 =	vor.u32 v5, v17  }
0x3ae: {  	s2 =	simm.s32 $0x60;
	s4 =	simm.s32 $0x300;
	v23 =	vld [tilespmem:s7+$0x3000]  }
0x3af: {  	s20 =	sand.u32 $0x70, s2;
	s21 =	sand.u32 $0x400, s4;
	v20 =	vld [tilespmem:s8+$0x0];
	[tilespmem:v25+s19+$0x0] =	vst.idx.msk $0xffff, v16  }
0x3b0: {  	s17 =	sor.u32 s20, s21;
	s20 =	simm.s32 $0x380;
	v21 =	vor.u32 v4, v21;
	v17 =	vld [tilespmem:s29+$0x3300]  }
.LBB2_19:
0x3b1: {  	p1 =	sne.s32 s20, $0x780;
	v16 =	vld [tilespmem:s17+$0x3000];
	v22 =	vand.u32 $0x7, v22;
	s21 =	smov.u32 s12;
	s12 =	smov.u32 s11  }
0x3b2: {  	v24 =	vmov s4;
	s8 =	sor.u32 $0x280, s23;
	s23 =	smov.u32 s26;
	s26 =	smov.u32 s3;
	v25 =	vld [tilespmem:s15+$0x100];
	v22 =	vor.u32 v22, v13;
	[tilespmem:v19+s19+$0x0] =	vst.idx.msk $0xffff, v18;
	v15 =	vand.u32 $0x7, v15  }
0x3b3: {  	s3 =	smov.u32 s18;
	s11 =	smov.u32 s24;
	s24 =	smov.u32 s4;
	v18 =	vand.u32 $0x7, v23;
	v19 =	vor.u32 v3, v22;
	v22 =	vld [tilespmem:s8+$0x3000];
	v15 =	vor.u32 v15, v9;
	v9 =	vmovc v10;
	v10 =	vmovc v11  }
0x3b4: {  	s4 =	smov.u32 s20;
	v23 =	vshll.u32 v24, $0x3;
	v11 =	vmovc v12;
	v12 =	vmovc v13;
	v18 =	vor.u32 v18, v14;
	v24 =	vld [tilespmem:s5+$0x0];
	v15 =	vor.u32 v8, v15  }
0x3b5: {  	v13 =	vmovc v14;
	v14 =	vbroadcast v23, $0x0;
	v26 =	vld [tilespmem:s7+$0x0];
	v18 =	vor.u32 v2, v18;
	[tilespmem:v21+s19+$0x0] =	vst.idx.msk $0xffff, v20;
	v17 =	vand.u32 $0x7, v17  }
0x3b6: {  	v16 =	vand.u32 $0x7, v16;
	v20 =	vld [tilespmem:s16+$0x3200];
	v17 =	vor.u32 v17, v9  }
0x3b7: {  	v16 =	vor.u32 v16, v14;
	v21 =	vld [tilespmem:s29+$0x300];
	v17 =	vor.u32 v7, v17;
	s29 =	smov.u32 s1;
	s1 =	smov.u32 s16;
	s16 =	smov.u32 s15  }
0x3b8: {  	s6 =	sor.u32 $0x180, s26;
	s15 =	smov.u32 s14;
	s14 =	smov.u32 s17;
	v23 =	vld [tilespmem:s17+$0x0];
	v16 =	vor.u32 v0, v16;
	[tilespmem:v19+s19+$0x0] =	vst.idx.msk $0xffff, v25;
	v19 =	vand.u32 $0x7, v22  }
0x3b9: {  	v25 =	vld [tilespmem:s6+$0x3000];
	v19 =	vor.u32 v19, v10;
	[tilespmem:v15+s19+$0x0] =	vst.idx.msk $0xffff, v24  }
0x3ba: {  	[tilespmem:v18+s19+$0x0] =	vst.idx.msk $0xffff, v26;
	v24 =	vld [tilespmem:s8+$0x0];
	v26 =	vor.u32 v6, v19  }
0x3bb: {  	s5 =	sand.u32 $0xFFFFFC00, s24;
	s7 =	sor.u32 s31, s28;
	s28 =	smov.u32 s0;
	v22 =	vld [tilespmem:s15+$0x3100];
	v15 =	vand.u32 $0x7, v20  }
.Ltmp13:
0x3bc: {  	s18 =	sadd.s32 s5, s2;
	s5 =	sor.u32 $0x380, s7;
	v18 =	vld [tilespmem:s1+$0x200];
	v15 =	vor.u32 v15, v11;
	[tilespmem:v17+s19+$0x0] =	vst.idx.msk $0xffff, v21;
	(pc) =	sbr.rel @p1 .LBB2_19-.Ltmp13, $4  }
0x3bd: {  	s0 =	smov.u32 s13;
	s13 =	smov.u32 s10;
	s7 =	sor.u32 $0x80, s18;
	[tilespmem:v16+s19+$0x0] =	vst.idx.msk $0xffff, v23;
	v19 =	vor.u32 v5, v15;
	v15 =	vld [tilespmem:s5+$0x3000]  }
0x3be: {  	s10 =	smov.u32 s25;
	s25 =	smov.u32 s2;
	s2 =	sadd.s32 $0x10, s2;
	v23 =	vld [tilespmem:s7+$0x3000];
	v16 =	vand.u32 $0x7, v25  }
0x3bf: {  	s31 =	smov.u32 s30;
	s17 =	sand.u32 $0x400, s20;
	s8 =	sand.u32 $0x70, s2;
	v20 =	vld [tilespmem:s6+$0x0];
	v16 =	vor.u32 v16, v12;
	[tilespmem:v26+s19+$0x0] =	vst.idx.msk $0xffff, v24  }
0x3c0: {  	s30 =	smov.u32 s21;
	s20 =	sadd.s32 $0x80, s20;
	s17 =	sor.u32 s8, s17;
	v21 =	vor.u32 v4, v16;
	v17 =	vld [tilespmem:s29+$0x3300]  }
0x3c1: {  	v24 =	vld [tilespmem:s17+$0x3000];
	_ =	sdelay $0x1  }
0x3c2: {  	v16 =	vmov s4  }
0x3c3: {  	v16 =	vshll.u32 v16, $0x3  }
0x3c4: {  	v16 =	vbroadcast v16, $0x0  }
0x3c5: {  	v24 =	vand.u32 $0x7, v24  }
0x3c6: {  	v24 =	vor.u32 v24, v16  }
0x3c7: {  	v25 =	vld [tilespmem:s17+$0x0];
	v24 =	vor.u32 v0, v24;
	_ =	sdelay $0x2  }
0x3c8: {  	s6 =	sand.u32 $0xFFFFFC00, s4  }
0x3c9: {  	s20 =	sadd.s32 s6, s2  }
0x3ca: {  	s6 =	sor.u32 $0x80, s20;
	[tilespmem:v24+s19+$0x0] =	vst.idx.msk $0xffff, v25  }
0x3cb: {  	v24 =	vld [tilespmem:s6+$0x3000];
	_ =	sdelay $0x3  }
0x3cc: {  	v23 =	vand.u32 $0x7, v23  }
0x3cd: {  	v23 =	vor.u32 v23, v14;
	v24 =	vand.u32 $0x7, v24  }
0x3ce: {  	v61 =	vld [tilespmem:s7+$0x0];
	v23 =	vor.u32 v2, v23;
	v24 =	vor.u32 v24, v16  }
0x3cf: {  	v26 =	vld [tilespmem:s6+$0x0];
	v24 =	vor.u32 v2, v24;
	_ =	sdelay $0x3  }
0x3d0: {  	[tilespmem:v23+s19+$0x0] =	vst.idx.msk $0xffff, v61  }
0x3d1: {  	v23 =	vld [tilespmem:s14+$0x3100];
	[tilespmem:v24+s19+$0x0] =	vst.idx.msk $0xffff, v26  }
0x3d2: {  	v24 =	vld [tilespmem:s17+$0x3100];
	_ =	sdelay $0x1  }
0x3d3: {  	v22 =	vand.u32 $0x7, v22  }
0x3d4: {  	v22 =	vor.u32 v22, v13  }
0x3d5: {  	v62 =	vld [tilespmem:s15+$0x100];
	v22 =	vor.u32 v3, v22;
	v23 =	vand.u32 $0x7, v23  }
0x3d6: {  	v23 =	vor.u32 v23, v14;
	v24 =	vand.u32 $0x7, v24  }
0x3d7: {  	v63 =	vld [tilespmem:s14+$0x100];
	v23 =	vor.u32 v3, v23;
	v24 =	vor.u32 v24, v16  }
0x3d8: {  	v27 =	vld [tilespmem:s17+$0x100];
	v24 =	vor.u32 v3, v24;
	_ =	sdelay $0x1  }
0x3d9: {  	s7 =	sor.u32 $0x180, s3;
	[tilespmem:v22+s19+$0x0] =	vst.idx.msk $0xffff, v62  }
0x3da: {  	v22 =	vld [tilespmem:s7+$0x3000]  }
0x3db: {  	s21 =	sor.u32 $0x180, s18;
	[tilespmem:v23+s19+$0x0] =	vst.idx.msk $0xffff, v63  }
0x3dc: {  	s8 =	sor.u32 $0x180, s20;
	v23 =	vld [tilespmem:s21+$0x3000];
	[tilespmem:v24+s19+$0x0] =	vst.idx.msk $0xffff, v27  }
0x3dd: {  	v24 =	vld [tilespmem:s8+$0x3000];
	_ =	sdelay $0x1  }
0x3de: {  	v22 =	vand.u32 $0x7, v22  }
0x3df: {  	v22 =	vor.u32 v22, v13  }
0x3e0: {  	v25 =	vld [tilespmem:s7+$0x0];
	v22 =	vor.u32 v4, v22;
	v23 =	vand.u32 $0x7, v23  }
0x3e1: {  	v23 =	vor.u32 v23, v14;
	v24 =	vand.u32 $0x7, v24  }
0x3e2: {  	v26 =	vld [tilespmem:s21+$0x0];
	v23 =	vor.u32 v4, v23;
	v24 =	vor.u32 v24, v16  }
0x3e3: {  	v27 =	vld [tilespmem:s8+$0x0];
	v24 =	vor.u32 v4, v24;
	_ =	sdelay $0x1  }
0x3e4: {  	[tilespmem:v22+s19+$0x0] =	vst.idx.msk $0xffff, v25  }
0x3e5: {  	[tilespmem:v21+s19+$0x0] =	vst.idx.msk $0xffff, v20;
	v30 =	vld [tilespmem:s15+$0x3200]  }
0x3e6: {  	v20 =	vld [tilespmem:s16+$0x3200];
	[tilespmem:v23+s19+$0x0] =	vst.idx.msk $0xffff, v26  }
0x3e7: {  	v31 =	vld [tilespmem:s14+$0x3200];
	[tilespmem:v24+s19+$0x0] =	vst.idx.msk $0xffff, v27  }
0x3e8: {  	v32 =	vld [tilespmem:s17+$0x3200];
	_ =	sdelay $0x1  }
0x3e9: {  	v21 =	vand.u32 $0x7, v30  }
0x3ea: {  	v20 =	vand.u32 $0x7, v20;
	v21 =	vor.u32 v21, v13  }
0x3eb: {  	v20 =	vor.u32 v20, v12;
	v25 =	vld [tilespmem:s15+$0x200];
	v21 =	vor.u32 v5, v21;
	v22 =	vand.u32 $0x7, v31  }
0x3ec: {  	v33 =	vld [tilespmem:s16+$0x200];
	v20 =	vor.u32 v5, v20;
	v22 =	vor.u32 v22, v14;
	v23 =	vand.u32 $0x7, v32  }
0x3ed: {  	v26 =	vld [tilespmem:s14+$0x200];
	v22 =	vor.u32 v5, v22;
	v23 =	vor.u32 v23, v16  }
0x3ee: {  	v27 =	vld [tilespmem:s17+$0x200];
	v23 =	vor.u32 v5, v23  }
0x3ef: {  	[tilespmem:v19+s19+$0x0] =	vst.idx.msk $0xffff, v18;
	s7 =	sor.u32 $0x280, s23  }
0x3f0: {  	v18 =	vld [tilespmem:s7+$0x3000];
	s21 =	sor.u32 $0x280, s3;
	[tilespmem:v21+s19+$0x0] =	vst.idx.msk $0xffff, v25  }
0x3f1: {  	[tilespmem:v20+s19+$0x0] =	vst.idx.msk $0xffff, v33;
	v35 =	vld [tilespmem:s21+$0x3000];
	s8 =	sor.u32 $0x280, s26  }
0x3f2: {  	s23 =	sor.u32 $0x280, s18;
	v34 =	vld [tilespmem:s8+$0x3000];
	[tilespmem:v22+s19+$0x0] =	vst.idx.msk $0xffff, v26  }
0x3f3: {  	s26 =	sor.u32 $0x280, s20;
	v36 =	vld [tilespmem:s23+$0x3000];
	[tilespmem:v23+s19+$0x0] =	vst.idx.msk $0xffff, v27  }
0x3f4: {  	v37 =	vld [tilespmem:s26+$0x3000]  }
0x3f5: {  	v18 =	vand.u32 $0x7, v18  }
0x3f6: {  	v18 =	vor.u32 v18, v11;
	v20 =	vand.u32 $0x7, v35  }
0x3f7: {  	v38 =	vld [tilespmem:s7+$0x0];
	v18 =	vor.u32 v6, v18;
	v20 =	vor.u32 v20, v13;
	v19 =	vand.u32 $0x7, v34  }
0x3f8: {  	v25 =	vld [tilespmem:s21+$0x0];
	v20 =	vor.u32 v6, v20;
	v19 =	vor.u32 v19, v12;
	v21 =	vand.u32 $0x7, v36  }
0x3f9: {  	v19 =	vor.u32 v6, v19;
	v24 =	vld [tilespmem:s8+$0x0];
	v21 =	vor.u32 v21, v14;
	v22 =	vand.u32 $0x7, v37  }
0x3fa: {  	v26 =	vld [tilespmem:s23+$0x0];
	v21 =	vor.u32 v6, v21;
	v22 =	vor.u32 v22, v16  }
0x3fb: {  	v27 =	vld [tilespmem:s26+$0x0];
	v22 =	vor.u32 v6, v22  }
0x3fc: {  	[tilespmem:v18+s19+$0x0] =	vst.idx.msk $0xffff, v38  }
0x3fd: {  	v18 =	vld [tilespmem:s1+$0x3300];
	[tilespmem:v20+s19+$0x0] =	vst.idx.msk $0xffff, v25  }
0x3fe: {  	v20 =	vld [tilespmem:s15+$0x3300];
	[tilespmem:v19+s19+$0x0] =	vst.idx.msk $0xffff, v24  }
0x3ff: {  	v19 =	vld [tilespmem:s16+$0x3300];
	[tilespmem:v21+s19+$0x0] =	vst.idx.msk $0xffff, v26  }
0x400: {  	v21 =	vld [tilespmem:s14+$0x3300];
	[tilespmem:v22+s19+$0x0] =	vst.idx.msk $0xffff, v27  }
0x401: {  	v17 =	vand.u32 $0x7, v17;
	v22 =	vld [tilespmem:s17+$0x3300]  }
0x402: {  	v17 =	vor.u32 v17, v10;
	v18 =	vand.u32 $0x7, v18  }
0x403: {  	v39 =	vld [tilespmem:s29+$0x300];
	v17 =	vor.u32 v7, v17;
	v18 =	vor.u32 v18, v11;
	v20 =	vand.u32 $0x7, v20  }
0x404: {  	v40 =	vld [tilespmem:s1+$0x300];
	v18 =	vor.u32 v7, v18;
	v20 =	vor.u32 v20, v13;
	v19 =	vand.u32 $0x7, v19  }
0x405: {  	v42 =	vld [tilespmem:s15+$0x300];
	v20 =	vor.u32 v7, v20;
	v19 =	vor.u32 v19, v12;
	v21 =	vand.u32 $0x7, v21  }
0x406: {  	v41 =	vld [tilespmem:s16+$0x300];
	v19 =	vor.u32 v7, v19;
	v21 =	vor.u32 v21, v14;
	v22 =	vand.u32 $0x7, v22  }
0x407: {  	s20 =	sor.u32 s31, s28;
	v43 =	vld [tilespmem:s14+$0x300];
	v21 =	vor.u32 v7, v21;
	v22 =	vor.u32 v22, v16  }
0x408: {  	s0 =	sor.u32 s30, s0;
	[tilespmem:v17+s19+$0x0] =	vst.idx.msk $0xffff, v39;
	s1 =	sor.u32 $0x380, s20;
	v28 =	vld [tilespmem:s17+$0x300];
	v44 =	vor.u32 v7, v22  }
0x409: {  	s0 =	sor.u32 $0x380, s0;
	[tilespmem:v18+s19+$0x0] =	vst.idx.msk $0xffff, v40;
	v45 =	vld [tilespmem:s1+$0x3000];
	s23 =	sor.u32 s11, s10  }
0x40a: {  	s21 =	sor.u32 s12, s13;
	v46 =	vld [tilespmem:s0+$0x3000];
	s6 =	sor.u32 $0x380, s23;
	[tilespmem:v20+s19+$0x0] =	vst.idx.msk $0xffff, v42  }
0x40b: {  	s25 =	sor.u32 s24, s25;
	s3 =	sor.u32 $0x380, s21;
	v20 =	vld [tilespmem:s6+$0x3000];
	[tilespmem:v19+s19+$0x0] =	vst.idx.msk $0xffff, v41  }
0x40c: {  	s28 =	sor.u32 $0x380, s25;
	s26 =	sor.u32 s4, s2;
	v19 =	vld [tilespmem:s3+$0x3000];
	[tilespmem:v21+s19+$0x0] =	vst.idx.msk $0xffff, v43  }
0x40d: {  	v15 =	vand.u32 $0x7, v15;
	s2 =	sor.u32 $0x380, s26;
	v21 =	vld [tilespmem:s28+$0x3000];
	[tilespmem:v44+s19+$0x0] =	vst.idx.msk $0xffff, v28  }
0x40e: {  	v9 =	vor.u32 v15, v9;
	v47 =	vand.u32 $0x7, v45;
	v17 =	vld [tilespmem:s2+$0x3000]  }
0x40f: {  	v48 =	vld [tilespmem:s5+$0x0];
	v9 =	vor.u32 v8, v9;
	v49 =	vand.u32 $0x7, v46;
	v10 =	vor.u32 v47, v10  }
0x410: {  	v50 =	vld [tilespmem:s1+$0x0];
	v11 =	vor.u32 v49, v11;
	v10 =	vor.u32 v8, v10;
	v54 =	vand.u32 $0x7, v20  }
0x411: {  	v52 =	vld [tilespmem:s0+$0x0];
	v11 =	vor.u32 v8, v11;
	v56 =	vor.u32 v54, v13;
	v51 =	vand.u32 $0x7, v19  }
0x412: {  	v58 =	vld [tilespmem:s6+$0x0];
	v13 =	vor.u32 v8, v56;
	v53 =	vor.u32 v51, v12;
	v57 =	vand.u32 $0x7, v21  }
0x413: {  	v55 =	vld [tilespmem:s3+$0x0];
	v12 =	vor.u32 v8, v53;
	v59 =	vor.u32 v57, v14;
	v60 =	vand.u32 $0x7, v17  }
0x414: {  	[tilespmem:v9+s19+$0x0] =	vst.idx.msk $0xffff, v48;
	v61 =	vld [tilespmem:s28+$0x0];
	v9 =	vor.u32 v8, v59;
	v62 =	vor.u32 v60, v16  }
0x415: {  	[tilespmem:v10+s19+$0x0] =	vst.idx.msk $0xffff, v50;
	v63 =	vld [tilespmem:s2+$0x0];
	v10 =	vor.u32 v8, v62  }
0x416: {  	[tilespmem:v11+s19+$0x0] =	vst.idx.msk $0xffff, v52  }
0x417: {  	[tilespmem:v13+s19+$0x0] =	vst.idx.msk $0xffff, v58  }
0x418: {  	[tilespmem:v12+s19+$0x0] =	vst.idx.msk $0xffff, v55  }
0x419: {  	[tilespmem:v9+s19+$0x0] =	vst.idx.msk $0xffff, v61  }
0x41a: {  	[tilespmem:v10+s19+$0x0] =	vst.idx.msk $0xffff, v63  }
0x41b: {  	s30 =	simm.s32 $0x7;
	s31 =	simm.s32 $0x0;
	s29 =	rddreg [dreg:$0xb]  }
0x41c: {  	[hbm4b:s29+s31] =	stream.linear.scatter [tilespmem:s19], [sflag:$0x7], $0x2800, $0x38;
	[tilespmem:$0x1E000] =	vst v63  }
0x41d: {  	_ =	swait.ge [sflag:s30], $0x2800  }
.Ltmp14:
0x41e: {  	[sflag:s30] =	ssyncset.done $0x0;
	(pc) =	sbr.rel .LBB2_21-.Ltmp14, $4  }
0x41f: {  	s1 =	rddreg [dreg:$0xd];
	[sflag:s30] =	ssyncadd.s32 $0xFFFFD800  }
0x420: {  	s6 =	rddreg [dreg:$0x0]  }
0x421: {  	s8 =	rddreg [dreg:$0x1]  }
0x422: {  	s21 =	rddreg [dreg:$0x2]  }
.LBB2_22:
0x423: {  	_ =	sfence.sel $0x180000  }
0x424: {  	[bflag:$0x0] =	sbarrier.arrive $0xFFFF  }
0x425: {  	_ =	strace $0x90000047  }
0x426: {  	s0 =	stileid.u32;
	[bflag:$0x2] =	sbarrier.arrive $0xFFFF  }
0x427: {  	p0 =	sne.s32 s0, $0x0;
	s0 =	rddreg [dreg:$0x3]  }
0x428: {  	s0 =	sadd.s32 @!p0 $0x100000, s0  }
0x429: {  	[sflag:s0] =	ssyncadd.tile.s32 @!p0 $0x1;
	_ =	shalt  }
.Lfunc_end2:
_tile_overlayer_lowered:
.L_overlay_start_2:
0x42a: {  	(tag) =	ssettag $0x2  }
0x42b: {  	s0 =	rddreg [dreg:$0x0];
	s2 =	stileid.u32  }
0x42c: {  	s1 =	rddreg [dreg:$0x1];
	p0 =	sne.s32 s2, $0x0  }
0x42d: {  	s3 =	rddreg [dreg:$0x2];
	[bflag:$0x3] =	sbarrier.arrive $0xFFFF;
	s2 =	simm.s32 @!p0 $0x1C07  }
0x42e: {  	[timem:s3], [sflag:s2] =	dma.local @!p0 [hbm:s0], s1  }
0x42f: {  	s0 =	simm.s32 @!p0 $0x7  }
0x430: {  	_ =	swait.ge @!p0 [sflag:s0], s1  }
0x431: {  	s1 =	ssub.s32 @!p0 $0x0, s1;
	[sflag:s0] =	ssyncset.done @!p0 $0x0  }
0x432: {  	[sflag:s0] =	ssyncadd.s32 @!p0 s1  }
0x433: {  	[bflag:$0x3] =	sbarrier.arrive $0xFFFF  }
0x434: {  	_ =	shalt  }

</sc_bundles>
